<compile_context>
chip_gen: v7x
topology: tpu7x:2x2x1
jax: 0.10.2.dev20260603
libtpu: 0.0.44.dev20260713+nightly
codegen_flags: <defaults>
</compile_context>

<pallas_src>
import functools
import math

import jax
import jax.numpy as jnp
from jax import lax
from jax.experimental import pallas as pl
from jax.experimental.pallas import tpu as pltpu
from jax.experimental.pallas import tpu_sc as plsc

N = 10000
E = 320000
F_IN = 128
H = 128
OUT = 64
ALPHA = 0.1
THETA = 0.5

NC = 2
NS = 16
G = 32
NG = 10240
EPAD = NG * G
SLOW = 0
GPT_S = 320
GPT_F = 320
IBG = 32
NPAD = 10240
NBUF = 4

RB = 2000


def _spmm_sc(h, srcg, dstg):
    mesh = plsc.VectorSubcoreMesh(core_axis_name="c", subcore_axis_name="s")

    @functools.partial(
        pl.kernel,
        out_type=jax.ShapeDtypeStruct((NC, N, H), jnp.float32),
        mesh=mesh,
        scratch_types=(
            [pltpu.VMEM((IBG // 4, 4 * G), jnp.int32)] * 2
            + [pltpu.VMEM((IBG, G), jnp.int32)] * 2
            + [pltpu.VMEM((G, H), jnp.float32)] * NBUF
            + [pltpu.VMEM_SHARED((NPAD, H), jnp.float32)]
            + [pltpu.SemaphoreType.DMA] * (2 + NBUF)
        ),
    )
    def k(h_hbm, srcg_hbm, dstg_hbm, out_hbm, *rest):
        src_ib = rest[0:2]
        dst_ib = rest[2:4]
        rows = rest[4:4 + NBUF]
        acc_sh = rest[4 + NBUF]
        sem_i = rest[5 + NBUF:7 + NBUF]
        sem_g = rest[7 + NBUF:]
        c = lax.axis_index("c")
        s = lax.axis_index("s")

        is_slow = c == SLOW
        base_g = jnp.where(is_slow, s * GPT_S, NS * GPT_S + s * GPT_F)
        base_g = pl.multiple_of(base_g, 8)
        nib = jnp.where(is_slow, GPT_S // IBG, GPT_F // IBG)

        z = jnp.zeros((16,), jnp.float32)

        def zero_body(t, _):
            i = t // (H // 16)
            j = t % (H // 16)
            rows[0][i, pl.ds(j * 16, 16)] = z
            return 0

        lax.fori_loop(0, G * (H // 16), zero_body, 0)

        rows_per_tile = NPAD // NS

        def zcopy_body(kk, _):
            pltpu.sync_copy(rows[0], acc_sh.at[pl.ds(s * rows_per_tile + kk * G, G)])
            return 0

        lax.fori_loop(0, rows_per_tile // G, zcopy_body, 0)

        def issue_idx(ib, buf):
            r0 = pl.multiple_of(lax.div(base_g, 4) + ib * (IBG // 4), 8)
            pltpu.async_copy(srcg_hbm.at[pl.ds(r0, IBG // 4)],
                             src_ib[buf], sem_i[buf])
            d0 = pl.multiple_of(base_g + ib * IBG, 8)
            pltpu.async_copy(dstg_hbm.at[pl.ds(d0, IBG)],
                             dst_ib[buf], sem_i[buf])

        def wait_idx(buf):
            pltpu.make_async_copy(srcg_hbm.at[pl.ds(0, IBG // 4)],
                                  src_ib[buf], sem_i[buf]).wait()
            pltpu.make_async_copy(dstg_hbm.at[pl.ds(0, IBG)],
                                  dst_ib[buf], sem_i[buf]).wait()

        @pl.when(nib >= 2)
        def _prologue():
            issue_idx(0, 0)
            issue_idx(1, 1)

        plsc.subcore_barrier()

        def process_block(ib, buf):
            sib = src_ib[buf]
            dib = dst_ib[buf]
            wait_idx(buf)

            def src_idx(gg):
                q = lax.rem(gg, 4) * G
                return sib.at[lax.div(gg, 4), pl.ds(pl.multiple_of(q, G), G)]

            for b in range(NBUF):
                pltpu.async_copy(h_hbm.at[src_idx(b)], rows[b], sem_g[b])

            def group_body(go, _):
                for b in range(NBUF):
                    gg = go * NBUF + b
                    pltpu.make_async_copy(h_hbm.at[src_idx(gg)], rows[b],
                                          sem_g[b]).wait()
                    pltpu.sync_copy(rows[b], acc_sh.at[dib.at[gg]], add=True)

                    @pl.when(gg + NBUF < IBG)
                    def _next():
                        pltpu.async_copy(h_hbm.at[src_idx(gg + NBUF)], rows[b],
                                         sem_g[b])
                return 0

            lax.fori_loop(0, IBG // NBUF, group_body, 0)

            @pl.when(ib + 2 < nib)
            def _prefetch():
                issue_idx(ib + 2, buf)

        def block_pair(bp, _):
            process_block(2 * bp, 0)
            process_block(2 * bp + 1, 1)
            return 0

        lax.fori_loop(0, lax.div(nib, 2), block_pair, 0)

        plsc.subcore_barrier()

        out_rows = 624
        pltpu.sync_copy(acc_sh.at[pl.ds(s * out_rows, out_rows)],
                        out_hbm.at[c, pl.ds(s * out_rows, out_rows)])

        @pl.when(s == NS - 1)
        def _tail():
            pltpu.sync_copy(acc_sh.at[pl.ds(NS * out_rows, N - NS * out_rows)],
                            out_hbm.at[c, pl.ds(NS * out_rows, N - NS * out_rows)])

    return k(h, srcg, dstg)


def _dense0(x, w0t, b0, m2_1, m2_2):

    def body(x_ref, w_ref, b_ref, m1_ref, m2_ref, h_ref, b1_ref, b2_ref):
        h = jnp.maximum(
            jnp.dot(x_ref[...], w_ref[...], preferred_element_type=jnp.float32,
                    precision=lax.Precision.HIGHEST)
            + b_ref[...], 0.0)
        h_ref[...] = h
        b1_ref[...] = jnp.dot(h, m1_ref[...], preferred_element_type=jnp.float32,
                              precision=lax.Precision.HIGHEST)
        b2_ref[...] = jnp.dot(h, m2_ref[...], preferred_element_type=jnp.float32,
                              precision=lax.Precision.HIGHEST)

    o = jax.ShapeDtypeStruct((N, H), jnp.float32)
    return pl.pallas_call(
        body,
        grid=(N // RB,),
        in_specs=[
            pl.BlockSpec((RB, F_IN), lambda i: (i, 0)),
            pl.BlockSpec((F_IN, H), lambda i: (0, 0)),
            pl.BlockSpec((1, H), lambda i: (0, 0)),
            pl.BlockSpec((H, H), lambda i: (0, 0)),
            pl.BlockSpec((H, H), lambda i: (0, 0)),
        ],
        out_specs=[
            pl.BlockSpec((RB, H), lambda i: (i, 0)),
            pl.BlockSpec((RB, H), lambda i: (i, 0)),
            pl.BlockSpec((RB, H), lambda i: (i, 0)),
        ],
        out_shape=[o, o, o],
    )(x, w0t, b0, m2_1, m2_2)


def _combine(p, m1, b):

    def body(p_ref, m_ref, b_ref, o_ref):
        agg = p_ref[0] + p_ref[1]
        o_ref[...] = jnp.maximum(
            jnp.dot(agg, m_ref[...], preferred_element_type=jnp.float32,
                    precision=lax.Precision.HIGHEST)
            + b_ref[...], 0.0)

    return pl.pallas_call(
        body,
        grid=(N // RB,),
        in_specs=[
            pl.BlockSpec((NC, RB, H), lambda i: (0, i, 0)),
            pl.BlockSpec((H, H), lambda i: (0, 0)),
            pl.BlockSpec((RB, H), lambda i: (i, 0)),
        ],
        out_specs=pl.BlockSpec((RB, H), lambda i: (i, 0)),
        out_shape=jax.ShapeDtypeStruct((N, H), jnp.float32),
    )(p, m1, b)


def _final(p, m1, b, w1t, b1):

    def body(p_ref, m_ref, b_ref, w_ref, bias_ref, o_ref):
        agg = p_ref[0] + p_ref[1]
        h2 = jnp.maximum(
            jnp.dot(agg, m_ref[...], preferred_element_type=jnp.float32,
                    precision=lax.Precision.HIGHEST)
            + b_ref[...], 0.0)
        o_ref[...] = (jnp.dot(h2, w_ref[...], preferred_element_type=jnp.float32,
                              precision=lax.Precision.HIGHEST)
                      + bias_ref[...])

    return pl.pallas_call(
        body,
        grid=(N // RB,),
        in_specs=[
            pl.BlockSpec((NC, RB, H), lambda i: (0, i, 0)),
            pl.BlockSpec((H, H), lambda i: (0, 0)),
            pl.BlockSpec((RB, H), lambda i: (i, 0)),
            pl.BlockSpec((H, OUT), lambda i: (0, 0)),
            pl.BlockSpec((1, OUT), lambda i: (0, 0)),
        ],
        out_specs=pl.BlockSpec((RB, OUT), lambda i: (i, 0)),
        out_shape=jax.ShapeDtypeStruct((N, OUT), jnp.float32),
    )(p, m1, b, w1t, b1)


def kernel(x, adj_t, lin0_W, lin0_b, lin1_W, lin1_b,
           conv1_W1, conv1_W2, conv2_W1, conv2_W2):
    beta1 = float(math.log(THETA / 1 + 1.0))
    beta2 = float(math.log(THETA / 2 + 1.0))
    eye = jnp.eye(H, dtype=jnp.float32)
    m1_1 = (1.0 - ALPHA) * ((1.0 - beta1) * eye + beta1 * conv1_W1)
    m2_1 = ALPHA * ((1.0 - beta1) * eye + beta1 * conv1_W2)
    m1_2 = (1.0 - ALPHA) * ((1.0 - beta2) * eye + beta2 * conv2_W1)
    m2_2 = ALPHA * ((1.0 - beta2) * eye + beta2 * conv2_W2)

    pad = EPAD - E
    srcg = jnp.concatenate(
        [adj_t[0], jnp.zeros((pad,), jnp.int32)]).reshape(NG // 4, 4 * G)
    dstg = jnp.concatenate(
        [adj_t[1], jnp.full((pad,), N, jnp.int32)]).reshape(NG, G)

    h, b1, b2 = _dense0(x, lin0_W.T, lin0_b.reshape(1, H), m2_1, m2_2)
    p1 = _spmm_sc(h, srcg, dstg)
    h1 = _combine(p1, m1_1, b1)
    p2 = _spmm_sc(h1, srcg, dstg)
    return _final(p2, m1_2, b2, lin1_W.T, lin1_b.reshape(1, OUT))

# --- scband reference (transcript-rebuilt; emitter-appended) ---
"""Pipeline reference for scband-gcn2-52458730553745 (READ-ONLY COPY).

The authoritative reference and input builder live on the scoring server;
editing this copy changes nothing except your own understanding.
"""

import jax, jax.numpy as jnp
import numpy as np

N = 10000
E = 320000
F_IN = 128
H = 128
OUT = 64
ALPHA = 0.1
THETA = 0.5
NUM_LAYERS = 2


def setup_inputs(seed: int = 0) -> dict:
    key = jax.random.key(seed)
    ks = jax.random.split(key, 12)
    x = jax.random.normal(ks[0], (N, F_IN), dtype=jnp.float32)
    adj_t = jax.random.randint(ks[1], (2, E), 0, N, dtype=jnp.int32)
    s0 = 1.0 / np.sqrt(F_IN)
    sh = 1.0 / np.sqrt(H)
    lin0_W = jax.random.uniform(ks[2], (H, F_IN), dtype=jnp.float32, minval=-s0, maxval=s0)
    lin0_b = jax.random.uniform(ks[3], (H,), dtype=jnp.float32, minval=-s0, maxval=s0)
    lin1_W = jax.random.uniform(ks[4], (OUT, H), dtype=jnp.float32, minval=-sh, maxval=sh)
    lin1_b = jax.random.uniform(ks[5], (OUT,), dtype=jnp.float32, minval=-sh, maxval=sh)
    conv1_W1 = jax.random.uniform(ks[6], (H, H), dtype=jnp.float32, minval=-sh, maxval=sh)
    conv1_W2 = jax.random.uniform(ks[7], (H, H), dtype=jnp.float32, minval=-sh, maxval=sh)
    conv2_W1 = jax.random.uniform(ks[8], (H, H), dtype=jnp.float32, minval=-sh, maxval=sh)
    conv2_W2 = jax.random.uniform(ks[9], (H, H), dtype=jnp.float32, minval=-sh, maxval=sh)
    return {"x": x, "adj_t": adj_t, "lin0_W": lin0_W, "lin0_b": lin0_b,
            "lin1_W": lin1_W, "lin1_b": lin1_b,
            "conv1_W1": conv1_W1, "conv1_W2": conv1_W2,
            "conv2_W1": conv2_W1, "conv2_W2": conv2_W2}


def reference(x, adj_t, lin0_W, lin0_b, lin1_W, lin1_b, conv1_W1, conv1_W2, conv2_W1, conv2_W2):
    # dropout is identity in eval mode
    h = jnp.maximum(x @ lin0_W.T + lin0_b, 0.0)
    x0 = h
    src = adj_t[0]
    dst = adj_t[1]
    weights = [(conv1_W1, conv1_W2), (conv2_W1, conv2_W2)]
    for layer in range(1, NUM_LAYERS + 1):
        W1, W2 = weights[layer - 1]
        beta = float(np.log(THETA / layer + 1.0))
        # GCN2Conv with normalize=False: plain sum aggregation (SpMM via scatter-add)
        agg = jax.ops.segment_sum(h[src], dst, num_segments=N)
        hx = (1.0 - ALPHA) * agg
        h0 = ALPHA * x0
        out = (1.0 - beta) * hx + beta * (hx @ W1) + (1.0 - beta) * h0 + beta * (h0 @ W2)
        h = jnp.maximum(out, 0.0)
    return h @ lin1_W.T + lin1_b

if __name__ == "__main__":
    import jax
    _d = setup_inputs()
    print(jax.jit(kernel)(*tuple(_d.values())))

</pallas_src>

<mosaic_0001>
#map = affine_map<(d0, d1) -> (0, 0)>
#map1 = affine_map<(d0, d1) -> (0, 0, 0)>
module attributes {stable_mosaic.version = 14 : i64} {
  func.func @k(%arg0: i32, %arg1: i32, %arg2: memref<10000x128xf32, #tpu.memory_space<hbm>>, %arg3: memref<2560x128xi32, #tpu.memory_space<hbm>>, %arg4: memref<10240x32xi32, #tpu.memory_space<hbm>>, %arg5: memref<2x10000x128xf32, #tpu.memory_space<hbm>>, %arg6: memref<8x128xi32, #tpu.memory_space<vmem>>, %arg7: memref<8x128xi32, #tpu.memory_space<vmem>>, %arg8: memref<32x32xi32, #tpu.memory_space<vmem>>, %arg9: memref<32x32xi32, #tpu.memory_space<vmem>>, %arg10: memref<32x128xf32, #tpu.memory_space<vmem>>, %arg11: memref<32x128xf32, #tpu.memory_space<vmem>>, %arg12: memref<32x128xf32, #tpu.memory_space<vmem>>, %arg13: memref<32x128xf32, #tpu.memory_space<vmem>>, %arg14: memref<10240x128xf32, #tpu.memory_space<vmem_shared>>, %arg15: memref<!tpu.dma_semaphore, #tpu.memory_space<semaphore_mem>>, %arg16: memref<!tpu.dma_semaphore, #tpu.memory_space<semaphore_mem>>, %arg17: memref<!tpu.dma_semaphore, #tpu.memory_space<semaphore_mem>>, %arg18: memref<!tpu.dma_semaphore, #tpu.memory_space<semaphore_mem>>, %arg19: memref<!tpu.dma_semaphore, #tpu.memory_space<semaphore_mem>>, %arg20: memref<!tpu.dma_semaphore, #tpu.memory_space<semaphore_mem>>) attributes {dimension_semantics = [#tpu.dimension_semantics<core_parallel>, #tpu.dimension_semantics<subcore_parallel>], iteration_bounds = array<i64: 2, 16>, scalar_prefetch = 0 : i64, scratch_operands = 15 : i64, tpu.core_type = #tpu.core_type<sc_vector_subcore>, window_params = [{transform_indices = #map}, {transform_indices = #map}, {transform_indices = #map}, {transform_indices = #map1}]} {
    %eq3A = arith.constant 0 : i32
    %eq3A_0 = arith.cmpi eq, %arg0, %eq3A : i32
    %mul3A = arith.constant 320 : i32
    %mul3A_1 = arith.muli %arg1, %mul3A : i32
    %mul3A_2 = arith.constant 320 : i32
    %mul3A_3 = arith.muli %arg1, %mul3A_2 : i32
    %add3A = arith.constant 5120 : i32
    %add3A_4 = arith.addi %add3A, %mul3A_3 : i32
    %select_n3A = arith.select %eq3A_0, %mul3A_1, %add3A_4 : i32
    %multiple_of3A = tpu.assume_multiple %select_n3A, 8 : i32
    %jit3A = arith.constant 10 : i32
    %jit3A_5 = arith.constant 10 : i32
    %select_n3A_6 = arith.select %eq3A_0, %jit3A, %jit3A_5 : i32
    %broadcast_in_dim3A = arith.constant 0.000000e+00 : f32
    %broadcast_in_dim3A_7 = vector.broadcast %broadcast_in_dim3A : f32 to vector<16xf32>
    %scan3A = arith.constant 0 : i32
    %scan3A_8 = arith.constant 0 : i32
    %scan3A_9 = arith.constant 256 : i32
    %scan3A_10 = arith.addi %scan3A_8, %scan3A_9 : i32
    %scan3A_11 = arith.constant 1 : i32
    %scan3A_12 = scf.for %scan3A_45 = %scan3A_8 to %scan3A_10 step %scan3A_11 iter_args(%scan3A_46 = %scan3A) -> (i32)  : i32 {
      %jit3A_47 = arith.constant 8 : i32
      %div3A_48 = arith.divsi %scan3A_45, %jit3A_47 : i32
      %sign3A = arith.constant 0 : i32
      %sign3A_49 = arith.cmpi sgt, %scan3A_45, %sign3A : i32
      %sign3A_50 = arith.extui %sign3A_49 : i1 to i32
      %sign3A_51 = arith.constant 0 : i32
      %sign3A_52 = arith.cmpi slt, %scan3A_45, %sign3A_51 : i32
      %sign3A_53 = arith.extui %sign3A_52 : i1 to i32
      %sign3A_54 = arith.subi %sign3A_50, %sign3A_53 : i32
      %sign3A_55 = arith.constant 0 : i32
      %sign3A_56 = arith.cmpi sgt, %jit3A_47, %sign3A_55 : i32
      %sign3A_57 = arith.extui %sign3A_56 : i1 to i32
      %sign3A_58 = arith.constant 0 : i32
      %sign3A_59 = arith.cmpi slt, %jit3A_47, %sign3A_58 : i32
      %sign3A_60 = arith.extui %sign3A_59 : i1 to i32
      %sign3A_61 = arith.subi %sign3A_57, %sign3A_60 : i32
      %ne3A = arith.cmpi ne, %sign3A_54, %sign3A_61 : i32
      %rem3A = arith.remsi %scan3A_45, %jit3A_47 : i32
      %ne3A_62 = arith.constant 0 : i32
      %ne3A_63 = arith.cmpi ne, %rem3A, %ne3A_62 : i32
      %and3A = arith.andi %ne3A, %ne3A_63 : i1
      %sub3A = arith.constant 1 : i32
      %sub3A_64 = arith.subi %div3A_48, %sub3A : i32
      %select_n3A_65 = arith.select %and3A, %sub3A_64, %div3A_48 : i32
      %jit3A_66 = arith.constant 8 : i32
      %eq3A_67 = arith.constant 0 : i32
      %eq3A_68 = arith.cmpi eq, %jit3A_66, %eq3A_67 : i32
      %jit3A_69 = arith.constant 1 : i32
      %select_n3A_70 = arith.select %eq3A_68, %jit3A_69, %jit3A_66 : i32
      %rem3A_71 = arith.remsi %scan3A_45, %select_n3A_70 : i32
      %ne3A_72 = arith.constant 0 : i32
      %ne3A_73 = arith.cmpi ne, %rem3A_71, %ne3A_72 : i32
      %lt3A = arith.constant 0 : i32
      %lt3A_74 = arith.cmpi slt, %rem3A_71, %lt3A : i32
      %lt3A_75 = arith.constant 0 : i32
      %lt3A_76 = arith.cmpi slt, %select_n3A_70, %lt3A_75 : i32
      %ne3A_77 = arith.xori %lt3A_74, %lt3A_76 : i1
      %and3A_78 = arith.andi %ne3A_77, %ne3A_73 : i1
      %add3A_79 = arith.addi %rem3A_71, %select_n3A_70 : i32
      %select_n3A_80 = arith.select %and3A_78, %add3A_79, %rem3A_71 : i32
      %mul3A_81 = arith.constant 16 : i32
      %mul3A_82 = arith.muli %select_n3A_80, %mul3A_81 : i32
      %swap3A = arith.index_cast %select_n3A_65 : i32 to index
      %swap3A_83 = arith.index_cast %mul3A_82 : i32 to index
      %swap3A_84 = tpu.vector_load %arg10[%swap3A, %swap3A_83] {strides = array<i32>} : memref<32x128xf32, #tpu.memory_space<vmem>>, vector<1x16xf32>,
      %swap3A_85 = vector.shape_cast %swap3A_84 : vector<1x16xf32> to vector<16xf32>
      %swap3A_86 = vector.shape_cast %broadcast_in_dim3A_7 : vector<16xf32> to vector<1x16xf32>
      tpu.vector_store %arg10[%swap3A, %swap3A_83], %swap3A_86 {strides = array<i32>} : memref<32x128xf32, #tpu.memory_space<vmem>>, vector<1x16xf32>,
      %scan3A_87 = arith.constant 0 : i32
      scf.yield %scan3A_87 : i32
    }
    %scan3A_13 = arith.constant 256 : i32
    %scan3A_14 = arith.constant 0 : i32
    %scan3A_15 = arith.constant 0 : i32
    %scan3A_16 = arith.constant 20 : i32
    %scan3A_17 = arith.addi %scan3A_15, %scan3A_16 : i32
    %scan3A_18 = arith.constant 1 : i32
    %scan3A_19 = scf.for %scan3A_45 = %scan3A_15 to %scan3A_17 step %scan3A_18 iter_args(%scan3A_46 = %scan3A_14) -> (i32)  : i32 {
      %mul3A_47 = arith.constant 640 : i32
      %mul3A_48 = arith.muli %arg1, %mul3A_47 : i32
      %mul3A_49 = arith.constant 32 : i32
      %mul3A_50 = arith.muli %scan3A_45, %mul3A_49 : i32
      %add3A_51 = arith.addi %mul3A_48, %mul3A_50 : i32
      "tpu.region"() ({
        %run_scoped3A = tpu.sem_alloc : memref<!tpu.dma_semaphore, #tpu.memory_space<semaphore_mem>>
        %dma_start3A = arith.constant 0 : i32
        %dma_start3A_53 = tpu.memref_slice %arg14[%add3A_51, %dma_start3A] : memref<10240x128xf32, #tpu.memory_space<vmem_shared>> -> memref<32x128xf32, #tpu.memory_space<vmem_shared>>
        %dma_start3A_54 = arith.constant 0 : i32
        %dma_start3A_55 = tpu.memref_slice %arg14[%add3A_51, %dma_start3A_54] : memref<10240x128xf32, #tpu.memory_space<vmem_shared>> -> memref<32x128xf32, #tpu.memory_space<vmem_shared>>
        tpu.enqueue_dma source(%arg10 : memref<32x128xf32, #tpu.memory_space<vmem>>) target(%dma_start3A_55 : memref<32x128xf32, #tpu.memory_space<vmem_shared>>) target_semaphore(%run_scoped3A : memref<!tpu.dma_semaphore, #tpu.memory_space<semaphore_mem>>)
        %dma_wait3A = arith.constant 0 : i32
        %dma_wait3A_56 = tpu.memref_slice %arg14[%add3A_51, %dma_wait3A] : memref<10240x128xf32, #tpu.memory_space<vmem_shared>> -> memref<32x128xf32, #tpu.memory_space<vmem_shared>>
        %dma_wait3A_57 = arith.constant 0 : i32
        %dma_wait3A_58 = tpu.memref_slice %arg14[%add3A_51, %dma_wait3A_57] : memref<10240x128xf32, #tpu.memory_space<vmem_shared>> -> memref<32x128xf32, #tpu.memory_space<vmem_shared>>
        tpu.wait_dma2 semaphore(%run_scoped3A : memref<!tpu.dma_semaphore, #tpu.memory_space<semaphore_mem>>) src(%arg10 : memref<32x128xf32, #tpu.memory_space<vmem>>) dst(%dma_wait3A_58 : memref<32x128xf32, #tpu.memory_space<vmem_shared>>)
        tpu.yield
      }) : () -> ()
      %scan3A_52 = arith.constant 0 : i32
      scf.yield %scan3A_52 : i32
    }
    %scan3A_20 = arith.constant 20 : i32
    %ge3A = arith.constant 2 : i32
    %ge3A_21 = arith.cmpi sge, %select_n3A_6, %ge3A : i32
    %convert_element_type3A = arith.extui %ge3A_21 : i1 to i32
    %cond3A = arith.constant 0 : i32
    %cond3A_22 = arith.cmpi ne, %convert_element_type3A, %cond3A : i32
    scf.if %cond3A_22 {
      %div3A_45 = arith.constant 4 : i32
      %div3A_46 = arith.divsi %multiple_of3A, %div3A_45 : i32
      %add3A_47 = arith.constant 0 : i32
      %add3A_48 = arith.addi %div3A_46, %add3A_47 : i32
      %multiple_of3A_49 = tpu.assume_multiple %add3A_48, 8 : i32
      %dma_start3A = arith.constant 0 : i32
      %dma_start3A_50 = tpu.memref_slice %arg3[%multiple_of3A_49, %dma_start3A] : memref<2560x128xi32, #tpu.memory_space<hbm>> -> memref<8x128xi32, #tpu.memory_space<hbm>>
      %dma_start3A_51 = arith.constant 0 : i32
      %dma_start3A_52 = tpu.memref_slice %arg3[%multiple_of3A_49, %dma_start3A_51] : memref<2560x128xi32, #tpu.memory_space<hbm>> -> memref<8x128xi32, #tpu.memory_space<hbm>>
      tpu.enqueue_dma source(%dma_start3A_52 : memref<8x128xi32, #tpu.memory_space<hbm>>) target(%arg6 : memref<8x128xi32, #tpu.memory_space<vmem>>) target_semaphore(%arg15 : memref<!tpu.dma_semaphore, #tpu.memory_space<semaphore_mem>>)
      %add3A_53 = arith.constant 0 : i32
      %add3A_54 = arith.addi %multiple_of3A, %add3A_53 : i32
      %multiple_of3A_55 = tpu.assume_multiple %add3A_54, 8 : i32
      %dma_start3A_56 = arith.constant 0 : i32
      %dma_start3A_57 = tpu.memref_slice %arg4[%multiple_of3A_55, %dma_start3A_56] : memref<10240x32xi32, #tpu.memory_space<hbm>> -> memref<32x32xi32, #tpu.memory_space<hbm>>
      %dma_start3A_58 = arith.constant 0 : i32
      %dma_start3A_59 = tpu.memref_slice %arg4[%multiple_of3A_55, %dma_start3A_58] : memref<10240x32xi32, #tpu.memory_space<hbm>> -> memref<32x32xi32, #tpu.memory_space<hbm>>
      tpu.enqueue_dma source(%dma_start3A_59 : memref<32x32xi32, #tpu.memory_space<hbm>>) target(%arg8 : memref<32x32xi32, #tpu.memory_space<vmem>>) target_semaphore(%arg15 : memref<!tpu.dma_semaphore, #tpu.memory_space<semaphore_mem>>)
      %div3A_60 = arith.constant 4 : i32
      %div3A_61 = arith.divsi %multiple_of3A, %div3A_60 : i32
      %add3A_62 = arith.constant 8 : i32
      %add3A_63 = arith.addi %div3A_61, %add3A_62 : i32
      %multiple_of3A_64 = tpu.assume_multiple %add3A_63, 8 : i32
      %dma_start3A_65 = arith.constant 0 : i32
      %dma_start3A_66 = tpu.memref_slice %arg3[%multiple_of3A_64, %dma_start3A_65] : memref<2560x128xi32, #tpu.memory_space<hbm>> -> memref<8x128xi32, #tpu.memory_space<hbm>>
      %dma_start3A_67 = arith.constant 0 : i32
      %dma_start3A_68 = tpu.memref_slice %arg3[%multiple_of3A_64, %dma_start3A_67] : memref<2560x128xi32, #tpu.memory_space<hbm>> -> memref<8x128xi32, #tpu.memory_space<hbm>>
      tpu.enqueue_dma source(%dma_start3A_68 : memref<8x128xi32, #tpu.memory_space<hbm>>) target(%arg7 : memref<8x128xi32, #tpu.memory_space<vmem>>) target_semaphore(%arg16 : memref<!tpu.dma_semaphore, #tpu.memory_space<semaphore_mem>>)
      %add3A_69 = arith.constant 32 : i32
      %add3A_70 = arith.addi %multiple_of3A, %add3A_69 : i32
      %multiple_of3A_71 = tpu.assume_multiple %add3A_70, 8 : i32
      %dma_start3A_72 = arith.constant 0 : i32
      %dma_start3A_73 = tpu.memref_slice %arg4[%multiple_of3A_71, %dma_start3A_72] : memref<10240x32xi32, #tpu.memory_space<hbm>> -> memref<32x32xi32, #tpu.memory_space<hbm>>
      %dma_start3A_74 = arith.constant 0 : i32
      %dma_start3A_75 = tpu.memref_slice %arg4[%multiple_of3A_71, %dma_start3A_74] : memref<10240x32xi32, #tpu.memory_space<hbm>> -> memref<32x32xi32, #tpu.memory_space<hbm>>
      tpu.enqueue_dma source(%dma_start3A_75 : memref<32x32xi32, #tpu.memory_space<hbm>>) target(%arg9 : memref<32x32xi32, #tpu.memory_space<vmem>>) target_semaphore(%arg16 : memref<!tpu.dma_semaphore, #tpu.memory_space<semaphore_mem>>)
    } else {
    }
    %barrier3A = arith.constant 0 : index
    tpu.barrier barrier_id(%barrier3A)
    %div3A = arith.constant 2 : i32
    %div3A_23 = arith.divsi %select_n3A_6, %div3A : i32
    %while3A = arith.constant 0 : i32
    %while3A_24 = arith.constant 0 : i32
    %while3A_25 = arith.subi %div3A_23, %while3A : i32
    %while3A_26 = arith.addi %while3A, %while3A_25 : i32
    %while3A_27 = arith.constant 1 : i32
    %while3A_28 = arith.divsi %while3A_25, %while3A_27 : i32
    %while3A_29 = arith.muli %while3A_28, %while3A_27 : i32
    %while3A_30 = arith.addi %while3A, %while3A_29 : i32
    %while3A_31 = arith.constant 1 : i32
    %while3A_32 = scf.for %while3A_45 = %while3A to %while3A_30 step %while3A_31 iter_args(%while3A_46 = %while3A_24) -> (i32)  : i32 {
      %mul3A_47 = arith.constant 2 : i32
      %mul3A_48 = arith.muli %mul3A_47, %while3A_45 : i32
      %dma_wait3A = arith.constant 0 : i32
      %dma_wait3A_49 = arith.constant 0 : i32
      %dma_wait3A_50 = tpu.memref_slice %arg3[%dma_wait3A, %dma_wait3A_49] : memref<2560x128xi32, #tpu.memory_space<hbm>> -> memref<8x128xi32, #tpu.memory_space<hbm>>
      %dma_wait3A_51 = arith.constant 0 : i32
      %dma_wait3A_52 = arith.constant 0 : i32
      %dma_wait3A_53 = tpu.memref_slice %arg3[%dma_wait3A_51, %dma_wait3A_52] : memref<2560x128xi32, #tpu.memory_space<hbm>> -> memref<8x128xi32, #tpu.memory_space<hbm>>
      tpu.wait_dma2 semaphore(%arg15 : memref<!tpu.dma_semaphore, #tpu.memory_space<semaphore_mem>>) src(%dma_wait3A_53 : memref<8x128xi32, #tpu.memory_space<hbm>>) dst(%arg6 : memref<8x128xi32, #tpu.memory_space<vmem>>)
      %dma_wait3A_54 = arith.constant 0 : i32
      %dma_wait3A_55 = arith.constant 0 : i32
      %dma_wait3A_56 = tpu.memref_slice %arg4[%dma_wait3A_54, %dma_wait3A_55] : memref<10240x32xi32, #tpu.memory_space<hbm>> -> memref<32x32xi32, #tpu.memory_space<hbm>>
      %dma_wait3A_57 = arith.constant 0 : i32
      %dma_wait3A_58 = arith.constant 0 : i32
      %dma_wait3A_59 = tpu.memref_slice %arg4[%dma_wait3A_57, %dma_wait3A_58] : memref<10240x32xi32, #tpu.memory_space<hbm>> -> memref<32x32xi32, #tpu.memory_space<hbm>>
      tpu.wait_dma2 semaphore(%arg15 : memref<!tpu.dma_semaphore, #tpu.memory_space<semaphore_mem>>) src(%dma_wait3A_59 : memref<32x32xi32, #tpu.memory_space<hbm>>) dst(%arg8 : memref<32x32xi32, #tpu.memory_space<vmem>>)
      %rem3A = arith.constant 0 : i32
      %rem3A_60 = arith.constant 4 : i32
      %rem3A_61 = arith.remsi %rem3A, %rem3A_60 : i32
      %mul3A_62 = arith.constant 32 : i32
      %mul3A_63 = arith.muli %rem3A_61, %mul3A_62 : i32
      %div3A_64 = arith.constant 0 : i32
      %div3A_65 = arith.constant 4 : i32
      %div3A_66 = arith.divsi %div3A_64, %div3A_65 : i32
      %multiple_of3A_67 = tpu.assume_multiple %mul3A_63, 32 : i32
      %dma_start3A = tpu.memref_slice %arg6[%div3A_66, %multiple_of3A_67] : memref<8x128xi32, #tpu.memory_space<vmem>> -> memref<1x32xi32, #tpu.memory_space<vmem>>
      %dma_start3A_68 = tpu.memref_squeeze %dma_start3A : memref<1x32xi32, #tpu.memory_space<vmem>> -> memref<32xi32, #tpu.memory_space<vmem>>
      %dma_start3A_69 = arith.constant 0 : i32
      %dma_start3A_70 = arith.constant 0 : i32
      %dma_start3A_71 = tpu.memref_slice %arg2[%dma_start3A_69, %dma_start3A_70] : memref<10000x128xf32, #tpu.memory_space<hbm>> -> memref<10000x128xf32, #tpu.memory_space<hbm>>
      tpu.enqueue_indirect_dma source(%dma_start3A_71 : memref<10000x128xf32, #tpu.memory_space<hbm>>) target(%arg10 : memref<32x128xf32, #tpu.memory_space<vmem>>) offsets(%dma_start3A_68 : memref<32xi32, #tpu.memory_space<vmem>>) semaphore(%arg17 : memref<!tpu.dma_semaphore, #tpu.memory_space<semaphore_mem>>)
      %rem3A_72 = arith.constant 1 : i32
      %rem3A_73 = arith.constant 4 : i32
      %rem3A_74 = arith.remsi %rem3A_72, %rem3A_73 : i32
      %mul3A_75 = arith.constant 32 : i32
      %mul3A_76 = arith.muli %rem3A_74, %mul3A_75 : i32
      %div3A_77 = arith.constant 1 : i32
      %div3A_78 = arith.constant 4 : i32
      %div3A_79 = arith.divsi %div3A_77, %div3A_78 : i32
      %multiple_of3A_80 = tpu.assume_multiple %mul3A_76, 32 : i32
      %dma_start3A_81 = tpu.memref_slice %arg6[%div3A_79, %multiple_of3A_80] : memref<8x128xi32, #tpu.memory_space<vmem>> -> memref<1x32xi32, #tpu.memory_space<vmem>>
      %dma_start3A_82 = tpu.memref_squeeze %dma_start3A_81 : memref<1x32xi32, #tpu.memory_space<vmem>> -> memref<32xi32, #tpu.memory_space<vmem>>
      %dma_start3A_83 = arith.constant 0 : i32
      %dma_start3A_84 = arith.constant 0 : i32
      %dma_start3A_85 = tpu.memref_slice %arg2[%dma_start3A_83, %dma_start3A_84] : memref<10000x128xf32, #tpu.memory_space<hbm>> -> memref<10000x128xf32, #tpu.memory_space<hbm>>
      tpu.enqueue_indirect_dma source(%dma_start3A_85 : memref<10000x128xf32, #tpu.memory_space<hbm>>) target(%arg11 : memref<32x128xf32, #tpu.memory_space<vmem>>) offsets(%dma_start3A_82 : memref<32xi32, #tpu.memory_space<vmem>>) semaphore(%arg18 : memref<!tpu.dma_semaphore, #tpu.memory_space<semaphore_mem>>)
      %rem3A_86 = arith.constant 2 : i32
      %rem3A_87 = arith.constant 4 : i32
      %rem3A_88 = arith.remsi %rem3A_86, %rem3A_87 : i32
      %mul3A_89 = arith.constant 32 : i32
      %mul3A_90 = arith.muli %rem3A_88, %mul3A_89 : i32
      %div3A_91 = arith.constant 2 : i32
      %div3A_92 = arith.constant 4 : i32
      %div3A_93 = arith.divsi %div3A_91, %div3A_92 : i32
      %multiple_of3A_94 = tpu.assume_multiple %mul3A_90, 32 : i32
      %dma_start3A_95 = tpu.memref_slice %arg6[%div3A_93, %multiple_of3A_94] : memref<8x128xi32, #tpu.memory_space<vmem>> -> memref<1x32xi32, #tpu.memory_space<vmem>>
      %dma_start3A_96 = tpu.memref_squeeze %dma_start3A_95 : memref<1x32xi32, #tpu.memory_space<vmem>> -> memref<32xi32, #tpu.memory_space<vmem>>
      %dma_start3A_97 = arith.constant 0 : i32
      %dma_start3A_98 = arith.constant 0 : i32
      %dma_start3A_99 = tpu.memref_slice %arg2[%dma_start3A_97, %dma_start3A_98] : memref<10000x128xf32, #tpu.memory_space<hbm>> -> memref<10000x128xf32, #tpu.memory_space<hbm>>
      tpu.enqueue_indirect_dma source(%dma_start3A_99 : memref<10000x128xf32, #tpu.memory_space<hbm>>) target(%arg12 : memref<32x128xf32, #tpu.memory_space<vmem>>) offsets(%dma_start3A_96 : memref<32xi32, #tpu.memory_space<vmem>>) semaphore(%arg19 : memref<!tpu.dma_semaphore, #tpu.memory_space<semaphore_mem>>)
      %rem3A_100 = arith.constant 3 : i32
      %rem3A_101 = arith.constant 4 : i32
      %rem3A_102 = arith.remsi %rem3A_100, %rem3A_101 : i32
      %mul3A_103 = arith.constant 32 : i32
      %mul3A_104 = arith.muli %rem3A_102, %mul3A_103 : i32
      %div3A_105 = arith.constant 3 : i32
      %div3A_106 = arith.constant 4 : i32
      %div3A_107 = arith.divsi %div3A_105, %div3A_106 : i32
      %multiple_of3A_108 = tpu.assume_multiple %mul3A_104, 32 : i32
      %dma_start3A_109 = tpu.memref_slice %arg6[%div3A_107, %multiple_of3A_108] : memref<8x128xi32, #tpu.memory_space<vmem>> -> memref<1x32xi32, #tpu.memory_space<vmem>>
      %dma_start3A_110 = tpu.memref_squeeze %dma_start3A_109 : memref<1x32xi32, #tpu.memory_space<vmem>> -> memref<32xi32, #tpu.memory_space<vmem>>
      %dma_start3A_111 = arith.constant 0 : i32
      %dma_start3A_112 = arith.constant 0 : i32
      %dma_start3A_113 = tpu.memref_slice %arg2[%dma_start3A_111, %dma_start3A_112] : memref<10000x128xf32, #tpu.memory_space<hbm>> -> memref<10000x128xf32, #tpu.memory_space<hbm>>
      tpu.enqueue_indirect_dma source(%dma_start3A_113 : memref<10000x128xf32, #tpu.memory_space<hbm>>) target(%arg13 : memref<32x128xf32, #tpu.memory_space<vmem>>) offsets(%dma_start3A_110 : memref<32xi32, #tpu.memory_space<vmem>>) semaphore(%arg20 : memref<!tpu.dma_semaphore, #tpu.memory_space<semaphore_mem>>)
      %scan3A_114 = arith.constant 0 : i32
      %scan3A_115 = arith.constant 0 : i32
      %scan3A_116 = arith.constant 8 : i32
      %scan3A_117 = arith.addi %scan3A_115, %scan3A_116 : i32
      %scan3A_118 = arith.constant 1 : i32
      %scan3A_119 = scf.for %scan3A_212 = %scan3A_115 to %scan3A_117 step %scan3A_118 iter_args(%scan3A_213 = %scan3A_114) -> (i32)  : i32 {
        %mul3A_214 = arith.constant 4 : i32
        %mul3A_215 = arith.muli %scan3A_212, %mul3A_214 : i32
        %add3A_216 = arith.constant 0 : i32
        %add3A_217 = arith.addi %mul3A_215, %add3A_216 : i32
        %rem3A_218 = arith.constant 4 : i32
        %rem3A_219 = arith.remsi %add3A_217, %rem3A_218 : i32
        %mul3A_220 = arith.constant 32 : i32
        %mul3A_221 = arith.muli %rem3A_219, %mul3A_220 : i32
        %div3A_222 = arith.constant 4 : i32
        %div3A_223 = arith.divsi %add3A_217, %div3A_222 : i32
        %multiple_of3A_224 = tpu.assume_multiple %mul3A_221, 32 : i32
        %dma_wait3A_225 = tpu.memref_slice %arg6[%div3A_223, %multiple_of3A_224] : memref<8x128xi32, #tpu.memory_space<vmem>> -> memref<1x32xi32, #tpu.memory_space<vmem>>
        %dma_wait3A_226 = tpu.memref_squeeze %dma_wait3A_225 : memref<1x32xi32, #tpu.memory_space<vmem>> -> memref<32xi32, #tpu.memory_space<vmem>>
        %dma_wait3A_227 = arith.constant 0 : i32
        %dma_wait3A_228 = arith.constant 0 : i32
        %dma_wait3A_229 = tpu.memref_slice %arg2[%dma_wait3A_227, %dma_wait3A_228] : memref<10000x128xf32, #tpu.memory_space<hbm>> -> memref<10000x128xf32, #tpu.memory_space<hbm>>
        tpu.wait_indirect_dma semaphore(%arg17 : memref<!tpu.dma_semaphore, #tpu.memory_space<semaphore_mem>>) src(%dma_wait3A_229 : memref<10000x128xf32, #tpu.memory_space<hbm>>) dst(%arg10 : memref<32x128xf32, #tpu.memory_space<vmem>>)
        "tpu.region"() ({
          %run_scoped3A = tpu.sem_alloc : memref<!tpu.dma_semaphore, #tpu.memory_space<semaphore_mem>>
          %dma_start3A_307 = arith.constant 0 : i32
          %dma_start3A_308 = tpu.memref_slice %arg8[%add3A_217, %dma_start3A_307] : memref<32x32xi32, #tpu.memory_space<vmem>> -> memref<1x32xi32, #tpu.memory_space<vmem>>
          %dma_start3A_309 = tpu.memref_squeeze %dma_start3A_308 : memref<1x32xi32, #tpu.memory_space<vmem>> -> memref<32xi32, #tpu.memory_space<vmem>>
          %dma_start3A_310 = arith.constant 0 : i32
          %dma_start3A_311 = arith.constant 0 : i32
          %dma_start3A_312 = tpu.memref_slice %arg14[%dma_start3A_310, %dma_start3A_311] : memref<10240x128xf32, #tpu.memory_space<vmem_shared>> -> memref<10240x128xf32, #tpu.memory_space<vmem_shared>>
          tpu.enqueue_indirect_dma source(%arg10 : memref<32x128xf32, #tpu.memory_space<vmem>>) target(%dma_start3A_312 : memref<10240x128xf32, #tpu.memory_space<vmem_shared>>) offsets(%dma_start3A_309 : memref<32xi32, #tpu.memory_space<vmem>>) semaphore(%run_scoped3A : memref<!tpu.dma_semaphore, #tpu.memory_space<semaphore_mem>>) {add = true}
          %dma_wait3A_313 = arith.constant 0 : i32
          %dma_wait3A_314 = tpu.memref_slice %arg8[%add3A_217, %dma_wait3A_313] : memref<32x32xi32, #tpu.memory_space<vmem>> -> memref<1x32xi32, #tpu.memory_space<vmem>>
          %dma_wait3A_315 = tpu.memref_squeeze %dma_wait3A_314 : memref<1x32xi32, #tpu.memory_space<vmem>> -> memref<32xi32, #tpu.memory_space<vmem>>
          %dma_wait3A_316 = arith.constant 0 : i32
          %dma_wait3A_317 = arith.constant 0 : i32
          %dma_wait3A_318 = tpu.memref_slice %arg14[%dma_wait3A_316, %dma_wait3A_317] : memref<10240x128xf32, #tpu.memory_space<vmem_shared>> -> memref<10240x128xf32, #tpu.memory_space<vmem_shared>>
          tpu.wait_indirect_dma semaphore(%run_scoped3A : memref<!tpu.dma_semaphore, #tpu.memory_space<semaphore_mem>>) src(%arg10 : memref<32x128xf32, #tpu.memory_space<vmem>>) dst(%dma_wait3A_318 : memref<10240x128xf32, #tpu.memory_space<vmem_shared>>)
          tpu.yield
        }) : () -> ()
        %add3A_230 = arith.constant 4 : i32
        %add3A_231 = arith.addi %add3A_217, %add3A_230 : i32
        %lt3A_232 = arith.constant 32 : i32
        %lt3A_233 = arith.cmpi slt, %add3A_231, %lt3A_232 : i32
        %convert_element_type3A_234 = arith.extui %lt3A_233 : i1 to i32
        %cond3A_235 = arith.constant 0 : i32
        %cond3A_236 = arith.cmpi ne, %convert_element_type3A_234, %cond3A_235 : i32
        scf.if %cond3A_236 {
          %add3A_307 = arith.constant 4 : i32
          %add3A_308 = arith.addi %add3A_217, %add3A_307 : i32
          %rem3A_309 = arith.constant 4 : i32
          %rem3A_310 = arith.remsi %add3A_308, %rem3A_309 : i32
          %mul3A_311 = arith.constant 32 : i32
          %mul3A_312 = arith.muli %rem3A_310, %mul3A_311 : i32
          %div3A_313 = arith.constant 4 : i32
          %div3A_314 = arith.divsi %add3A_308, %div3A_313 : i32
          %multiple_of3A_315 = tpu.assume_multiple %mul3A_312, 32 : i32
          %dma_start3A_316 = tpu.memref_slice %arg6[%div3A_314, %multiple_of3A_315] : memref<8x128xi32, #tpu.memory_space<vmem>> -> memref<1x32xi32, #tpu.memory_space<vmem>>
          %dma_start3A_317 = tpu.memref_squeeze %dma_start3A_316 : memref<1x32xi32, #tpu.memory_space<vmem>> -> memref<32xi32, #tpu.memory_space<vmem>>
          %dma_start3A_318 = arith.constant 0 : i32
          %dma_start3A_319 = arith.constant 0 : i32
          %dma_start3A_320 = tpu.memref_slice %arg2[%dma_start3A_318, %dma_start3A_319] : memref<10000x128xf32, #tpu.memory_space<hbm>> -> memref<10000x128xf32, #tpu.memory_space<hbm>>
          tpu.enqueue_indirect_dma source(%dma_start3A_320 : memref<10000x128xf32, #tpu.memory_space<hbm>>) target(%arg10 : memref<32x128xf32, #tpu.memory_space<vmem>>) offsets(%dma_start3A_317 : memref<32xi32, #tpu.memory_space<vmem>>) semaphore(%arg17 : memref<!tpu.dma_semaphore, #tpu.memory_space<semaphore_mem>>)
        } else {
        }
        %mul3A_237 = arith.constant 4 : i32
        %mul3A_238 = arith.muli %scan3A_212, %mul3A_237 : i32
        %add3A_239 = arith.constant 1 : i32
        %add3A_240 = arith.addi %mul3A_238, %add3A_239 : i32
        %rem3A_241 = arith.constant 4 : i32
        %rem3A_242 = arith.remsi %add3A_240, %rem3A_241 : i32
        %mul3A_243 = arith.constant 32 : i32
        %mul3A_244 = arith.muli %rem3A_242, %mul3A_243 : i32
        %div3A_245 = arith.constant 4 : i32
        %div3A_246 = arith.divsi %add3A_240, %div3A_245 : i32
        %multiple_of3A_247 = tpu.assume_multiple %mul3A_244, 32 : i32
        %dma_wait3A_248 = tpu.memref_slice %arg6[%div3A_246, %multiple_of3A_247] : memref<8x128xi32, #tpu.memory_space<vmem>> -> memref<1x32xi32, #tpu.memory_space<vmem>>
        %dma_wait3A_249 = tpu.memref_squeeze %dma_wait3A_248 : memref<1x32xi32, #tpu.memory_space<vmem>> -> memref<32xi32, #tpu.memory_space<vmem>>
        %dma_wait3A_250 = arith.constant 0 : i32
        %dma_wait3A_251 = arith.constant 0 : i32
        %dma_wait3A_252 = tpu.memref_slice %arg2[%dma_wait3A_250, %dma_wait3A_251] : memref<10000x128xf32, #tpu.memory_space<hbm>> -> memref<10000x128xf32, #tpu.memory_space<hbm>>
        tpu.wait_indirect_dma semaphore(%arg18 : memref<!tpu.dma_semaphore, #tpu.memory_space<semaphore_mem>>) src(%dma_wait3A_252 : memref<10000x128xf32, #tpu.memory_space<hbm>>) dst(%arg11 : memref<32x128xf32, #tpu.memory_space<vmem>>)
        "tpu.region"() ({
          %run_scoped3A = tpu.sem_alloc : memref<!tpu.dma_semaphore, #tpu.memory_space<semaphore_mem>>
          %dma_start3A_307 = arith.constant 0 : i32
          %dma_start3A_308 = tpu.memref_slice %arg8[%add3A_240, %dma_start3A_307] : memref<32x32xi32, #tpu.memory_space<vmem>> -> memref<1x32xi32, #tpu.memory_space<vmem>>
          %dma_start3A_309 = tpu.memref_squeeze %dma_start3A_308 : memref<1x32xi32, #tpu.memory_space<vmem>> -> memref<32xi32, #tpu.memory_space<vmem>>
          %dma_start3A_310 = arith.constant 0 : i32
          %dma_start3A_311 = arith.constant 0 : i32
          %dma_start3A_312 = tpu.memref_slice %arg14[%dma_start3A_310, %dma_start3A_311] : memref<10240x128xf32, #tpu.memory_space<vmem_shared>> -> memref<10240x128xf32, #tpu.memory_space<vmem_shared>>
          tpu.enqueue_indirect_dma source(%arg11 : memref<32x128xf32, #tpu.memory_space<vmem>>) target(%dma_start3A_312 : memref<10240x128xf32, #tpu.memory_space<vmem_shared>>) offsets(%dma_start3A_309 : memref<32xi32, #tpu.memory_space<vmem>>) semaphore(%run_scoped3A : memref<!tpu.dma_semaphore, #tpu.memory_space<semaphore_mem>>) {add = true}
          %dma_wait3A_313 = arith.constant 0 : i32
          %dma_wait3A_314 = tpu.memref_slice %arg8[%add3A_240, %dma_wait3A_313] : memref<32x32xi32, #tpu.memory_space<vmem>> -> memref<1x32xi32, #tpu.memory_space<vmem>>
          %dma_wait3A_315 = tpu.memref_squeeze %dma_wait3A_314 : memref<1x32xi32, #tpu.memory_space<vmem>> -> memref<32xi32, #tpu.memory_space<vmem>>
          %dma_wait3A_316 = arith.constant 0 : i32
          %dma_wait3A_317 = arith.constant 0 : i32
          %dma_wait3A_318 = tpu.memref_slice %arg14[%dma_wait3A_316, %dma_wait3A_317] : memref<10240x128xf32, #tpu.memory_space<vmem_shared>> -> memref<10240x128xf32, #tpu.memory_space<vmem_shared>>
          tpu.wait_indirect_dma semaphore(%run_scoped3A : memref<!tpu.dma_semaphore, #tpu.memory_space<semaphore_mem>>) src(%arg11 : memref<32x128xf32, #tpu.memory_space<vmem>>) dst(%dma_wait3A_318 : memref<10240x128xf32, #tpu.memory_space<vmem_shared>>)
          tpu.yield
        }) : () -> ()
        %add3A_253 = arith.constant 4 : i32
        %add3A_254 = arith.addi %add3A_240, %add3A_253 : i32
        %lt3A_255 = arith.constant 32 : i32
        %lt3A_256 = arith.cmpi slt, %add3A_254, %lt3A_255 : i32
        %convert_element_type3A_257 = arith.extui %lt3A_256 : i1 to i32
        %cond3A_258 = arith.constant 0 : i32
        %cond3A_259 = arith.cmpi ne, %convert_element_type3A_257, %cond3A_258 : i32
        scf.if %cond3A_259 {
          %add3A_307 = arith.constant 4 : i32
          %add3A_308 = arith.addi %add3A_240, %add3A_307 : i32
          %rem3A_309 = arith.constant 4 : i32
          %rem3A_310 = arith.remsi %add3A_308, %rem3A_309 : i32
          %mul3A_311 = arith.constant 32 : i32
          %mul3A_312 = arith.muli %rem3A_310, %mul3A_311 : i32
          %div3A_313 = arith.constant 4 : i32
          %div3A_314 = arith.divsi %add3A_308, %div3A_313 : i32
          %multiple_of3A_315 = tpu.assume_multiple %mul3A_312, 32 : i32
          %dma_start3A_316 = tpu.memref_slice %arg6[%div3A_314, %multiple_of3A_315] : memref<8x128xi32, #tpu.memory_space<vmem>> -> memref<1x32xi32, #tpu.memory_space<vmem>>
          %dma_start3A_317 = tpu.memref_squeeze %dma_start3A_316 : memref<1x32xi32, #tpu.memory_space<vmem>> -> memref<32xi32, #tpu.memory_space<vmem>>
          %dma_start3A_318 = arith.constant 0 : i32
          %dma_start3A_319 = arith.constant 0 : i32
          %dma_start3A_320 = tpu.memref_slice %arg2[%dma_start3A_318, %dma_start3A_319] : memref<10000x128xf32, #tpu.memory_space<hbm>> -> memref<10000x128xf32, #tpu.memory_space<hbm>>
          tpu.enqueue_indirect_dma source(%dma_start3A_320 : memref<10000x128xf32, #tpu.memory_space<hbm>>) target(%arg11 : memref<32x128xf32, #tpu.memory_space<vmem>>) offsets(%dma_start3A_317 : memref<32xi32, #tpu.memory_space<vmem>>) semaphore(%arg18 : memref<!tpu.dma_semaphore, #tpu.memory_space<semaphore_mem>>)
        } else {
        }
        %mul3A_260 = arith.constant 4 : i32
        %mul3A_261 = arith.muli %scan3A_212, %mul3A_260 : i32
        %add3A_262 = arith.constant 2 : i32
        %add3A_263 = arith.addi %mul3A_261, %add3A_262 : i32
        %rem3A_264 = arith.constant 4 : i32
        %rem3A_265 = arith.remsi %add3A_263, %rem3A_264 : i32
        %mul3A_266 = arith.constant 32 : i32
        %mul3A_267 = arith.muli %rem3A_265, %mul3A_266 : i32
        %div3A_268 = arith.constant 4 : i32
        %div3A_269 = arith.divsi %add3A_263, %div3A_268 : i32
        %multiple_of3A_270 = tpu.assume_multiple %mul3A_267, 32 : i32
        %dma_wait3A_271 = tpu.memref_slice %arg6[%div3A_269, %multiple_of3A_270] : memref<8x128xi32, #tpu.memory_space<vmem>> -> memref<1x32xi32, #tpu.memory_space<vmem>>
        %dma_wait3A_272 = tpu.memref_squeeze %dma_wait3A_271 : memref<1x32xi32, #tpu.memory_space<vmem>> -> memref<32xi32, #tpu.memory_space<vmem>>
        %dma_wait3A_273 = arith.constant 0 : i32
        %dma_wait3A_274 = arith.constant 0 : i32
        %dma_wait3A_275 = tpu.memref_slice %arg2[%dma_wait3A_273, %dma_wait3A_274] : memref<10000x128xf32, #tpu.memory_space<hbm>> -> memref<10000x128xf32, #tpu.memory_space<hbm>>
        tpu.wait_indirect_dma semaphore(%arg19 : memref<!tpu.dma_semaphore, #tpu.memory_space<semaphore_mem>>) src(%dma_wait3A_275 : memref<10000x128xf32, #tpu.memory_space<hbm>>) dst(%arg12 : memref<32x128xf32, #tpu.memory_space<vmem>>)
        "tpu.region"() ({
          %run_scoped3A = tpu.sem_alloc : memref<!tpu.dma_semaphore, #tpu.memory_space<semaphore_mem>>
          %dma_start3A_307 = arith.constant 0 : i32
          %dma_start3A_308 = tpu.memref_slice %arg8[%add3A_263, %dma_start3A_307] : memref<32x32xi32, #tpu.memory_space<vmem>> -> memref<1x32xi32, #tpu.memory_space<vmem>>
          %dma_start3A_309 = tpu.memref_squeeze %dma_start3A_308 : memref<1x32xi32, #tpu.memory_space<vmem>> -> memref<32xi32, #tpu.memory_space<vmem>>
          %dma_start3A_310 = arith.constant 0 : i32
          %dma_start3A_311 = arith.constant 0 : i32
          %dma_start3A_312 = tpu.memref_slice %arg14[%dma_start3A_310, %dma_start3A_311] : memref<10240x128xf32, #tpu.memory_space<vmem_shared>> -> memref<10240x128xf32, #tpu.memory_space<vmem_shared>>
          tpu.enqueue_indirect_dma source(%arg12 : memref<32x128xf32, #tpu.memory_space<vmem>>) target(%dma_start3A_312 : memref<10240x128xf32, #tpu.memory_space<vmem_shared>>) offsets(%dma_start3A_309 : memref<32xi32, #tpu.memory_space<vmem>>) semaphore(%run_scoped3A : memref<!tpu.dma_semaphore, #tpu.memory_space<semaphore_mem>>) {add = true}
          %dma_wait3A_313 = arith.constant 0 : i32
          %dma_wait3A_314 = tpu.memref_slice %arg8[%add3A_263, %dma_wait3A_313] : memref<32x32xi32, #tpu.memory_space<vmem>> -> memref<1x32xi32, #tpu.memory_space<vmem>>
          %dma_wait3A_315 = tpu.memref_squeeze %dma_wait3A_314 : memref<1x32xi32, #tpu.memory_space<vmem>> -> memref<32xi32, #tpu.memory_space<vmem>>
          %dma_wait3A_316 = arith.constant 0 : i32
          %dma_wait3A_317 = arith.constant 0 : i32
          %dma_wait3A_318 = tpu.memref_slice %arg14[%dma_wait3A_316, %dma_wait3A_317] : memref<10240x128xf32, #tpu.memory_space<vmem_shared>> -> memref<10240x128xf32, #tpu.memory_space<vmem_shared>>
          tpu.wait_indirect_dma semaphore(%run_scoped3A : memref<!tpu.dma_semaphore, #tpu.memory_space<semaphore_mem>>) src(%arg12 : memref<32x128xf32, #tpu.memory_space<vmem>>) dst(%dma_wait3A_318 : memref<10240x128xf32, #tpu.memory_space<vmem_shared>>)
          tpu.yield
        }) : () -> ()
        %add3A_276 = arith.constant 4 : i32
        %add3A_277 = arith.addi %add3A_263, %add3A_276 : i32
        %lt3A_278 = arith.constant 32 : i32
        %lt3A_279 = arith.cmpi slt, %add3A_277, %lt3A_278 : i32
        %convert_element_type3A_280 = arith.extui %lt3A_279 : i1 to i32
        %cond3A_281 = arith.constant 0 : i32
        %cond3A_282 = arith.cmpi ne, %convert_element_type3A_280, %cond3A_281 : i32
        scf.if %cond3A_282 {
          %add3A_307 = arith.constant 4 : i32
          %add3A_308 = arith.addi %add3A_263, %add3A_307 : i32
          %rem3A_309 = arith.constant 4 : i32
          %rem3A_310 = arith.remsi %add3A_308, %rem3A_309 : i32
          %mul3A_311 = arith.constant 32 : i32
          %mul3A_312 = arith.muli %rem3A_310, %mul3A_311 : i32
          %div3A_313 = arith.constant 4 : i32
          %div3A_314 = arith.divsi %add3A_308, %div3A_313 : i32
          %multiple_of3A_315 = tpu.assume_multiple %mul3A_312, 32 : i32
          %dma_start3A_316 = tpu.memref_slice %arg6[%div3A_314, %multiple_of3A_315] : memref<8x128xi32, #tpu.memory_space<vmem>> -> memref<1x32xi32, #tpu.memory_space<vmem>>
          %dma_start3A_317 = tpu.memref_squeeze %dma_start3A_316 : memref<1x32xi32, #tpu.memory_space<vmem>> -> memref<32xi32, #tpu.memory_space<vmem>>
          %dma_start3A_318 = arith.constant 0 : i32
          %dma_start3A_319 = arith.constant 0 : i32
          %dma_start3A_320 = tpu.memref_slice %arg2[%dma_start3A_318, %dma_start3A_319] : memref<10000x128xf32, #tpu.memory_space<hbm>> -> memref<10000x128xf32, #tpu.memory_space<hbm>>
          tpu.enqueue_indirect_dma source(%dma_start3A_320 : memref<10000x128xf32, #tpu.memory_space<hbm>>) target(%arg12 : memref<32x128xf32, #tpu.memory_space<vmem>>) offsets(%dma_start3A_317 : memref<32xi32, #tpu.memory_space<vmem>>) semaphore(%arg19 : memref<!tpu.dma_semaphore, #tpu.memory_space<semaphore_mem>>)
        } else {
        }
        %mul3A_283 = arith.constant 4 : i32
        %mul3A_284 = arith.muli %scan3A_212, %mul3A_283 : i32
        %add3A_285 = arith.constant 3 : i32
        %add3A_286 = arith.addi %mul3A_284, %add3A_285 : i32
        %rem3A_287 = arith.constant 4 : i32
        %rem3A_288 = arith.remsi %add3A_286, %rem3A_287 : i32
        %mul3A_289 = arith.constant 32 : i32
        %mul3A_290 = arith.muli %rem3A_288, %mul3A_289 : i32
        %div3A_291 = arith.constant 4 : i32
        %div3A_292 = arith.divsi %add3A_286, %div3A_291 : i32
        %multiple_of3A_293 = tpu.assume_multiple %mul3A_290, 32 : i32
        %dma_wait3A_294 = tpu.memref_slice %arg6[%div3A_292, %multiple_of3A_293] : memref<8x128xi32, #tpu.memory_space<vmem>> -> memref<1x32xi32, #tpu.memory_space<vmem>>
        %dma_wait3A_295 = tpu.memref_squeeze %dma_wait3A_294 : memref<1x32xi32, #tpu.memory_space<vmem>> -> memref<32xi32, #tpu.memory_space<vmem>>
        %dma_wait3A_296 = arith.constant 0 : i32
        %dma_wait3A_297 = arith.constant 0 : i32
        %dma_wait3A_298 = tpu.memref_slice %arg2[%dma_wait3A_296, %dma_wait3A_297] : memref<10000x128xf32, #tpu.memory_space<hbm>> -> memref<10000x128xf32, #tpu.memory_space<hbm>>
        tpu.wait_indirect_dma semaphore(%arg20 : memref<!tpu.dma_semaphore, #tpu.memory_space<semaphore_mem>>) src(%dma_wait3A_298 : memref<10000x128xf32, #tpu.memory_space<hbm>>) dst(%arg13 : memref<32x128xf32, #tpu.memory_space<vmem>>)
        "tpu.region"() ({
          %run_scoped3A = tpu.sem_alloc : memref<!tpu.dma_semaphore, #tpu.memory_space<semaphore_mem>>
          %dma_start3A_307 = arith.constant 0 : i32
          %dma_start3A_308 = tpu.memref_slice %arg8[%add3A_286, %dma_start3A_307] : memref<32x32xi32, #tpu.memory_space<vmem>> -> memref<1x32xi32, #tpu.memory_space<vmem>>
          %dma_start3A_309 = tpu.memref_squeeze %dma_start3A_308 : memref<1x32xi32, #tpu.memory_space<vmem>> -> memref<32xi32, #tpu.memory_space<vmem>>
          %dma_start3A_310 = arith.constant 0 : i32
          %dma_start3A_311 = arith.constant 0 : i32
          %dma_start3A_312 = tpu.memref_slice %arg14[%dma_start3A_310, %dma_start3A_311] : memref<10240x128xf32, #tpu.memory_space<vmem_shared>> -> memref<10240x128xf32, #tpu.memory_space<vmem_shared>>
          tpu.enqueue_indirect_dma source(%arg13 : memref<32x128xf32, #tpu.memory_space<vmem>>) target(%dma_start3A_312 : memref<10240x128xf32, #tpu.memory_space<vmem_shared>>) offsets(%dma_start3A_309 : memref<32xi32, #tpu.memory_space<vmem>>) semaphore(%run_scoped3A : memref<!tpu.dma_semaphore, #tpu.memory_space<semaphore_mem>>) {add = true}
          %dma_wait3A_313 = arith.constant 0 : i32
          %dma_wait3A_314 = tpu.memref_slice %arg8[%add3A_286, %dma_wait3A_313] : memref<32x32xi32, #tpu.memory_space<vmem>> -> memref<1x32xi32, #tpu.memory_space<vmem>>
          %dma_wait3A_315 = tpu.memref_squeeze %dma_wait3A_314 : memref<1x32xi32, #tpu.memory_space<vmem>> -> memref<32xi32, #tpu.memory_space<vmem>>
          %dma_wait3A_316 = arith.constant 0 : i32
          %dma_wait3A_317 = arith.constant 0 : i32
          %dma_wait3A_318 = tpu.memref_slice %arg14[%dma_wait3A_316, %dma_wait3A_317] : memref<10240x128xf32, #tpu.memory_space<vmem_shared>> -> memref<10240x128xf32, #tpu.memory_space<vmem_shared>>
          tpu.wait_indirect_dma semaphore(%run_scoped3A : memref<!tpu.dma_semaphore, #tpu.memory_space<semaphore_mem>>) src(%arg13 : memref<32x128xf32, #tpu.memory_space<vmem>>) dst(%dma_wait3A_318 : memref<10240x128xf32, #tpu.memory_space<vmem_shared>>)
          tpu.yield
        }) : () -> ()
        %add3A_299 = arith.constant 4 : i32
        %add3A_300 = arith.addi %add3A_286, %add3A_299 : i32
        %lt3A_301 = arith.constant 32 : i32
        %lt3A_302 = arith.cmpi slt, %add3A_300, %lt3A_301 : i32
        %convert_element_type3A_303 = arith.extui %lt3A_302 : i1 to i32
        %cond3A_304 = arith.constant 0 : i32
        %cond3A_305 = arith.cmpi ne, %convert_element_type3A_303, %cond3A_304 : i32
        scf.if %cond3A_305 {
          %add3A_307 = arith.constant 4 : i32
          %add3A_308 = arith.addi %add3A_286, %add3A_307 : i32
          %rem3A_309 = arith.constant 4 : i32
          %rem3A_310 = arith.remsi %add3A_308, %rem3A_309 : i32
          %mul3A_311 = arith.constant 32 : i32
          %mul3A_312 = arith.muli %rem3A_310, %mul3A_311 : i32
          %div3A_313 = arith.constant 4 : i32
          %div3A_314 = arith.divsi %add3A_308, %div3A_313 : i32
          %multiple_of3A_315 = tpu.assume_multiple %mul3A_312, 32 : i32
          %dma_start3A_316 = tpu.memref_slice %arg6[%div3A_314, %multiple_of3A_315] : memref<8x128xi32, #tpu.memory_space<vmem>> -> memref<1x32xi32, #tpu.memory_space<vmem>>
          %dma_start3A_317 = tpu.memref_squeeze %dma_start3A_316 : memref<1x32xi32, #tpu.memory_space<vmem>> -> memref<32xi32, #tpu.memory_space<vmem>>
          %dma_start3A_318 = arith.constant 0 : i32
          %dma_start3A_319 = arith.constant 0 : i32
          %dma_start3A_320 = tpu.memref_slice %arg2[%dma_start3A_318, %dma_start3A_319] : memref<10000x128xf32, #tpu.memory_space<hbm>> -> memref<10000x128xf32, #tpu.memory_space<hbm>>
          tpu.enqueue_indirect_dma source(%dma_start3A_320 : memref<10000x128xf32, #tpu.memory_space<hbm>>) target(%arg13 : memref<32x128xf32, #tpu.memory_space<vmem>>) offsets(%dma_start3A_317 : memref<32xi32, #tpu.memory_space<vmem>>) semaphore(%arg20 : memref<!tpu.dma_semaphore, #tpu.memory_space<semaphore_mem>>)
        } else {
        }
        %scan3A_306 = arith.constant 0 : i32
        scf.yield %scan3A_306 : i32
      }
      %scan3A_120 = arith.constant 8 : i32
      %add3A_121 = arith.constant 2 : i32
      %add3A_122 = arith.addi %mul3A_48, %add3A_121 : i32
      %lt3A = arith.cmpi slt, %add3A_122, %select_n3A_6 : i32
      %convert_element_type3A_123 = arith.extui %lt3A : i1 to i32
      %cond3A_124 = arith.constant 0 : i32
      %cond3A_125 = arith.cmpi ne, %convert_element_type3A_123, %cond3A_124 : i32
      scf.if %cond3A_125 {
        %add3A_212 = arith.constant 2 : i32
        %add3A_213 = arith.addi %mul3A_48, %add3A_212 : i32
        %div3A_214 = arith.constant 4 : i32
        %div3A_215 = arith.divsi %multiple_of3A, %div3A_214 : i32
        %mul3A_216 = arith.constant 8 : i32
        %mul3A_217 = arith.muli %add3A_213, %mul3A_216 : i32
        %add3A_218 = arith.addi %div3A_215, %mul3A_217 : i32
        %multiple_of3A_219 = tpu.assume_multiple %add3A_218, 8 : i32
        %dma_start3A_220 = arith.constant 0 : i32
        %dma_start3A_221 = tpu.memref_slice %arg3[%multiple_of3A_219, %dma_start3A_220] : memref<2560x128xi32, #tpu.memory_space<hbm>> -> memref<8x128xi32, #tpu.memory_space<hbm>>
        %dma_start3A_222 = arith.constant 0 : i32
        %dma_start3A_223 = tpu.memref_slice %arg3[%multiple_of3A_219, %dma_start3A_222] : memref<2560x128xi32, #tpu.memory_space<hbm>> -> memref<8x128xi32, #tpu.memory_space<hbm>>
        tpu.enqueue_dma source(%dma_start3A_223 : memref<8x128xi32, #tpu.memory_space<hbm>>) target(%arg6 : memref<8x128xi32, #tpu.memory_space<vmem>>) target_semaphore(%arg15 : memref<!tpu.dma_semaphore, #tpu.memory_space<semaphore_mem>>)
        %mul3A_224 = arith.constant 32 : i32
        %mul3A_225 = arith.muli %add3A_213, %mul3A_224 : i32
        %add3A_226 = arith.addi %multiple_of3A, %mul3A_225 : i32
        %multiple_of3A_227 = tpu.assume_multiple %add3A_226, 8 : i32
        %dma_start3A_228 = arith.constant 0 : i32
        %dma_start3A_229 = tpu.memref_slice %arg4[%multiple_of3A_227, %dma_start3A_228] : memref<10240x32xi32, #tpu.memory_space<hbm>> -> memref<32x32xi32, #tpu.memory_space<hbm>>
        %dma_start3A_230 = arith.constant 0 : i32
        %dma_start3A_231 = tpu.memref_slice %arg4[%multiple_of3A_227, %dma_start3A_230] : memref<10240x32xi32, #tpu.memory_space<hbm>> -> memref<32x32xi32, #tpu.memory_space<hbm>>
        tpu.enqueue_dma source(%dma_start3A_231 : memref<32x32xi32, #tpu.memory_space<hbm>>) target(%arg8 : memref<32x32xi32, #tpu.memory_space<vmem>>) target_semaphore(%arg15 : memref<!tpu.dma_semaphore, #tpu.memory_space<semaphore_mem>>)
      } else {
      }
      %mul3A_126 = arith.constant 2 : i32
      %mul3A_127 = arith.muli %mul3A_126, %while3A_45 : i32
      %add3A_128 = arith.constant 1 : i32
      %add3A_129 = arith.addi %mul3A_127, %add3A_128 : i32
      %dma_wait3A_130 = arith.constant 0 : i32
      %dma_wait3A_131 = arith.constant 0 : i32
      %dma_wait3A_132 = tpu.memref_slice %arg3[%dma_wait3A_130, %dma_wait3A_131] : memref<2560x128xi32, #tpu.memory_space<hbm>> -> memref<8x128xi32, #tpu.memory_space<hbm>>
      %dma_wait3A_133 = arith.constant 0 : i32
      %dma_wait3A_134 = arith.constant 0 : i32
      %dma_wait3A_135 = tpu.memref_slice %arg3[%dma_wait3A_133, %dma_wait3A_134] : memref<2560x128xi32, #tpu.memory_space<hbm>> -> memref<8x128xi32, #tpu.memory_space<hbm>>
      tpu.wait_dma2 semaphore(%arg16 : memref<!tpu.dma_semaphore, #tpu.memory_space<semaphore_mem>>) src(%dma_wait3A_135 : memref<8x128xi32, #tpu.memory_space<hbm>>) dst(%arg7 : memref<8x128xi32, #tpu.memory_space<vmem>>)
      %dma_wait3A_136 = arith.constant 0 : i32
      %dma_wait3A_137 = arith.constant 0 : i32
      %dma_wait3A_138 = tpu.memref_slice %arg4[%dma_wait3A_136, %dma_wait3A_137] : memref<10240x32xi32, #tpu.memory_space<hbm>> -> memref<32x32xi32, #tpu.memory_space<hbm>>
      %dma_wait3A_139 = arith.constant 0 : i32
      %dma_wait3A_140 = arith.constant 0 : i32
      %dma_wait3A_141 = tpu.memref_slice %arg4[%dma_wait3A_139, %dma_wait3A_140] : memref<10240x32xi32, #tpu.memory_space<hbm>> -> memref<32x32xi32, #tpu.memory_space<hbm>>
      tpu.wait_dma2 semaphore(%arg16 : memref<!tpu.dma_semaphore, #tpu.memory_space<semaphore_mem>>) src(%dma_wait3A_141 : memref<32x32xi32, #tpu.memory_space<hbm>>) dst(%arg9 : memref<32x32xi32, #tpu.memory_space<vmem>>)
      %rem3A_142 = arith.constant 0 : i32
      %rem3A_143 = arith.constant 4 : i32
      %rem3A_144 = arith.remsi %rem3A_142, %rem3A_143 : i32
      %mul3A_145 = arith.constant 32 : i32
      %mul3A_146 = arith.muli %rem3A_144, %mul3A_145 : i32
      %div3A_147 = arith.constant 0 : i32
      %div3A_148 = arith.constant 4 : i32
      %div3A_149 = arith.divsi %div3A_147, %div3A_148 : i32
      %multiple_of3A_150 = tpu.assume_multiple %mul3A_146, 32 : i32
      %dma_start3A_151 = tpu.memref_slice %arg7[%div3A_149, %multiple_of3A_150] : memref<8x128xi32, #tpu.memory_space<vmem>> -> memref<1x32xi32, #tpu.memory_space<vmem>>
      %dma_start3A_152 = tpu.memref_squeeze %dma_start3A_151 : memref<1x32xi32, #tpu.memory_space<vmem>> -> memref<32xi32, #tpu.memory_space<vmem>>
      %dma_start3A_153 = arith.constant 0 : i32
      %dma_start3A_154 = arith.constant 0 : i32
      %dma_start3A_155 = tpu.memref_slice %arg2[%dma_start3A_153, %dma_start3A_154] : memref<10000x128xf32, #tpu.memory_space<hbm>> -> memref<10000x128xf32, #tpu.memory_space<hbm>>
      tpu.enqueue_indirect_dma source(%dma_start3A_155 : memref<10000x128xf32, #tpu.memory_space<hbm>>) target(%arg10 : memref<32x128xf32, #tpu.memory_space<vmem>>) offsets(%dma_start3A_152 : memref<32xi32, #tpu.memory_space<vmem>>) semaphore(%arg17 : memref<!tpu.dma_semaphore, #tpu.memory_space<semaphore_mem>>)
      %rem3A_156 = arith.constant 1 : i32
      %rem3A_157 = arith.constant 4 : i32
      %rem3A_158 = arith.remsi %rem3A_156, %rem3A_157 : i32
      %mul3A_159 = arith.constant 32 : i32
      %mul3A_160 = arith.muli %rem3A_158, %mul3A_159 : i32
      %div3A_161 = arith.constant 1 : i32
      %div3A_162 = arith.constant 4 : i32
      %div3A_163 = arith.divsi %div3A_161, %div3A_162 : i32
      %multiple_of3A_164 = tpu.assume_multiple %mul3A_160, 32 : i32
      %dma_start3A_165 = tpu.memref_slice %arg7[%div3A_163, %multiple_of3A_164] : memref<8x128xi32, #tpu.memory_space<vmem>> -> memref<1x32xi32, #tpu.memory_space<vmem>>
      %dma_start3A_166 = tpu.memref_squeeze %dma_start3A_165 : memref<1x32xi32, #tpu.memory_space<vmem>> -> memref<32xi32, #tpu.memory_space<vmem>>
      %dma_start3A_167 = arith.constant 0 : i32
      %dma_start3A_168 = arith.constant 0 : i32
      %dma_start3A_169 = tpu.memref_slice %arg2[%dma_start3A_167, %dma_start3A_168] : memref<10000x128xf32, #tpu.memory_space<hbm>> -> memref<10000x128xf32, #tpu.memory_space<hbm>>
      tpu.enqueue_indirect_dma source(%dma_start3A_169 : memref<10000x128xf32, #tpu.memory_space<hbm>>) target(%arg11 : memref<32x128xf32, #tpu.memory_space<vmem>>) offsets(%dma_start3A_166 : memref<32xi32, #tpu.memory_space<vmem>>) semaphore(%arg18 : memref<!tpu.dma_semaphore, #tpu.memory_space<semaphore_mem>>)
      %rem3A_170 = arith.constant 2 : i32
      %rem3A_171 = arith.constant 4 : i32
      %rem3A_172 = arith.remsi %rem3A_170, %rem3A_171 : i32
      %mul3A_173 = arith.constant 32 : i32
      %mul3A_174 = arith.muli %rem3A_172, %mul3A_173 : i32
      %div3A_175 = arith.constant 2 : i32
      %div3A_176 = arith.constant 4 : i32
      %div3A_177 = arith.divsi %div3A_175, %div3A_176 : i32
      %multiple_of3A_178 = tpu.assume_multiple %mul3A_174, 32 : i32
      %dma_start3A_179 = tpu.memref_slice %arg7[%div3A_177, %multiple_of3A_178] : memref<8x128xi32, #tpu.memory_space<vmem>> -> memref<1x32xi32, #tpu.memory_space<vmem>>
      %dma_start3A_180 = tpu.memref_squeeze %dma_start3A_179 : memref<1x32xi32, #tpu.memory_space<vmem>> -> memref<32xi32, #tpu.memory_space<vmem>>
      %dma_start3A_181 = arith.constant 0 : i32
      %dma_start3A_182 = arith.constant 0 : i32
      %dma_start3A_183 = tpu.memref_slice %arg2[%dma_start3A_181, %dma_start3A_182] : memref<10000x128xf32, #tpu.memory_space<hbm>> -> memref<10000x128xf32, #tpu.memory_space<hbm>>
      tpu.enqueue_indirect_dma source(%dma_start3A_183 : memref<10000x128xf32, #tpu.memory_space<hbm>>) target(%arg12 : memref<32x128xf32, #tpu.memory_space<vmem>>) offsets(%dma_start3A_180 : memref<32xi32, #tpu.memory_space<vmem>>) semaphore(%arg19 : memref<!tpu.dma_semaphore, #tpu.memory_space<semaphore_mem>>)
      %rem3A_184 = arith.constant 3 : i32
      %rem3A_185 = arith.constant 4 : i32
      %rem3A_186 = arith.remsi %rem3A_184, %rem3A_185 : i32
      %mul3A_187 = arith.constant 32 : i32
      %mul3A_188 = arith.muli %rem3A_186, %mul3A_187 : i32
      %div3A_189 = arith.constant 3 : i32
      %div3A_190 = arith.constant 4 : i32
      %div3A_191 = arith.divsi %div3A_189, %div3A_190 : i32
      %multiple_of3A_192 = tpu.assume_multiple %mul3A_188, 32 : i32
      %dma_start3A_193 = tpu.memref_slice %arg7[%div3A_191, %multiple_of3A_192] : memref<8x128xi32, #tpu.memory_space<vmem>> -> memref<1x32xi32, #tpu.memory_space<vmem>>
      %dma_start3A_194 = tpu.memref_squeeze %dma_start3A_193 : memref<1x32xi32, #tpu.memory_space<vmem>> -> memref<32xi32, #tpu.memory_space<vmem>>
      %dma_start3A_195 = arith.constant 0 : i32
      %dma_start3A_196 = arith.constant 0 : i32
      %dma_start3A_197 = tpu.memref_slice %arg2[%dma_start3A_195, %dma_start3A_196] : memref<10000x128xf32, #tpu.memory_space<hbm>> -> memref<10000x128xf32, #tpu.memory_space<hbm>>
      tpu.enqueue_indirect_dma source(%dma_start3A_197 : memref<10000x128xf32, #tpu.memory_space<hbm>>) target(%arg13 : memref<32x128xf32, #tpu.memory_space<vmem>>) offsets(%dma_start3A_194 : memref<32xi32, #tpu.memory_space<vmem>>) semaphore(%arg20 : memref<!tpu.dma_semaphore, #tpu.memory_space<semaphore_mem>>)
      %scan3A_198 = arith.constant 0 : i32
      %scan3A_199 = arith.constant 0 : i32
      %scan3A_200 = arith.constant 8 : i32
      %scan3A_201 = arith.addi %scan3A_199, %scan3A_200 : i32
      %scan3A_202 = arith.constant 1 : i32
      %scan3A_203 = scf.for %scan3A_212 = %scan3A_199 to %scan3A_201 step %scan3A_202 iter_args(%scan3A_213 = %scan3A_198) -> (i32)  : i32 {
        %mul3A_214 = arith.constant 4 : i32
        %mul3A_215 = arith.muli %scan3A_212, %mul3A_214 : i32
        %add3A_216 = arith.constant 0 : i32
        %add3A_217 = arith.addi %mul3A_215, %add3A_216 : i32
        %rem3A_218 = arith.constant 4 : i32
        %rem3A_219 = arith.remsi %add3A_217, %rem3A_218 : i32
        %mul3A_220 = arith.constant 32 : i32
        %mul3A_221 = arith.muli %rem3A_219, %mul3A_220 : i32
        %div3A_222 = arith.constant 4 : i32
        %div3A_223 = arith.divsi %add3A_217, %div3A_222 : i32
        %multiple_of3A_224 = tpu.assume_multiple %mul3A_221, 32 : i32
        %dma_wait3A_225 = tpu.memref_slice %arg7[%div3A_223, %multiple_of3A_224] : memref<8x128xi32, #tpu.memory_space<vmem>> -> memref<1x32xi32, #tpu.memory_space<vmem>>
        %dma_wait3A_226 = tpu.memref_squeeze %dma_wait3A_225 : memref<1x32xi32, #tpu.memory_space<vmem>> -> memref<32xi32, #tpu.memory_space<vmem>>
        %dma_wait3A_227 = arith.constant 0 : i32
        %dma_wait3A_228 = arith.constant 0 : i32
        %dma_wait3A_229 = tpu.memref_slice %arg2[%dma_wait3A_227, %dma_wait3A_228] : memref<10000x128xf32, #tpu.memory_space<hbm>> -> memref<10000x128xf32, #tpu.memory_space<hbm>>
        tpu.wait_indirect_dma semaphore(%arg17 : memref<!tpu.dma_semaphore, #tpu.memory_space<semaphore_mem>>) src(%dma_wait3A_229 : memref<10000x128xf32, #tpu.memory_space<hbm>>) dst(%arg10 : memref<32x128xf32, #tpu.memory_space<vmem>>)
        "tpu.region"() ({
          %run_scoped3A = tpu.sem_alloc : memref<!tpu.dma_semaphore, #tpu.memory_space<semaphore_mem>>
          %dma_start3A_307 = arith.constant 0 : i32
          %dma_start3A_308 = tpu.memref_slice %arg9[%add3A_217, %dma_start3A_307] : memref<32x32xi32, #tpu.memory_space<vmem>> -> memref<1x32xi32, #tpu.memory_space<vmem>>
          %dma_start3A_309 = tpu.memref_squeeze %dma_start3A_308 : memref<1x32xi32, #tpu.memory_space<vmem>> -> memref<32xi32, #tpu.memory_space<vmem>>
          %dma_start3A_310 = arith.constant 0 : i32
          %dma_start3A_311 = arith.constant 0 : i32
          %dma_start3A_312 = tpu.memref_slice %arg14[%dma_start3A_310, %dma_start3A_311] : memref<10240x128xf32, #tpu.memory_space<vmem_shared>> -> memref<10240x128xf32, #tpu.memory_space<vmem_shared>>
          tpu.enqueue_indirect_dma source(%arg10 : memref<32x128xf32, #tpu.memory_space<vmem>>) target(%dma_start3A_312 : memref<10240x128xf32, #tpu.memory_space<vmem_shared>>) offsets(%dma_start3A_309 : memref<32xi32, #tpu.memory_space<vmem>>) semaphore(%run_scoped3A : memref<!tpu.dma_semaphore, #tpu.memory_space<semaphore_mem>>) {add = true}
          %dma_wait3A_313 = arith.constant 0 : i32
          %dma_wait3A_314 = tpu.memref_slice %arg9[%add3A_217, %dma_wait3A_313] : memref<32x32xi32, #tpu.memory_space<vmem>> -> memref<1x32xi32, #tpu.memory_space<vmem>>
          %dma_wait3A_315 = tpu.memref_squeeze %dma_wait3A_314 : memref<1x32xi32, #tpu.memory_space<vmem>> -> memref<32xi32, #tpu.memory_space<vmem>>
          %dma_wait3A_316 = arith.constant 0 : i32
          %dma_wait3A_317 = arith.constant 0 : i32
          %dma_wait3A_318 = tpu.memref_slice %arg14[%dma_wait3A_316, %dma_wait3A_317] : memref<10240x128xf32, #tpu.memory_space<vmem_shared>> -> memref<10240x128xf32, #tpu.memory_space<vmem_shared>>
          tpu.wait_indirect_dma semaphore(%run_scoped3A : memref<!tpu.dma_semaphore, #tpu.memory_space<semaphore_mem>>) src(%arg10 : memref<32x128xf32, #tpu.memory_space<vmem>>) dst(%dma_wait3A_318 : memref<10240x128xf32, #tpu.memory_space<vmem_shared>>)
          tpu.yield
        }) : () -> ()
        %add3A_230 = arith.constant 4 : i32
        %add3A_231 = arith.addi %add3A_217, %add3A_230 : i32
        %lt3A_232 = arith.constant 32 : i32
        %lt3A_233 = arith.cmpi slt, %add3A_231, %lt3A_232 : i32
        %convert_element_type3A_234 = arith.extui %lt3A_233 : i1 to i32
        %cond3A_235 = arith.constant 0 : i32
        %cond3A_236 = arith.cmpi ne, %convert_element_type3A_234, %cond3A_235 : i32
        scf.if %cond3A_236 {
          %add3A_307 = arith.constant 4 : i32
          %add3A_308 = arith.addi %add3A_217, %add3A_307 : i32
          %rem3A_309 = arith.constant 4 : i32
          %rem3A_310 = arith.remsi %add3A_308, %rem3A_309 : i32
          %mul3A_311 = arith.constant 32 : i32
          %mul3A_312 = arith.muli %rem3A_310, %mul3A_311 : i32
          %div3A_313 = arith.constant 4 : i32
          %div3A_314 = arith.divsi %add3A_308, %div3A_313 : i32
          %multiple_of3A_315 = tpu.assume_multiple %mul3A_312, 32 : i32
          %dma_start3A_316 = tpu.memref_slice %arg7[%div3A_314, %multiple_of3A_315] : memref<8x128xi32, #tpu.memory_space<vmem>> -> memref<1x32xi32, #tpu.memory_space<vmem>>
          %dma_start3A_317 = tpu.memref_squeeze %dma_start3A_316 : memref<1x32xi32, #tpu.memory_space<vmem>> -> memref<32xi32, #tpu.memory_space<vmem>>
          %dma_start3A_318 = arith.constant 0 : i32
          %dma_start3A_319 = arith.constant 0 : i32
          %dma_start3A_320 = tpu.memref_slice %arg2[%dma_start3A_318, %dma_start3A_319] : memref<10000x128xf32, #tpu.memory_space<hbm>> -> memref<10000x128xf32, #tpu.memory_space<hbm>>
          tpu.enqueue_indirect_dma source(%dma_start3A_320 : memref<10000x128xf32, #tpu.memory_space<hbm>>) target(%arg10 : memref<32x128xf32, #tpu.memory_space<vmem>>) offsets(%dma_start3A_317 : memref<32xi32, #tpu.memory_space<vmem>>) semaphore(%arg17 : memref<!tpu.dma_semaphore, #tpu.memory_space<semaphore_mem>>)
        } else {
        }
        %mul3A_237 = arith.constant 4 : i32
        %mul3A_238 = arith.muli %scan3A_212, %mul3A_237 : i32
        %add3A_239 = arith.constant 1 : i32
        %add3A_240 = arith.addi %mul3A_238, %add3A_239 : i32
        %rem3A_241 = arith.constant 4 : i32
        %rem3A_242 = arith.remsi %add3A_240, %rem3A_241 : i32
        %mul3A_243 = arith.constant 32 : i32
        %mul3A_244 = arith.muli %rem3A_242, %mul3A_243 : i32
        %div3A_245 = arith.constant 4 : i32
        %div3A_246 = arith.divsi %add3A_240, %div3A_245 : i32
        %multiple_of3A_247 = tpu.assume_multiple %mul3A_244, 32 : i32
        %dma_wait3A_248 = tpu.memref_slice %arg7[%div3A_246, %multiple_of3A_247] : memref<8x128xi32, #tpu.memory_space<vmem>> -> memref<1x32xi32, #tpu.memory_space<vmem>>
        %dma_wait3A_249 = tpu.memref_squeeze %dma_wait3A_248 : memref<1x32xi32, #tpu.memory_space<vmem>> -> memref<32xi32, #tpu.memory_space<vmem>>
        %dma_wait3A_250 = arith.constant 0 : i32
        %dma_wait3A_251 = arith.constant 0 : i32
        %dma_wait3A_252 = tpu.memref_slice %arg2[%dma_wait3A_250, %dma_wait3A_251] : memref<10000x128xf32, #tpu.memory_space<hbm>> -> memref<10000x128xf32, #tpu.memory_space<hbm>>
        tpu.wait_indirect_dma semaphore(%arg18 : memref<!tpu.dma_semaphore, #tpu.memory_space<semaphore_mem>>) src(%dma_wait3A_252 : memref<10000x128xf32, #tpu.memory_space<hbm>>) dst(%arg11 : memref<32x128xf32, #tpu.memory_space<vmem>>)
        "tpu.region"() ({
          %run_scoped3A = tpu.sem_alloc : memref<!tpu.dma_semaphore, #tpu.memory_space<semaphore_mem>>
          %dma_start3A_307 = arith.constant 0 : i32
          %dma_start3A_308 = tpu.memref_slice %arg9[%add3A_240, %dma_start3A_307] : memref<32x32xi32, #tpu.memory_space<vmem>> -> memref<1x32xi32, #tpu.memory_space<vmem>>
          %dma_start3A_309 = tpu.memref_squeeze %dma_start3A_308 : memref<1x32xi32, #tpu.memory_space<vmem>> -> memref<32xi32, #tpu.memory_space<vmem>>
          %dma_start3A_310 = arith.constant 0 : i32
          %dma_start3A_311 = arith.constant 0 : i32
          %dma_start3A_312 = tpu.memref_slice %arg14[%dma_start3A_310, %dma_start3A_311] : memref<10240x128xf32, #tpu.memory_space<vmem_shared>> -> memref<10240x128xf32, #tpu.memory_space<vmem_shared>>
          tpu.enqueue_indirect_dma source(%arg11 : memref<32x128xf32, #tpu.memory_space<vmem>>) target(%dma_start3A_312 : memref<10240x128xf32, #tpu.memory_space<vmem_shared>>) offsets(%dma_start3A_309 : memref<32xi32, #tpu.memory_space<vmem>>) semaphore(%run_scoped3A : memref<!tpu.dma_semaphore, #tpu.memory_space<semaphore_mem>>) {add = true}
          %dma_wait3A_313 = arith.constant 0 : i32
          %dma_wait3A_314 = tpu.memref_slice %arg9[%add3A_240, %dma_wait3A_313] : memref<32x32xi32, #tpu.memory_space<vmem>> -> memref<1x32xi32, #tpu.memory_space<vmem>>
          %dma_wait3A_315 = tpu.memref_squeeze %dma_wait3A_314 : memref<1x32xi32, #tpu.memory_space<vmem>> -> memref<32xi32, #tpu.memory_space<vmem>>
          %dma_wait3A_316 = arith.constant 0 : i32
          %dma_wait3A_317 = arith.constant 0 : i32
          %dma_wait3A_318 = tpu.memref_slice %arg14[%dma_wait3A_316, %dma_wait3A_317] : memref<10240x128xf32, #tpu.memory_space<vmem_shared>> -> memref<10240x128xf32, #tpu.memory_space<vmem_shared>>
          tpu.wait_indirect_dma semaphore(%run_scoped3A : memref<!tpu.dma_semaphore, #tpu.memory_space<semaphore_mem>>) src(%arg11 : memref<32x128xf32, #tpu.memory_space<vmem>>) dst(%dma_wait3A_318 : memref<10240x128xf32, #tpu.memory_space<vmem_shared>>)
          tpu.yield
        }) : () -> ()
        %add3A_253 = arith.constant 4 : i32
        %add3A_254 = arith.addi %add3A_240, %add3A_253 : i32
        %lt3A_255 = arith.constant 32 : i32
        %lt3A_256 = arith.cmpi slt, %add3A_254, %lt3A_255 : i32
        %convert_element_type3A_257 = arith.extui %lt3A_256 : i1 to i32
        %cond3A_258 = arith.constant 0 : i32
        %cond3A_259 = arith.cmpi ne, %convert_element_type3A_257, %cond3A_258 : i32
        scf.if %cond3A_259 {
          %add3A_307 = arith.constant 4 : i32
          %add3A_308 = arith.addi %add3A_240, %add3A_307 : i32
          %rem3A_309 = arith.constant 4 : i32
          %rem3A_310 = arith.remsi %add3A_308, %rem3A_309 : i32
          %mul3A_311 = arith.constant 32 : i32
          %mul3A_312 = arith.muli %rem3A_310, %mul3A_311 : i32
          %div3A_313 = arith.constant 4 : i32
          %div3A_314 = arith.divsi %add3A_308, %div3A_313 : i32
          %multiple_of3A_315 = tpu.assume_multiple %mul3A_312, 32 : i32
          %dma_start3A_316 = tpu.memref_slice %arg7[%div3A_314, %multiple_of3A_315] : memref<8x128xi32, #tpu.memory_space<vmem>> -> memref<1x32xi32, #tpu.memory_space<vmem>>
          %dma_start3A_317 = tpu.memref_squeeze %dma_start3A_316 : memref<1x32xi32, #tpu.memory_space<vmem>> -> memref<32xi32, #tpu.memory_space<vmem>>
          %dma_start3A_318 = arith.constant 0 : i32
          %dma_start3A_319 = arith.constant 0 : i32
          %dma_start3A_320 = tpu.memref_slice %arg2[%dma_start3A_318, %dma_start3A_319] : memref<10000x128xf32, #tpu.memory_space<hbm>> -> memref<10000x128xf32, #tpu.memory_space<hbm>>
          tpu.enqueue_indirect_dma source(%dma_start3A_320 : memref<10000x128xf32, #tpu.memory_space<hbm>>) target(%arg11 : memref<32x128xf32, #tpu.memory_space<vmem>>) offsets(%dma_start3A_317 : memref<32xi32, #tpu.memory_space<vmem>>) semaphore(%arg18 : memref<!tpu.dma_semaphore, #tpu.memory_space<semaphore_mem>>)
        } else {
        }
        %mul3A_260 = arith.constant 4 : i32
        %mul3A_261 = arith.muli %scan3A_212, %mul3A_260 : i32
        %add3A_262 = arith.constant 2 : i32
        %add3A_263 = arith.addi %mul3A_261, %add3A_262 : i32
        %rem3A_264 = arith.constant 4 : i32
        %rem3A_265 = arith.remsi %add3A_263, %rem3A_264 : i32
        %mul3A_266 = arith.constant 32 : i32
        %mul3A_267 = arith.muli %rem3A_265, %mul3A_266 : i32
        %div3A_268 = arith.constant 4 : i32
        %div3A_269 = arith.divsi %add3A_263, %div3A_268 : i32
        %multiple_of3A_270 = tpu.assume_multiple %mul3A_267, 32 : i32
        %dma_wait3A_271 = tpu.memref_slice %arg7[%div3A_269, %multiple_of3A_270] : memref<8x128xi32, #tpu.memory_space<vmem>> -> memref<1x32xi32, #tpu.memory_space<vmem>>
        %dma_wait3A_272 = tpu.memref_squeeze %dma_wait3A_271 : memref<1x32xi32, #tpu.memory_space<vmem>> -> memref<32xi32, #tpu.memory_space<vmem>>
        %dma_wait3A_273 = arith.constant 0 : i32
        %dma_wait3A_274 = arith.constant 0 : i32
        %dma_wait3A_275 = tpu.memref_slice %arg2[%dma_wait3A_273, %dma_wait3A_274] : memref<10000x128xf32, #tpu.memory_space<hbm>> -> memref<10000x128xf32, #tpu.memory_space<hbm>>
        tpu.wait_indirect_dma semaphore(%arg19 : memref<!tpu.dma_semaphore, #tpu.memory_space<semaphore_mem>>) src(%dma_wait3A_275 : memref<10000x128xf32, #tpu.memory_space<hbm>>) dst(%arg12 : memref<32x128xf32, #tpu.memory_space<vmem>>)
        "tpu.region"() ({
          %run_scoped3A = tpu.sem_alloc : memref<!tpu.dma_semaphore, #tpu.memory_space<semaphore_mem>>
          %dma_start3A_307 = arith.constant 0 : i32
          %dma_start3A_308 = tpu.memref_slice %arg9[%add3A_263, %dma_start3A_307] : memref<32x32xi32, #tpu.memory_space<vmem>> -> memref<1x32xi32, #tpu.memory_space<vmem>>
          %dma_start3A_309 = tpu.memref_squeeze %dma_start3A_308 : memref<1x32xi32, #tpu.memory_space<vmem>> -> memref<32xi32, #tpu.memory_space<vmem>>
          %dma_start3A_310 = arith.constant 0 : i32
          %dma_start3A_311 = arith.constant 0 : i32
          %dma_start3A_312 = tpu.memref_slice %arg14[%dma_start3A_310, %dma_start3A_311] : memref<10240x128xf32, #tpu.memory_space<vmem_shared>> -> memref<10240x128xf32, #tpu.memory_space<vmem_shared>>
          tpu.enqueue_indirect_dma source(%arg12 : memref<32x128xf32, #tpu.memory_space<vmem>>) target(%dma_start3A_312 : memref<10240x128xf32, #tpu.memory_space<vmem_shared>>) offsets(%dma_start3A_309 : memref<32xi32, #tpu.memory_space<vmem>>) semaphore(%run_scoped3A : memref<!tpu.dma_semaphore, #tpu.memory_space<semaphore_mem>>) {add = true}
          %dma_wait3A_313 = arith.constant 0 : i32
          %dma_wait3A_314 = tpu.memref_slice %arg9[%add3A_263, %dma_wait3A_313] : memref<32x32xi32, #tpu.memory_space<vmem>> -> memref<1x32xi32, #tpu.memory_space<vmem>>
          %dma_wait3A_315 = tpu.memref_squeeze %dma_wait3A_314 : memref<1x32xi32, #tpu.memory_space<vmem>> -> memref<32xi32, #tpu.memory_space<vmem>>
          %dma_wait3A_316 = arith.constant 0 : i32
          %dma_wait3A_317 = arith.constant 0 : i32
          %dma_wait3A_318 = tpu.memref_slice %arg14[%dma_wait3A_316, %dma_wait3A_317] : memref<10240x128xf32, #tpu.memory_space<vmem_shared>> -> memref<10240x128xf32, #tpu.memory_space<vmem_shared>>
          tpu.wait_indirect_dma semaphore(%run_scoped3A : memref<!tpu.dma_semaphore, #tpu.memory_space<semaphore_mem>>) src(%arg12 : memref<32x128xf32, #tpu.memory_space<vmem>>) dst(%dma_wait3A_318 : memref<10240x128xf32, #tpu.memory_space<vmem_shared>>)
          tpu.yield
        }) : () -> ()
        %add3A_276 = arith.constant 4 : i32
        %add3A_277 = arith.addi %add3A_263, %add3A_276 : i32
        %lt3A_278 = arith.constant 32 : i32
        %lt3A_279 = arith.cmpi slt, %add3A_277, %lt3A_278 : i32
        %convert_element_type3A_280 = arith.extui %lt3A_279 : i1 to i32
        %cond3A_281 = arith.constant 0 : i32
        %cond3A_282 = arith.cmpi ne, %convert_element_type3A_280, %cond3A_281 : i32
        scf.if %cond3A_282 {
          %add3A_307 = arith.constant 4 : i32
          %add3A_308 = arith.addi %add3A_263, %add3A_307 : i32
          %rem3A_309 = arith.constant 4 : i32
          %rem3A_310 = arith.remsi %add3A_308, %rem3A_309 : i32
          %mul3A_311 = arith.constant 32 : i32
          %mul3A_312 = arith.muli %rem3A_310, %mul3A_311 : i32
          %div3A_313 = arith.constant 4 : i32
          %div3A_314 = arith.divsi %add3A_308, %div3A_313 : i32
          %multiple_of3A_315 = tpu.assume_multiple %mul3A_312, 32 : i32
          %dma_start3A_316 = tpu.memref_slice %arg7[%div3A_314, %multiple_of3A_315] : memref<8x128xi32, #tpu.memory_space<vmem>> -> memref<1x32xi32, #tpu.memory_space<vmem>>
          %dma_start3A_317 = tpu.memref_squeeze %dma_start3A_316 : memref<1x32xi32, #tpu.memory_space<vmem>> -> memref<32xi32, #tpu.memory_space<vmem>>
          %dma_start3A_318 = arith.constant 0 : i32
          %dma_start3A_319 = arith.constant 0 : i32
          %dma_start3A_320 = tpu.memref_slice %arg2[%dma_start3A_318, %dma_start3A_319] : memref<10000x128xf32, #tpu.memory_space<hbm>> -> memref<10000x128xf32, #tpu.memory_space<hbm>>
          tpu.enqueue_indirect_dma source(%dma_start3A_320 : memref<10000x128xf32, #tpu.memory_space<hbm>>) target(%arg12 : memref<32x128xf32, #tpu.memory_space<vmem>>) offsets(%dma_start3A_317 : memref<32xi32, #tpu.memory_space<vmem>>) semaphore(%arg19 : memref<!tpu.dma_semaphore, #tpu.memory_space<semaphore_mem>>)
        } else {
        }
        %mul3A_283 = arith.constant 4 : i32
        %mul3A_284 = arith.muli %scan3A_212, %mul3A_283 : i32
        %add3A_285 = arith.constant 3 : i32
        %add3A_286 = arith.addi %mul3A_284, %add3A_285 : i32
        %rem3A_287 = arith.constant 4 : i32
        %rem3A_288 = arith.remsi %add3A_286, %rem3A_287 : i32
        %mul3A_289 = arith.constant 32 : i32
        %mul3A_290 = arith.muli %rem3A_288, %mul3A_289 : i32
        %div3A_291 = arith.constant 4 : i32
        %div3A_292 = arith.divsi %add3A_286, %div3A_291 : i32
        %multiple_of3A_293 = tpu.assume_multiple %mul3A_290, 32 : i32
        %dma_wait3A_294 = tpu.memref_slice %arg7[%div3A_292, %multiple_of3A_293] : memref<8x128xi32, #tpu.memory_space<vmem>> -> memref<1x32xi32, #tpu.memory_space<vmem>>
        %dma_wait3A_295 = tpu.memref_squeeze %dma_wait3A_294 : memref<1x32xi32, #tpu.memory_space<vmem>> -> memref<32xi32, #tpu.memory_space<vmem>>
        %dma_wait3A_296 = arith.constant 0 : i32
        %dma_wait3A_297 = arith.constant 0 : i32
        %dma_wait3A_298 = tpu.memref_slice %arg2[%dma_wait3A_296, %dma_wait3A_297] : memref<10000x128xf32, #tpu.memory_space<hbm>> -> memref<10000x128xf32, #tpu.memory_space<hbm>>
        tpu.wait_indirect_dma semaphore(%arg20 : memref<!tpu.dma_semaphore, #tpu.memory_space<semaphore_mem>>) src(%dma_wait3A_298 : memref<10000x128xf32, #tpu.memory_space<hbm>>) dst(%arg13 : memref<32x128xf32, #tpu.memory_space<vmem>>)
        "tpu.region"() ({
          %run_scoped3A = tpu.sem_alloc : memref<!tpu.dma_semaphore, #tpu.memory_space<semaphore_mem>>
          %dma_start3A_307 = arith.constant 0 : i32
          %dma_start3A_308 = tpu.memref_slice %arg9[%add3A_286, %dma_start3A_307] : memref<32x32xi32, #tpu.memory_space<vmem>> -> memref<1x32xi32, #tpu.memory_space<vmem>>
          %dma_start3A_309 = tpu.memref_squeeze %dma_start3A_308 : memref<1x32xi32, #tpu.memory_space<vmem>> -> memref<32xi32, #tpu.memory_space<vmem>>
          %dma_start3A_310 = arith.constant 0 : i32
          %dma_start3A_311 = arith.constant 0 : i32
          %dma_start3A_312 = tpu.memref_slice %arg14[%dma_start3A_310, %dma_start3A_311] : memref<10240x128xf32, #tpu.memory_space<vmem_shared>> -> memref<10240x128xf32, #tpu.memory_space<vmem_shared>>
          tpu.enqueue_indirect_dma source(%arg13 : memref<32x128xf32, #tpu.memory_space<vmem>>) target(%dma_start3A_312 : memref<10240x128xf32, #tpu.memory_space<vmem_shared>>) offsets(%dma_start3A_309 : memref<32xi32, #tpu.memory_space<vmem>>) semaphore(%run_scoped3A : memref<!tpu.dma_semaphore, #tpu.memory_space<semaphore_mem>>) {add = true}
          %dma_wait3A_313 = arith.constant 0 : i32
          %dma_wait3A_314 = tpu.memref_slice %arg9[%add3A_286, %dma_wait3A_313] : memref<32x32xi32, #tpu.memory_space<vmem>> -> memref<1x32xi32, #tpu.memory_space<vmem>>
          %dma_wait3A_315 = tpu.memref_squeeze %dma_wait3A_314 : memref<1x32xi32, #tpu.memory_space<vmem>> -> memref<32xi32, #tpu.memory_space<vmem>>
          %dma_wait3A_316 = arith.constant 0 : i32
          %dma_wait3A_317 = arith.constant 0 : i32
          %dma_wait3A_318 = tpu.memref_slice %arg14[%dma_wait3A_316, %dma_wait3A_317] : memref<10240x128xf32, #tpu.memory_space<vmem_shared>> -> memref<10240x128xf32, #tpu.memory_space<vmem_shared>>
          tpu.wait_indirect_dma semaphore(%run_scoped3A : memref<!tpu.dma_semaphore, #tpu.memory_space<semaphore_mem>>) src(%arg13 : memref<32x128xf32, #tpu.memory_space<vmem>>) dst(%dma_wait3A_318 : memref<10240x128xf32, #tpu.memory_space<vmem_shared>>)
          tpu.yield
        }) : () -> ()
        %add3A_299 = arith.constant 4 : i32
        %add3A_300 = arith.addi %add3A_286, %add3A_299 : i32
        %lt3A_301 = arith.constant 32 : i32
        %lt3A_302 = arith.cmpi slt, %add3A_300, %lt3A_301 : i32
        %convert_element_type3A_303 = arith.extui %lt3A_302 : i1 to i32
        %cond3A_304 = arith.constant 0 : i32
        %cond3A_305 = arith.cmpi ne, %convert_element_type3A_303, %cond3A_304 : i32
        scf.if %cond3A_305 {
          %add3A_307 = arith.constant 4 : i32
          %add3A_308 = arith.addi %add3A_286, %add3A_307 : i32
          %rem3A_309 = arith.constant 4 : i32
          %rem3A_310 = arith.remsi %add3A_308, %rem3A_309 : i32
          %mul3A_311 = arith.constant 32 : i32
          %mul3A_312 = arith.muli %rem3A_310, %mul3A_311 : i32
          %div3A_313 = arith.constant 4 : i32
          %div3A_314 = arith.divsi %add3A_308, %div3A_313 : i32
          %multiple_of3A_315 = tpu.assume_multiple %mul3A_312, 32 : i32
          %dma_start3A_316 = tpu.memref_slice %arg7[%div3A_314, %multiple_of3A_315] : memref<8x128xi32, #tpu.memory_space<vmem>> -> memref<1x32xi32, #tpu.memory_space<vmem>>
          %dma_start3A_317 = tpu.memref_squeeze %dma_start3A_316 : memref<1x32xi32, #tpu.memory_space<vmem>> -> memref<32xi32, #tpu.memory_space<vmem>>
          %dma_start3A_318 = arith.constant 0 : i32
          %dma_start3A_319 = arith.constant 0 : i32
          %dma_start3A_320 = tpu.memref_slice %arg2[%dma_start3A_318, %dma_start3A_319] : memref<10000x128xf32, #tpu.memory_space<hbm>> -> memref<10000x128xf32, #tpu.memory_space<hbm>>
          tpu.enqueue_indirect_dma source(%dma_start3A_320 : memref<10000x128xf32, #tpu.memory_space<hbm>>) target(%arg13 : memref<32x128xf32, #tpu.memory_space<vmem>>) offsets(%dma_start3A_317 : memref<32xi32, #tpu.memory_space<vmem>>) semaphore(%arg20 : memref<!tpu.dma_semaphore, #tpu.memory_space<semaphore_mem>>)
        } else {
        }
        %scan3A_306 = arith.constant 0 : i32
        scf.yield %scan3A_306 : i32
      }
      %scan3A_204 = arith.constant 8 : i32
      %add3A_205 = arith.constant 2 : i32
      %add3A_206 = arith.addi %add3A_129, %add3A_205 : i32
      %lt3A_207 = arith.cmpi slt, %add3A_206, %select_n3A_6 : i32
      %convert_element_type3A_208 = arith.extui %lt3A_207 : i1 to i32
      %cond3A_209 = arith.constant 0 : i32
      %cond3A_210 = arith.cmpi ne, %convert_element_type3A_208, %cond3A_209 : i32
      scf.if %cond3A_210 {
        %add3A_212 = arith.constant 2 : i32
        %add3A_213 = arith.addi %add3A_129, %add3A_212 : i32
        %div3A_214 = arith.constant 4 : i32
        %div3A_215 = arith.divsi %multiple_of3A, %div3A_214 : i32
        %mul3A_216 = arith.constant 8 : i32
        %mul3A_217 = arith.muli %add3A_213, %mul3A_216 : i32
        %add3A_218 = arith.addi %div3A_215, %mul3A_217 : i32
        %multiple_of3A_219 = tpu.assume_multiple %add3A_218, 8 : i32
        %dma_start3A_220 = arith.constant 0 : i32
        %dma_start3A_221 = tpu.memref_slice %arg3[%multiple_of3A_219, %dma_start3A_220] : memref<2560x128xi32, #tpu.memory_space<hbm>> -> memref<8x128xi32, #tpu.memory_space<hbm>>
        %dma_start3A_222 = arith.constant 0 : i32
        %dma_start3A_223 = tpu.memref_slice %arg3[%multiple_of3A_219, %dma_start3A_222] : memref<2560x128xi32, #tpu.memory_space<hbm>> -> memref<8x128xi32, #tpu.memory_space<hbm>>
        tpu.enqueue_dma source(%dma_start3A_223 : memref<8x128xi32, #tpu.memory_space<hbm>>) target(%arg7 : memref<8x128xi32, #tpu.memory_space<vmem>>) target_semaphore(%arg16 : memref<!tpu.dma_semaphore, #tpu.memory_space<semaphore_mem>>)
        %mul3A_224 = arith.constant 32 : i32
        %mul3A_225 = arith.muli %add3A_213, %mul3A_224 : i32
        %add3A_226 = arith.addi %multiple_of3A, %mul3A_225 : i32
        %multiple_of3A_227 = tpu.assume_multiple %add3A_226, 8 : i32
        %dma_start3A_228 = arith.constant 0 : i32
        %dma_start3A_229 = tpu.memref_slice %arg4[%multiple_of3A_227, %dma_start3A_228] : memref<10240x32xi32, #tpu.memory_space<hbm>> -> memref<32x32xi32, #tpu.memory_space<hbm>>
        %dma_start3A_230 = arith.constant 0 : i32
        %dma_start3A_231 = tpu.memref_slice %arg4[%multiple_of3A_227, %dma_start3A_230] : memref<10240x32xi32, #tpu.memory_space<hbm>> -> memref<32x32xi32, #tpu.memory_space<hbm>>
        tpu.enqueue_dma source(%dma_start3A_231 : memref<32x32xi32, #tpu.memory_space<hbm>>) target(%arg9 : memref<32x32xi32, #tpu.memory_space<vmem>>) target_semaphore(%arg16 : memref<!tpu.dma_semaphore, #tpu.memory_space<semaphore_mem>>)
      } else {
      }
      %while3A_211 = arith.constant 0 : i32
      scf.yield %while3A_211 : i32
    }
    %while3A_33 = arith.constant 1 : i32
    %while3A_34 = scf.for %while3A_45 = %while3A_30 to %while3A_26 step %while3A_33 iter_args(%while3A_46 = %while3A_32) -> (i32)  : i32 {
      %mul3A_47 = arith.constant 2 : i32
      %mul3A_48 = arith.muli %mul3A_47, %while3A_45 : i32
      %dma_wait3A = arith.constant 0 : i32
      %dma_wait3A_49 = arith.constant 0 : i32
      %dma_wait3A_50 = tpu.memref_slice %arg3[%dma_wait3A, %dma_wait3A_49] : memref<2560x128xi32, #tpu.memory_space<hbm>> -> memref<8x128xi32, #tpu.memory_space<hbm>>
      %dma_wait3A_51 = arith.constant 0 : i32
      %dma_wait3A_52 = arith.constant 0 : i32
      %dma_wait3A_53 = tpu.memref_slice %arg3[%dma_wait3A_51, %dma_wait3A_52] : memref<2560x128xi32, #tpu.memory_space<hbm>> -> memref<8x128xi32, #tpu.memory_space<hbm>>
      tpu.wait_dma2 semaphore(%arg15 : memref<!tpu.dma_semaphore, #tpu.memory_space<semaphore_mem>>) src(%dma_wait3A_53 : memref<8x128xi32, #tpu.memory_space<hbm>>) dst(%arg6 : memref<8x128xi32, #tpu.memory_space<vmem>>)
      %dma_wait3A_54 = arith.constant 0 : i32
      %dma_wait3A_55 = arith.constant 0 : i32
      %dma_wait3A_56 = tpu.memref_slice %arg4[%dma_wait3A_54, %dma_wait3A_55] : memref<10240x32xi32, #tpu.memory_space<hbm>> -> memref<32x32xi32, #tpu.memory_space<hbm>>
      %dma_wait3A_57 = arith.constant 0 : i32
      %dma_wait3A_58 = arith.constant 0 : i32
      %dma_wait3A_59 = tpu.memref_slice %arg4[%dma_wait3A_57, %dma_wait3A_58] : memref<10240x32xi32, #tpu.memory_space<hbm>> -> memref<32x32xi32, #tpu.memory_space<hbm>>
      tpu.wait_dma2 semaphore(%arg15 : memref<!tpu.dma_semaphore, #tpu.memory_space<semaphore_mem>>) src(%dma_wait3A_59 : memref<32x32xi32, #tpu.memory_space<hbm>>) dst(%arg8 : memref<32x32xi32, #tpu.memory_space<vmem>>)
      %rem3A = arith.constant 0 : i32
      %rem3A_60 = arith.constant 4 : i32
      %rem3A_61 = arith.remsi %rem3A, %rem3A_60 : i32
      %mul3A_62 = arith.constant 32 : i32
      %mul3A_63 = arith.muli %rem3A_61, %mul3A_62 : i32
      %div3A_64 = arith.constant 0 : i32
      %div3A_65 = arith.constant 4 : i32
      %div3A_66 = arith.divsi %div3A_64, %div3A_65 : i32
      %multiple_of3A_67 = tpu.assume_multiple %mul3A_63, 32 : i32
      %dma_start3A = tpu.memref_slice %arg6[%div3A_66, %multiple_of3A_67] : memref<8x128xi32, #tpu.memory_space<vmem>> -> memref<1x32xi32, #tpu.memory_space<vmem>>
      %dma_start3A_68 = tpu.memref_squeeze %dma_start3A : memref<1x32xi32, #tpu.memory_space<vmem>> -> memref<32xi32, #tpu.memory_space<vmem>>
      %dma_start3A_69 = arith.constant 0 : i32
      %dma_start3A_70 = arith.constant 0 : i32
      %dma_start3A_71 = tpu.memref_slice %arg2[%dma_start3A_69, %dma_start3A_70] : memref<10000x128xf32, #tpu.memory_space<hbm>> -> memref<10000x128xf32, #tpu.memory_space<hbm>>
      tpu.enqueue_indirect_dma source(%dma_start3A_71 : memref<10000x128xf32, #tpu.memory_space<hbm>>) target(%arg10 : memref<32x128xf32, #tpu.memory_space<vmem>>) offsets(%dma_start3A_68 : memref<32xi32, #tpu.memory_space<vmem>>) semaphore(%arg17 : memref<!tpu.dma_semaphore, #tpu.memory_space<semaphore_mem>>)
      %rem3A_72 = arith.constant 1 : i32
      %rem3A_73 = arith.constant 4 : i32
      %rem3A_74 = arith.remsi %rem3A_72, %rem3A_73 : i32
      %mul3A_75 = arith.constant 32 : i32
      %mul3A_76 = arith.muli %rem3A_74, %mul3A_75 : i32
      %div3A_77 = arith.constant 1 : i32
      %div3A_78 = arith.constant 4 : i32
      %div3A_79 = arith.divsi %div3A_77, %div3A_78 : i32
      %multiple_of3A_80 = tpu.assume_multiple %mul3A_76, 32 : i32
      %dma_start3A_81 = tpu.memref_slice %arg6[%div3A_79, %multiple_of3A_80] : memref<8x128xi32, #tpu.memory_space<vmem>> -> memref<1x32xi32, #tpu.memory_space<vmem>>
      %dma_start3A_82 = tpu.memref_squeeze %dma_start3A_81 : memref<1x32xi32, #tpu.memory_space<vmem>> -> memref<32xi32, #tpu.memory_space<vmem>>
      %dma_start3A_83 = arith.constant 0 : i32
      %dma_start3A_84 = arith.constant 0 : i32
      %dma_start3A_85 = tpu.memref_slice %arg2[%dma_start3A_83, %dma_start3A_84] : memref<10000x128xf32, #tpu.memory_space<hbm>> -> memref<10000x128xf32, #tpu.memory_space<hbm>>
      tpu.enqueue_indirect_dma source(%dma_start3A_85 : memref<10000x128xf32, #tpu.memory_space<hbm>>) target(%arg11 : memref<32x128xf32, #tpu.memory_space<vmem>>) offsets(%dma_start3A_82 : memref<32xi32, #tpu.memory_space<vmem>>) semaphore(%arg18 : memref<!tpu.dma_semaphore, #tpu.memory_space<semaphore_mem>>)
      %rem3A_86 = arith.constant 2 : i32
      %rem3A_87 = arith.constant 4 : i32
      %rem3A_88 = arith.remsi %rem3A_86, %rem3A_87 : i32
      %mul3A_89 = arith.constant 32 : i32
      %mul3A_90 = arith.muli %rem3A_88, %mul3A_89 : i32
      %div3A_91 = arith.constant 2 : i32
      %div3A_92 = arith.constant 4 : i32
      %div3A_93 = arith.divsi %div3A_91, %div3A_92 : i32
      %multiple_of3A_94 = tpu.assume_multiple %mul3A_90, 32 : i32
      %dma_start3A_95 = tpu.memref_slice %arg6[%div3A_93, %multiple_of3A_94] : memref<8x128xi32, #tpu.memory_space<vmem>> -> memref<1x32xi32, #tpu.memory_space<vmem>>
      %dma_start3A_96 = tpu.memref_squeeze %dma_start3A_95 : memref<1x32xi32, #tpu.memory_space<vmem>> -> memref<32xi32, #tpu.memory_space<vmem>>
      %dma_start3A_97 = arith.constant 0 : i32
      %dma_start3A_98 = arith.constant 0 : i32
      %dma_start3A_99 = tpu.memref_slice %arg2[%dma_start3A_97, %dma_start3A_98] : memref<10000x128xf32, #tpu.memory_space<hbm>> -> memref<10000x128xf32, #tpu.memory_space<hbm>>
      tpu.enqueue_indirect_dma source(%dma_start3A_99 : memref<10000x128xf32, #tpu.memory_space<hbm>>) target(%arg12 : memref<32x128xf32, #tpu.memory_space<vmem>>) offsets(%dma_start3A_96 : memref<32xi32, #tpu.memory_space<vmem>>) semaphore(%arg19 : memref<!tpu.dma_semaphore, #tpu.memory_space<semaphore_mem>>)
      %rem3A_100 = arith.constant 3 : i32
      %rem3A_101 = arith.constant 4 : i32
      %rem3A_102 = arith.remsi %rem3A_100, %rem3A_101 : i32
      %mul3A_103 = arith.constant 32 : i32
      %mul3A_104 = arith.muli %rem3A_102, %mul3A_103 : i32
      %div3A_105 = arith.constant 3 : i32
      %div3A_106 = arith.constant 4 : i32
      %div3A_107 = arith.divsi %div3A_105, %div3A_106 : i32
      %multiple_of3A_108 = tpu.assume_multiple %mul3A_104, 32 : i32
      %dma_start3A_109 = tpu.memref_slice %arg6[%div3A_107, %multiple_of3A_108] : memref<8x128xi32, #tpu.memory_space<vmem>> -> memref<1x32xi32, #tpu.memory_space<vmem>>
      %dma_start3A_110 = tpu.memref_squeeze %dma_start3A_109 : memref<1x32xi32, #tpu.memory_space<vmem>> -> memref<32xi32, #tpu.memory_space<vmem>>
      %dma_start3A_111 = arith.constant 0 : i32
      %dma_start3A_112 = arith.constant 0 : i32
      %dma_start3A_113 = tpu.memref_slice %arg2[%dma_start3A_111, %dma_start3A_112] : memref<10000x128xf32, #tpu.memory_space<hbm>> -> memref<10000x128xf32, #tpu.memory_space<hbm>>
      tpu.enqueue_indirect_dma source(%dma_start3A_113 : memref<10000x128xf32, #tpu.memory_space<hbm>>) target(%arg13 : memref<32x128xf32, #tpu.memory_space<vmem>>) offsets(%dma_start3A_110 : memref<32xi32, #tpu.memory_space<vmem>>) semaphore(%arg20 : memref<!tpu.dma_semaphore, #tpu.memory_space<semaphore_mem>>)
      %scan3A_114 = arith.constant 0 : i32
      %scan3A_115 = arith.constant 0 : i32
      %scan3A_116 = arith.constant 8 : i32
      %scan3A_117 = arith.addi %scan3A_115, %scan3A_116 : i32
      %scan3A_118 = arith.constant 1 : i32
      %scan3A_119 = scf.for %scan3A_212 = %scan3A_115 to %scan3A_117 step %scan3A_118 iter_args(%scan3A_213 = %scan3A_114) -> (i32)  : i32 {
        %mul3A_214 = arith.constant 4 : i32
        %mul3A_215 = arith.muli %scan3A_212, %mul3A_214 : i32
        %add3A_216 = arith.constant 0 : i32
        %add3A_217 = arith.addi %mul3A_215, %add3A_216 : i32
        %rem3A_218 = arith.constant 4 : i32
        %rem3A_219 = arith.remsi %add3A_217, %rem3A_218 : i32
        %mul3A_220 = arith.constant 32 : i32
        %mul3A_221 = arith.muli %rem3A_219, %mul3A_220 : i32
        %div3A_222 = arith.constant 4 : i32
        %div3A_223 = arith.divsi %add3A_217, %div3A_222 : i32
        %multiple_of3A_224 = tpu.assume_multiple %mul3A_221, 32 : i32
        %dma_wait3A_225 = tpu.memref_slice %arg6[%div3A_223, %multiple_of3A_224] : memref<8x128xi32, #tpu.memory_space<vmem>> -> memref<1x32xi32, #tpu.memory_space<vmem>>
        %dma_wait3A_226 = tpu.memref_squeeze %dma_wait3A_225 : memref<1x32xi32, #tpu.memory_space<vmem>> -> memref<32xi32, #tpu.memory_space<vmem>>
        %dma_wait3A_227 = arith.constant 0 : i32
        %dma_wait3A_228 = arith.constant 0 : i32
        %dma_wait3A_229 = tpu.memref_slice %arg2[%dma_wait3A_227, %dma_wait3A_228] : memref<10000x128xf32, #tpu.memory_space<hbm>> -> memref<10000x128xf32, #tpu.memory_space<hbm>>
        tpu.wait_indirect_dma semaphore(%arg17 : memref<!tpu.dma_semaphore, #tpu.memory_space<semaphore_mem>>) src(%dma_wait3A_229 : memref<10000x128xf32, #tpu.memory_space<hbm>>) dst(%arg10 : memref<32x128xf32, #tpu.memory_space<vmem>>)
        "tpu.region"() ({
          %run_scoped3A = tpu.sem_alloc : memref<!tpu.dma_semaphore, #tpu.memory_space<semaphore_mem>>
          %dma_start3A_307 = arith.constant 0 : i32
          %dma_start3A_308 = tpu.memref_slice %arg8[%add3A_217, %dma_start3A_307] : memref<32x32xi32, #tpu.memory_space<vmem>> -> memref<1x32xi32, #tpu.memory_space<vmem>>
          %dma_start3A_309 = tpu.memref_squeeze %dma_start3A_308 : memref<1x32xi32, #tpu.memory_space<vmem>> -> memref<32xi32, #tpu.memory_space<vmem>>
          %dma_start3A_310 = arith.constant 0 : i32
          %dma_start3A_311 = arith.constant 0 : i32
          %dma_start3A_312 = tpu.memref_slice %arg14[%dma_start3A_310, %dma_start3A_311] : memref<10240x128xf32, #tpu.memory_space<vmem_shared>> -> memref<10240x128xf32, #tpu.memory_space<vmem_shared>>
          tpu.enqueue_indirect_dma source(%arg10 : memref<32x128xf32, #tpu.memory_space<vmem>>) target(%dma_start3A_312 : memref<10240x128xf32, #tpu.memory_space<vmem_shared>>) offsets(%dma_start3A_309 : memref<32xi32, #tpu.memory_space<vmem>>) semaphore(%run_scoped3A : memref<!tpu.dma_semaphore, #tpu.memory_space<semaphore_mem>>) {add = true}
          %dma_wait3A_313 = arith.constant 0 : i32
          %dma_wait3A_314 = tpu.memref_slice %arg8[%add3A_217, %dma_wait3A_313] : memref<32x32xi32, #tpu.memory_space<vmem>> -> memref<1x32xi32, #tpu.memory_space<vmem>>
          %dma_wait3A_315 = tpu.memref_squeeze %dma_wait3A_314 : memref<1x32xi32, #tpu.memory_space<vmem>> -> memref<32xi32, #tpu.memory_space<vmem>>
          %dma_wait3A_316 = arith.constant 0 : i32
          %dma_wait3A_317 = arith.constant 0 : i32
          %dma_wait3A_318 = tpu.memref_slice %arg14[%dma_wait3A_316, %dma_wait3A_317] : memref<10240x128xf32, #tpu.memory_space<vmem_shared>> -> memref<10240x128xf32, #tpu.memory_space<vmem_shared>>
          tpu.wait_indirect_dma semaphore(%run_scoped3A : memref<!tpu.dma_semaphore, #tpu.memory_space<semaphore_mem>>) src(%arg10 : memref<32x128xf32, #tpu.memory_space<vmem>>) dst(%dma_wait3A_318 : memref<10240x128xf32, #tpu.memory_space<vmem_shared>>)
          tpu.yield
        }) : () -> ()
        %add3A_230 = arith.constant 4 : i32
        %add3A_231 = arith.addi %add3A_217, %add3A_230 : i32
        %lt3A_232 = arith.constant 32 : i32
        %lt3A_233 = arith.cmpi slt, %add3A_231, %lt3A_232 : i32
        %convert_element_type3A_234 = arith.extui %lt3A_233 : i1 to i32
        %cond3A_235 = arith.constant 0 : i32
        %cond3A_236 = arith.cmpi ne, %convert_element_type3A_234, %cond3A_235 : i32
        scf.if %cond3A_236 {
          %add3A_307 = arith.constant 4 : i32
          %add3A_308 = arith.addi %add3A_217, %add3A_307 : i32
          %rem3A_309 = arith.constant 4 : i32
          %rem3A_310 = arith.remsi %add3A_308, %rem3A_309 : i32
          %mul3A_311 = arith.constant 32 : i32
          %mul3A_312 = arith.muli %rem3A_310, %mul3A_311 : i32
          %div3A_313 = arith.constant 4 : i32
          %div3A_314 = arith.divsi %add3A_308, %div3A_313 : i32
          %multiple_of3A_315 = tpu.assume_multiple %mul3A_312, 32 : i32
          %dma_start3A_316 = tpu.memref_slice %arg6[%div3A_314, %multiple_of3A_315] : memref<8x128xi32, #tpu.memory_space<vmem>> -> memref<1x32xi32, #tpu.memory_space<vmem>>
          %dma_start3A_317 = tpu.memref_squeeze %dma_start3A_316 : memref<1x32xi32, #tpu.memory_space<vmem>> -> memref<32xi32, #tpu.memory_space<vmem>>
          %dma_start3A_318 = arith.constant 0 : i32
          %dma_start3A_319 = arith.constant 0 : i32
          %dma_start3A_320 = tpu.memref_slice %arg2[%dma_start3A_318, %dma_start3A_319] : memref<10000x128xf32, #tpu.memory_space<hbm>> -> memref<10000x128xf32, #tpu.memory_space<hbm>>
          tpu.enqueue_indirect_dma source(%dma_start3A_320 : memref<10000x128xf32, #tpu.memory_space<hbm>>) target(%arg10 : memref<32x128xf32, #tpu.memory_space<vmem>>) offsets(%dma_start3A_317 : memref<32xi32, #tpu.memory_space<vmem>>) semaphore(%arg17 : memref<!tpu.dma_semaphore, #tpu.memory_space<semaphore_mem>>)
        } else {
        }
        %mul3A_237 = arith.constant 4 : i32
        %mul3A_238 = arith.muli %scan3A_212, %mul3A_237 : i32
        %add3A_239 = arith.constant 1 : i32
        %add3A_240 = arith.addi %mul3A_238, %add3A_239 : i32
        %rem3A_241 = arith.constant 4 : i32
        %rem3A_242 = arith.remsi %add3A_240, %rem3A_241 : i32
        %mul3A_243 = arith.constant 32 : i32
        %mul3A_244 = arith.muli %rem3A_242, %mul3A_243 : i32
        %div3A_245 = arith.constant 4 : i32
        %div3A_246 = arith.divsi %add3A_240, %div3A_245 : i32
        %multiple_of3A_247 = tpu.assume_multiple %mul3A_244, 32 : i32
        %dma_wait3A_248 = tpu.memref_slice %arg6[%div3A_246, %multiple_of3A_247] : memref<8x128xi32, #tpu.memory_space<vmem>> -> memref<1x32xi32, #tpu.memory_space<vmem>>
        %dma_wait3A_249 = tpu.memref_squeeze %dma_wait3A_248 : memref<1x32xi32, #tpu.memory_space<vmem>> -> memref<32xi32, #tpu.memory_space<vmem>>
        %dma_wait3A_250 = arith.constant 0 : i32
        %dma_wait3A_251 = arith.constant 0 : i32
        %dma_wait3A_252 = tpu.memref_slice %arg2[%dma_wait3A_250, %dma_wait3A_251] : memref<10000x128xf32, #tpu.memory_space<hbm>> -> memref<10000x128xf32, #tpu.memory_space<hbm>>
        tpu.wait_indirect_dma semaphore(%arg18 : memref<!tpu.dma_semaphore, #tpu.memory_space<semaphore_mem>>) src(%dma_wait3A_252 : memref<10000x128xf32, #tpu.memory_space<hbm>>) dst(%arg11 : memref<32x128xf32, #tpu.memory_space<vmem>>)
        "tpu.region"() ({
          %run_scoped3A = tpu.sem_alloc : memref<!tpu.dma_semaphore, #tpu.memory_space<semaphore_mem>>
          %dma_start3A_307 = arith.constant 0 : i32
          %dma_start3A_308 = tpu.memref_slice %arg8[%add3A_240, %dma_start3A_307] : memref<32x32xi32, #tpu.memory_space<vmem>> -> memref<1x32xi32, #tpu.memory_space<vmem>>
          %dma_start3A_309 = tpu.memref_squeeze %dma_start3A_308 : memref<1x32xi32, #tpu.memory_space<vmem>> -> memref<32xi32, #tpu.memory_space<vmem>>
          %dma_start3A_310 = arith.constant 0 : i32
          %dma_start3A_311 = arith.constant 0 : i32
          %dma_start3A_312 = tpu.memref_slice %arg14[%dma_start3A_310, %dma_start3A_311] : memref<10240x128xf32, #tpu.memory_space<vmem_shared>> -> memref<10240x128xf32, #tpu.memory_space<vmem_shared>>
          tpu.enqueue_indirect_dma source(%arg11 : memref<32x128xf32, #tpu.memory_space<vmem>>) target(%dma_start3A_312 : memref<10240x128xf32, #tpu.memory_space<vmem_shared>>) offsets(%dma_start3A_309 : memref<32xi32, #tpu.memory_space<vmem>>) semaphore(%run_scoped3A : memref<!tpu.dma_semaphore, #tpu.memory_space<semaphore_mem>>) {add = true}
          %dma_wait3A_313 = arith.constant 0 : i32
          %dma_wait3A_314 = tpu.memref_slice %arg8[%add3A_240, %dma_wait3A_313] : memref<32x32xi32, #tpu.memory_space<vmem>> -> memref<1x32xi32, #tpu.memory_space<vmem>>
          %dma_wait3A_315 = tpu.memref_squeeze %dma_wait3A_314 : memref<1x32xi32, #tpu.memory_space<vmem>> -> memref<32xi32, #tpu.memory_space<vmem>>
          %dma_wait3A_316 = arith.constant 0 : i32
          %dma_wait3A_317 = arith.constant 0 : i32
          %dma_wait3A_318 = tpu.memref_slice %arg14[%dma_wait3A_316, %dma_wait3A_317] : memref<10240x128xf32, #tpu.memory_space<vmem_shared>> -> memref<10240x128xf32, #tpu.memory_space<vmem_shared>>
          tpu.wait_indirect_dma semaphore(%run_scoped3A : memref<!tpu.dma_semaphore, #tpu.memory_space<semaphore_mem>>) src(%arg11 : memref<32x128xf32, #tpu.memory_space<vmem>>) dst(%dma_wait3A_318 : memref<10240x128xf32, #tpu.memory_space<vmem_shared>>)
          tpu.yield
        }) : () -> ()
        %add3A_253 = arith.constant 4 : i32
        %add3A_254 = arith.addi %add3A_240, %add3A_253 : i32
        %lt3A_255 = arith.constant 32 : i32
        %lt3A_256 = arith.cmpi slt, %add3A_254, %lt3A_255 : i32
        %convert_element_type3A_257 = arith.extui %lt3A_256 : i1 to i32
        %cond3A_258 = arith.constant 0 : i32
        %cond3A_259 = arith.cmpi ne, %convert_element_type3A_257, %cond3A_258 : i32
        scf.if %cond3A_259 {
          %add3A_307 = arith.constant 4 : i32
          %add3A_308 = arith.addi %add3A_240, %add3A_307 : i32
          %rem3A_309 = arith.constant 4 : i32
          %rem3A_310 = arith.remsi %add3A_308, %rem3A_309 : i32
          %mul3A_311 = arith.constant 32 : i32
          %mul3A_312 = arith.muli %rem3A_310, %mul3A_311 : i32
          %div3A_313 = arith.constant 4 : i32
          %div3A_314 = arith.divsi %add3A_308, %div3A_313 : i32
          %multiple_of3A_315 = tpu.assume_multiple %mul3A_312, 32 : i32
          %dma_start3A_316 = tpu.memref_slice %arg6[%div3A_314, %multiple_of3A_315] : memref<8x128xi32, #tpu.memory_space<vmem>> -> memref<1x32xi32, #tpu.memory_space<vmem>>
          %dma_start3A_317 = tpu.memref_squeeze %dma_start3A_316 : memref<1x32xi32, #tpu.memory_space<vmem>> -> memref<32xi32, #tpu.memory_space<vmem>>
          %dma_start3A_318 = arith.constant 0 : i32
          %dma_start3A_319 = arith.constant 0 : i32
          %dma_start3A_320 = tpu.memref_slice %arg2[%dma_start3A_318, %dma_start3A_319] : memref<10000x128xf32, #tpu.memory_space<hbm>> -> memref<10000x128xf32, #tpu.memory_space<hbm>>
          tpu.enqueue_indirect_dma source(%dma_start3A_320 : memref<10000x128xf32, #tpu.memory_space<hbm>>) target(%arg11 : memref<32x128xf32, #tpu.memory_space<vmem>>) offsets(%dma_start3A_317 : memref<32xi32, #tpu.memory_space<vmem>>) semaphore(%arg18 : memref<!tpu.dma_semaphore, #tpu.memory_space<semaphore_mem>>)
        } else {
        }
        %mul3A_260 = arith.constant 4 : i32
        %mul3A_261 = arith.muli %scan3A_212, %mul3A_260 : i32
        %add3A_262 = arith.constant 2 : i32
        %add3A_263 = arith.addi %mul3A_261, %add3A_262 : i32
        %rem3A_264 = arith.constant 4 : i32
        %rem3A_265 = arith.remsi %add3A_263, %rem3A_264 : i32
        %mul3A_266 = arith.constant 32 : i32
        %mul3A_267 = arith.muli %rem3A_265, %mul3A_266 : i32
        %div3A_268 = arith.constant 4 : i32
        %div3A_269 = arith.divsi %add3A_263, %div3A_268 : i32
        %multiple_of3A_270 = tpu.assume_multiple %mul3A_267, 32 : i32
        %dma_wait3A_271 = tpu.memref_slice %arg6[%div3A_269, %multiple_of3A_270] : memref<8x128xi32, #tpu.memory_space<vmem>> -> memref<1x32xi32, #tpu.memory_space<vmem>>
        %dma_wait3A_272 = tpu.memref_squeeze %dma_wait3A_271 : memref<1x32xi32, #tpu.memory_space<vmem>> -> memref<32xi32, #tpu.memory_space<vmem>>
        %dma_wait3A_273 = arith.constant 0 : i32
        %dma_wait3A_274 = arith.constant 0 : i32
        %dma_wait3A_275 = tpu.memref_slice %arg2[%dma_wait3A_273, %dma_wait3A_274] : memref<10000x128xf32, #tpu.memory_space<hbm>> -> memref<10000x128xf32, #tpu.memory_space<hbm>>
        tpu.wait_indirect_dma semaphore(%arg19 : memref<!tpu.dma_semaphore, #tpu.memory_space<semaphore_mem>>) src(%dma_wait3A_275 : memref<10000x128xf32, #tpu.memory_space<hbm>>) dst(%arg12 : memref<32x128xf32, #tpu.memory_space<vmem>>)
        "tpu.region"() ({
          %run_scoped3A = tpu.sem_alloc : memref<!tpu.dma_semaphore, #tpu.memory_space<semaphore_mem>>
          %dma_start3A_307 = arith.constant 0 : i32
          %dma_start3A_308 = tpu.memref_slice %arg8[%add3A_263, %dma_start3A_307] : memref<32x32xi32, #tpu.memory_space<vmem>> -> memref<1x32xi32, #tpu.memory_space<vmem>>
          %dma_start3A_309 = tpu.memref_squeeze %dma_start3A_308 : memref<1x32xi32, #tpu.memory_space<vmem>> -> memref<32xi32, #tpu.memory_space<vmem>>
          %dma_start3A_310 = arith.constant 0 : i32
          %dma_start3A_311 = arith.constant 0 : i32
          %dma_start3A_312 = tpu.memref_slice %arg14[%dma_start3A_310, %dma_start3A_311] : memref<10240x128xf32, #tpu.memory_space<vmem_shared>> -> memref<10240x128xf32, #tpu.memory_space<vmem_shared>>
          tpu.enqueue_indirect_dma source(%arg12 : memref<32x128xf32, #tpu.memory_space<vmem>>) target(%dma_start3A_312 : memref<10240x128xf32, #tpu.memory_space<vmem_shared>>) offsets(%dma_start3A_309 : memref<32xi32, #tpu.memory_space<vmem>>) semaphore(%run_scoped3A : memref<!tpu.dma_semaphore, #tpu.memory_space<semaphore_mem>>) {add = true}
          %dma_wait3A_313 = arith.constant 0 : i32
          %dma_wait3A_314 = tpu.memref_slice %arg8[%add3A_263, %dma_wait3A_313] : memref<32x32xi32, #tpu.memory_space<vmem>> -> memref<1x32xi32, #tpu.memory_space<vmem>>
          %dma_wait3A_315 = tpu.memref_squeeze %dma_wait3A_314 : memref<1x32xi32, #tpu.memory_space<vmem>> -> memref<32xi32, #tpu.memory_space<vmem>>
          %dma_wait3A_316 = arith.constant 0 : i32
          %dma_wait3A_317 = arith.constant 0 : i32
          %dma_wait3A_318 = tpu.memref_slice %arg14[%dma_wait3A_316, %dma_wait3A_317] : memref<10240x128xf32, #tpu.memory_space<vmem_shared>> -> memref<10240x128xf32, #tpu.memory_space<vmem_shared>>
          tpu.wait_indirect_dma semaphore(%run_scoped3A : memref<!tpu.dma_semaphore, #tpu.memory_space<semaphore_mem>>) src(%arg12 : memref<32x128xf32, #tpu.memory_space<vmem>>) dst(%dma_wait3A_318 : memref<10240x128xf32, #tpu.memory_space<vmem_shared>>)
          tpu.yield
        }) : () -> ()
        %add3A_276 = arith.constant 4 : i32
        %add3A_277 = arith.addi %add3A_263, %add3A_276 : i32
        %lt3A_278 = arith.constant 32 : i32
        %lt3A_279 = arith.cmpi slt, %add3A_277, %lt3A_278 : i32
        %convert_element_type3A_280 = arith.extui %lt3A_279 : i1 to i32
        %cond3A_281 = arith.constant 0 : i32
        %cond3A_282 = arith.cmpi ne, %convert_element_type3A_280, %cond3A_281 : i32
        scf.if %cond3A_282 {
          %add3A_307 = arith.constant 4 : i32
          %add3A_308 = arith.addi %add3A_263, %add3A_307 : i32
          %rem3A_309 = arith.constant 4 : i32
          %rem3A_310 = arith.remsi %add3A_308, %rem3A_309 : i32
          %mul3A_311 = arith.constant 32 : i32
          %mul3A_312 = arith.muli %rem3A_310, %mul3A_311 : i32
          %div3A_313 = arith.constant 4 : i32
          %div3A_314 = arith.divsi %add3A_308, %div3A_313 : i32
          %multiple_of3A_315 = tpu.assume_multiple %mul3A_312, 32 : i32
          %dma_start3A_316 = tpu.memref_slice %arg6[%div3A_314, %multiple_of3A_315] : memref<8x128xi32, #tpu.memory_space<vmem>> -> memref<1x32xi32, #tpu.memory_space<vmem>>
          %dma_start3A_317 = tpu.memref_squeeze %dma_start3A_316 : memref<1x32xi32, #tpu.memory_space<vmem>> -> memref<32xi32, #tpu.memory_space<vmem>>
          %dma_start3A_318 = arith.constant 0 : i32
          %dma_start3A_319 = arith.constant 0 : i32
          %dma_start3A_320 = tpu.memref_slice %arg2[%dma_start3A_318, %dma_start3A_319] : memref<10000x128xf32, #tpu.memory_space<hbm>> -> memref<10000x128xf32, #tpu.memory_space<hbm>>
          tpu.enqueue_indirect_dma source(%dma_start3A_320 : memref<10000x128xf32, #tpu.memory_space<hbm>>) target(%arg12 : memref<32x128xf32, #tpu.memory_space<vmem>>) offsets(%dma_start3A_317 : memref<32xi32, #tpu.memory_space<vmem>>) semaphore(%arg19 : memref<!tpu.dma_semaphore, #tpu.memory_space<semaphore_mem>>)
        } else {
        }
        %mul3A_283 = arith.constant 4 : i32
        %mul3A_284 = arith.muli %scan3A_212, %mul3A_283 : i32
        %add3A_285 = arith.constant 3 : i32
        %add3A_286 = arith.addi %mul3A_284, %add3A_285 : i32
        %rem3A_287 = arith.constant 4 : i32
        %rem3A_288 = arith.remsi %add3A_286, %rem3A_287 : i32
        %mul3A_289 = arith.constant 32 : i32
        %mul3A_290 = arith.muli %rem3A_288, %mul3A_289 : i32
        %div3A_291 = arith.constant 4 : i32
        %div3A_292 = arith.divsi %add3A_286, %div3A_291 : i32
        %multiple_of3A_293 = tpu.assume_multiple %mul3A_290, 32 : i32
        %dma_wait3A_294 = tpu.memref_slice %arg6[%div3A_292, %multiple_of3A_293] : memref<8x128xi32, #tpu.memory_space<vmem>> -> memref<1x32xi32, #tpu.memory_space<vmem>>
        %dma_wait3A_295 = tpu.memref_squeeze %dma_wait3A_294 : memref<1x32xi32, #tpu.memory_space<vmem>> -> memref<32xi32, #tpu.memory_space<vmem>>
        %dma_wait3A_296 = arith.constant 0 : i32
        %dma_wait3A_297 = arith.constant 0 : i32
        %dma_wait3A_298 = tpu.memref_slice %arg2[%dma_wait3A_296, %dma_wait3A_297] : memref<10000x128xf32, #tpu.memory_space<hbm>> -> memref<10000x128xf32, #tpu.memory_space<hbm>>
        tpu.wait_indirect_dma semaphore(%arg20 : memref<!tpu.dma_semaphore, #tpu.memory_space<semaphore_mem>>) src(%dma_wait3A_298 : memref<10000x128xf32, #tpu.memory_space<hbm>>) dst(%arg13 : memref<32x128xf32, #tpu.memory_space<vmem>>)
        "tpu.region"() ({
          %run_scoped3A = tpu.sem_alloc : memref<!tpu.dma_semaphore, #tpu.memory_space<semaphore_mem>>
          %dma_start3A_307 = arith.constant 0 : i32
          %dma_start3A_308 = tpu.memref_slice %arg8[%add3A_286, %dma_start3A_307] : memref<32x32xi32, #tpu.memory_space<vmem>> -> memref<1x32xi32, #tpu.memory_space<vmem>>
          %dma_start3A_309 = tpu.memref_squeeze %dma_start3A_308 : memref<1x32xi32, #tpu.memory_space<vmem>> -> memref<32xi32, #tpu.memory_space<vmem>>
          %dma_start3A_310 = arith.constant 0 : i32
          %dma_start3A_311 = arith.constant 0 : i32
          %dma_start3A_312 = tpu.memref_slice %arg14[%dma_start3A_310, %dma_start3A_311] : memref<10240x128xf32, #tpu.memory_space<vmem_shared>> -> memref<10240x128xf32, #tpu.memory_space<vmem_shared>>
          tpu.enqueue_indirect_dma source(%arg13 : memref<32x128xf32, #tpu.memory_space<vmem>>) target(%dma_start3A_312 : memref<10240x128xf32, #tpu.memory_space<vmem_shared>>) offsets(%dma_start3A_309 : memref<32xi32, #tpu.memory_space<vmem>>) semaphore(%run_scoped3A : memref<!tpu.dma_semaphore, #tpu.memory_space<semaphore_mem>>) {add = true}
          %dma_wait3A_313 = arith.constant 0 : i32
          %dma_wait3A_314 = tpu.memref_slice %arg8[%add3A_286, %dma_wait3A_313] : memref<32x32xi32, #tpu.memory_space<vmem>> -> memref<1x32xi32, #tpu.memory_space<vmem>>
          %dma_wait3A_315 = tpu.memref_squeeze %dma_wait3A_314 : memref<1x32xi32, #tpu.memory_space<vmem>> -> memref<32xi32, #tpu.memory_space<vmem>>
          %dma_wait3A_316 = arith.constant 0 : i32
          %dma_wait3A_317 = arith.constant 0 : i32
          %dma_wait3A_318 = tpu.memref_slice %arg14[%dma_wait3A_316, %dma_wait3A_317] : memref<10240x128xf32, #tpu.memory_space<vmem_shared>> -> memref<10240x128xf32, #tpu.memory_space<vmem_shared>>
          tpu.wait_indirect_dma semaphore(%run_scoped3A : memref<!tpu.dma_semaphore, #tpu.memory_space<semaphore_mem>>) src(%arg13 : memref<32x128xf32, #tpu.memory_space<vmem>>) dst(%dma_wait3A_318 : memref<10240x128xf32, #tpu.memory_space<vmem_shared>>)
          tpu.yield
        }) : () -> ()
        %add3A_299 = arith.constant 4 : i32
        %add3A_300 = arith.addi %add3A_286, %add3A_299 : i32
        %lt3A_301 = arith.constant 32 : i32
        %lt3A_302 = arith.cmpi slt, %add3A_300, %lt3A_301 : i32
        %convert_element_type3A_303 = arith.extui %lt3A_302 : i1 to i32
        %cond3A_304 = arith.constant 0 : i32
        %cond3A_305 = arith.cmpi ne, %convert_element_type3A_303, %cond3A_304 : i32
        scf.if %cond3A_305 {
          %add3A_307 = arith.constant 4 : i32
          %add3A_308 = arith.addi %add3A_286, %add3A_307 : i32
          %rem3A_309 = arith.constant 4 : i32
          %rem3A_310 = arith.remsi %add3A_308, %rem3A_309 : i32
          %mul3A_311 = arith.constant 32 : i32
          %mul3A_312 = arith.muli %rem3A_310, %mul3A_311 : i32
          %div3A_313 = arith.constant 4 : i32
          %div3A_314 = arith.divsi %add3A_308, %div3A_313 : i32
          %multiple_of3A_315 = tpu.assume_multiple %mul3A_312, 32 : i32
          %dma_start3A_316 = tpu.memref_slice %arg6[%div3A_314, %multiple_of3A_315] : memref<8x128xi32, #tpu.memory_space<vmem>> -> memref<1x32xi32, #tpu.memory_space<vmem>>
          %dma_start3A_317 = tpu.memref_squeeze %dma_start3A_316 : memref<1x32xi32, #tpu.memory_space<vmem>> -> memref<32xi32, #tpu.memory_space<vmem>>
          %dma_start3A_318 = arith.constant 0 : i32
          %dma_start3A_319 = arith.constant 0 : i32
          %dma_start3A_320 = tpu.memref_slice %arg2[%dma_start3A_318, %dma_start3A_319] : memref<10000x128xf32, #tpu.memory_space<hbm>> -> memref<10000x128xf32, #tpu.memory_space<hbm>>
          tpu.enqueue_indirect_dma source(%dma_start3A_320 : memref<10000x128xf32, #tpu.memory_space<hbm>>) target(%arg13 : memref<32x128xf32, #tpu.memory_space<vmem>>) offsets(%dma_start3A_317 : memref<32xi32, #tpu.memory_space<vmem>>) semaphore(%arg20 : memref<!tpu.dma_semaphore, #tpu.memory_space<semaphore_mem>>)
        } else {
        }
        %scan3A_306 = arith.constant 0 : i32
        scf.yield %scan3A_306 : i32
      }
      %scan3A_120 = arith.constant 8 : i32
      %add3A_121 = arith.constant 2 : i32
      %add3A_122 = arith.addi %mul3A_48, %add3A_121 : i32
      %lt3A = arith.cmpi slt, %add3A_122, %select_n3A_6 : i32
      %convert_element_type3A_123 = arith.extui %lt3A : i1 to i32
      %cond3A_124 = arith.constant 0 : i32
      %cond3A_125 = arith.cmpi ne, %convert_element_type3A_123, %cond3A_124 : i32
      scf.if %cond3A_125 {
        %add3A_212 = arith.constant 2 : i32
        %add3A_213 = arith.addi %mul3A_48, %add3A_212 : i32
        %div3A_214 = arith.constant 4 : i32
        %div3A_215 = arith.divsi %multiple_of3A, %div3A_214 : i32
        %mul3A_216 = arith.constant 8 : i32
        %mul3A_217 = arith.muli %add3A_213, %mul3A_216 : i32
        %add3A_218 = arith.addi %div3A_215, %mul3A_217 : i32
        %multiple_of3A_219 = tpu.assume_multiple %add3A_218, 8 : i32
        %dma_start3A_220 = arith.constant 0 : i32
        %dma_start3A_221 = tpu.memref_slice %arg3[%multiple_of3A_219, %dma_start3A_220] : memref<2560x128xi32, #tpu.memory_space<hbm>> -> memref<8x128xi32, #tpu.memory_space<hbm>>
        %dma_start3A_222 = arith.constant 0 : i32
        %dma_start3A_223 = tpu.memref_slice %arg3[%multiple_of3A_219, %dma_start3A_222] : memref<2560x128xi32, #tpu.memory_space<hbm>> -> memref<8x128xi32, #tpu.memory_space<hbm>>
        tpu.enqueue_dma source(%dma_start3A_223 : memref<8x128xi32, #tpu.memory_space<hbm>>) target(%arg6 : memref<8x128xi32, #tpu.memory_space<vmem>>) target_semaphore(%arg15 : memref<!tpu.dma_semaphore, #tpu.memory_space<semaphore_mem>>)
        %mul3A_224 = arith.constant 32 : i32
        %mul3A_225 = arith.muli %add3A_213, %mul3A_224 : i32
        %add3A_226 = arith.addi %multiple_of3A, %mul3A_225 : i32
        %multiple_of3A_227 = tpu.assume_multiple %add3A_226, 8 : i32
        %dma_start3A_228 = arith.constant 0 : i32
        %dma_start3A_229 = tpu.memref_slice %arg4[%multiple_of3A_227, %dma_start3A_228] : memref<10240x32xi32, #tpu.memory_space<hbm>> -> memref<32x32xi32, #tpu.memory_space<hbm>>
        %dma_start3A_230 = arith.constant 0 : i32
        %dma_start3A_231 = tpu.memref_slice %arg4[%multiple_of3A_227, %dma_start3A_230] : memref<10240x32xi32, #tpu.memory_space<hbm>> -> memref<32x32xi32, #tpu.memory_space<hbm>>
        tpu.enqueue_dma source(%dma_start3A_231 : memref<32x32xi32, #tpu.memory_space<hbm>>) target(%arg8 : memref<32x32xi32, #tpu.memory_space<vmem>>) target_semaphore(%arg15 : memref<!tpu.dma_semaphore, #tpu.memory_space<semaphore_mem>>)
      } else {
      }
      %mul3A_126 = arith.constant 2 : i32
      %mul3A_127 = arith.muli %mul3A_126, %while3A_45 : i32
      %add3A_128 = arith.constant 1 : i32
      %add3A_129 = arith.addi %mul3A_127, %add3A_128 : i32
      %dma_wait3A_130 = arith.constant 0 : i32
      %dma_wait3A_131 = arith.constant 0 : i32
      %dma_wait3A_132 = tpu.memref_slice %arg3[%dma_wait3A_130, %dma_wait3A_131] : memref<2560x128xi32, #tpu.memory_space<hbm>> -> memref<8x128xi32, #tpu.memory_space<hbm>>
      %dma_wait3A_133 = arith.constant 0 : i32
      %dma_wait3A_134 = arith.constant 0 : i32
      %dma_wait3A_135 = tpu.memref_slice %arg3[%dma_wait3A_133, %dma_wait3A_134] : memref<2560x128xi32, #tpu.memory_space<hbm>> -> memref<8x128xi32, #tpu.memory_space<hbm>>
      tpu.wait_dma2 semaphore(%arg16 : memref<!tpu.dma_semaphore, #tpu.memory_space<semaphore_mem>>) src(%dma_wait3A_135 : memref<8x128xi32, #tpu.memory_space<hbm>>) dst(%arg7 : memref<8x128xi32, #tpu.memory_space<vmem>>)
      %dma_wait3A_136 = arith.constant 0 : i32
      %dma_wait3A_137 = arith.constant 0 : i32
      %dma_wait3A_138 = tpu.memref_slice %arg4[%dma_wait3A_136, %dma_wait3A_137] : memref<10240x32xi32, #tpu.memory_space<hbm>> -> memref<32x32xi32, #tpu.memory_space<hbm>>
      %dma_wait3A_139 = arith.constant 0 : i32
      %dma_wait3A_140 = arith.constant 0 : i32
      %dma_wait3A_141 = tpu.memref_slice %arg4[%dma_wait3A_139, %dma_wait3A_140] : memref<10240x32xi32, #tpu.memory_space<hbm>> -> memref<32x32xi32, #tpu.memory_space<hbm>>
      tpu.wait_dma2 semaphore(%arg16 : memref<!tpu.dma_semaphore, #tpu.memory_space<semaphore_mem>>) src(%dma_wait3A_141 : memref<32x32xi32, #tpu.memory_space<hbm>>) dst(%arg9 : memref<32x32xi32, #tpu.memory_space<vmem>>)
      %rem3A_142 = arith.constant 0 : i32
      %rem3A_143 = arith.constant 4 : i32
      %rem3A_144 = arith.remsi %rem3A_142, %rem3A_143 : i32
      %mul3A_145 = arith.constant 32 : i32
      %mul3A_146 = arith.muli %rem3A_144, %mul3A_145 : i32
      %div3A_147 = arith.constant 0 : i32
      %div3A_148 = arith.constant 4 : i32
      %div3A_149 = arith.divsi %div3A_147, %div3A_148 : i32
      %multiple_of3A_150 = tpu.assume_multiple %mul3A_146, 32 : i32
      %dma_start3A_151 = tpu.memref_slice %arg7[%div3A_149, %multiple_of3A_150] : memref<8x128xi32, #tpu.memory_space<vmem>> -> memref<1x32xi32, #tpu.memory_space<vmem>>
      %dma_start3A_152 = tpu.memref_squeeze %dma_start3A_151 : memref<1x32xi32, #tpu.memory_space<vmem>> -> memref<32xi32, #tpu.memory_space<vmem>>
      %dma_start3A_153 = arith.constant 0 : i32
      %dma_start3A_154 = arith.constant 0 : i32
      %dma_start3A_155 = tpu.memref_slice %arg2[%dma_start3A_153, %dma_start3A_154] : memref<10000x128xf32, #tpu.memory_space<hbm>> -> memref<10000x128xf32, #tpu.memory_space<hbm>>
      tpu.enqueue_indirect_dma source(%dma_start3A_155 : memref<10000x128xf32, #tpu.memory_space<hbm>>) target(%arg10 : memref<32x128xf32, #tpu.memory_space<vmem>>) offsets(%dma_start3A_152 : memref<32xi32, #tpu.memory_space<vmem>>) semaphore(%arg17 : memref<!tpu.dma_semaphore, #tpu.memory_space<semaphore_mem>>)
      %rem3A_156 = arith.constant 1 : i32
      %rem3A_157 = arith.constant 4 : i32
      %rem3A_158 = arith.remsi %rem3A_156, %rem3A_157 : i32
      %mul3A_159 = arith.constant 32 : i32
      %mul3A_160 = arith.muli %rem3A_158, %mul3A_159 : i32
      %div3A_161 = arith.constant 1 : i32
      %div3A_162 = arith.constant 4 : i32
      %div3A_163 = arith.divsi %div3A_161, %div3A_162 : i32
      %multiple_of3A_164 = tpu.assume_multiple %mul3A_160, 32 : i32
      %dma_start3A_165 = tpu.memref_slice %arg7[%div3A_163, %multiple_of3A_164] : memref<8x128xi32, #tpu.memory_space<vmem>> -> memref<1x32xi32, #tpu.memory_space<vmem>>
      %dma_start3A_166 = tpu.memref_squeeze %dma_start3A_165 : memref<1x32xi32, #tpu.memory_space<vmem>> -> memref<32xi32, #tpu.memory_space<vmem>>
      %dma_start3A_167 = arith.constant 0 : i32
      %dma_start3A_168 = arith.constant 0 : i32
      %dma_start3A_169 = tpu.memref_slice %arg2[%dma_start3A_167, %dma_start3A_168] : memref<10000x128xf32, #tpu.memory_space<hbm>> -> memref<10000x128xf32, #tpu.memory_space<hbm>>
      tpu.enqueue_indirect_dma source(%dma_start3A_169 : memref<10000x128xf32, #tpu.memory_space<hbm>>) target(%arg11 : memref<32x128xf32, #tpu.memory_space<vmem>>) offsets(%dma_start3A_166 : memref<32xi32, #tpu.memory_space<vmem>>) semaphore(%arg18 : memref<!tpu.dma_semaphore, #tpu.memory_space<semaphore_mem>>)
      %rem3A_170 = arith.constant 2 : i32
      %rem3A_171 = arith.constant 4 : i32
      %rem3A_172 = arith.remsi %rem3A_170, %rem3A_171 : i32
      %mul3A_173 = arith.constant 32 : i32
      %mul3A_174 = arith.muli %rem3A_172, %mul3A_173 : i32
      %div3A_175 = arith.constant 2 : i32
      %div3A_176 = arith.constant 4 : i32
      %div3A_177 = arith.divsi %div3A_175, %div3A_176 : i32
      %multiple_of3A_178 = tpu.assume_multiple %mul3A_174, 32 : i32
      %dma_start3A_179 = tpu.memref_slice %arg7[%div3A_177, %multiple_of3A_178] : memref<8x128xi32, #tpu.memory_space<vmem>> -> memref<1x32xi32, #tpu.memory_space<vmem>>
      %dma_start3A_180 = tpu.memref_squeeze %dma_start3A_179 : memref<1x32xi32, #tpu.memory_space<vmem>> -> memref<32xi32, #tpu.memory_space<vmem>>
      %dma_start3A_181 = arith.constant 0 : i32
      %dma_start3A_182 = arith.constant 0 : i32
      %dma_start3A_183 = tpu.memref_slice %arg2[%dma_start3A_181, %dma_start3A_182] : memref<10000x128xf32, #tpu.memory_space<hbm>> -> memref<10000x128xf32, #tpu.memory_space<hbm>>
      tpu.enqueue_indirect_dma source(%dma_start3A_183 : memref<10000x128xf32, #tpu.memory_space<hbm>>) target(%arg12 : memref<32x128xf32, #tpu.memory_space<vmem>>) offsets(%dma_start3A_180 : memref<32xi32, #tpu.memory_space<vmem>>) semaphore(%arg19 : memref<!tpu.dma_semaphore, #tpu.memory_space<semaphore_mem>>)
      %rem3A_184 = arith.constant 3 : i32
      %rem3A_185 = arith.constant 4 : i32
      %rem3A_186 = arith.remsi %rem3A_184, %rem3A_185 : i32
      %mul3A_187 = arith.constant 32 : i32
      %mul3A_188 = arith.muli %rem3A_186, %mul3A_187 : i32
      %div3A_189 = arith.constant 3 : i32
      %div3A_190 = arith.constant 4 : i32
      %div3A_191 = arith.divsi %div3A_189, %div3A_190 : i32
      %multiple_of3A_192 = tpu.assume_multiple %mul3A_188, 32 : i32
      %dma_start3A_193 = tpu.memref_slice %arg7[%div3A_191, %multiple_of3A_192] : memref<8x128xi32, #tpu.memory_space<vmem>> -> memref<1x32xi32, #tpu.memory_space<vmem>>
      %dma_start3A_194 = tpu.memref_squeeze %dma_start3A_193 : memref<1x32xi32, #tpu.memory_space<vmem>> -> memref<32xi32, #tpu.memory_space<vmem>>
      %dma_start3A_195 = arith.constant 0 : i32
      %dma_start3A_196 = arith.constant 0 : i32
      %dma_start3A_197 = tpu.memref_slice %arg2[%dma_start3A_195, %dma_start3A_196] : memref<10000x128xf32, #tpu.memory_space<hbm>> -> memref<10000x128xf32, #tpu.memory_space<hbm>>
      tpu.enqueue_indirect_dma source(%dma_start3A_197 : memref<10000x128xf32, #tpu.memory_space<hbm>>) target(%arg13 : memref<32x128xf32, #tpu.memory_space<vmem>>) offsets(%dma_start3A_194 : memref<32xi32, #tpu.memory_space<vmem>>) semaphore(%arg20 : memref<!tpu.dma_semaphore, #tpu.memory_space<semaphore_mem>>)
      %scan3A_198 = arith.constant 0 : i32
      %scan3A_199 = arith.constant 0 : i32
      %scan3A_200 = arith.constant 8 : i32
      %scan3A_201 = arith.addi %scan3A_199, %scan3A_200 : i32
      %scan3A_202 = arith.constant 1 : i32
      %scan3A_203 = scf.for %scan3A_212 = %scan3A_199 to %scan3A_201 step %scan3A_202 iter_args(%scan3A_213 = %scan3A_198) -> (i32)  : i32 {
        %mul3A_214 = arith.constant 4 : i32
        %mul3A_215 = arith.muli %scan3A_212, %mul3A_214 : i32
        %add3A_216 = arith.constant 0 : i32
        %add3A_217 = arith.addi %mul3A_215, %add3A_216 : i32
        %rem3A_218 = arith.constant 4 : i32
        %rem3A_219 = arith.remsi %add3A_217, %rem3A_218 : i32
        %mul3A_220 = arith.constant 32 : i32
        %mul3A_221 = arith.muli %rem3A_219, %mul3A_220 : i32
        %div3A_222 = arith.constant 4 : i32
        %div3A_223 = arith.divsi %add3A_217, %div3A_222 : i32
        %multiple_of3A_224 = tpu.assume_multiple %mul3A_221, 32 : i32
        %dma_wait3A_225 = tpu.memref_slice %arg7[%div3A_223, %multiple_of3A_224] : memref<8x128xi32, #tpu.memory_space<vmem>> -> memref<1x32xi32, #tpu.memory_space<vmem>>
        %dma_wait3A_226 = tpu.memref_squeeze %dma_wait3A_225 : memref<1x32xi32, #tpu.memory_space<vmem>> -> memref<32xi32, #tpu.memory_space<vmem>>
        %dma_wait3A_227 = arith.constant 0 : i32
        %dma_wait3A_228 = arith.constant 0 : i32
        %dma_wait3A_229 = tpu.memref_slice %arg2[%dma_wait3A_227, %dma_wait3A_228] : memref<10000x128xf32, #tpu.memory_space<hbm>> -> memref<10000x128xf32, #tpu.memory_space<hbm>>
        tpu.wait_indirect_dma semaphore(%arg17 : memref<!tpu.dma_semaphore, #tpu.memory_space<semaphore_mem>>) src(%dma_wait3A_229 : memref<10000x128xf32, #tpu.memory_space<hbm>>) dst(%arg10 : memref<32x128xf32, #tpu.memory_space<vmem>>)
        "tpu.region"() ({
          %run_scoped3A = tpu.sem_alloc : memref<!tpu.dma_semaphore, #tpu.memory_space<semaphore_mem>>
          %dma_start3A_307 = arith.constant 0 : i32
          %dma_start3A_308 = tpu.memref_slice %arg9[%add3A_217, %dma_start3A_307] : memref<32x32xi32, #tpu.memory_space<vmem>> -> memref<1x32xi32, #tpu.memory_space<vmem>>
          %dma_start3A_309 = tpu.memref_squeeze %dma_start3A_308 : memref<1x32xi32, #tpu.memory_space<vmem>> -> memref<32xi32, #tpu.memory_space<vmem>>
          %dma_start3A_310 = arith.constant 0 : i32
          %dma_start3A_311 = arith.constant 0 : i32
          %dma_start3A_312 = tpu.memref_slice %arg14[%dma_start3A_310, %dma_start3A_311] : memref<10240x128xf32, #tpu.memory_space<vmem_shared>> -> memref<10240x128xf32, #tpu.memory_space<vmem_shared>>
          tpu.enqueue_indirect_dma source(%arg10 : memref<32x128xf32, #tpu.memory_space<vmem>>) target(%dma_start3A_312 : memref<10240x128xf32, #tpu.memory_space<vmem_shared>>) offsets(%dma_start3A_309 : memref<32xi32, #tpu.memory_space<vmem>>) semaphore(%run_scoped3A : memref<!tpu.dma_semaphore, #tpu.memory_space<semaphore_mem>>) {add = true}
          %dma_wait3A_313 = arith.constant 0 : i32
          %dma_wait3A_314 = tpu.memref_slice %arg9[%add3A_217, %dma_wait3A_313] : memref<32x32xi32, #tpu.memory_space<vmem>> -> memref<1x32xi32, #tpu.memory_space<vmem>>
          %dma_wait3A_315 = tpu.memref_squeeze %dma_wait3A_314 : memref<1x32xi32, #tpu.memory_space<vmem>> -> memref<32xi32, #tpu.memory_space<vmem>>
          %dma_wait3A_316 = arith.constant 0 : i32
          %dma_wait3A_317 = arith.constant 0 : i32
          %dma_wait3A_318 = tpu.memref_slice %arg14[%dma_wait3A_316, %dma_wait3A_317] : memref<10240x128xf32, #tpu.memory_space<vmem_shared>> -> memref<10240x128xf32, #tpu.memory_space<vmem_shared>>
          tpu.wait_indirect_dma semaphore(%run_scoped3A : memref<!tpu.dma_semaphore, #tpu.memory_space<semaphore_mem>>) src(%arg10 : memref<32x128xf32, #tpu.memory_space<vmem>>) dst(%dma_wait3A_318 : memref<10240x128xf32, #tpu.memory_space<vmem_shared>>)
          tpu.yield
        }) : () -> ()
        %add3A_230 = arith.constant 4 : i32
        %add3A_231 = arith.addi %add3A_217, %add3A_230 : i32
        %lt3A_232 = arith.constant 32 : i32
        %lt3A_233 = arith.cmpi slt, %add3A_231, %lt3A_232 : i32
        %convert_element_type3A_234 = arith.extui %lt3A_233 : i1 to i32
        %cond3A_235 = arith.constant 0 : i32
        %cond3A_236 = arith.cmpi ne, %convert_element_type3A_234, %cond3A_235 : i32
        scf.if %cond3A_236 {
          %add3A_307 = arith.constant 4 : i32
          %add3A_308 = arith.addi %add3A_217, %add3A_307 : i32
          %rem3A_309 = arith.constant 4 : i32
          %rem3A_310 = arith.remsi %add3A_308, %rem3A_309 : i32
          %mul3A_311 = arith.constant 32 : i32
          %mul3A_312 = arith.muli %rem3A_310, %mul3A_311 : i32
          %div3A_313 = arith.constant 4 : i32
          %div3A_314 = arith.divsi %add3A_308, %div3A_313 : i32
          %multiple_of3A_315 = tpu.assume_multiple %mul3A_312, 32 : i32
          %dma_start3A_316 = tpu.memref_slice %arg7[%div3A_314, %multiple_of3A_315] : memref<8x128xi32, #tpu.memory_space<vmem>> -> memref<1x32xi32, #tpu.memory_space<vmem>>
          %dma_start3A_317 = tpu.memref_squeeze %dma_start3A_316 : memref<1x32xi32, #tpu.memory_space<vmem>> -> memref<32xi32, #tpu.memory_space<vmem>>
          %dma_start3A_318 = arith.constant 0 : i32
          %dma_start3A_319 = arith.constant 0 : i32
          %dma_start3A_320 = tpu.memref_slice %arg2[%dma_start3A_318, %dma_start3A_319] : memref<10000x128xf32, #tpu.memory_space<hbm>> -> memref<10000x128xf32, #tpu.memory_space<hbm>>
          tpu.enqueue_indirect_dma source(%dma_start3A_320 : memref<10000x128xf32, #tpu.memory_space<hbm>>) target(%arg10 : memref<32x128xf32, #tpu.memory_space<vmem>>) offsets(%dma_start3A_317 : memref<32xi32, #tpu.memory_space<vmem>>) semaphore(%arg17 : memref<!tpu.dma_semaphore, #tpu.memory_space<semaphore_mem>>)
        } else {
        }
        %mul3A_237 = arith.constant 4 : i32
        %mul3A_238 = arith.muli %scan3A_212, %mul3A_237 : i32
        %add3A_239 = arith.constant 1 : i32
        %add3A_240 = arith.addi %mul3A_238, %add3A_239 : i32
        %rem3A_241 = arith.constant 4 : i32
        %rem3A_242 = arith.remsi %add3A_240, %rem3A_241 : i32
        %mul3A_243 = arith.constant 32 : i32
        %mul3A_244 = arith.muli %rem3A_242, %mul3A_243 : i32
        %div3A_245 = arith.constant 4 : i32
        %div3A_246 = arith.divsi %add3A_240, %div3A_245 : i32
        %multiple_of3A_247 = tpu.assume_multiple %mul3A_244, 32 : i32
        %dma_wait3A_248 = tpu.memref_slice %arg7[%div3A_246, %multiple_of3A_247] : memref<8x128xi32, #tpu.memory_space<vmem>> -> memref<1x32xi32, #tpu.memory_space<vmem>>
        %dma_wait3A_249 = tpu.memref_squeeze %dma_wait3A_248 : memref<1x32xi32, #tpu.memory_space<vmem>> -> memref<32xi32, #tpu.memory_space<vmem>>
        %dma_wait3A_250 = arith.constant 0 : i32
        %dma_wait3A_251 = arith.constant 0 : i32
        %dma_wait3A_252 = tpu.memref_slice %arg2[%dma_wait3A_250, %dma_wait3A_251] : memref<10000x128xf32, #tpu.memory_space<hbm>> -> memref<10000x128xf32, #tpu.memory_space<hbm>>
        tpu.wait_indirect_dma semaphore(%arg18 : memref<!tpu.dma_semaphore, #tpu.memory_space<semaphore_mem>>) src(%dma_wait3A_252 : memref<10000x128xf32, #tpu.memory_space<hbm>>) dst(%arg11 : memref<32x128xf32, #tpu.memory_space<vmem>>)
        "tpu.region"() ({
          %run_scoped3A = tpu.sem_alloc : memref<!tpu.dma_semaphore, #tpu.memory_space<semaphore_mem>>
          %dma_start3A_307 = arith.constant 0 : i32
          %dma_start3A_308 = tpu.memref_slice %arg9[%add3A_240, %dma_start3A_307] : memref<32x32xi32, #tpu.memory_space<vmem>> -> memref<1x32xi32, #tpu.memory_space<vmem>>
          %dma_start3A_309 = tpu.memref_squeeze %dma_start3A_308 : memref<1x32xi32, #tpu.memory_space<vmem>> -> memref<32xi32, #tpu.memory_space<vmem>>
          %dma_start3A_310 = arith.constant 0 : i32
          %dma_start3A_311 = arith.constant 0 : i32
          %dma_start3A_312 = tpu.memref_slice %arg14[%dma_start3A_310, %dma_start3A_311] : memref<10240x128xf32, #tpu.memory_space<vmem_shared>> -> memref<10240x128xf32, #tpu.memory_space<vmem_shared>>
          tpu.enqueue_indirect_dma source(%arg11 : memref<32x128xf32, #tpu.memory_space<vmem>>) target(%dma_start3A_312 : memref<10240x128xf32, #tpu.memory_space<vmem_shared>>) offsets(%dma_start3A_309 : memref<32xi32, #tpu.memory_space<vmem>>) semaphore(%run_scoped3A : memref<!tpu.dma_semaphore, #tpu.memory_space<semaphore_mem>>) {add = true}
          %dma_wait3A_313 = arith.constant 0 : i32
          %dma_wait3A_314 = tpu.memref_slice %arg9[%add3A_240, %dma_wait3A_313] : memref<32x32xi32, #tpu.memory_space<vmem>> -> memref<1x32xi32, #tpu.memory_space<vmem>>
          %dma_wait3A_315 = tpu.memref_squeeze %dma_wait3A_314 : memref<1x32xi32, #tpu.memory_space<vmem>> -> memref<32xi32, #tpu.memory_space<vmem>>
          %dma_wait3A_316 = arith.constant 0 : i32
          %dma_wait3A_317 = arith.constant 0 : i32
          %dma_wait3A_318 = tpu.memref_slice %arg14[%dma_wait3A_316, %dma_wait3A_317] : memref<10240x128xf32, #tpu.memory_space<vmem_shared>> -> memref<10240x128xf32, #tpu.memory_space<vmem_shared>>
          tpu.wait_indirect_dma semaphore(%run_scoped3A : memref<!tpu.dma_semaphore, #tpu.memory_space<semaphore_mem>>) src(%arg11 : memref<32x128xf32, #tpu.memory_space<vmem>>) dst(%dma_wait3A_318 : memref<10240x128xf32, #tpu.memory_space<vmem_shared>>)
          tpu.yield
        }) : () -> ()
        %add3A_253 = arith.constant 4 : i32
        %add3A_254 = arith.addi %add3A_240, %add3A_253 : i32
        %lt3A_255 = arith.constant 32 : i32
        %lt3A_256 = arith.cmpi slt, %add3A_254, %lt3A_255 : i32
        %convert_element_type3A_257 = arith.extui %lt3A_256 : i1 to i32
        %cond3A_258 = arith.constant 0 : i32
        %cond3A_259 = arith.cmpi ne, %convert_element_type3A_257, %cond3A_258 : i32
        scf.if %cond3A_259 {
          %add3A_307 = arith.constant 4 : i32
          %add3A_308 = arith.addi %add3A_240, %add3A_307 : i32
          %rem3A_309 = arith.constant 4 : i32
          %rem3A_310 = arith.remsi %add3A_308, %rem3A_309 : i32
          %mul3A_311 = arith.constant 32 : i32
          %mul3A_312 = arith.muli %rem3A_310, %mul3A_311 : i32
          %div3A_313 = arith.constant 4 : i32
          %div3A_314 = arith.divsi %add3A_308, %div3A_313 : i32
          %multiple_of3A_315 = tpu.assume_multiple %mul3A_312, 32 : i32
          %dma_start3A_316 = tpu.memref_slice %arg7[%div3A_314, %multiple_of3A_315] : memref<8x128xi32, #tpu.memory_space<vmem>> -> memref<1x32xi32, #tpu.memory_space<vmem>>
          %dma_start3A_317 = tpu.memref_squeeze %dma_start3A_316 : memref<1x32xi32, #tpu.memory_space<vmem>> -> memref<32xi32, #tpu.memory_space<vmem>>
          %dma_start3A_318 = arith.constant 0 : i32
          %dma_start3A_319 = arith.constant 0 : i32
          %dma_start3A_320 = tpu.memref_slice %arg2[%dma_start3A_318, %dma_start3A_319] : memref<10000x128xf32, #tpu.memory_space<hbm>> -> memref<10000x128xf32, #tpu.memory_space<hbm>>
          tpu.enqueue_indirect_dma source(%dma_start3A_320 : memref<10000x128xf32, #tpu.memory_space<hbm>>) target(%arg11 : memref<32x128xf32, #tpu.memory_space<vmem>>) offsets(%dma_start3A_317 : memref<32xi32, #tpu.memory_space<vmem>>) semaphore(%arg18 : memref<!tpu.dma_semaphore, #tpu.memory_space<semaphore_mem>>)
        } else {
        }
        %mul3A_260 = arith.constant 4 : i32
        %mul3A_261 = arith.muli %scan3A_212, %mul3A_260 : i32
        %add3A_262 = arith.constant 2 : i32
        %add3A_263 = arith.addi %mul3A_261, %add3A_262 : i32
        %rem3A_264 = arith.constant 4 : i32
        %rem3A_265 = arith.remsi %add3A_263, %rem3A_264 : i32
        %mul3A_266 = arith.constant 32 : i32
        %mul3A_267 = arith.muli %rem3A_265, %mul3A_266 : i32
        %div3A_268 = arith.constant 4 : i32
        %div3A_269 = arith.divsi %add3A_263, %div3A_268 : i32
        %multiple_of3A_270 = tpu.assume_multiple %mul3A_267, 32 : i32
        %dma_wait3A_271 = tpu.memref_slice %arg7[%div3A_269, %multiple_of3A_270] : memref<8x128xi32, #tpu.memory_space<vmem>> -> memref<1x32xi32, #tpu.memory_space<vmem>>
        %dma_wait3A_272 = tpu.memref_squeeze %dma_wait3A_271 : memref<1x32xi32, #tpu.memory_space<vmem>> -> memref<32xi32, #tpu.memory_space<vmem>>
        %dma_wait3A_273 = arith.constant 0 : i32
        %dma_wait3A_274 = arith.constant 0 : i32
        %dma_wait3A_275 = tpu.memref_slice %arg2[%dma_wait3A_273, %dma_wait3A_274] : memref<10000x128xf32, #tpu.memory_space<hbm>> -> memref<10000x128xf32, #tpu.memory_space<hbm>>
        tpu.wait_indirect_dma semaphore(%arg19 : memref<!tpu.dma_semaphore, #tpu.memory_space<semaphore_mem>>) src(%dma_wait3A_275 : memref<10000x128xf32, #tpu.memory_space<hbm>>) dst(%arg12 : memref<32x128xf32, #tpu.memory_space<vmem>>)
        "tpu.region"() ({
          %run_scoped3A = tpu.sem_alloc : memref<!tpu.dma_semaphore, #tpu.memory_space<semaphore_mem>>
          %dma_start3A_307 = arith.constant 0 : i32
          %dma_start3A_308 = tpu.memref_slice %arg9[%add3A_263, %dma_start3A_307] : memref<32x32xi32, #tpu.memory_space<vmem>> -> memref<1x32xi32, #tpu.memory_space<vmem>>
          %dma_start3A_309 = tpu.memref_squeeze %dma_start3A_308 : memref<1x32xi32, #tpu.memory_space<vmem>> -> memref<32xi32, #tpu.memory_space<vmem>>
          %dma_start3A_310 = arith.constant 0 : i32
          %dma_start3A_311 = arith.constant 0 : i32
          %dma_start3A_312 = tpu.memref_slice %arg14[%dma_start3A_310, %dma_start3A_311] : memref<10240x128xf32, #tpu.memory_space<vmem_shared>> -> memref<10240x128xf32, #tpu.memory_space<vmem_shared>>
          tpu.enqueue_indirect_dma source(%arg12 : memref<32x128xf32, #tpu.memory_space<vmem>>) target(%dma_start3A_312 : memref<10240x128xf32, #tpu.memory_space<vmem_shared>>) offsets(%dma_start3A_309 : memref<32xi32, #tpu.memory_space<vmem>>) semaphore(%run_scoped3A : memref<!tpu.dma_semaphore, #tpu.memory_space<semaphore_mem>>) {add = true}
          %dma_wait3A_313 = arith.constant 0 : i32
          %dma_wait3A_314 = tpu.memref_slice %arg9[%add3A_263, %dma_wait3A_313] : memref<32x32xi32, #tpu.memory_space<vmem>> -> memref<1x32xi32, #tpu.memory_space<vmem>>
          %dma_wait3A_315 = tpu.memref_squeeze %dma_wait3A_314 : memref<1x32xi32, #tpu.memory_space<vmem>> -> memref<32xi32, #tpu.memory_space<vmem>>
          %dma_wait3A_316 = arith.constant 0 : i32
          %dma_wait3A_317 = arith.constant 0 : i32
          %dma_wait3A_318 = tpu.memref_slice %arg14[%dma_wait3A_316, %dma_wait3A_317] : memref<10240x128xf32, #tpu.memory_space<vmem_shared>> -> memref<10240x128xf32, #tpu.memory_space<vmem_shared>>
          tpu.wait_indirect_dma semaphore(%run_scoped3A : memref<!tpu.dma_semaphore, #tpu.memory_space<semaphore_mem>>) src(%arg12 : memref<32x128xf32, #tpu.memory_space<vmem>>) dst(%dma_wait3A_318 : memref<10240x128xf32, #tpu.memory_space<vmem_shared>>)
          tpu.yield
        }) : () -> ()
        %add3A_276 = arith.constant 4 : i32
        %add3A_277 = arith.addi %add3A_263, %add3A_276 : i32
        %lt3A_278 = arith.constant 32 : i32
        %lt3A_279 = arith.cmpi slt, %add3A_277, %lt3A_278 : i32
        %convert_element_type3A_280 = arith.extui %lt3A_279 : i1 to i32
        %cond3A_281 = arith.constant 0 : i32
        %cond3A_282 = arith.cmpi ne, %convert_element_type3A_280, %cond3A_281 : i32
        scf.if %cond3A_282 {
          %add3A_307 = arith.constant 4 : i32
          %add3A_308 = arith.addi %add3A_263, %add3A_307 : i32
          %rem3A_309 = arith.constant 4 : i32
          %rem3A_310 = arith.remsi %add3A_308, %rem3A_309 : i32
          %mul3A_311 = arith.constant 32 : i32
          %mul3A_312 = arith.muli %rem3A_310, %mul3A_311 : i32
          %div3A_313 = arith.constant 4 : i32
          %div3A_314 = arith.divsi %add3A_308, %div3A_313 : i32
          %multiple_of3A_315 = tpu.assume_multiple %mul3A_312, 32 : i32
          %dma_start3A_316 = tpu.memref_slice %arg7[%div3A_314, %multiple_of3A_315] : memref<8x128xi32, #tpu.memory_space<vmem>> -> memref<1x32xi32, #tpu.memory_space<vmem>>
          %dma_start3A_317 = tpu.memref_squeeze %dma_start3A_316 : memref<1x32xi32, #tpu.memory_space<vmem>> -> memref<32xi32, #tpu.memory_space<vmem>>
          %dma_start3A_318 = arith.constant 0 : i32
          %dma_start3A_319 = arith.constant 0 : i32
          %dma_start3A_320 = tpu.memref_slice %arg2[%dma_start3A_318, %dma_start3A_319] : memref<10000x128xf32, #tpu.memory_space<hbm>> -> memref<10000x128xf32, #tpu.memory_space<hbm>>
          tpu.enqueue_indirect_dma source(%dma_start3A_320 : memref<10000x128xf32, #tpu.memory_space<hbm>>) target(%arg12 : memref<32x128xf32, #tpu.memory_space<vmem>>) offsets(%dma_start3A_317 : memref<32xi32, #tpu.memory_space<vmem>>) semaphore(%arg19 : memref<!tpu.dma_semaphore, #tpu.memory_space<semaphore_mem>>)
        } else {
        }
        %mul3A_283 = arith.constant 4 : i32
        %mul3A_284 = arith.muli %scan3A_212, %mul3A_283 : i32
        %add3A_285 = arith.constant 3 : i32
        %add3A_286 = arith.addi %mul3A_284, %add3A_285 : i32
        %rem3A_287 = arith.constant 4 : i32
        %rem3A_288 = arith.remsi %add3A_286, %rem3A_287 : i32
        %mul3A_289 = arith.constant 32 : i32
        %mul3A_290 = arith.muli %rem3A_288, %mul3A_289 : i32
        %div3A_291 = arith.constant 4 : i32
        %div3A_292 = arith.divsi %add3A_286, %div3A_291 : i32
        %multiple_of3A_293 = tpu.assume_multiple %mul3A_290, 32 : i32
        %dma_wait3A_294 = tpu.memref_slice %arg7[%div3A_292, %multiple_of3A_293] : memref<8x128xi32, #tpu.memory_space<vmem>> -> memref<1x32xi32, #tpu.memory_space<vmem>>
        %dma_wait3A_295 = tpu.memref_squeeze %dma_wait3A_294 : memref<1x32xi32, #tpu.memory_space<vmem>> -> memref<32xi32, #tpu.memory_space<vmem>>
        %dma_wait3A_296 = arith.constant 0 : i32
        %dma_wait3A_297 = arith.constant 0 : i32
        %dma_wait3A_298 = tpu.memref_slice %arg2[%dma_wait3A_296, %dma_wait3A_297] : memref<10000x128xf32, #tpu.memory_space<hbm>> -> memref<10000x128xf32, #tpu.memory_space<hbm>>
        tpu.wait_indirect_dma semaphore(%arg20 : memref<!tpu.dma_semaphore, #tpu.memory_space<semaphore_mem>>) src(%dma_wait3A_298 : memref<10000x128xf32, #tpu.memory_space<hbm>>) dst(%arg13 : memref<32x128xf32, #tpu.memory_space<vmem>>)
        "tpu.region"() ({
          %run_scoped3A = tpu.sem_alloc : memref<!tpu.dma_semaphore, #tpu.memory_space<semaphore_mem>>
          %dma_start3A_307 = arith.constant 0 : i32
          %dma_start3A_308 = tpu.memref_slice %arg9[%add3A_286, %dma_start3A_307] : memref<32x32xi32, #tpu.memory_space<vmem>> -> memref<1x32xi32, #tpu.memory_space<vmem>>
          %dma_start3A_309 = tpu.memref_squeeze %dma_start3A_308 : memref<1x32xi32, #tpu.memory_space<vmem>> -> memref<32xi32, #tpu.memory_space<vmem>>
          %dma_start3A_310 = arith.constant 0 : i32
          %dma_start3A_311 = arith.constant 0 : i32
          %dma_start3A_312 = tpu.memref_slice %arg14[%dma_start3A_310, %dma_start3A_311] : memref<10240x128xf32, #tpu.memory_space<vmem_shared>> -> memref<10240x128xf32, #tpu.memory_space<vmem_shared>>
          tpu.enqueue_indirect_dma source(%arg13 : memref<32x128xf32, #tpu.memory_space<vmem>>) target(%dma_start3A_312 : memref<10240x128xf32, #tpu.memory_space<vmem_shared>>) offsets(%dma_start3A_309 : memref<32xi32, #tpu.memory_space<vmem>>) semaphore(%run_scoped3A : memref<!tpu.dma_semaphore, #tpu.memory_space<semaphore_mem>>) {add = true}
          %dma_wait3A_313 = arith.constant 0 : i32
          %dma_wait3A_314 = tpu.memref_slice %arg9[%add3A_286, %dma_wait3A_313] : memref<32x32xi32, #tpu.memory_space<vmem>> -> memref<1x32xi32, #tpu.memory_space<vmem>>
          %dma_wait3A_315 = tpu.memref_squeeze %dma_wait3A_314 : memref<1x32xi32, #tpu.memory_space<vmem>> -> memref<32xi32, #tpu.memory_space<vmem>>
          %dma_wait3A_316 = arith.constant 0 : i32
          %dma_wait3A_317 = arith.constant 0 : i32
          %dma_wait3A_318 = tpu.memref_slice %arg14[%dma_wait3A_316, %dma_wait3A_317] : memref<10240x128xf32, #tpu.memory_space<vmem_shared>> -> memref<10240x128xf32, #tpu.memory_space<vmem_shared>>
          tpu.wait_indirect_dma semaphore(%run_scoped3A : memref<!tpu.dma_semaphore, #tpu.memory_space<semaphore_mem>>) src(%arg13 : memref<32x128xf32, #tpu.memory_space<vmem>>) dst(%dma_wait3A_318 : memref<10240x128xf32, #tpu.memory_space<vmem_shared>>)
          tpu.yield
        }) : () -> ()
        %add3A_299 = arith.constant 4 : i32
        %add3A_300 = arith.addi %add3A_286, %add3A_299 : i32
        %lt3A_301 = arith.constant 32 : i32
        %lt3A_302 = arith.cmpi slt, %add3A_300, %lt3A_301 : i32
        %convert_element_type3A_303 = arith.extui %lt3A_302 : i1 to i32
        %cond3A_304 = arith.constant 0 : i32
        %cond3A_305 = arith.cmpi ne, %convert_element_type3A_303, %cond3A_304 : i32
        scf.if %cond3A_305 {
          %add3A_307 = arith.constant 4 : i32
          %add3A_308 = arith.addi %add3A_286, %add3A_307 : i32
          %rem3A_309 = arith.constant 4 : i32
          %rem3A_310 = arith.remsi %add3A_308, %rem3A_309 : i32
          %mul3A_311 = arith.constant 32 : i32
          %mul3A_312 = arith.muli %rem3A_310, %mul3A_311 : i32
          %div3A_313 = arith.constant 4 : i32
          %div3A_314 = arith.divsi %add3A_308, %div3A_313 : i32
          %multiple_of3A_315 = tpu.assume_multiple %mul3A_312, 32 : i32
          %dma_start3A_316 = tpu.memref_slice %arg7[%div3A_314, %multiple_of3A_315] : memref<8x128xi32, #tpu.memory_space<vmem>> -> memref<1x32xi32, #tpu.memory_space<vmem>>
          %dma_start3A_317 = tpu.memref_squeeze %dma_start3A_316 : memref<1x32xi32, #tpu.memory_space<vmem>> -> memref<32xi32, #tpu.memory_space<vmem>>
          %dma_start3A_318 = arith.constant 0 : i32
          %dma_start3A_319 = arith.constant 0 : i32
          %dma_start3A_320 = tpu.memref_slice %arg2[%dma_start3A_318, %dma_start3A_319] : memref<10000x128xf32, #tpu.memory_space<hbm>> -> memref<10000x128xf32, #tpu.memory_space<hbm>>
          tpu.enqueue_indirect_dma source(%dma_start3A_320 : memref<10000x128xf32, #tpu.memory_space<hbm>>) target(%arg13 : memref<32x128xf32, #tpu.memory_space<vmem>>) offsets(%dma_start3A_317 : memref<32xi32, #tpu.memory_space<vmem>>) semaphore(%arg20 : memref<!tpu.dma_semaphore, #tpu.memory_space<semaphore_mem>>)
        } else {
        }
        %scan3A_306 = arith.constant 0 : i32
        scf.yield %scan3A_306 : i32
      }
      %scan3A_204 = arith.constant 8 : i32
      %add3A_205 = arith.constant 2 : i32
      %add3A_206 = arith.addi %add3A_129, %add3A_205 : i32
      %lt3A_207 = arith.cmpi slt, %add3A_206, %select_n3A_6 : i32
      %convert_element_type3A_208 = arith.extui %lt3A_207 : i1 to i32
      %cond3A_209 = arith.constant 0 : i32
      %cond3A_210 = arith.cmpi ne, %convert_element_type3A_208, %cond3A_209 : i32
      scf.if %cond3A_210 {
        %add3A_212 = arith.constant 2 : i32
        %add3A_213 = arith.addi %add3A_129, %add3A_212 : i32
        %div3A_214 = arith.constant 4 : i32
        %div3A_215 = arith.divsi %multiple_of3A, %div3A_214 : i32
        %mul3A_216 = arith.constant 8 : i32
        %mul3A_217 = arith.muli %add3A_213, %mul3A_216 : i32
        %add3A_218 = arith.addi %div3A_215, %mul3A_217 : i32
        %multiple_of3A_219 = tpu.assume_multiple %add3A_218, 8 : i32
        %dma_start3A_220 = arith.constant 0 : i32
        %dma_start3A_221 = tpu.memref_slice %arg3[%multiple_of3A_219, %dma_start3A_220] : memref<2560x128xi32, #tpu.memory_space<hbm>> -> memref<8x128xi32, #tpu.memory_space<hbm>>
        %dma_start3A_222 = arith.constant 0 : i32
        %dma_start3A_223 = tpu.memref_slice %arg3[%multiple_of3A_219, %dma_start3A_222] : memref<2560x128xi32, #tpu.memory_space<hbm>> -> memref<8x128xi32, #tpu.memory_space<hbm>>
        tpu.enqueue_dma source(%dma_start3A_223 : memref<8x128xi32, #tpu.memory_space<hbm>>) target(%arg7 : memref<8x128xi32, #tpu.memory_space<vmem>>) target_semaphore(%arg16 : memref<!tpu.dma_semaphore, #tpu.memory_space<semaphore_mem>>)
        %mul3A_224 = arith.constant 32 : i32
        %mul3A_225 = arith.muli %add3A_213, %mul3A_224 : i32
        %add3A_226 = arith.addi %multiple_of3A, %mul3A_225 : i32
        %multiple_of3A_227 = tpu.assume_multiple %add3A_226, 8 : i32
        %dma_start3A_228 = arith.constant 0 : i32
        %dma_start3A_229 = tpu.memref_slice %arg4[%multiple_of3A_227, %dma_start3A_228] : memref<10240x32xi32, #tpu.memory_space<hbm>> -> memref<32x32xi32, #tpu.memory_space<hbm>>
        %dma_start3A_230 = arith.constant 0 : i32
        %dma_start3A_231 = tpu.memref_slice %arg4[%multiple_of3A_227, %dma_start3A_230] : memref<10240x32xi32, #tpu.memory_space<hbm>> -> memref<32x32xi32, #tpu.memory_space<hbm>>
        tpu.enqueue_dma source(%dma_start3A_231 : memref<32x32xi32, #tpu.memory_space<hbm>>) target(%arg9 : memref<32x32xi32, #tpu.memory_space<vmem>>) target_semaphore(%arg16 : memref<!tpu.dma_semaphore, #tpu.memory_space<semaphore_mem>>)
      } else {
      }
      %while3A_211 = arith.constant 0 : i32
      scf.yield %while3A_211 : i32
    }
    %barrier3A_35 = arith.constant 0 : index
    tpu.barrier barrier_id(%barrier3A_35)
    %mul3A_36 = arith.constant 624 : i32
    %mul3A_37 = arith.muli %arg1, %mul3A_36 : i32
    %mul3A_38 = arith.constant 624 : i32
    %mul3A_39 = arith.muli %arg1, %mul3A_38 : i32
    "tpu.region"() ({
      %run_scoped3A = tpu.sem_alloc : memref<!tpu.dma_semaphore, #tpu.memory_space<semaphore_mem>>
      %dma_start3A = arith.constant 0 : i32
      %dma_start3A_45 = tpu.memref_slice %arg5[%arg0, %mul3A_39, %dma_start3A] : memref<2x10000x128xf32, #tpu.memory_space<hbm>> -> memref<1x624x128xf32, #tpu.memory_space<hbm>>
      %dma_start3A_46 = tpu.memref_squeeze %dma_start3A_45 : memref<1x624x128xf32, #tpu.memory_space<hbm>> -> memref<624x128xf32, #tpu.memory_space<hbm>>
      %dma_start3A_47 = arith.constant 0 : i32
      %dma_start3A_48 = tpu.memref_slice %arg14[%mul3A_37, %dma_start3A_47] : memref<10240x128xf32, #tpu.memory_space<vmem_shared>> -> memref<624x128xf32, #tpu.memory_space<vmem_shared>>
      tpu.enqueue_dma source(%dma_start3A_48 : memref<624x128xf32, #tpu.memory_space<vmem_shared>>) target(%dma_start3A_46 : memref<624x128xf32, #tpu.memory_space<hbm>>) target_semaphore(%run_scoped3A : memref<!tpu.dma_semaphore, #tpu.memory_space<semaphore_mem>>)
      %dma_wait3A = arith.constant 0 : i32
      %dma_wait3A_49 = tpu.memref_slice %arg5[%arg0, %mul3A_39, %dma_wait3A] : memref<2x10000x128xf32, #tpu.memory_space<hbm>> -> memref<1x624x128xf32, #tpu.memory_space<hbm>>
      %dma_wait3A_50 = tpu.memref_squeeze %dma_wait3A_49 : memref<1x624x128xf32, #tpu.memory_space<hbm>> -> memref<624x128xf32, #tpu.memory_space<hbm>>
      %dma_wait3A_51 = arith.constant 0 : i32
      %dma_wait3A_52 = tpu.memref_slice %arg14[%mul3A_37, %dma_wait3A_51] : memref<10240x128xf32, #tpu.memory_space<vmem_shared>> -> memref<624x128xf32, #tpu.memory_space<vmem_shared>>
      tpu.wait_dma2 semaphore(%run_scoped3A : memref<!tpu.dma_semaphore, #tpu.memory_space<semaphore_mem>>) src(%dma_wait3A_52 : memref<624x128xf32, #tpu.memory_space<vmem_shared>>) dst(%dma_wait3A_50 : memref<624x128xf32, #tpu.memory_space<hbm>>)
      tpu.yield
    }) : () -> ()
    %eq3A_40 = arith.constant 15 : i32
    %eq3A_41 = arith.cmpi eq, %arg1, %eq3A_40 : i32
    %convert_element_type3A_42 = arith.extui %eq3A_41 : i1 to i32
    %cond3A_43 = arith.constant 0 : i32
    %cond3A_44 = arith.cmpi ne, %convert_element_type3A_42, %cond3A_43 : i32
    scf.if %cond3A_44 {
      "tpu.region"() ({
        %run_scoped3A = tpu.sem_alloc : memref<!tpu.dma_semaphore, #tpu.memory_space<semaphore_mem>>
        %dma_start3A = arith.constant 9984 : i32
        %dma_start3A_45 = arith.constant 0 : i32
        %dma_start3A_46 = tpu.memref_slice %arg5[%arg0, %dma_start3A, %dma_start3A_45] : memref<2x10000x128xf32, #tpu.memory_space<hbm>> -> memref<1x16x128xf32, #tpu.memory_space<hbm>>
        %dma_start3A_47 = tpu.memref_squeeze %dma_start3A_46 : memref<1x16x128xf32, #tpu.memory_space<hbm>> -> memref<16x128xf32, #tpu.memory_space<hbm>>
        %dma_start3A_48 = arith.constant 9984 : i32
        %dma_start3A_49 = arith.constant 0 : i32
        %dma_start3A_50 = tpu.memref_slice %arg14[%dma_start3A_48, %dma_start3A_49] : memref<10240x128xf32, #tpu.memory_space<vmem_shared>> -> memref<16x128xf32, #tpu.memory_space<vmem_shared>>
        tpu.enqueue_dma source(%dma_start3A_50 : memref<16x128xf32, #tpu.memory_space<vmem_shared>>) target(%dma_start3A_47 : memref<16x128xf32, #tpu.memory_space<hbm>>) target_semaphore(%run_scoped3A : memref<!tpu.dma_semaphore, #tpu.memory_space<semaphore_mem>>)
        %dma_wait3A = arith.constant 9984 : i32
        %dma_wait3A_51 = arith.constant 0 : i32
        %dma_wait3A_52 = tpu.memref_slice %arg5[%arg0, %dma_wait3A, %dma_wait3A_51] : memref<2x10000x128xf32, #tpu.memory_space<hbm>> -> memref<1x16x128xf32, #tpu.memory_space<hbm>>
        %dma_wait3A_53 = tpu.memref_squeeze %dma_wait3A_52 : memref<1x16x128xf32, #tpu.memory_space<hbm>> -> memref<16x128xf32, #tpu.memory_space<hbm>>
        %dma_wait3A_54 = arith.constant 9984 : i32
        %dma_wait3A_55 = arith.constant 0 : i32
        %dma_wait3A_56 = tpu.memref_slice %arg14[%dma_wait3A_54, %dma_wait3A_55] : memref<10240x128xf32, #tpu.memory_space<vmem_shared>> -> memref<16x128xf32, #tpu.memory_space<vmem_shared>>
        tpu.wait_dma2 semaphore(%run_scoped3A : memref<!tpu.dma_semaphore, #tpu.memory_space<semaphore_mem>>) src(%dma_wait3A_56 : memref<16x128xf32, #tpu.memory_space<vmem_shared>>) dst(%dma_wait3A_53 : memref<16x128xf32, #tpu.memory_space<hbm>>)
        tpu.yield
      }) : () -> ()
    } else {
    }
    return
  }
}

#map = affine_map<(d0, d1) -> (0, 0)>
#map1 = affine_map<(d0, d1) -> (0, 0, 0)>
module attributes {stable_mosaic.version = 14 : i64} {
  func.func @k(%arg0: i32, %arg1: i32, %arg2: memref<10000x128xf32, #tpu.memory_space<hbm>>, %arg3: memref<2560x128xi32, #tpu.memory_space<hbm>>, %arg4: memref<10240x32xi32, #tpu.memory_space<hbm>>, %arg5: memref<2x10000x128xf32, #tpu.memory_space<hbm>>, %arg6: memref<8x128xi32, #tpu.memory_space<vmem>>, %arg7: memref<8x128xi32, #tpu.memory_space<vmem>>, %arg8: memref<32x32xi32, #tpu.memory_space<vmem>>, %arg9: memref<32x32xi32, #tpu.memory_space<vmem>>, %arg10: memref<32x128xf32, #tpu.memory_space<vmem>>, %arg11: memref<32x128xf32, #tpu.memory_space<vmem>>, %arg12: memref<32x128xf32, #tpu.memory_space<vmem>>, %arg13: memref<32x128xf32, #tpu.memory_space<vmem>>, %arg14: memref<10240x128xf32, #tpu.memory_space<vmem_shared>>, %arg15: memref<!tpu.dma_semaphore, #tpu.memory_space<semaphore_mem>>, %arg16: memref<!tpu.dma_semaphore, #tpu.memory_space<semaphore_mem>>, %arg17: memref<!tpu.dma_semaphore, #tpu.memory_space<semaphore_mem>>, %arg18: memref<!tpu.dma_semaphore, #tpu.memory_space<semaphore_mem>>, %arg19: memref<!tpu.dma_semaphore, #tpu.memory_space<semaphore_mem>>, %arg20: memref<!tpu.dma_semaphore, #tpu.memory_space<semaphore_mem>>) attributes {dimension_semantics = [#tpu.dimension_semantics<core_parallel>, #tpu.dimension_semantics<subcore_parallel>], iteration_bounds = array<i64: 2, 16>, scalar_prefetch = 0 : i64, scratch_operands = 15 : i64, tpu.core_type = #tpu.core_type<sc_vector_subcore>, window_params = [{transform_indices = #map}, {transform_indices = #map}, {transform_indices = #map}, {transform_indices = #map1}]} {
    %eq3A = arith.constant 0 : i32
    %eq3A_0 = arith.cmpi eq, %arg0, %eq3A : i32
    %mul3A = arith.constant 320 : i32
    %mul3A_1 = arith.muli %arg1, %mul3A : i32
    %mul3A_2 = arith.constant 320 : i32
    %mul3A_3 = arith.muli %arg1, %mul3A_2 : i32
    %add3A = arith.constant 5120 : i32
    %add3A_4 = arith.addi %add3A, %mul3A_3 : i32
    %select_n3A = arith.select %eq3A_0, %mul3A_1, %add3A_4 : i32
    %multiple_of3A = tpu.assume_multiple %select_n3A, 8 : i32
    %jit3A = arith.constant 10 : i32
    %jit3A_5 = arith.constant 10 : i32
    %select_n3A_6 = arith.select %eq3A_0, %jit3A, %jit3A_5 : i32
    %broadcast_in_dim3A = arith.constant 0.000000e+00 : f32
    %broadcast_in_dim3A_7 = vector.broadcast %broadcast_in_dim3A : f32 to vector<16xf32>
    %scan3A = arith.constant 0 : i32
    %scan3A_8 = arith.constant 0 : i32
    %scan3A_9 = arith.constant 256 : i32
    %scan3A_10 = arith.addi %scan3A_8, %scan3A_9 : i32
    %scan3A_11 = arith.constant 1 : i32
    %scan3A_12 = scf.for %scan3A_45 = %scan3A_8 to %scan3A_10 step %scan3A_11 iter_args(%scan3A_46 = %scan3A) -> (i32)  : i32 {
      %jit3A_47 = arith.constant 8 : i32
      %div3A_48 = arith.divsi %scan3A_45, %jit3A_47 : i32
      %sign3A = arith.constant 0 : i32
      %sign3A_49 = arith.cmpi sgt, %scan3A_45, %sign3A : i32
      %sign3A_50 = arith.extui %sign3A_49 : i1 to i32
      %sign3A_51 = arith.constant 0 : i32
      %sign3A_52 = arith.cmpi slt, %scan3A_45, %sign3A_51 : i32
      %sign3A_53 = arith.extui %sign3A_52 : i1 to i32
      %sign3A_54 = arith.subi %sign3A_50, %sign3A_53 : i32
      %sign3A_55 = arith.constant 0 : i32
      %sign3A_56 = arith.cmpi sgt, %jit3A_47, %sign3A_55 : i32
      %sign3A_57 = arith.extui %sign3A_56 : i1 to i32
      %sign3A_58 = arith.constant 0 : i32
      %sign3A_59 = arith.cmpi slt, %jit3A_47, %sign3A_58 : i32
      %sign3A_60 = arith.extui %sign3A_59 : i1 to i32
      %sign3A_61 = arith.subi %sign3A_57, %sign3A_60 : i32
      %ne3A = arith.cmpi ne, %sign3A_54, %sign3A_61 : i32
      %rem3A = arith.remsi %scan3A_45, %jit3A_47 : i32
      %ne3A_62 = arith.constant 0 : i32
      %ne3A_63 = arith.cmpi ne, %rem3A, %ne3A_62 : i32
      %and3A = arith.andi %ne3A, %ne3A_63 : i1
      %sub3A = arith.constant 1 : i32
      %sub3A_64 = arith.subi %div3A_48, %sub3A : i32
      %select_n3A_65 = arith.select %and3A, %sub3A_64, %div3A_48 : i32
      %jit3A_66 = arith.constant 8 : i32
      %eq3A_67 = arith.constant 0 : i32
      %eq3A_68 = arith.cmpi eq, %jit3A_66, %eq3A_67 : i32
      %jit3A_69 = arith.constant 1 : i32
      %select_n3A_70 = arith.select %eq3A_68, %jit3A_69, %jit3A_66 : i32
      %rem3A_71 = arith.remsi %scan3A_45, %select_n3A_70 : i32
      %ne3A_72 = arith.constant 0 : i32
      %ne3A_73 = arith.cmpi ne, %rem3A_71, %ne3A_72 : i32
      %lt3A = arith.constant 0 : i32
      %lt3A_74 = arith.cmpi slt, %rem3A_71, %lt3A : i32
      %lt3A_75 = arith.constant 0 : i32
      %lt3A_76 = arith.cmpi slt, %select_n3A_70, %lt3A_75 : i32
      %ne3A_77 = arith.xori %lt3A_74, %lt3A_76 : i1
      %and3A_78 = arith.andi %ne3A_77, %ne3A_73 : i1
      %add3A_79 = arith.addi %rem3A_71, %select_n3A_70 : i32
      %select_n3A_80 = arith.select %and3A_78, %add3A_79, %rem3A_71 : i32
      %mul3A_81 = arith.constant 16 : i32
      %mul3A_82 = arith.muli %select_n3A_80, %mul3A_81 : i32
      %swap3A = arith.index_cast %select_n3A_65 : i32 to index
      %swap3A_83 = arith.index_cast %mul3A_82 : i32 to index
      %swap3A_84 = tpu.vector_load %arg10[%swap3A, %swap3A_83] {strides = array<i32>} : memref<32x128xf32, #tpu.memory_space<vmem>>, vector<1x16xf32>,
      %swap3A_85 = vector.shape_cast %swap3A_84 : vector<1x16xf32> to vector<16xf32>
      %swap3A_86 = vector.shape_cast %broadcast_in_dim3A_7 : vector<16xf32> to vector<1x16xf32>
      tpu.vector_store %arg10[%swap3A, %swap3A_83], %swap3A_86 {strides = array<i32>} : memref<32x128xf32, #tpu.memory_space<vmem>>, vector<1x16xf32>,
      %scan3A_87 = arith.constant 0 : i32
      scf.yield %scan3A_87 : i32
    }
    %scan3A_13 = arith.constant 256 : i32
    %scan3A_14 = arith.constant 0 : i32
    %scan3A_15 = arith.constant 0 : i32
    %scan3A_16 = arith.constant 20 : i32
    %scan3A_17 = arith.addi %scan3A_15, %scan3A_16 : i32
    %scan3A_18 = arith.constant 1 : i32
    %scan3A_19 = scf.for %scan3A_45 = %scan3A_15 to %scan3A_17 step %scan3A_18 iter_args(%scan3A_46 = %scan3A_14) -> (i32)  : i32 {
      %mul3A_47 = arith.constant 640 : i32
      %mul3A_48 = arith.muli %arg1, %mul3A_47 : i32
      %mul3A_49 = arith.constant 32 : i32
      %mul3A_50 = arith.muli %scan3A_45, %mul3A_49 : i32
      %add3A_51 = arith.addi %mul3A_48, %mul3A_50 : i32
      "tpu.region"() ({
        %run_scoped3A = tpu.sem_alloc : memref<!tpu.dma_semaphore, #tpu.memory_space<semaphore_mem>>
        %dma_start3A = arith.constant 0 : i32
        %dma_start3A_53 = tpu.memref_slice %arg14[%add3A_51, %dma_start3A] : memref<10240x128xf32, #tpu.memory_space<vmem_shared>> -> memref<32x128xf32, #tpu.memory_space<vmem_shared>>
        %dma_start3A_54 = arith.constant 0 : i32
        %dma_start3A_55 = tpu.memref_slice %arg14[%add3A_51, %dma_start3A_54] : memref<10240x128xf32, #tpu.memory_space<vmem_shared>> -> memref<32x128xf32, #tpu.memory_space<vmem_shared>>
        tpu.enqueue_dma source(%arg10 : memref<32x128xf32, #tpu.memory_space<vmem>>) target(%dma_start3A_55 : memref<32x128xf32, #tpu.memory_space<vmem_shared>>) target_semaphore(%run_scoped3A : memref<!tpu.dma_semaphore, #tpu.memory_space<semaphore_mem>>)
        %dma_wait3A = arith.constant 0 : i32
        %dma_wait3A_56 = tpu.memref_slice %arg14[%add3A_51, %dma_wait3A] : memref<10240x128xf32, #tpu.memory_space<vmem_shared>> -> memref<32x128xf32, #tpu.memory_space<vmem_shared>>
        %dma_wait3A_57 = arith.constant 0 : i32
        %dma_wait3A_58 = tpu.memref_slice %arg14[%add3A_51, %dma_wait3A_57] : memref<10240x128xf32, #tpu.memory_space<vmem_shared>> -> memref<32x128xf32, #tpu.memory_space<vmem_shared>>
        tpu.wait_dma2 semaphore(%run_scoped3A : memref<!tpu.dma_semaphore, #tpu.memory_space<semaphore_mem>>) src(%arg10 : memref<32x128xf32, #tpu.memory_space<vmem>>) dst(%dma_wait3A_58 : memref<32x128xf32, #tpu.memory_space<vmem_shared>>)
        tpu.yield
      }) : () -> ()
      %scan3A_52 = arith.constant 0 : i32
      scf.yield %scan3A_52 : i32
    }
    %scan3A_20 = arith.constant 20 : i32
    %ge3A = arith.constant 2 : i32
    %ge3A_21 = arith.cmpi sge, %select_n3A_6, %ge3A : i32
    %convert_element_type3A = arith.extui %ge3A_21 : i1 to i32
    %cond3A = arith.constant 0 : i32
    %cond3A_22 = arith.cmpi ne, %convert_element_type3A, %cond3A : i32
    scf.if %cond3A_22 {
      %div3A_45 = arith.constant 4 : i32
      %div3A_46 = arith.divsi %multiple_of3A, %div3A_45 : i32
      %add3A_47 = arith.constant 0 : i32
      %add3A_48 = arith.addi %div3A_46, %add3A_47 : i32
      %multiple_of3A_49 = tpu.assume_multiple %add3A_48, 8 : i32
      %dma_start3A = arith.constant 0 : i32
      %dma_start3A_50 = tpu.memref_slice %arg3[%multiple_of3A_49, %dma_start3A] : memref<2560x128xi32, #tpu.memory_space<hbm>> -> memref<8x128xi32, #tpu.memory_space<hbm>>
      %dma_start3A_51 = arith.constant 0 : i32
      %dma_start3A_52 = tpu.memref_slice %arg3[%multiple_of3A_49, %dma_start3A_51] : memref<2560x128xi32, #tpu.memory_space<hbm>> -> memref<8x128xi32, #tpu.memory_space<hbm>>
      tpu.enqueue_dma source(%dma_start3A_52 : memref<8x128xi32, #tpu.memory_space<hbm>>) target(%arg6 : memref<8x128xi32, #tpu.memory_space<vmem>>) target_semaphore(%arg15 : memref<!tpu.dma_semaphore, #tpu.memory_space<semaphore_mem>>)
      %add3A_53 = arith.constant 0 : i32
      %add3A_54 = arith.addi %multiple_of3A, %add3A_53 : i32
      %multiple_of3A_55 = tpu.assume_multiple %add3A_54, 8 : i32
      %dma_start3A_56 = arith.constant 0 : i32
      %dma_start3A_57 = tpu.memref_slice %arg4[%multiple_of3A_55, %dma_start3A_56] : memref<10240x32xi32, #tpu.memory_space<hbm>> -> memref<32x32xi32, #tpu.memory_space<hbm>>
      %dma_start3A_58 = arith.constant 0 : i32
      %dma_start3A_59 = tpu.memref_slice %arg4[%multiple_of3A_55, %dma_start3A_58] : memref<10240x32xi32, #tpu.memory_space<hbm>> -> memref<32x32xi32, #tpu.memory_space<hbm>>
      tpu.enqueue_dma source(%dma_start3A_59 : memref<32x32xi32, #tpu.memory_space<hbm>>) target(%arg8 : memref<32x32xi32, #tpu.memory_space<vmem>>) target_semaphore(%arg15 : memref<!tpu.dma_semaphore, #tpu.memory_space<semaphore_mem>>)
      %div3A_60 = arith.constant 4 : i32
      %div3A_61 = arith.divsi %multiple_of3A, %div3A_60 : i32
      %add3A_62 = arith.constant 8 : i32
      %add3A_63 = arith.addi %div3A_61, %add3A_62 : i32
      %multiple_of3A_64 = tpu.assume_multiple %add3A_63, 8 : i32
      %dma_start3A_65 = arith.constant 0 : i32
      %dma_start3A_66 = tpu.memref_slice %arg3[%multiple_of3A_64, %dma_start3A_65] : memref<2560x128xi32, #tpu.memory_space<hbm>> -> memref<8x128xi32, #tpu.memory_space<hbm>>
      %dma_start3A_67 = arith.constant 0 : i32
      %dma_start3A_68 = tpu.memref_slice %arg3[%multiple_of3A_64, %dma_start3A_67] : memref<2560x128xi32, #tpu.memory_space<hbm>> -> memref<8x128xi32, #tpu.memory_space<hbm>>
      tpu.enqueue_dma source(%dma_start3A_68 : memref<8x128xi32, #tpu.memory_space<hbm>>) target(%arg7 : memref<8x128xi32, #tpu.memory_space<vmem>>) target_semaphore(%arg16 : memref<!tpu.dma_semaphore, #tpu.memory_space<semaphore_mem>>)
      %add3A_69 = arith.constant 32 : i32
      %add3A_70 = arith.addi %multiple_of3A, %add3A_69 : i32
      %multiple_of3A_71 = tpu.assume_multiple %add3A_70, 8 : i32
      %dma_start3A_72 = arith.constant 0 : i32
      %dma_start3A_73 = tpu.memref_slice %arg4[%multiple_of3A_71, %dma_start3A_72] : memref<10240x32xi32, #tpu.memory_space<hbm>> -> memref<32x32xi32, #tpu.memory_space<hbm>>
      %dma_start3A_74 = arith.constant 0 : i32
      %dma_start3A_75 = tpu.memref_slice %arg4[%multiple_of3A_71, %dma_start3A_74] : memref<10240x32xi32, #tpu.memory_space<hbm>> -> memref<32x32xi32, #tpu.memory_space<hbm>>
      tpu.enqueue_dma source(%dma_start3A_75 : memref<32x32xi32, #tpu.memory_space<hbm>>) target(%arg9 : memref<32x32xi32, #tpu.memory_space<vmem>>) target_semaphore(%arg16 : memref<!tpu.dma_semaphore, #tpu.memory_space<semaphore_mem>>)
    } else {
    }
    %barrier3A = arith.constant 0 : index
    tpu.barrier barrier_id(%barrier3A)
    %div3A = arith.constant 2 : i32
    %div3A_23 = arith.divsi %select_n3A_6, %div3A : i32
    %while3A = arith.constant 0 : i32
    %while3A_24 = arith.constant 0 : i32
    %while3A_25 = arith.subi %div3A_23, %while3A : i32
    %while3A_26 = arith.addi %while3A, %while3A_25 : i32
    %while3A_27 = arith.constant 1 : i32
    %while3A_28 = arith.divsi %while3A_25, %while3A_27 : i32
    %while3A_29 = arith.muli %while3A_28, %while3A_27 : i32
    %while3A_30 = arith.addi %while3A, %while3A_29 : i32
    %while3A_31 = arith.constant 1 : i32
    %while3A_32 = scf.for %while3A_45 = %while3A to %while3A_30 step %while3A_31 iter_args(%while3A_46 = %while3A_24) -> (i32)  : i32 {
      %mul3A_47 = arith.constant 2 : i32
      %mul3A_48 = arith.muli %mul3A_47, %while3A_45 : i32
      %dma_wait3A = arith.constant 0 : i32
      %dma_wait3A_49 = arith.constant 0 : i32
      %dma_wait3A_50 = tpu.memref_slice %arg3[%dma_wait3A, %dma_wait3A_49] : memref<2560x128xi32, #tpu.memory_space<hbm>> -> memref<8x128xi32, #tpu.memory_space<hbm>>
      %dma_wait3A_51 = arith.constant 0 : i32
      %dma_wait3A_52 = arith.constant 0 : i32
      %dma_wait3A_53 = tpu.memref_slice %arg3[%dma_wait3A_51, %dma_wait3A_52] : memref<2560x128xi32, #tpu.memory_space<hbm>> -> memref<8x128xi32, #tpu.memory_space<hbm>>
      tpu.wait_dma2 semaphore(%arg15 : memref<!tpu.dma_semaphore, #tpu.memory_space<semaphore_mem>>) src(%dma_wait3A_53 : memref<8x128xi32, #tpu.memory_space<hbm>>) dst(%arg6 : memref<8x128xi32, #tpu.memory_space<vmem>>)
      %dma_wait3A_54 = arith.constant 0 : i32
      %dma_wait3A_55 = arith.constant 0 : i32
      %dma_wait3A_56 = tpu.memref_slice %arg4[%dma_wait3A_54, %dma_wait3A_55] : memref<10240x32xi32, #tpu.memory_space<hbm>> -> memref<32x32xi32, #tpu.memory_space<hbm>>
      %dma_wait3A_57 = arith.constant 0 : i32
      %dma_wait3A_58 = arith.constant 0 : i32
      %dma_wait3A_59 = tpu.memref_slice %arg4[%dma_wait3A_57, %dma_wait3A_58] : memref<10240x32xi32, #tpu.memory_space<hbm>> -> memref<32x32xi32, #tpu.memory_space<hbm>>
      tpu.wait_dma2 semaphore(%arg15 : memref<!tpu.dma_semaphore, #tpu.memory_space<semaphore_mem>>) src(%dma_wait3A_59 : memref<32x32xi32, #tpu.memory_space<hbm>>) dst(%arg8 : memref<32x32xi32, #tpu.memory_space<vmem>>)
      %rem3A = arith.constant 0 : i32
      %rem3A_60 = arith.constant 4 : i32
      %rem3A_61 = arith.remsi %rem3A, %rem3A_60 : i32
      %mul3A_62 = arith.constant 32 : i32
      %mul3A_63 = arith.muli %rem3A_61, %mul3A_62 : i32
      %div3A_64 = arith.constant 0 : i32
      %div3A_65 = arith.constant 4 : i32
      %div3A_66 = arith.divsi %div3A_64, %div3A_65 : i32
      %multiple_of3A_67 = tpu.assume_multiple %mul3A_63, 32 : i32
      %dma_start3A = tpu.memref_slice %arg6[%div3A_66, %multiple_of3A_67] : memref<8x128xi32, #tpu.memory_space<vmem>> -> memref<1x32xi32, #tpu.memory_space<vmem>>
      %dma_start3A_68 = tpu.memref_squeeze %dma_start3A : memref<1x32xi32, #tpu.memory_space<vmem>> -> memref<32xi32, #tpu.memory_space<vmem>>
      %dma_start3A_69 = arith.constant 0 : i32
      %dma_start3A_70 = arith.constant 0 : i32
      %dma_start3A_71 = tpu.memref_slice %arg2[%dma_start3A_69, %dma_start3A_70] : memref<10000x128xf32, #tpu.memory_space<hbm>> -> memref<10000x128xf32, #tpu.memory_space<hbm>>
      tpu.enqueue_indirect_dma source(%dma_start3A_71 : memref<10000x128xf32, #tpu.memory_space<hbm>>) target(%arg10 : memref<32x128xf32, #tpu.memory_space<vmem>>) offsets(%dma_start3A_68 : memref<32xi32, #tpu.memory_space<vmem>>) semaphore(%arg17 : memref<!tpu.dma_semaphore, #tpu.memory_space<semaphore_mem>>)
      %rem3A_72 = arith.constant 1 : i32
      %rem3A_73 = arith.constant 4 : i32
      %rem3A_74 = arith.remsi %rem3A_72, %rem3A_73 : i32
      %mul3A_75 = arith.constant 32 : i32
      %mul3A_76 = arith.muli %rem3A_74, %mul3A_75 : i32
      %div3A_77 = arith.constant 1 : i32
      %div3A_78 = arith.constant 4 : i32
      %div3A_79 = arith.divsi %div3A_77, %div3A_78 : i32
      %multiple_of3A_80 = tpu.assume_multiple %mul3A_76, 32 : i32
      %dma_start3A_81 = tpu.memref_slice %arg6[%div3A_79, %multiple_of3A_80] : memref<8x128xi32, #tpu.memory_space<vmem>> -> memref<1x32xi32, #tpu.memory_space<vmem>>
      %dma_start3A_82 = tpu.memref_squeeze %dma_start3A_81 : memref<1x32xi32, #tpu.memory_space<vmem>> -> memref<32xi32, #tpu.memory_space<vmem>>
      %dma_start3A_83 = arith.constant 0 : i32
      %dma_start3A_84 = arith.constant 0 : i32
      %dma_start3A_85 = tpu.memref_slice %arg2[%dma_start3A_83, %dma_start3A_84] : memref<10000x128xf32, #tpu.memory_space<hbm>> -> memref<10000x128xf32, #tpu.memory_space<hbm>>
      tpu.enqueue_indirect_dma source(%dma_start3A_85 : memref<10000x128xf32, #tpu.memory_space<hbm>>) target(%arg11 : memref<32x128xf32, #tpu.memory_space<vmem>>) offsets(%dma_start3A_82 : memref<32xi32, #tpu.memory_space<vmem>>) semaphore(%arg18 : memref<!tpu.dma_semaphore, #tpu.memory_space<semaphore_mem>>)
      %rem3A_86 = arith.constant 2 : i32
      %rem3A_87 = arith.constant 4 : i32
      %rem3A_88 = arith.remsi %rem3A_86, %rem3A_87 : i32
      %mul3A_89 = arith.constant 32 : i32
      %mul3A_90 = arith.muli %rem3A_88, %mul3A_89 : i32
      %div3A_91 = arith.constant 2 : i32
      %div3A_92 = arith.constant 4 : i32
      %div3A_93 = arith.divsi %div3A_91, %div3A_92 : i32
      %multiple_of3A_94 = tpu.assume_multiple %mul3A_90, 32 : i32
      %dma_start3A_95 = tpu.memref_slice %arg6[%div3A_93, %multiple_of3A_94] : memref<8x128xi32, #tpu.memory_space<vmem>> -> memref<1x32xi32, #tpu.memory_space<vmem>>
      %dma_start3A_96 = tpu.memref_squeeze %dma_start3A_95 : memref<1x32xi32, #tpu.memory_space<vmem>> -> memref<32xi32, #tpu.memory_space<vmem>>
      %dma_start3A_97 = arith.constant 0 : i32
      %dma_start3A_98 = arith.constant 0 : i32
      %dma_start3A_99 = tpu.memref_slice %arg2[%dma_start3A_97, %dma_start3A_98] : memref<10000x128xf32, #tpu.memory_space<hbm>> -> memref<10000x128xf32, #tpu.memory_space<hbm>>
      tpu.enqueue_indirect_dma source(%dma_start3A_99 : memref<10000x128xf32, #tpu.memory_space<hbm>>) target(%arg12 : memref<32x128xf32, #tpu.memory_space<vmem>>) offsets(%dma_start3A_96 : memref<32xi32, #tpu.memory_space<vmem>>) semaphore(%arg19 : memref<!tpu.dma_semaphore, #tpu.memory_space<semaphore_mem>>)
      %rem3A_100 = arith.constant 3 : i32
      %rem3A_101 = arith.constant 4 : i32
      %rem3A_102 = arith.remsi %rem3A_100, %rem3A_101 : i32
      %mul3A_103 = arith.constant 32 : i32
      %mul3A_104 = arith.muli %rem3A_102, %mul3A_103 : i32
      %div3A_105 = arith.constant 3 : i32
      %div3A_106 = arith.constant 4 : i32
      %div3A_107 = arith.divsi %div3A_105, %div3A_106 : i32
      %multiple_of3A_108 = tpu.assume_multiple %mul3A_104, 32 : i32
      %dma_start3A_109 = tpu.memref_slice %arg6[%div3A_107, %multiple_of3A_108] : memref<8x128xi32, #tpu.memory_space<vmem>> -> memref<1x32xi32, #tpu.memory_space<vmem>>
      %dma_start3A_110 = tpu.memref_squeeze %dma_start3A_109 : memref<1x32xi32, #tpu.memory_space<vmem>> -> memref<32xi32, #tpu.memory_space<vmem>>
      %dma_start3A_111 = arith.constant 0 : i32
      %dma_start3A_112 = arith.constant 0 : i32
      %dma_start3A_113 = tpu.memref_slice %arg2[%dma_start3A_111, %dma_start3A_112] : memref<10000x128xf32, #tpu.memory_space<hbm>> -> memref<10000x128xf32, #tpu.memory_space<hbm>>
      tpu.enqueue_indirect_dma source(%dma_start3A_113 : memref<10000x128xf32, #tpu.memory_space<hbm>>) target(%arg13 : memref<32x128xf32, #tpu.memory_space<vmem>>) offsets(%dma_start3A_110 : memref<32xi32, #tpu.memory_space<vmem>>) semaphore(%arg20 : memref<!tpu.dma_semaphore, #tpu.memory_space<semaphore_mem>>)
      %scan3A_114 = arith.constant 0 : i32
      %scan3A_115 = arith.constant 0 : i32
      %scan3A_116 = arith.constant 8 : i32
      %scan3A_117 = arith.addi %scan3A_115, %scan3A_116 : i32
      %scan3A_118 = arith.constant 1 : i32
      %scan3A_119 = scf.for %scan3A_212 = %scan3A_115 to %scan3A_117 step %scan3A_118 iter_args(%scan3A_213 = %scan3A_114) -> (i32)  : i32 {
        %mul3A_214 = arith.constant 4 : i32
        %mul3A_215 = arith.muli %scan3A_212, %mul3A_214 : i32
        %add3A_216 = arith.constant 0 : i32
        %add3A_217 = arith.addi %mul3A_215, %add3A_216 : i32
        %rem3A_218 = arith.constant 4 : i32
        %rem3A_219 = arith.remsi %add3A_217, %rem3A_218 : i32
        %mul3A_220 = arith.constant 32 : i32
        %mul3A_221 = arith.muli %rem3A_219, %mul3A_220 : i32
        %div3A_222 = arith.constant 4 : i32
        %div3A_223 = arith.divsi %add3A_217, %div3A_222 : i32
        %multiple_of3A_224 = tpu.assume_multiple %mul3A_221, 32 : i32
        %dma_wait3A_225 = tpu.memref_slice %arg6[%div3A_223, %multiple_of3A_224] : memref<8x128xi32, #tpu.memory_space<vmem>> -> memref<1x32xi32, #tpu.memory_space<vmem>>
        %dma_wait3A_226 = tpu.memref_squeeze %dma_wait3A_225 : memref<1x32xi32, #tpu.memory_space<vmem>> -> memref<32xi32, #tpu.memory_space<vmem>>
        %dma_wait3A_227 = arith.constant 0 : i32
        %dma_wait3A_228 = arith.constant 0 : i32
        %dma_wait3A_229 = tpu.memref_slice %arg2[%dma_wait3A_227, %dma_wait3A_228] : memref<10000x128xf32, #tpu.memory_space<hbm>> -> memref<10000x128xf32, #tpu.memory_space<hbm>>
        tpu.wait_indirect_dma semaphore(%arg17 : memref<!tpu.dma_semaphore, #tpu.memory_space<semaphore_mem>>) src(%dma_wait3A_229 : memref<10000x128xf32, #tpu.memory_space<hbm>>) dst(%arg10 : memref<32x128xf32, #tpu.memory_space<vmem>>)
        "tpu.region"() ({
          %run_scoped3A = tpu.sem_alloc : memref<!tpu.dma_semaphore, #tpu.memory_space<semaphore_mem>>
          %dma_start3A_307 = arith.constant 0 : i32
          %dma_start3A_308 = tpu.memref_slice %arg8[%add3A_217, %dma_start3A_307] : memref<32x32xi32, #tpu.memory_space<vmem>> -> memref<1x32xi32, #tpu.memory_space<vmem>>
          %dma_start3A_309 = tpu.memref_squeeze %dma_start3A_308 : memref<1x32xi32, #tpu.memory_space<vmem>> -> memref<32xi32, #tpu.memory_space<vmem>>
          %dma_start3A_310 = arith.constant 0 : i32
          %dma_start3A_311 = arith.constant 0 : i32
          %dma_start3A_312 = tpu.memref_slice %arg14[%dma_start3A_310, %dma_start3A_311] : memref<10240x128xf32, #tpu.memory_space<vmem_shared>> -> memref<10240x128xf32, #tpu.memory_space<vmem_shared>>
          tpu.enqueue_indirect_dma source(%arg10 : memref<32x128xf32, #tpu.memory_space<vmem>>) target(%dma_start3A_312 : memref<10240x128xf32, #tpu.memory_space<vmem_shared>>) offsets(%dma_start3A_309 : memref<32xi32, #tpu.memory_space<vmem>>) semaphore(%run_scoped3A : memref<!tpu.dma_semaphore, #tpu.memory_space<semaphore_mem>>) {add = true}
          %dma_wait3A_313 = arith.constant 0 : i32
          %dma_wait3A_314 = tpu.memref_slice %arg8[%add3A_217, %dma_wait3A_313] : memref<32x32xi32, #tpu.memory_space<vmem>> -> memref<1x32xi32, #tpu.memory_space<vmem>>
          %dma_wait3A_315 = tpu.memref_squeeze %dma_wait3A_314 : memref<1x32xi32, #tpu.memory_space<vmem>> -> memref<32xi32, #tpu.memory_space<vmem>>
          %dma_wait3A_316 = arith.constant 0 : i32
          %dma_wait3A_317 = arith.constant 0 : i32
          %dma_wait3A_318 = tpu.memref_slice %arg14[%dma_wait3A_316, %dma_wait3A_317] : memref<10240x128xf32, #tpu.memory_space<vmem_shared>> -> memref<10240x128xf32, #tpu.memory_space<vmem_shared>>
          tpu.wait_indirect_dma semaphore(%run_scoped3A : memref<!tpu.dma_semaphore, #tpu.memory_space<semaphore_mem>>) src(%arg10 : memref<32x128xf32, #tpu.memory_space<vmem>>) dst(%dma_wait3A_318 : memref<10240x128xf32, #tpu.memory_space<vmem_shared>>)
          tpu.yield
        }) : () -> ()
        %add3A_230 = arith.constant 4 : i32
        %add3A_231 = arith.addi %add3A_217, %add3A_230 : i32
        %lt3A_232 = arith.constant 32 : i32
        %lt3A_233 = arith.cmpi slt, %add3A_231, %lt3A_232 : i32
        %convert_element_type3A_234 = arith.extui %lt3A_233 : i1 to i32
        %cond3A_235 = arith.constant 0 : i32
        %cond3A_236 = arith.cmpi ne, %convert_element_type3A_234, %cond3A_235 : i32
        scf.if %cond3A_236 {
          %add3A_307 = arith.constant 4 : i32
          %add3A_308 = arith.addi %add3A_217, %add3A_307 : i32
          %rem3A_309 = arith.constant 4 : i32
          %rem3A_310 = arith.remsi %add3A_308, %rem3A_309 : i32
          %mul3A_311 = arith.constant 32 : i32
          %mul3A_312 = arith.muli %rem3A_310, %mul3A_311 : i32
          %div3A_313 = arith.constant 4 : i32
          %div3A_314 = arith.divsi %add3A_308, %div3A_313 : i32
          %multiple_of3A_315 = tpu.assume_multiple %mul3A_312, 32 : i32
          %dma_start3A_316 = tpu.memref_slice %arg6[%div3A_314, %multiple_of3A_315] : memref<8x128xi32, #tpu.memory_space<vmem>> -> memref<1x32xi32, #tpu.memory_space<vmem>>
          %dma_start3A_317 = tpu.memref_squeeze %dma_start3A_316 : memref<1x32xi32, #tpu.memory_space<vmem>> -> memref<32xi32, #tpu.memory_space<vmem>>
          %dma_start3A_318 = arith.constant 0 : i32
          %dma_start3A_319 = arith.constant 0 : i32
          %dma_start3A_320 = tpu.memref_slice %arg2[%dma_start3A_318, %dma_start3A_319] : memref<10000x128xf32, #tpu.memory_space<hbm>> -> memref<10000x128xf32, #tpu.memory_space<hbm>>
          tpu.enqueue_indirect_dma source(%dma_start3A_320 : memref<10000x128xf32, #tpu.memory_space<hbm>>) target(%arg10 : memref<32x128xf32, #tpu.memory_space<vmem>>) offsets(%dma_start3A_317 : memref<32xi32, #tpu.memory_space<vmem>>) semaphore(%arg17 : memref<!tpu.dma_semaphore, #tpu.memory_space<semaphore_mem>>)
        } else {
        }
        %mul3A_237 = arith.constant 4 : i32
        %mul3A_238 = arith.muli %scan3A_212, %mul3A_237 : i32
        %add3A_239 = arith.constant 1 : i32
        %add3A_240 = arith.addi %mul3A_238, %add3A_239 : i32
        %rem3A_241 = arith.constant 4 : i32
        %rem3A_242 = arith.remsi %add3A_240, %rem3A_241 : i32
        %mul3A_243 = arith.constant 32 : i32
        %mul3A_244 = arith.muli %rem3A_242, %mul3A_243 : i32
        %div3A_245 = arith.constant 4 : i32
        %div3A_246 = arith.divsi %add3A_240, %div3A_245 : i32
        %multiple_of3A_247 = tpu.assume_multiple %mul3A_244, 32 : i32
        %dma_wait3A_248 = tpu.memref_slice %arg6[%div3A_246, %multiple_of3A_247] : memref<8x128xi32, #tpu.memory_space<vmem>> -> memref<1x32xi32, #tpu.memory_space<vmem>>
        %dma_wait3A_249 = tpu.memref_squeeze %dma_wait3A_248 : memref<1x32xi32, #tpu.memory_space<vmem>> -> memref<32xi32, #tpu.memory_space<vmem>>
        %dma_wait3A_250 = arith.constant 0 : i32
        %dma_wait3A_251 = arith.constant 0 : i32
        %dma_wait3A_252 = tpu.memref_slice %arg2[%dma_wait3A_250, %dma_wait3A_251] : memref<10000x128xf32, #tpu.memory_space<hbm>> -> memref<10000x128xf32, #tpu.memory_space<hbm>>
        tpu.wait_indirect_dma semaphore(%arg18 : memref<!tpu.dma_semaphore, #tpu.memory_space<semaphore_mem>>) src(%dma_wait3A_252 : memref<10000x128xf32, #tpu.memory_space<hbm>>) dst(%arg11 : memref<32x128xf32, #tpu.memory_space<vmem>>)
        "tpu.region"() ({
          %run_scoped3A = tpu.sem_alloc : memref<!tpu.dma_semaphore, #tpu.memory_space<semaphore_mem>>
          %dma_start3A_307 = arith.constant 0 : i32
          %dma_start3A_308 = tpu.memref_slice %arg8[%add3A_240, %dma_start3A_307] : memref<32x32xi32, #tpu.memory_space<vmem>> -> memref<1x32xi32, #tpu.memory_space<vmem>>
          %dma_start3A_309 = tpu.memref_squeeze %dma_start3A_308 : memref<1x32xi32, #tpu.memory_space<vmem>> -> memref<32xi32, #tpu.memory_space<vmem>>
          %dma_start3A_310 = arith.constant 0 : i32
          %dma_start3A_311 = arith.constant 0 : i32
          %dma_start3A_312 = tpu.memref_slice %arg14[%dma_start3A_310, %dma_start3A_311] : memref<10240x128xf32, #tpu.memory_space<vmem_shared>> -> memref<10240x128xf32, #tpu.memory_space<vmem_shared>>
          tpu.enqueue_indirect_dma source(%arg11 : memref<32x128xf32, #tpu.memory_space<vmem>>) target(%dma_start3A_312 : memref<10240x128xf32, #tpu.memory_space<vmem_shared>>) offsets(%dma_start3A_309 : memref<32xi32, #tpu.memory_space<vmem>>) semaphore(%run_scoped3A : memref<!tpu.dma_semaphore, #tpu.memory_space<semaphore_mem>>) {add = true}
          %dma_wait3A_313 = arith.constant 0 : i32
          %dma_wait3A_314 = tpu.memref_slice %arg8[%add3A_240, %dma_wait3A_313] : memref<32x32xi32, #tpu.memory_space<vmem>> -> memref<1x32xi32, #tpu.memory_space<vmem>>
          %dma_wait3A_315 = tpu.memref_squeeze %dma_wait3A_314 : memref<1x32xi32, #tpu.memory_space<vmem>> -> memref<32xi32, #tpu.memory_space<vmem>>
          %dma_wait3A_316 = arith.constant 0 : i32
          %dma_wait3A_317 = arith.constant 0 : i32
          %dma_wait3A_318 = tpu.memref_slice %arg14[%dma_wait3A_316, %dma_wait3A_317] : memref<10240x128xf32, #tpu.memory_space<vmem_shared>> -> memref<10240x128xf32, #tpu.memory_space<vmem_shared>>
          tpu.wait_indirect_dma semaphore(%run_scoped3A : memref<!tpu.dma_semaphore, #tpu.memory_space<semaphore_mem>>) src(%arg11 : memref<32x128xf32, #tpu.memory_space<vmem>>) dst(%dma_wait3A_318 : memref<10240x128xf32, #tpu.memory_space<vmem_shared>>)
          tpu.yield
        }) : () -> ()
        %add3A_253 = arith.constant 4 : i32
        %add3A_254 = arith.addi %add3A_240, %add3A_253 : i32
        %lt3A_255 = arith.constant 32 : i32
        %lt3A_256 = arith.cmpi slt, %add3A_254, %lt3A_255 : i32
        %convert_element_type3A_257 = arith.extui %lt3A_256 : i1 to i32
        %cond3A_258 = arith.constant 0 : i32
        %cond3A_259 = arith.cmpi ne, %convert_element_type3A_257, %cond3A_258 : i32
        scf.if %cond3A_259 {
          %add3A_307 = arith.constant 4 : i32
          %add3A_308 = arith.addi %add3A_240, %add3A_307 : i32
          %rem3A_309 = arith.constant 4 : i32
          %rem3A_310 = arith.remsi %add3A_308, %rem3A_309 : i32
          %mul3A_311 = arith.constant 32 : i32
          %mul3A_312 = arith.muli %rem3A_310, %mul3A_311 : i32
          %div3A_313 = arith.constant 4 : i32
          %div3A_314 = arith.divsi %add3A_308, %div3A_313 : i32
          %multiple_of3A_315 = tpu.assume_multiple %mul3A_312, 32 : i32
          %dma_start3A_316 = tpu.memref_slice %arg6[%div3A_314, %multiple_of3A_315] : memref<8x128xi32, #tpu.memory_space<vmem>> -> memref<1x32xi32, #tpu.memory_space<vmem>>
          %dma_start3A_317 = tpu.memref_squeeze %dma_start3A_316 : memref<1x32xi32, #tpu.memory_space<vmem>> -> memref<32xi32, #tpu.memory_space<vmem>>
          %dma_start3A_318 = arith.constant 0 : i32
          %dma_start3A_319 = arith.constant 0 : i32
          %dma_start3A_320 = tpu.memref_slice %arg2[%dma_start3A_318, %dma_start3A_319] : memref<10000x128xf32, #tpu.memory_space<hbm>> -> memref<10000x128xf32, #tpu.memory_space<hbm>>
          tpu.enqueue_indirect_dma source(%dma_start3A_320 : memref<10000x128xf32, #tpu.memory_space<hbm>>) target(%arg11 : memref<32x128xf32, #tpu.memory_space<vmem>>) offsets(%dma_start3A_317 : memref<32xi32, #tpu.memory_space<vmem>>) semaphore(%arg18 : memref<!tpu.dma_semaphore, #tpu.memory_space<semaphore_mem>>)
        } else {
        }
        %mul3A_260 = arith.constant 4 : i32
        %mul3A_261 = arith.muli %scan3A_212, %mul3A_260 : i32
        %add3A_262 = arith.constant 2 : i32
        %add3A_263 = arith.addi %mul3A_261, %add3A_262 : i32
        %rem3A_264 = arith.constant 4 : i32
        %rem3A_265 = arith.remsi %add3A_263, %rem3A_264 : i32
        %mul3A_266 = arith.constant 32 : i32
        %mul3A_267 = arith.muli %rem3A_265, %mul3A_266 : i32
        %div3A_268 = arith.constant 4 : i32
        %div3A_269 = arith.divsi %add3A_263, %div3A_268 : i32
        %multiple_of3A_270 = tpu.assume_multiple %mul3A_267, 32 : i32
        %dma_wait3A_271 = tpu.memref_slice %arg6[%div3A_269, %multiple_of3A_270] : memref<8x128xi32, #tpu.memory_space<vmem>> -> memref<1x32xi32, #tpu.memory_space<vmem>>
        %dma_wait3A_272 = tpu.memref_squeeze %dma_wait3A_271 : memref<1x32xi32, #tpu.memory_space<vmem>> -> memref<32xi32, #tpu.memory_space<vmem>>
        %dma_wait3A_273 = arith.constant 0 : i32
        %dma_wait3A_274 = arith.constant 0 : i32
        %dma_wait3A_275 = tpu.memref_slice %arg2[%dma_wait3A_273, %dma_wait3A_274] : memref<10000x128xf32, #tpu.memory_space<hbm>> -> memref<10000x128xf32, #tpu.memory_space<hbm>>
        tpu.wait_indirect_dma semaphore(%arg19 : memref<!tpu.dma_semaphore, #tpu.memory_space<semaphore_mem>>) src(%dma_wait3A_275 : memref<10000x128xf32, #tpu.memory_space<hbm>>) dst(%arg12 : memref<32x128xf32, #tpu.memory_space<vmem>>)
        "tpu.region"() ({
          %run_scoped3A = tpu.sem_alloc : memref<!tpu.dma_semaphore, #tpu.memory_space<semaphore_mem>>
          %dma_start3A_307 = arith.constant 0 : i32
          %dma_start3A_308 = tpu.memref_slice %arg8[%add3A_263, %dma_start3A_307] : memref<32x32xi32, #tpu.memory_space<vmem>> -> memref<1x32xi32, #tpu.memory_space<vmem>>
          %dma_start3A_309 = tpu.memref_squeeze %dma_start3A_308 : memref<1x32xi32, #tpu.memory_space<vmem>> -> memref<32xi32, #tpu.memory_space<vmem>>
          %dma_start3A_310 = arith.constant 0 : i32
          %dma_start3A_311 = arith.constant 0 : i32
          %dma_start3A_312 = tpu.memref_slice %arg14[%dma_start3A_310, %dma_start3A_311] : memref<10240x128xf32, #tpu.memory_space<vmem_shared>> -> memref<10240x128xf32, #tpu.memory_space<vmem_shared>>
          tpu.enqueue_indirect_dma source(%arg12 : memref<32x128xf32, #tpu.memory_space<vmem>>) target(%dma_start3A_312 : memref<10240x128xf32, #tpu.memory_space<vmem_shared>>) offsets(%dma_start3A_309 : memref<32xi32, #tpu.memory_space<vmem>>) semaphore(%run_scoped3A : memref<!tpu.dma_semaphore, #tpu.memory_space<semaphore_mem>>) {add = true}
          %dma_wait3A_313 = arith.constant 0 : i32
          %dma_wait3A_314 = tpu.memref_slice %arg8[%add3A_263, %dma_wait3A_313] : memref<32x32xi32, #tpu.memory_space<vmem>> -> memref<1x32xi32, #tpu.memory_space<vmem>>
          %dma_wait3A_315 = tpu.memref_squeeze %dma_wait3A_314 : memref<1x32xi32, #tpu.memory_space<vmem>> -> memref<32xi32, #tpu.memory_space<vmem>>
          %dma_wait3A_316 = arith.constant 0 : i32
          %dma_wait3A_317 = arith.constant 0 : i32
          %dma_wait3A_318 = tpu.memref_slice %arg14[%dma_wait3A_316, %dma_wait3A_317] : memref<10240x128xf32, #tpu.memory_space<vmem_shared>> -> memref<10240x128xf32, #tpu.memory_space<vmem_shared>>
          tpu.wait_indirect_dma semaphore(%run_scoped3A : memref<!tpu.dma_semaphore, #tpu.memory_space<semaphore_mem>>) src(%arg12 : memref<32x128xf32, #tpu.memory_space<vmem>>) dst(%dma_wait3A_318 : memref<10240x128xf32, #tpu.memory_space<vmem_shared>>)
          tpu.yield
        }) : () -> ()
        %add3A_276 = arith.constant 4 : i32
        %add3A_277 = arith.addi %add3A_263, %add3A_276 : i32
        %lt3A_278 = arith.constant 32 : i32
        %lt3A_279 = arith.cmpi slt, %add3A_277, %lt3A_278 : i32
        %convert_element_type3A_280 = arith.extui %lt3A_279 : i1 to i32
        %cond3A_281 = arith.constant 0 : i32
        %cond3A_282 = arith.cmpi ne, %convert_element_type3A_280, %cond3A_281 : i32
        scf.if %cond3A_282 {
          %add3A_307 = arith.constant 4 : i32
          %add3A_308 = arith.addi %add3A_263, %add3A_307 : i32
          %rem3A_309 = arith.constant 4 : i32
          %rem3A_310 = arith.remsi %add3A_308, %rem3A_309 : i32
          %mul3A_311 = arith.constant 32 : i32
          %mul3A_312 = arith.muli %rem3A_310, %mul3A_311 : i32
          %div3A_313 = arith.constant 4 : i32
          %div3A_314 = arith.divsi %add3A_308, %div3A_313 : i32
          %multiple_of3A_315 = tpu.assume_multiple %mul3A_312, 32 : i32
          %dma_start3A_316 = tpu.memref_slice %arg6[%div3A_314, %multiple_of3A_315] : memref<8x128xi32, #tpu.memory_space<vmem>> -> memref<1x32xi32, #tpu.memory_space<vmem>>
          %dma_start3A_317 = tpu.memref_squeeze %dma_start3A_316 : memref<1x32xi32, #tpu.memory_space<vmem>> -> memref<32xi32, #tpu.memory_space<vmem>>
          %dma_start3A_318 = arith.constant 0 : i32
          %dma_start3A_319 = arith.constant 0 : i32
          %dma_start3A_320 = tpu.memref_slice %arg2[%dma_start3A_318, %dma_start3A_319] : memref<10000x128xf32, #tpu.memory_space<hbm>> -> memref<10000x128xf32, #tpu.memory_space<hbm>>
          tpu.enqueue_indirect_dma source(%dma_start3A_320 : memref<10000x128xf32, #tpu.memory_space<hbm>>) target(%arg12 : memref<32x128xf32, #tpu.memory_space<vmem>>) offsets(%dma_start3A_317 : memref<32xi32, #tpu.memory_space<vmem>>) semaphore(%arg19 : memref<!tpu.dma_semaphore, #tpu.memory_space<semaphore_mem>>)
        } else {
        }
        %mul3A_283 = arith.constant 4 : i32
        %mul3A_284 = arith.muli %scan3A_212, %mul3A_283 : i32
        %add3A_285 = arith.constant 3 : i32
        %add3A_286 = arith.addi %mul3A_284, %add3A_285 : i32
        %rem3A_287 = arith.constant 4 : i32
        %rem3A_288 = arith.remsi %add3A_286, %rem3A_287 : i32
        %mul3A_289 = arith.constant 32 : i32
        %mul3A_290 = arith.muli %rem3A_288, %mul3A_289 : i32
        %div3A_291 = arith.constant 4 : i32
        %div3A_292 = arith.divsi %add3A_286, %div3A_291 : i32
        %multiple_of3A_293 = tpu.assume_multiple %mul3A_290, 32 : i32
        %dma_wait3A_294 = tpu.memref_slice %arg6[%div3A_292, %multiple_of3A_293] : memref<8x128xi32, #tpu.memory_space<vmem>> -> memref<1x32xi32, #tpu.memory_space<vmem>>
        %dma_wait3A_295 = tpu.memref_squeeze %dma_wait3A_294 : memref<1x32xi32, #tpu.memory_space<vmem>> -> memref<32xi32, #tpu.memory_space<vmem>>
        %dma_wait3A_296 = arith.constant 0 : i32
        %dma_wait3A_297 = arith.constant 0 : i32
        %dma_wait3A_298 = tpu.memref_slice %arg2[%dma_wait3A_296, %dma_wait3A_297] : memref<10000x128xf32, #tpu.memory_space<hbm>> -> memref<10000x128xf32, #tpu.memory_space<hbm>>
        tpu.wait_indirect_dma semaphore(%arg20 : memref<!tpu.dma_semaphore, #tpu.memory_space<semaphore_mem>>) src(%dma_wait3A_298 : memref<10000x128xf32, #tpu.memory_space<hbm>>) dst(%arg13 : memref<32x128xf32, #tpu.memory_space<vmem>>)
        "tpu.region"() ({
          %run_scoped3A = tpu.sem_alloc : memref<!tpu.dma_semaphore, #tpu.memory_space<semaphore_mem>>
          %dma_start3A_307 = arith.constant 0 : i32
          %dma_start3A_308 = tpu.memref_slice %arg8[%add3A_286, %dma_start3A_307] : memref<32x32xi32, #tpu.memory_space<vmem>> -> memref<1x32xi32, #tpu.memory_space<vmem>>
          %dma_start3A_309 = tpu.memref_squeeze %dma_start3A_308 : memref<1x32xi32, #tpu.memory_space<vmem>> -> memref<32xi32, #tpu.memory_space<vmem>>
          %dma_start3A_310 = arith.constant 0 : i32
          %dma_start3A_311 = arith.constant 0 : i32
          %dma_start3A_312 = tpu.memref_slice %arg14[%dma_start3A_310, %dma_start3A_311] : memref<10240x128xf32, #tpu.memory_space<vmem_shared>> -> memref<10240x128xf32, #tpu.memory_space<vmem_shared>>
          tpu.enqueue_indirect_dma source(%arg13 : memref<32x128xf32, #tpu.memory_space<vmem>>) target(%dma_start3A_312 : memref<10240x128xf32, #tpu.memory_space<vmem_shared>>) offsets(%dma_start3A_309 : memref<32xi32, #tpu.memory_space<vmem>>) semaphore(%run_scoped3A : memref<!tpu.dma_semaphore, #tpu.memory_space<semaphore_mem>>) {add = true}
          %dma_wait3A_313 = arith.constant 0 : i32
          %dma_wait3A_314 = tpu.memref_slice %arg8[%add3A_286, %dma_wait3A_313] : memref<32x32xi32, #tpu.memory_space<vmem>> -> memref<1x32xi32, #tpu.memory_space<vmem>>
          %dma_wait3A_315 = tpu.memref_squeeze %dma_wait3A_314 : memref<1x32xi32, #tpu.memory_space<vmem>> -> memref<32xi32, #tpu.memory_space<vmem>>
          %dma_wait3A_316 = arith.constant 0 : i32
          %dma_wait3A_317 = arith.constant 0 : i32
          %dma_wait3A_318 = tpu.memref_slice %arg14[%dma_wait3A_316, %dma_wait3A_317] : memref<10240x128xf32, #tpu.memory_space<vmem_shared>> -> memref<10240x128xf32, #tpu.memory_space<vmem_shared>>
          tpu.wait_indirect_dma semaphore(%run_scoped3A : memref<!tpu.dma_semaphore, #tpu.memory_space<semaphore_mem>>) src(%arg13 : memref<32x128xf32, #tpu.memory_space<vmem>>) dst(%dma_wait3A_318 : memref<10240x128xf32, #tpu.memory_space<vmem_shared>>)
          tpu.yield
        }) : () -> ()
        %add3A_299 = arith.constant 4 : i32
        %add3A_300 = arith.addi %add3A_286, %add3A_299 : i32
        %lt3A_301 = arith.constant 32 : i32
        %lt3A_302 = arith.cmpi slt, %add3A_300, %lt3A_301 : i32
        %convert_element_type3A_303 = arith.extui %lt3A_302 : i1 to i32
        %cond3A_304 = arith.constant 0 : i32
        %cond3A_305 = arith.cmpi ne, %convert_element_type3A_303, %cond3A_304 : i32
        scf.if %cond3A_305 {
          %add3A_307 = arith.constant 4 : i32
          %add3A_308 = arith.addi %add3A_286, %add3A_307 : i32
          %rem3A_309 = arith.constant 4 : i32
          %rem3A_310 = arith.remsi %add3A_308, %rem3A_309 : i32
          %mul3A_311 = arith.constant 32 : i32
          %mul3A_312 = arith.muli %rem3A_310, %mul3A_311 : i32
          %div3A_313 = arith.constant 4 : i32
          %div3A_314 = arith.divsi %add3A_308, %div3A_313 : i32
          %multiple_of3A_315 = tpu.assume_multiple %mul3A_312, 32 : i32
          %dma_start3A_316 = tpu.memref_slice %arg6[%div3A_314, %multiple_of3A_315] : memref<8x128xi32, #tpu.memory_space<vmem>> -> memref<1x32xi32, #tpu.memory_space<vmem>>
          %dma_start3A_317 = tpu.memref_squeeze %dma_start3A_316 : memref<1x32xi32, #tpu.memory_space<vmem>> -> memref<32xi32, #tpu.memory_space<vmem>>
          %dma_start3A_318 = arith.constant 0 : i32
          %dma_start3A_319 = arith.constant 0 : i32
          %dma_start3A_320 = tpu.memref_slice %arg2[%dma_start3A_318, %dma_start3A_319] : memref<10000x128xf32, #tpu.memory_space<hbm>> -> memref<10000x128xf32, #tpu.memory_space<hbm>>
          tpu.enqueue_indirect_dma source(%dma_start3A_320 : memref<10000x128xf32, #tpu.memory_space<hbm>>) target(%arg13 : memref<32x128xf32, #tpu.memory_space<vmem>>) offsets(%dma_start3A_317 : memref<32xi32, #tpu.memory_space<vmem>>) semaphore(%arg20 : memref<!tpu.dma_semaphore, #tpu.memory_space<semaphore_mem>>)
        } else {
        }
        %scan3A_306 = arith.constant 0 : i32
        scf.yield %scan3A_306 : i32
      }
      %scan3A_120 = arith.constant 8 : i32
      %add3A_121 = arith.constant 2 : i32
      %add3A_122 = arith.addi %mul3A_48, %add3A_121 : i32
      %lt3A = arith.cmpi slt, %add3A_122, %select_n3A_6 : i32
      %convert_element_type3A_123 = arith.extui %lt3A : i1 to i32
      %cond3A_124 = arith.constant 0 : i32
      %cond3A_125 = arith.cmpi ne, %convert_element_type3A_123, %cond3A_124 : i32
      scf.if %cond3A_125 {
        %add3A_212 = arith.constant 2 : i32
        %add3A_213 = arith.addi %mul3A_48, %add3A_212 : i32
        %div3A_214 = arith.constant 4 : i32
        %div3A_215 = arith.divsi %multiple_of3A, %div3A_214 : i32
        %mul3A_216 = arith.constant 8 : i32
        %mul3A_217 = arith.muli %add3A_213, %mul3A_216 : i32
        %add3A_218 = arith.addi %div3A_215, %mul3A_217 : i32
        %multiple_of3A_219 = tpu.assume_multiple %add3A_218, 8 : i32
        %dma_start3A_220 = arith.constant 0 : i32
        %dma_start3A_221 = tpu.memref_slice %arg3[%multiple_of3A_219, %dma_start3A_220] : memref<2560x128xi32, #tpu.memory_space<hbm>> -> memref<8x128xi32, #tpu.memory_space<hbm>>
        %dma_start3A_222 = arith.constant 0 : i32
        %dma_start3A_223 = tpu.memref_slice %arg3[%multiple_of3A_219, %dma_start3A_222] : memref<2560x128xi32, #tpu.memory_space<hbm>> -> memref<8x128xi32, #tpu.memory_space<hbm>>
        tpu.enqueue_dma source(%dma_start3A_223 : memref<8x128xi32, #tpu.memory_space<hbm>>) target(%arg6 : memref<8x128xi32, #tpu.memory_space<vmem>>) target_semaphore(%arg15 : memref<!tpu.dma_semaphore, #tpu.memory_space<semaphore_mem>>)
        %mul3A_224 = arith.constant 32 : i32
        %mul3A_225 = arith.muli %add3A_213, %mul3A_224 : i32
        %add3A_226 = arith.addi %multiple_of3A, %mul3A_225 : i32
        %multiple_of3A_227 = tpu.assume_multiple %add3A_226, 8 : i32
        %dma_start3A_228 = arith.constant 0 : i32
        %dma_start3A_229 = tpu.memref_slice %arg4[%multiple_of3A_227, %dma_start3A_228] : memref<10240x32xi32, #tpu.memory_space<hbm>> -> memref<32x32xi32, #tpu.memory_space<hbm>>
        %dma_start3A_230 = arith.constant 0 : i32
        %dma_start3A_231 = tpu.memref_slice %arg4[%multiple_of3A_227, %dma_start3A_230] : memref<10240x32xi32, #tpu.memory_space<hbm>> -> memref<32x32xi32, #tpu.memory_space<hbm>>
        tpu.enqueue_dma source(%dma_start3A_231 : memref<32x32xi32, #tpu.memory_space<hbm>>) target(%arg8 : memref<32x32xi32, #tpu.memory_space<vmem>>) target_semaphore(%arg15 : memref<!tpu.dma_semaphore, #tpu.memory_space<semaphore_mem>>)
      } else {
      }
      %mul3A_126 = arith.constant 2 : i32
      %mul3A_127 = arith.muli %mul3A_126, %while3A_45 : i32
      %add3A_128 = arith.constant 1 : i32
      %add3A_129 = arith.addi %mul3A_127, %add3A_128 : i32
      %dma_wait3A_130 = arith.constant 0 : i32
      %dma_wait3A_131 = arith.constant 0 : i32
      %dma_wait3A_132 = tpu.memref_slice %arg3[%dma_wait3A_130, %dma_wait3A_131] : memref<2560x128xi32, #tpu.memory_space<hbm>> -> memref<8x128xi32, #tpu.memory_space<hbm>>
      %dma_wait3A_133 = arith.constant 0 : i32
      %dma_wait3A_134 = arith.constant 0 : i32
      %dma_wait3A_135 = tpu.memref_slice %arg3[%dma_wait3A_133, %dma_wait3A_134] : memref<2560x128xi32, #tpu.memory_space<hbm>> -> memref<8x128xi32, #tpu.memory_space<hbm>>
      tpu.wait_dma2 semaphore(%arg16 : memref<!tpu.dma_semaphore, #tpu.memory_space<semaphore_mem>>) src(%dma_wait3A_135 : memref<8x128xi32, #tpu.memory_space<hbm>>) dst(%arg7 : memref<8x128xi32, #tpu.memory_space<vmem>>)
      %dma_wait3A_136 = arith.constant 0 : i32
      %dma_wait3A_137 = arith.constant 0 : i32
      %dma_wait3A_138 = tpu.memref_slice %arg4[%dma_wait3A_136, %dma_wait3A_137] : memref<10240x32xi32, #tpu.memory_space<hbm>> -> memref<32x32xi32, #tpu.memory_space<hbm>>
      %dma_wait3A_139 = arith.constant 0 : i32
      %dma_wait3A_140 = arith.constant 0 : i32
      %dma_wait3A_141 = tpu.memref_slice %arg4[%dma_wait3A_139, %dma_wait3A_140] : memref<10240x32xi32, #tpu.memory_space<hbm>> -> memref<32x32xi32, #tpu.memory_space<hbm>>
      tpu.wait_dma2 semaphore(%arg16 : memref<!tpu.dma_semaphore, #tpu.memory_space<semaphore_mem>>) src(%dma_wait3A_141 : memref<32x32xi32, #tpu.memory_space<hbm>>) dst(%arg9 : memref<32x32xi32, #tpu.memory_space<vmem>>)
      %rem3A_142 = arith.constant 0 : i32
      %rem3A_143 = arith.constant 4 : i32
      %rem3A_144 = arith.remsi %rem3A_142, %rem3A_143 : i32
      %mul3A_145 = arith.constant 32 : i32
      %mul3A_146 = arith.muli %rem3A_144, %mul3A_145 : i32
      %div3A_147 = arith.constant 0 : i32
      %div3A_148 = arith.constant 4 : i32
      %div3A_149 = arith.divsi %div3A_147, %div3A_148 : i32
      %multiple_of3A_150 = tpu.assume_multiple %mul3A_146, 32 : i32
      %dma_start3A_151 = tpu.memref_slice %arg7[%div3A_149, %multiple_of3A_150] : memref<8x128xi32, #tpu.memory_space<vmem>> -> memref<1x32xi32, #tpu.memory_space<vmem>>
      %dma_start3A_152 = tpu.memref_squeeze %dma_start3A_151 : memref<1x32xi32, #tpu.memory_space<vmem>> -> memref<32xi32, #tpu.memory_space<vmem>>
      %dma_start3A_153 = arith.constant 0 : i32
      %dma_start3A_154 = arith.constant 0 : i32
      %dma_start3A_155 = tpu.memref_slice %arg2[%dma_start3A_153, %dma_start3A_154] : memref<10000x128xf32, #tpu.memory_space<hbm>> -> memref<10000x128xf32, #tpu.memory_space<hbm>>
      tpu.enqueue_indirect_dma source(%dma_start3A_155 : memref<10000x128xf32, #tpu.memory_space<hbm>>) target(%arg10 : memref<32x128xf32, #tpu.memory_space<vmem>>) offsets(%dma_start3A_152 : memref<32xi32, #tpu.memory_space<vmem>>) semaphore(%arg17 : memref<!tpu.dma_semaphore, #tpu.memory_space<semaphore_mem>>)
      %rem3A_156 = arith.constant 1 : i32
      %rem3A_157 = arith.constant 4 : i32
      %rem3A_158 = arith.remsi %rem3A_156, %rem3A_157 : i32
      %mul3A_159 = arith.constant 32 : i32
      %mul3A_160 = arith.muli %rem3A_158, %mul3A_159 : i32
      %div3A_161 = arith.constant 1 : i32
      %div3A_162 = arith.constant 4 : i32
      %div3A_163 = arith.divsi %div3A_161, %div3A_162 : i32
      %multiple_of3A_164 = tpu.assume_multiple %mul3A_160, 32 : i32
      %dma_start3A_165 = tpu.memref_slice %arg7[%div3A_163, %multiple_of3A_164] : memref<8x128xi32, #tpu.memory_space<vmem>> -> memref<1x32xi32, #tpu.memory_space<vmem>>
      %dma_start3A_166 = tpu.memref_squeeze %dma_start3A_165 : memref<1x32xi32, #tpu.memory_space<vmem>> -> memref<32xi32, #tpu.memory_space<vmem>>
      %dma_start3A_167 = arith.constant 0 : i32
      %dma_start3A_168 = arith.constant 0 : i32
      %dma_start3A_169 = tpu.memref_slice %arg2[%dma_start3A_167, %dma_start3A_168] : memref<10000x128xf32, #tpu.memory_space<hbm>> -> memref<10000x128xf32, #tpu.memory_space<hbm>>
      tpu.enqueue_indirect_dma source(%dma_start3A_169 : memref<10000x128xf32, #tpu.memory_space<hbm>>) target(%arg11 : memref<32x128xf32, #tpu.memory_space<vmem>>) offsets(%dma_start3A_166 : memref<32xi32, #tpu.memory_space<vmem>>) semaphore(%arg18 : memref<!tpu.dma_semaphore, #tpu.memory_space<semaphore_mem>>)
      %rem3A_170 = arith.constant 2 : i32
      %rem3A_171 = arith.constant 4 : i32
      %rem3A_172 = arith.remsi %rem3A_170, %rem3A_171 : i32
      %mul3A_173 = arith.constant 32 : i32
      %mul3A_174 = arith.muli %rem3A_172, %mul3A_173 : i32
      %div3A_175 = arith.constant 2 : i32
      %div3A_176 = arith.constant 4 : i32
      %div3A_177 = arith.divsi %div3A_175, %div3A_176 : i32
      %multiple_of3A_178 = tpu.assume_multiple %mul3A_174, 32 : i32
      %dma_start3A_179 = tpu.memref_slice %arg7[%div3A_177, %multiple_of3A_178] : memref<8x128xi32, #tpu.memory_space<vmem>> -> memref<1x32xi32, #tpu.memory_space<vmem>>
      %dma_start3A_180 = tpu.memref_squeeze %dma_start3A_179 : memref<1x32xi32, #tpu.memory_space<vmem>> -> memref<32xi32, #tpu.memory_space<vmem>>
      %dma_start3A_181 = arith.constant 0 : i32
      %dma_start3A_182 = arith.constant 0 : i32
      %dma_start3A_183 = tpu.memref_slice %arg2[%dma_start3A_181, %dma_start3A_182] : memref<10000x128xf32, #tpu.memory_space<hbm>> -> memref<10000x128xf32, #tpu.memory_space<hbm>>
      tpu.enqueue_indirect_dma source(%dma_start3A_183 : memref<10000x128xf32, #tpu.memory_space<hbm>>) target(%arg12 : memref<32x128xf32, #tpu.memory_space<vmem>>) offsets(%dma_start3A_180 : memref<32xi32, #tpu.memory_space<vmem>>) semaphore(%arg19 : memref<!tpu.dma_semaphore, #tpu.memory_space<semaphore_mem>>)
      %rem3A_184 = arith.constant 3 : i32
      %rem3A_185 = arith.constant 4 : i32
      %rem3A_186 = arith.remsi %rem3A_184, %rem3A_185 : i32
      %mul3A_187 = arith.constant 32 : i32
      %mul3A_188 = arith.muli %rem3A_186, %mul3A_187 : i32
      %div3A_189 = arith.constant 3 : i32
      %div3A_190 = arith.constant 4 : i32
      %div3A_191 = arith.divsi %div3A_189, %div3A_190 : i32
      %multiple_of3A_192 = tpu.assume_multiple %mul3A_188, 32 : i32
      %dma_start3A_193 = tpu.memref_slice %arg7[%div3A_191, %multiple_of3A_192] : memref<8x128xi32, #tpu.memory_space<vmem>> -> memref<1x32xi32, #tpu.memory_space<vmem>>
      %dma_start3A_194 = tpu.memref_squeeze %dma_start3A_193 : memref<1x32xi32, #tpu.memory_space<vmem>> -> memref<32xi32, #tpu.memory_space<vmem>>
      %dma_start3A_195 = arith.constant 0 : i32
      %dma_start3A_196 = arith.constant 0 : i32
      %dma_start3A_197 = tpu.memref_slice %arg2[%dma_start3A_195, %dma_start3A_196] : memref<10000x128xf32, #tpu.memory_space<hbm>> -> memref<10000x128xf32, #tpu.memory_space<hbm>>
      tpu.enqueue_indirect_dma source(%dma_start3A_197 : memref<10000x128xf32, #tpu.memory_space<hbm>>) target(%arg13 : memref<32x128xf32, #tpu.memory_space<vmem>>) offsets(%dma_start3A_194 : memref<32xi32, #tpu.memory_space<vmem>>) semaphore(%arg20 : memref<!tpu.dma_semaphore, #tpu.memory_space<semaphore_mem>>)
      %scan3A_198 = arith.constant 0 : i32
      %scan3A_199 = arith.constant 0 : i32
      %scan3A_200 = arith.constant 8 : i32
      %scan3A_201 = arith.addi %scan3A_199, %scan3A_200 : i32
      %scan3A_202 = arith.constant 1 : i32
      %scan3A_203 = scf.for %scan3A_212 = %scan3A_199 to %scan3A_201 step %scan3A_202 iter_args(%scan3A_213 = %scan3A_198) -> (i32)  : i32 {
        %mul3A_214 = arith.constant 4 : i32
        %mul3A_215 = arith.muli %scan3A_212, %mul3A_214 : i32
        %add3A_216 = arith.constant 0 : i32
        %add3A_217 = arith.addi %mul3A_215, %add3A_216 : i32
        %rem3A_218 = arith.constant 4 : i32
        %rem3A_219 = arith.remsi %add3A_217, %rem3A_218 : i32
        %mul3A_220 = arith.constant 32 : i32
        %mul3A_221 = arith.muli %rem3A_219, %mul3A_220 : i32
        %div3A_222 = arith.constant 4 : i32
        %div3A_223 = arith.divsi %add3A_217, %div3A_222 : i32
        %multiple_of3A_224 = tpu.assume_multiple %mul3A_221, 32 : i32
        %dma_wait3A_225 = tpu.memref_slice %arg7[%div3A_223, %multiple_of3A_224] : memref<8x128xi32, #tpu.memory_space<vmem>> -> memref<1x32xi32, #tpu.memory_space<vmem>>
        %dma_wait3A_226 = tpu.memref_squeeze %dma_wait3A_225 : memref<1x32xi32, #tpu.memory_space<vmem>> -> memref<32xi32, #tpu.memory_space<vmem>>
        %dma_wait3A_227 = arith.constant 0 : i32
        %dma_wait3A_228 = arith.constant 0 : i32
        %dma_wait3A_229 = tpu.memref_slice %arg2[%dma_wait3A_227, %dma_wait3A_228] : memref<10000x128xf32, #tpu.memory_space<hbm>> -> memref<10000x128xf32, #tpu.memory_space<hbm>>
        tpu.wait_indirect_dma semaphore(%arg17 : memref<!tpu.dma_semaphore, #tpu.memory_space<semaphore_mem>>) src(%dma_wait3A_229 : memref<10000x128xf32, #tpu.memory_space<hbm>>) dst(%arg10 : memref<32x128xf32, #tpu.memory_space<vmem>>)
        "tpu.region"() ({
          %run_scoped3A = tpu.sem_alloc : memref<!tpu.dma_semaphore, #tpu.memory_space<semaphore_mem>>
          %dma_start3A_307 = arith.constant 0 : i32
          %dma_start3A_308 = tpu.memref_slice %arg9[%add3A_217, %dma_start3A_307] : memref<32x32xi32, #tpu.memory_space<vmem>> -> memref<1x32xi32, #tpu.memory_space<vmem>>
          %dma_start3A_309 = tpu.memref_squeeze %dma_start3A_308 : memref<1x32xi32, #tpu.memory_space<vmem>> -> memref<32xi32, #tpu.memory_space<vmem>>
          %dma_start3A_310 = arith.constant 0 : i32
          %dma_start3A_311 = arith.constant 0 : i32
          %dma_start3A_312 = tpu.memref_slice %arg14[%dma_start3A_310, %dma_start3A_311] : memref<10240x128xf32, #tpu.memory_space<vmem_shared>> -> memref<10240x128xf32, #tpu.memory_space<vmem_shared>>
          tpu.enqueue_indirect_dma source(%arg10 : memref<32x128xf32, #tpu.memory_space<vmem>>) target(%dma_start3A_312 : memref<10240x128xf32, #tpu.memory_space<vmem_shared>>) offsets(%dma_start3A_309 : memref<32xi32, #tpu.memory_space<vmem>>) semaphore(%run_scoped3A : memref<!tpu.dma_semaphore, #tpu.memory_space<semaphore_mem>>) {add = true}
          %dma_wait3A_313 = arith.constant 0 : i32
          %dma_wait3A_314 = tpu.memref_slice %arg9[%add3A_217, %dma_wait3A_313] : memref<32x32xi32, #tpu.memory_space<vmem>> -> memref<1x32xi32, #tpu.memory_space<vmem>>
          %dma_wait3A_315 = tpu.memref_squeeze %dma_wait3A_314 : memref<1x32xi32, #tpu.memory_space<vmem>> -> memref<32xi32, #tpu.memory_space<vmem>>
          %dma_wait3A_316 = arith.constant 0 : i32
          %dma_wait3A_317 = arith.constant 0 : i32
          %dma_wait3A_318 = tpu.memref_slice %arg14[%dma_wait3A_316, %dma_wait3A_317] : memref<10240x128xf32, #tpu.memory_space<vmem_shared>> -> memref<10240x128xf32, #tpu.memory_space<vmem_shared>>
          tpu.wait_indirect_dma semaphore(%run_scoped3A : memref<!tpu.dma_semaphore, #tpu.memory_space<semaphore_mem>>) src(%arg10 : memref<32x128xf32, #tpu.memory_space<vmem>>) dst(%dma_wait3A_318 : memref<10240x128xf32, #tpu.memory_space<vmem_shared>>)
          tpu.yield
        }) : () -> ()
        %add3A_230 = arith.constant 4 : i32
        %add3A_231 = arith.addi %add3A_217, %add3A_230 : i32
        %lt3A_232 = arith.constant 32 : i32
        %lt3A_233 = arith.cmpi slt, %add3A_231, %lt3A_232 : i32
        %convert_element_type3A_234 = arith.extui %lt3A_233 : i1 to i32
        %cond3A_235 = arith.constant 0 : i32
        %cond3A_236 = arith.cmpi ne, %convert_element_type3A_234, %cond3A_235 : i32
        scf.if %cond3A_236 {
          %add3A_307 = arith.constant 4 : i32
          %add3A_308 = arith.addi %add3A_217, %add3A_307 : i32
          %rem3A_309 = arith.constant 4 : i32
          %rem3A_310 = arith.remsi %add3A_308, %rem3A_309 : i32
          %mul3A_311 = arith.constant 32 : i32
          %mul3A_312 = arith.muli %rem3A_310, %mul3A_311 : i32
          %div3A_313 = arith.constant 4 : i32
          %div3A_314 = arith.divsi %add3A_308, %div3A_313 : i32
          %multiple_of3A_315 = tpu.assume_multiple %mul3A_312, 32 : i32
          %dma_start3A_316 = tpu.memref_slice %arg7[%div3A_314, %multiple_of3A_315] : memref<8x128xi32, #tpu.memory_space<vmem>> -> memref<1x32xi32, #tpu.memory_space<vmem>>
          %dma_start3A_317 = tpu.memref_squeeze %dma_start3A_316 : memref<1x32xi32, #tpu.memory_space<vmem>> -> memref<32xi32, #tpu.memory_space<vmem>>
          %dma_start3A_318 = arith.constant 0 : i32
          %dma_start3A_319 = arith.constant 0 : i32
          %dma_start3A_320 = tpu.memref_slice %arg2[%dma_start3A_318, %dma_start3A_319] : memref<10000x128xf32, #tpu.memory_space<hbm>> -> memref<10000x128xf32, #tpu.memory_space<hbm>>
          tpu.enqueue_indirect_dma source(%dma_start3A_320 : memref<10000x128xf32, #tpu.memory_space<hbm>>) target(%arg10 : memref<32x128xf32, #tpu.memory_space<vmem>>) offsets(%dma_start3A_317 : memref<32xi32, #tpu.memory_space<vmem>>) semaphore(%arg17 : memref<!tpu.dma_semaphore, #tpu.memory_space<semaphore_mem>>)
        } else {
        }
        %mul3A_237 = arith.constant 4 : i32
        %mul3A_238 = arith.muli %scan3A_212, %mul3A_237 : i32
        %add3A_239 = arith.constant 1 : i32
        %add3A_240 = arith.addi %mul3A_238, %add3A_239 : i32
        %rem3A_241 = arith.constant 4 : i32
        %rem3A_242 = arith.remsi %add3A_240, %rem3A_241 : i32
        %mul3A_243 = arith.constant 32 : i32
        %mul3A_244 = arith.muli %rem3A_242, %mul3A_243 : i32
        %div3A_245 = arith.constant 4 : i32
        %div3A_246 = arith.divsi %add3A_240, %div3A_245 : i32
        %multiple_of3A_247 = tpu.assume_multiple %mul3A_244, 32 : i32
        %dma_wait3A_248 = tpu.memref_slice %arg7[%div3A_246, %multiple_of3A_247] : memref<8x128xi32, #tpu.memory_space<vmem>> -> memref<1x32xi32, #tpu.memory_space<vmem>>
        %dma_wait3A_249 = tpu.memref_squeeze %dma_wait3A_248 : memref<1x32xi32, #tpu.memory_space<vmem>> -> memref<32xi32, #tpu.memory_space<vmem>>
        %dma_wait3A_250 = arith.constant 0 : i32
        %dma_wait3A_251 = arith.constant 0 : i32
        %dma_wait3A_252 = tpu.memref_slice %arg2[%dma_wait3A_250, %dma_wait3A_251] : memref<10000x128xf32, #tpu.memory_space<hbm>> -> memref<10000x128xf32, #tpu.memory_space<hbm>>
        tpu.wait_indirect_dma semaphore(%arg18 : memref<!tpu.dma_semaphore, #tpu.memory_space<semaphore_mem>>) src(%dma_wait3A_252 : memref<10000x128xf32, #tpu.memory_space<hbm>>) dst(%arg11 : memref<32x128xf32, #tpu.memory_space<vmem>>)
        "tpu.region"() ({
          %run_scoped3A = tpu.sem_alloc : memref<!tpu.dma_semaphore, #tpu.memory_space<semaphore_mem>>
          %dma_start3A_307 = arith.constant 0 : i32
          %dma_start3A_308 = tpu.memref_slice %arg9[%add3A_240, %dma_start3A_307] : memref<32x32xi32, #tpu.memory_space<vmem>> -> memref<1x32xi32, #tpu.memory_space<vmem>>
          %dma_start3A_309 = tpu.memref_squeeze %dma_start3A_308 : memref<1x32xi32, #tpu.memory_space<vmem>> -> memref<32xi32, #tpu.memory_space<vmem>>
          %dma_start3A_310 = arith.constant 0 : i32
          %dma_start3A_311 = arith.constant 0 : i32
          %dma_start3A_312 = tpu.memref_slice %arg14[%dma_start3A_310, %dma_start3A_311] : memref<10240x128xf32, #tpu.memory_space<vmem_shared>> -> memref<10240x128xf32, #tpu.memory_space<vmem_shared>>
          tpu.enqueue_indirect_dma source(%arg11 : memref<32x128xf32, #tpu.memory_space<vmem>>) target(%dma_start3A_312 : memref<10240x128xf32, #tpu.memory_space<vmem_shared>>) offsets(%dma_start3A_309 : memref<32xi32, #tpu.memory_space<vmem>>) semaphore(%run_scoped3A : memref<!tpu.dma_semaphore, #tpu.memory_space<semaphore_mem>>) {add = true}
          %dma_wait3A_313 = arith.constant 0 : i32
          %dma_wait3A_314 = tpu.memref_slice %arg9[%add3A_240, %dma_wait3A_313] : memref<32x32xi32, #tpu.memory_space<vmem>> -> memref<1x32xi32, #tpu.memory_space<vmem>>
          %dma_wait3A_315 = tpu.memref_squeeze %dma_wait3A_314 : memref<1x32xi32, #tpu.memory_space<vmem>> -> memref<32xi32, #tpu.memory_space<vmem>>
          %dma_wait3A_316 = arith.constant 0 : i32
          %dma_wait3A_317 = arith.constant 0 : i32
          %dma_wait3A_318 = tpu.memref_slice %arg14[%dma_wait3A_316, %dma_wait3A_317] : memref<10240x128xf32, #tpu.memory_space<vmem_shared>> -> memref<10240x128xf32, #tpu.memory_space<vmem_shared>>
          tpu.wait_indirect_dma semaphore(%run_scoped3A : memref<!tpu.dma_semaphore, #tpu.memory_space<semaphore_mem>>) src(%arg11 : memref<32x128xf32, #tpu.memory_space<vmem>>) dst(%dma_wait3A_318 : memref<10240x128xf32, #tpu.memory_space<vmem_shared>>)
          tpu.yield
        }) : () -> ()
        %add3A_253 = arith.constant 4 : i32
        %add3A_254 = arith.addi %add3A_240, %add3A_253 : i32
        %lt3A_255 = arith.constant 32 : i32
        %lt3A_256 = arith.cmpi slt, %add3A_254, %lt3A_255 : i32
        %convert_element_type3A_257 = arith.extui %lt3A_256 : i1 to i32
        %cond3A_258 = arith.constant 0 : i32
        %cond3A_259 = arith.cmpi ne, %convert_element_type3A_257, %cond3A_258 : i32
        scf.if %cond3A_259 {
          %add3A_307 = arith.constant 4 : i32
          %add3A_308 = arith.addi %add3A_240, %add3A_307 : i32
          %rem3A_309 = arith.constant 4 : i32
          %rem3A_310 = arith.remsi %add3A_308, %rem3A_309 : i32
          %mul3A_311 = arith.constant 32 : i32
          %mul3A_312 = arith.muli %rem3A_310, %mul3A_311 : i32
          %div3A_313 = arith.constant 4 : i32
          %div3A_314 = arith.divsi %add3A_308, %div3A_313 : i32
          %multiple_of3A_315 = tpu.assume_multiple %mul3A_312, 32 : i32
          %dma_start3A_316 = tpu.memref_slice %arg7[%div3A_314, %multiple_of3A_315] : memref<8x128xi32, #tpu.memory_space<vmem>> -> memref<1x32xi32, #tpu.memory_space<vmem>>
          %dma_start3A_317 = tpu.memref_squeeze %dma_start3A_316 : memref<1x32xi32, #tpu.memory_space<vmem>> -> memref<32xi32, #tpu.memory_space<vmem>>
          %dma_start3A_318 = arith.constant 0 : i32
          %dma_start3A_319 = arith.constant 0 : i32
          %dma_start3A_320 = tpu.memref_slice %arg2[%dma_start3A_318, %dma_start3A_319] : memref<10000x128xf32, #tpu.memory_space<hbm>> -> memref<10000x128xf32, #tpu.memory_space<hbm>>
          tpu.enqueue_indirect_dma source(%dma_start3A_320 : memref<10000x128xf32, #tpu.memory_space<hbm>>) target(%arg11 : memref<32x128xf32, #tpu.memory_space<vmem>>) offsets(%dma_start3A_317 : memref<32xi32, #tpu.memory_space<vmem>>) semaphore(%arg18 : memref<!tpu.dma_semaphore, #tpu.memory_space<semaphore_mem>>)
        } else {
        }
        %mul3A_260 = arith.constant 4 : i32
        %mul3A_261 = arith.muli %scan3A_212, %mul3A_260 : i32
        %add3A_262 = arith.constant 2 : i32
        %add3A_263 = arith.addi %mul3A_261, %add3A_262 : i32
        %rem3A_264 = arith.constant 4 : i32
        %rem3A_265 = arith.remsi %add3A_263, %rem3A_264 : i32
        %mul3A_266 = arith.constant 32 : i32
        %mul3A_267 = arith.muli %rem3A_265, %mul3A_266 : i32
        %div3A_268 = arith.constant 4 : i32
        %div3A_269 = arith.divsi %add3A_263, %div3A_268 : i32
        %multiple_of3A_270 = tpu.assume_multiple %mul3A_267, 32 : i32
        %dma_wait3A_271 = tpu.memref_slice %arg7[%div3A_269, %multiple_of3A_270] : memref<8x128xi32, #tpu.memory_space<vmem>> -> memref<1x32xi32, #tpu.memory_space<vmem>>
        %dma_wait3A_272 = tpu.memref_squeeze %dma_wait3A_271 : memref<1x32xi32, #tpu.memory_space<vmem>> -> memref<32xi32, #tpu.memory_space<vmem>>
        %dma_wait3A_273 = arith.constant 0 : i32
        %dma_wait3A_274 = arith.constant 0 : i32
        %dma_wait3A_275 = tpu.memref_slice %arg2[%dma_wait3A_273, %dma_wait3A_274] : memref<10000x128xf32, #tpu.memory_space<hbm>> -> memref<10000x128xf32, #tpu.memory_space<hbm>>
        tpu.wait_indirect_dma semaphore(%arg19 : memref<!tpu.dma_semaphore, #tpu.memory_space<semaphore_mem>>) src(%dma_wait3A_275 : memref<10000x128xf32, #tpu.memory_space<hbm>>) dst(%arg12 : memref<32x128xf32, #tpu.memory_space<vmem>>)
        "tpu.region"() ({
          %run_scoped3A = tpu.sem_alloc : memref<!tpu.dma_semaphore, #tpu.memory_space<semaphore_mem>>
          %dma_start3A_307 = arith.constant 0 : i32
          %dma_start3A_308 = tpu.memref_slice %arg9[%add3A_263, %dma_start3A_307] : memref<32x32xi32, #tpu.memory_space<vmem>> -> memref<1x32xi32, #tpu.memory_space<vmem>>
          %dma_start3A_309 = tpu.memref_squeeze %dma_start3A_308 : memref<1x32xi32, #tpu.memory_space<vmem>> -> memref<32xi32, #tpu.memory_space<vmem>>
          %dma_start3A_310 = arith.constant 0 : i32
          %dma_start3A_311 = arith.constant 0 : i32
          %dma_start3A_312 = tpu.memref_slice %arg14[%dma_start3A_310, %dma_start3A_311] : memref<10240x128xf32, #tpu.memory_space<vmem_shared>> -> memref<10240x128xf32, #tpu.memory_space<vmem_shared>>
          tpu.enqueue_indirect_dma source(%arg12 : memref<32x128xf32, #tpu.memory_space<vmem>>) target(%dma_start3A_312 : memref<10240x128xf32, #tpu.memory_space<vmem_shared>>) offsets(%dma_start3A_309 : memref<32xi32, #tpu.memory_space<vmem>>) semaphore(%run_scoped3A : memref<!tpu.dma_semaphore, #tpu.memory_space<semaphore_mem>>) {add = true}
          %dma_wait3A_313 = arith.constant 0 : i32
          %dma_wait3A_314 = tpu.memref_slice %arg9[%add3A_263, %dma_wait3A_313] : memref<32x32xi32, #tpu.memory_space<vmem>> -> memref<1x32xi32, #tpu.memory_space<vmem>>
          %dma_wait3A_315 = tpu.memref_squeeze %dma_wait3A_314 : memref<1x32xi32, #tpu.memory_space<vmem>> -> memref<32xi32, #tpu.memory_space<vmem>>
          %dma_wait3A_316 = arith.constant 0 : i32
          %dma_wait3A_317 = arith.constant 0 : i32
          %dma_wait3A_318 = tpu.memref_slice %arg14[%dma_wait3A_316, %dma_wait3A_317] : memref<10240x128xf32, #tpu.memory_space<vmem_shared>> -> memref<10240x128xf32, #tpu.memory_space<vmem_shared>>
          tpu.wait_indirect_dma semaphore(%run_scoped3A : memref<!tpu.dma_semaphore, #tpu.memory_space<semaphore_mem>>) src(%arg12 : memref<32x128xf32, #tpu.memory_space<vmem>>) dst(%dma_wait3A_318 : memref<10240x128xf32, #tpu.memory_space<vmem_shared>>)
          tpu.yield
        }) : () -> ()
        %add3A_276 = arith.constant 4 : i32
        %add3A_277 = arith.addi %add3A_263, %add3A_276 : i32
        %lt3A_278 = arith.constant 32 : i32
        %lt3A_279 = arith.cmpi slt, %add3A_277, %lt3A_278 : i32
        %convert_element_type3A_280 = arith.extui %lt3A_279 : i1 to i32
        %cond3A_281 = arith.constant 0 : i32
        %cond3A_282 = arith.cmpi ne, %convert_element_type3A_280, %cond3A_281 : i32
        scf.if %cond3A_282 {
          %add3A_307 = arith.constant 4 : i32
          %add3A_308 = arith.addi %add3A_263, %add3A_307 : i32
          %rem3A_309 = arith.constant 4 : i32
          %rem3A_310 = arith.remsi %add3A_308, %rem3A_309 : i32
          %mul3A_311 = arith.constant 32 : i32
          %mul3A_312 = arith.muli %rem3A_310, %mul3A_311 : i32
          %div3A_313 = arith.constant 4 : i32
          %div3A_314 = arith.divsi %add3A_308, %div3A_313 : i32
          %multiple_of3A_315 = tpu.assume_multiple %mul3A_312, 32 : i32
          %dma_start3A_316 = tpu.memref_slice %arg7[%div3A_314, %multiple_of3A_315] : memref<8x128xi32, #tpu.memory_space<vmem>> -> memref<1x32xi32, #tpu.memory_space<vmem>>
          %dma_start3A_317 = tpu.memref_squeeze %dma_start3A_316 : memref<1x32xi32, #tpu.memory_space<vmem>> -> memref<32xi32, #tpu.memory_space<vmem>>
          %dma_start3A_318 = arith.constant 0 : i32
          %dma_start3A_319 = arith.constant 0 : i32
          %dma_start3A_320 = tpu.memref_slice %arg2[%dma_start3A_318, %dma_start3A_319] : memref<10000x128xf32, #tpu.memory_space<hbm>> -> memref<10000x128xf32, #tpu.memory_space<hbm>>
          tpu.enqueue_indirect_dma source(%dma_start3A_320 : memref<10000x128xf32, #tpu.memory_space<hbm>>) target(%arg12 : memref<32x128xf32, #tpu.memory_space<vmem>>) offsets(%dma_start3A_317 : memref<32xi32, #tpu.memory_space<vmem>>) semaphore(%arg19 : memref<!tpu.dma_semaphore, #tpu.memory_space<semaphore_mem>>)
        } else {
        }
        %mul3A_283 = arith.constant 4 : i32
        %mul3A_284 = arith.muli %scan3A_212, %mul3A_283 : i32
        %add3A_285 = arith.constant 3 : i32
        %add3A_286 = arith.addi %mul3A_284, %add3A_285 : i32
        %rem3A_287 = arith.constant 4 : i32
        %rem3A_288 = arith.remsi %add3A_286, %rem3A_287 : i32
        %mul3A_289 = arith.constant 32 : i32
        %mul3A_290 = arith.muli %rem3A_288, %mul3A_289 : i32
        %div3A_291 = arith.constant 4 : i32
        %div3A_292 = arith.divsi %add3A_286, %div3A_291 : i32
        %multiple_of3A_293 = tpu.assume_multiple %mul3A_290, 32 : i32
        %dma_wait3A_294 = tpu.memref_slice %arg7[%div3A_292, %multiple_of3A_293] : memref<8x128xi32, #tpu.memory_space<vmem>> -> memref<1x32xi32, #tpu.memory_space<vmem>>
        %dma_wait3A_295 = tpu.memref_squeeze %dma_wait3A_294 : memref<1x32xi32, #tpu.memory_space<vmem>> -> memref<32xi32, #tpu.memory_space<vmem>>
        %dma_wait3A_296 = arith.constant 0 : i32
        %dma_wait3A_297 = arith.constant 0 : i32
        %dma_wait3A_298 = tpu.memref_slice %arg2[%dma_wait3A_296, %dma_wait3A_297] : memref<10000x128xf32, #tpu.memory_space<hbm>> -> memref<10000x128xf32, #tpu.memory_space<hbm>>
        tpu.wait_indirect_dma semaphore(%arg20 : memref<!tpu.dma_semaphore, #tpu.memory_space<semaphore_mem>>) src(%dma_wait3A_298 : memref<10000x128xf32, #tpu.memory_space<hbm>>) dst(%arg13 : memref<32x128xf32, #tpu.memory_space<vmem>>)
        "tpu.region"() ({
          %run_scoped3A = tpu.sem_alloc : memref<!tpu.dma_semaphore, #tpu.memory_space<semaphore_mem>>
          %dma_start3A_307 = arith.constant 0 : i32
          %dma_start3A_308 = tpu.memref_slice %arg9[%add3A_286, %dma_start3A_307] : memref<32x32xi32, #tpu.memory_space<vmem>> -> memref<1x32xi32, #tpu.memory_space<vmem>>
          %dma_start3A_309 = tpu.memref_squeeze %dma_start3A_308 : memref<1x32xi32, #tpu.memory_space<vmem>> -> memref<32xi32, #tpu.memory_space<vmem>>
          %dma_start3A_310 = arith.constant 0 : i32
          %dma_start3A_311 = arith.constant 0 : i32
          %dma_start3A_312 = tpu.memref_slice %arg14[%dma_start3A_310, %dma_start3A_311] : memref<10240x128xf32, #tpu.memory_space<vmem_shared>> -> memref<10240x128xf32, #tpu.memory_space<vmem_shared>>
          tpu.enqueue_indirect_dma source(%arg13 : memref<32x128xf32, #tpu.memory_space<vmem>>) target(%dma_start3A_312 : memref<10240x128xf32, #tpu.memory_space<vmem_shared>>) offsets(%dma_start3A_309 : memref<32xi32, #tpu.memory_space<vmem>>) semaphore(%run_scoped3A : memref<!tpu.dma_semaphore, #tpu.memory_space<semaphore_mem>>) {add = true}
          %dma_wait3A_313 = arith.constant 0 : i32
          %dma_wait3A_314 = tpu.memref_slice %arg9[%add3A_286, %dma_wait3A_313] : memref<32x32xi32, #tpu.memory_space<vmem>> -> memref<1x32xi32, #tpu.memory_space<vmem>>
          %dma_wait3A_315 = tpu.memref_squeeze %dma_wait3A_314 : memref<1x32xi32, #tpu.memory_space<vmem>> -> memref<32xi32, #tpu.memory_space<vmem>>
          %dma_wait3A_316 = arith.constant 0 : i32
          %dma_wait3A_317 = arith.constant 0 : i32
          %dma_wait3A_318 = tpu.memref_slice %arg14[%dma_wait3A_316, %dma_wait3A_317] : memref<10240x128xf32, #tpu.memory_space<vmem_shared>> -> memref<10240x128xf32, #tpu.memory_space<vmem_shared>>
          tpu.wait_indirect_dma semaphore(%run_scoped3A : memref<!tpu.dma_semaphore, #tpu.memory_space<semaphore_mem>>) src(%arg13 : memref<32x128xf32, #tpu.memory_space<vmem>>) dst(%dma_wait3A_318 : memref<10240x128xf32, #tpu.memory_space<vmem_shared>>)
          tpu.yield
        }) : () -> ()
        %add3A_299 = arith.constant 4 : i32
        %add3A_300 = arith.addi %add3A_286, %add3A_299 : i32
        %lt3A_301 = arith.constant 32 : i32
        %lt3A_302 = arith.cmpi slt, %add3A_300, %lt3A_301 : i32
        %convert_element_type3A_303 = arith.extui %lt3A_302 : i1 to i32
        %cond3A_304 = arith.constant 0 : i32
        %cond3A_305 = arith.cmpi ne, %convert_element_type3A_303, %cond3A_304 : i32
        scf.if %cond3A_305 {
          %add3A_307 = arith.constant 4 : i32
          %add3A_308 = arith.addi %add3A_286, %add3A_307 : i32
          %rem3A_309 = arith.constant 4 : i32
          %rem3A_310 = arith.remsi %add3A_308, %rem3A_309 : i32
          %mul3A_311 = arith.constant 32 : i32
          %mul3A_312 = arith.muli %rem3A_310, %mul3A_311 : i32
          %div3A_313 = arith.constant 4 : i32
          %div3A_314 = arith.divsi %add3A_308, %div3A_313 : i32
          %multiple_of3A_315 = tpu.assume_multiple %mul3A_312, 32 : i32
          %dma_start3A_316 = tpu.memref_slice %arg7[%div3A_314, %multiple_of3A_315] : memref<8x128xi32, #tpu.memory_space<vmem>> -> memref<1x32xi32, #tpu.memory_space<vmem>>
          %dma_start3A_317 = tpu.memref_squeeze %dma_start3A_316 : memref<1x32xi32, #tpu.memory_space<vmem>> -> memref<32xi32, #tpu.memory_space<vmem>>
          %dma_start3A_318 = arith.constant 0 : i32
          %dma_start3A_319 = arith.constant 0 : i32
          %dma_start3A_320 = tpu.memref_slice %arg2[%dma_start3A_318, %dma_start3A_319] : memref<10000x128xf32, #tpu.memory_space<hbm>> -> memref<10000x128xf32, #tpu.memory_space<hbm>>
          tpu.enqueue_indirect_dma source(%dma_start3A_320 : memref<10000x128xf32, #tpu.memory_space<hbm>>) target(%arg13 : memref<32x128xf32, #tpu.memory_space<vmem>>) offsets(%dma_start3A_317 : memref<32xi32, #tpu.memory_space<vmem>>) semaphore(%arg20 : memref<!tpu.dma_semaphore, #tpu.memory_space<semaphore_mem>>)
        } else {
        }
        %scan3A_306 = arith.constant 0 : i32
        scf.yield %scan3A_306 : i32
      }
      %scan3A_204 = arith.constant 8 : i32
      %add3A_205 = arith.constant 2 : i32
      %add3A_206 = arith.addi %add3A_129, %add3A_205 : i32
      %lt3A_207 = arith.cmpi slt, %add3A_206, %select_n3A_6 : i32
      %convert_element_type3A_208 = arith.extui %lt3A_207 : i1 to i32
      %cond3A_209 = arith.constant 0 : i32
      %cond3A_210 = arith.cmpi ne, %convert_element_type3A_208, %cond3A_209 : i32
      scf.if %cond3A_210 {
        %add3A_212 = arith.constant 2 : i32
        %add3A_213 = arith.addi %add3A_129, %add3A_212 : i32
        %div3A_214 = arith.constant 4 : i32
        %div3A_215 = arith.divsi %multiple_of3A, %div3A_214 : i32
        %mul3A_216 = arith.constant 8 : i32
        %mul3A_217 = arith.muli %add3A_213, %mul3A_216 : i32
        %add3A_218 = arith.addi %div3A_215, %mul3A_217 : i32
        %multiple_of3A_219 = tpu.assume_multiple %add3A_218, 8 : i32
        %dma_start3A_220 = arith.constant 0 : i32
        %dma_start3A_221 = tpu.memref_slice %arg3[%multiple_of3A_219, %dma_start3A_220] : memref<2560x128xi32, #tpu.memory_space<hbm>> -> memref<8x128xi32, #tpu.memory_space<hbm>>
        %dma_start3A_222 = arith.constant 0 : i32
        %dma_start3A_223 = tpu.memref_slice %arg3[%multiple_of3A_219, %dma_start3A_222] : memref<2560x128xi32, #tpu.memory_space<hbm>> -> memref<8x128xi32, #tpu.memory_space<hbm>>
        tpu.enqueue_dma source(%dma_start3A_223 : memref<8x128xi32, #tpu.memory_space<hbm>>) target(%arg7 : memref<8x128xi32, #tpu.memory_space<vmem>>) target_semaphore(%arg16 : memref<!tpu.dma_semaphore, #tpu.memory_space<semaphore_mem>>)
        %mul3A_224 = arith.constant 32 : i32
        %mul3A_225 = arith.muli %add3A_213, %mul3A_224 : i32
        %add3A_226 = arith.addi %multiple_of3A, %mul3A_225 : i32
        %multiple_of3A_227 = tpu.assume_multiple %add3A_226, 8 : i32
        %dma_start3A_228 = arith.constant 0 : i32
        %dma_start3A_229 = tpu.memref_slice %arg4[%multiple_of3A_227, %dma_start3A_228] : memref<10240x32xi32, #tpu.memory_space<hbm>> -> memref<32x32xi32, #tpu.memory_space<hbm>>
        %dma_start3A_230 = arith.constant 0 : i32
        %dma_start3A_231 = tpu.memref_slice %arg4[%multiple_of3A_227, %dma_start3A_230] : memref<10240x32xi32, #tpu.memory_space<hbm>> -> memref<32x32xi32, #tpu.memory_space<hbm>>
        tpu.enqueue_dma source(%dma_start3A_231 : memref<32x32xi32, #tpu.memory_space<hbm>>) target(%arg9 : memref<32x32xi32, #tpu.memory_space<vmem>>) target_semaphore(%arg16 : memref<!tpu.dma_semaphore, #tpu.memory_space<semaphore_mem>>)
      } else {
      }
      %while3A_211 = arith.constant 0 : i32
      scf.yield %while3A_211 : i32
    }
    %while3A_33 = arith.constant 1 : i32
    %while3A_34 = scf.for %while3A_45 = %while3A_30 to %while3A_26 step %while3A_33 iter_args(%while3A_46 = %while3A_32) -> (i32)  : i32 {
      %mul3A_47 = arith.constant 2 : i32
      %mul3A_48 = arith.muli %mul3A_47, %while3A_45 : i32
      %dma_wait3A = arith.constant 0 : i32
      %dma_wait3A_49 = arith.constant 0 : i32
      %dma_wait3A_50 = tpu.memref_slice %arg3[%dma_wait3A, %dma_wait3A_49] : memref<2560x128xi32, #tpu.memory_space<hbm>> -> memref<8x128xi32, #tpu.memory_space<hbm>>
      %dma_wait3A_51 = arith.constant 0 : i32
      %dma_wait3A_52 = arith.constant 0 : i32
      %dma_wait3A_53 = tpu.memref_slice %arg3[%dma_wait3A_51, %dma_wait3A_52] : memref<2560x128xi32, #tpu.memory_space<hbm>> -> memref<8x128xi32, #tpu.memory_space<hbm>>
      tpu.wait_dma2 semaphore(%arg15 : memref<!tpu.dma_semaphore, #tpu.memory_space<semaphore_mem>>) src(%dma_wait3A_53 : memref<8x128xi32, #tpu.memory_space<hbm>>) dst(%arg6 : memref<8x128xi32, #tpu.memory_space<vmem>>)
      %dma_wait3A_54 = arith.constant 0 : i32
      %dma_wait3A_55 = arith.constant 0 : i32
      %dma_wait3A_56 = tpu.memref_slice %arg4[%dma_wait3A_54, %dma_wait3A_55] : memref<10240x32xi32, #tpu.memory_space<hbm>> -> memref<32x32xi32, #tpu.memory_space<hbm>>
      %dma_wait3A_57 = arith.constant 0 : i32
      %dma_wait3A_58 = arith.constant 0 : i32
      %dma_wait3A_59 = tpu.memref_slice %arg4[%dma_wait3A_57, %dma_wait3A_58] : memref<10240x32xi32, #tpu.memory_space<hbm>> -> memref<32x32xi32, #tpu.memory_space<hbm>>
      tpu.wait_dma2 semaphore(%arg15 : memref<!tpu.dma_semaphore, #tpu.memory_space<semaphore_mem>>) src(%dma_wait3A_59 : memref<32x32xi32, #tpu.memory_space<hbm>>) dst(%arg8 : memref<32x32xi32, #tpu.memory_space<vmem>>)
      %rem3A = arith.constant 0 : i32
      %rem3A_60 = arith.constant 4 : i32
      %rem3A_61 = arith.remsi %rem3A, %rem3A_60 : i32
      %mul3A_62 = arith.constant 32 : i32
      %mul3A_63 = arith.muli %rem3A_61, %mul3A_62 : i32
      %div3A_64 = arith.constant 0 : i32
      %div3A_65 = arith.constant 4 : i32
      %div3A_66 = arith.divsi %div3A_64, %div3A_65 : i32
      %multiple_of3A_67 = tpu.assume_multiple %mul3A_63, 32 : i32
      %dma_start3A = tpu.memref_slice %arg6[%div3A_66, %multiple_of3A_67] : memref<8x128xi32, #tpu.memory_space<vmem>> -> memref<1x32xi32, #tpu.memory_space<vmem>>
      %dma_start3A_68 = tpu.memref_squeeze %dma_start3A : memref<1x32xi32, #tpu.memory_space<vmem>> -> memref<32xi32, #tpu.memory_space<vmem>>
      %dma_start3A_69 = arith.constant 0 : i32
      %dma_start3A_70 = arith.constant 0 : i32
      %dma_start3A_71 = tpu.memref_slice %arg2[%dma_start3A_69, %dma_start3A_70] : memref<10000x128xf32, #tpu.memory_space<hbm>> -> memref<10000x128xf32, #tpu.memory_space<hbm>>
      tpu.enqueue_indirect_dma source(%dma_start3A_71 : memref<10000x128xf32, #tpu.memory_space<hbm>>) target(%arg10 : memref<32x128xf32, #tpu.memory_space<vmem>>) offsets(%dma_start3A_68 : memref<32xi32, #tpu.memory_space<vmem>>) semaphore(%arg17 : memref<!tpu.dma_semaphore, #tpu.memory_space<semaphore_mem>>)
      %rem3A_72 = arith.constant 1 : i32
      %rem3A_73 = arith.constant 4 : i32
      %rem3A_74 = arith.remsi %rem3A_72, %rem3A_73 : i32
      %mul3A_75 = arith.constant 32 : i32
      %mul3A_76 = arith.muli %rem3A_74, %mul3A_75 : i32
      %div3A_77 = arith.constant 1 : i32
      %div3A_78 = arith.constant 4 : i32
      %div3A_79 = arith.divsi %div3A_77, %div3A_78 : i32
      %multiple_of3A_80 = tpu.assume_multiple %mul3A_76, 32 : i32
      %dma_start3A_81 = tpu.memref_slice %arg6[%div3A_79, %multiple_of3A_80] : memref<8x128xi32, #tpu.memory_space<vmem>> -> memref<1x32xi32, #tpu.memory_space<vmem>>
      %dma_start3A_82 = tpu.memref_squeeze %dma_start3A_81 : memref<1x32xi32, #tpu.memory_space<vmem>> -> memref<32xi32, #tpu.memory_space<vmem>>
      %dma_start3A_83 = arith.constant 0 : i32
      %dma_start3A_84 = arith.constant 0 : i32
      %dma_start3A_85 = tpu.memref_slice %arg2[%dma_start3A_83, %dma_start3A_84] : memref<10000x128xf32, #tpu.memory_space<hbm>> -> memref<10000x128xf32, #tpu.memory_space<hbm>>
      tpu.enqueue_indirect_dma source(%dma_start3A_85 : memref<10000x128xf32, #tpu.memory_space<hbm>>) target(%arg11 : memref<32x128xf32, #tpu.memory_space<vmem>>) offsets(%dma_start3A_82 : memref<32xi32, #tpu.memory_space<vmem>>) semaphore(%arg18 : memref<!tpu.dma_semaphore, #tpu.memory_space<semaphore_mem>>)
      %rem3A_86 = arith.constant 2 : i32
      %rem3A_87 = arith.constant 4 : i32
      %rem3A_88 = arith.remsi %rem3A_86, %rem3A_87 : i32
      %mul3A_89 = arith.constant 32 : i32
      %mul3A_90 = arith.muli %rem3A_88, %mul3A_89 : i32
      %div3A_91 = arith.constant 2 : i32
      %div3A_92 = arith.constant 4 : i32
      %div3A_93 = arith.divsi %div3A_91, %div3A_92 : i32
      %multiple_of3A_94 = tpu.assume_multiple %mul3A_90, 32 : i32
      %dma_start3A_95 = tpu.memref_slice %arg6[%div3A_93, %multiple_of3A_94] : memref<8x128xi32, #tpu.memory_space<vmem>> -> memref<1x32xi32, #tpu.memory_space<vmem>>
      %dma_start3A_96 = tpu.memref_squeeze %dma_start3A_95 : memref<1x32xi32, #tpu.memory_space<vmem>> -> memref<32xi32, #tpu.memory_space<vmem>>
      %dma_start3A_97 = arith.constant 0 : i32
      %dma_start3A_98 = arith.constant 0 : i32
      %dma_start3A_99 = tpu.memref_slice %arg2[%dma_start3A_97, %dma_start3A_98] : memref<10000x128xf32, #tpu.memory_space<hbm>> -> memref<10000x128xf32, #tpu.memory_space<hbm>>
      tpu.enqueue_indirect_dma source(%dma_start3A_99 : memref<10000x128xf32, #tpu.memory_space<hbm>>) target(%arg12 : memref<32x128xf32, #tpu.memory_space<vmem>>) offsets(%dma_start3A_96 : memref<32xi32, #tpu.memory_space<vmem>>) semaphore(%arg19 : memref<!tpu.dma_semaphore, #tpu.memory_space<semaphore_mem>>)
      %rem3A_100 = arith.constant 3 : i32
      %rem3A_101 = arith.constant 4 : i32
      %rem3A_102 = arith.remsi %rem3A_100, %rem3A_101 : i32
      %mul3A_103 = arith.constant 32 : i32
      %mul3A_104 = arith.muli %rem3A_102, %mul3A_103 : i32
      %div3A_105 = arith.constant 3 : i32
      %div3A_106 = arith.constant 4 : i32
      %div3A_107 = arith.divsi %div3A_105, %div3A_106 : i32
      %multiple_of3A_108 = tpu.assume_multiple %mul3A_104, 32 : i32
      %dma_start3A_109 = tpu.memref_slice %arg6[%div3A_107, %multiple_of3A_108] : memref<8x128xi32, #tpu.memory_space<vmem>> -> memref<1x32xi32, #tpu.memory_space<vmem>>
      %dma_start3A_110 = tpu.memref_squeeze %dma_start3A_109 : memref<1x32xi32, #tpu.memory_space<vmem>> -> memref<32xi32, #tpu.memory_space<vmem>>
      %dma_start3A_111 = arith.constant 0 : i32
      %dma_start3A_112 = arith.constant 0 : i32
      %dma_start3A_113 = tpu.memref_slice %arg2[%dma_start3A_111, %dma_start3A_112] : memref<10000x128xf32, #tpu.memory_space<hbm>> -> memref<10000x128xf32, #tpu.memory_space<hbm>>
      tpu.enqueue_indirect_dma source(%dma_start3A_113 : memref<10000x128xf32, #tpu.memory_space<hbm>>) target(%arg13 : memref<32x128xf32, #tpu.memory_space<vmem>>) offsets(%dma_start3A_110 : memref<32xi32, #tpu.memory_space<vmem>>) semaphore(%arg20 : memref<!tpu.dma_semaphore, #tpu.memory_space<semaphore_mem>>)
      %scan3A_114 = arith.constant 0 : i32
      %scan3A_115 = arith.constant 0 : i32
      %scan3A_116 = arith.constant 8 : i32
      %scan3A_117 = arith.addi %scan3A_115, %scan3A_116 : i32
      %scan3A_118 = arith.constant 1 : i32
      %scan3A_119 = scf.for %scan3A_212 = %scan3A_115 to %scan3A_117 step %scan3A_118 iter_args(%scan3A_213 = %scan3A_114) -> (i32)  : i32 {
        %mul3A_214 = arith.constant 4 : i32
        %mul3A_215 = arith.muli %scan3A_212, %mul3A_214 : i32
        %add3A_216 = arith.constant 0 : i32
        %add3A_217 = arith.addi %mul3A_215, %add3A_216 : i32
        %rem3A_218 = arith.constant 4 : i32
        %rem3A_219 = arith.remsi %add3A_217, %rem3A_218 : i32
        %mul3A_220 = arith.constant 32 : i32
        %mul3A_221 = arith.muli %rem3A_219, %mul3A_220 : i32
        %div3A_222 = arith.constant 4 : i32
        %div3A_223 = arith.divsi %add3A_217, %div3A_222 : i32
        %multiple_of3A_224 = tpu.assume_multiple %mul3A_221, 32 : i32
        %dma_wait3A_225 = tpu.memref_slice %arg6[%div3A_223, %multiple_of3A_224] : memref<8x128xi32, #tpu.memory_space<vmem>> -> memref<1x32xi32, #tpu.memory_space<vmem>>
        %dma_wait3A_226 = tpu.memref_squeeze %dma_wait3A_225 : memref<1x32xi32, #tpu.memory_space<vmem>> -> memref<32xi32, #tpu.memory_space<vmem>>
        %dma_wait3A_227 = arith.constant 0 : i32
        %dma_wait3A_228 = arith.constant 0 : i32
        %dma_wait3A_229 = tpu.memref_slice %arg2[%dma_wait3A_227, %dma_wait3A_228] : memref<10000x128xf32, #tpu.memory_space<hbm>> -> memref<10000x128xf32, #tpu.memory_space<hbm>>
        tpu.wait_indirect_dma semaphore(%arg17 : memref<!tpu.dma_semaphore, #tpu.memory_space<semaphore_mem>>) src(%dma_wait3A_229 : memref<10000x128xf32, #tpu.memory_space<hbm>>) dst(%arg10 : memref<32x128xf32, #tpu.memory_space<vmem>>)
        "tpu.region"() ({
          %run_scoped3A = tpu.sem_alloc : memref<!tpu.dma_semaphore, #tpu.memory_space<semaphore_mem>>
          %dma_start3A_307 = arith.constant 0 : i32
          %dma_start3A_308 = tpu.memref_slice %arg8[%add3A_217, %dma_start3A_307] : memref<32x32xi32, #tpu.memory_space<vmem>> -> memref<1x32xi32, #tpu.memory_space<vmem>>
          %dma_start3A_309 = tpu.memref_squeeze %dma_start3A_308 : memref<1x32xi32, #tpu.memory_space<vmem>> -> memref<32xi32, #tpu.memory_space<vmem>>
          %dma_start3A_310 = arith.constant 0 : i32
          %dma_start3A_311 = arith.constant 0 : i32
          %dma_start3A_312 = tpu.memref_slice %arg14[%dma_start3A_310, %dma_start3A_311] : memref<10240x128xf32, #tpu.memory_space<vmem_shared>> -> memref<10240x128xf32, #tpu.memory_space<vmem_shared>>
          tpu.enqueue_indirect_dma source(%arg10 : memref<32x128xf32, #tpu.memory_space<vmem>>) target(%dma_start3A_312 : memref<10240x128xf32, #tpu.memory_space<vmem_shared>>) offsets(%dma_start3A_309 : memref<32xi32, #tpu.memory_space<vmem>>) semaphore(%run_scoped3A : memref<!tpu.dma_semaphore, #tpu.memory_space<semaphore_mem>>) {add = true}
          %dma_wait3A_313 = arith.constant 0 : i32
          %dma_wait3A_314 = tpu.memref_slice %arg8[%add3A_217, %dma_wait3A_313] : memref<32x32xi32, #tpu.memory_space<vmem>> -> memref<1x32xi32, #tpu.memory_space<vmem>>
          %dma_wait3A_315 = tpu.memref_squeeze %dma_wait3A_314 : memref<1x32xi32, #tpu.memory_space<vmem>> -> memref<32xi32, #tpu.memory_space<vmem>>
          %dma_wait3A_316 = arith.constant 0 : i32
          %dma_wait3A_317 = arith.constant 0 : i32
          %dma_wait3A_318 = tpu.memref_slice %arg14[%dma_wait3A_316, %dma_wait3A_317] : memref<10240x128xf32, #tpu.memory_space<vmem_shared>> -> memref<10240x128xf32, #tpu.memory_space<vmem_shared>>
          tpu.wait_indirect_dma semaphore(%run_scoped3A : memref<!tpu.dma_semaphore, #tpu.memory_space<semaphore_mem>>) src(%arg10 : memref<32x128xf32, #tpu.memory_space<vmem>>) dst(%dma_wait3A_318 : memref<10240x128xf32, #tpu.memory_space<vmem_shared>>)
          tpu.yield
        }) : () -> ()
        %add3A_230 = arith.constant 4 : i32
        %add3A_231 = arith.addi %add3A_217, %add3A_230 : i32
        %lt3A_232 = arith.constant 32 : i32
        %lt3A_233 = arith.cmpi slt, %add3A_231, %lt3A_232 : i32
        %convert_element_type3A_234 = arith.extui %lt3A_233 : i1 to i32
        %cond3A_235 = arith.constant 0 : i32
        %cond3A_236 = arith.cmpi ne, %convert_element_type3A_234, %cond3A_235 : i32
        scf.if %cond3A_236 {
          %add3A_307 = arith.constant 4 : i32
          %add3A_308 = arith.addi %add3A_217, %add3A_307 : i32
          %rem3A_309 = arith.constant 4 : i32
          %rem3A_310 = arith.remsi %add3A_308, %rem3A_309 : i32
          %mul3A_311 = arith.constant 32 : i32
          %mul3A_312 = arith.muli %rem3A_310, %mul3A_311 : i32
          %div3A_313 = arith.constant 4 : i32
          %div3A_314 = arith.divsi %add3A_308, %div3A_313 : i32
          %multiple_of3A_315 = tpu.assume_multiple %mul3A_312, 32 : i32
          %dma_start3A_316 = tpu.memref_slice %arg6[%div3A_314, %multiple_of3A_315] : memref<8x128xi32, #tpu.memory_space<vmem>> -> memref<1x32xi32, #tpu.memory_space<vmem>>
          %dma_start3A_317 = tpu.memref_squeeze %dma_start3A_316 : memref<1x32xi32, #tpu.memory_space<vmem>> -> memref<32xi32, #tpu.memory_space<vmem>>
          %dma_start3A_318 = arith.constant 0 : i32
          %dma_start3A_319 = arith.constant 0 : i32
          %dma_start3A_320 = tpu.memref_slice %arg2[%dma_start3A_318, %dma_start3A_319] : memref<10000x128xf32, #tpu.memory_space<hbm>> -> memref<10000x128xf32, #tpu.memory_space<hbm>>
          tpu.enqueue_indirect_dma source(%dma_start3A_320 : memref<10000x128xf32, #tpu.memory_space<hbm>>) target(%arg10 : memref<32x128xf32, #tpu.memory_space<vmem>>) offsets(%dma_start3A_317 : memref<32xi32, #tpu.memory_space<vmem>>) semaphore(%arg17 : memref<!tpu.dma_semaphore, #tpu.memory_space<semaphore_mem>>)
        } else {
        }
        %mul3A_237 = arith.constant 4 : i32
        %mul3A_238 = arith.muli %scan3A_212, %mul3A_237 : i32
        %add3A_239 = arith.constant 1 : i32
        %add3A_240 = arith.addi %mul3A_238, %add3A_239 : i32
        %rem3A_241 = arith.constant 4 : i32
        %rem3A_242 = arith.remsi %add3A_240, %rem3A_241 : i32
        %mul3A_243 = arith.constant 32 : i32
        %mul3A_244 = arith.muli %rem3A_242, %mul3A_243 : i32
        %div3A_245 = arith.constant 4 : i32
        %div3A_246 = arith.divsi %add3A_240, %div3A_245 : i32
        %multiple_of3A_247 = tpu.assume_multiple %mul3A_244, 32 : i32
        %dma_wait3A_248 = tpu.memref_slice %arg6[%div3A_246, %multiple_of3A_247] : memref<8x128xi32, #tpu.memory_space<vmem>> -> memref<1x32xi32, #tpu.memory_space<vmem>>
        %dma_wait3A_249 = tpu.memref_squeeze %dma_wait3A_248 : memref<1x32xi32, #tpu.memory_space<vmem>> -> memref<32xi32, #tpu.memory_space<vmem>>
        %dma_wait3A_250 = arith.constant 0 : i32
        %dma_wait3A_251 = arith.constant 0 : i32
        %dma_wait3A_252 = tpu.memref_slice %arg2[%dma_wait3A_250, %dma_wait3A_251] : memref<10000x128xf32, #tpu.memory_space<hbm>> -> memref<10000x128xf32, #tpu.memory_space<hbm>>
        tpu.wait_indirect_dma semaphore(%arg18 : memref<!tpu.dma_semaphore, #tpu.memory_space<semaphore_mem>>) src(%dma_wait3A_252 : memref<10000x128xf32, #tpu.memory_space<hbm>>) dst(%arg11 : memref<32x128xf32, #tpu.memory_space<vmem>>)
        "tpu.region"() ({
          %run_scoped3A = tpu.sem_alloc : memref<!tpu.dma_semaphore, #tpu.memory_space<semaphore_mem>>
          %dma_start3A_307 = arith.constant 0 : i32
          %dma_start3A_308 = tpu.memref_slice %arg8[%add3A_240, %dma_start3A_307] : memref<32x32xi32, #tpu.memory_space<vmem>> -> memref<1x32xi32, #tpu.memory_space<vmem>>
          %dma_start3A_309 = tpu.memref_squeeze %dma_start3A_308 : memref<1x32xi32, #tpu.memory_space<vmem>> -> memref<32xi32, #tpu.memory_space<vmem>>
          %dma_start3A_310 = arith.constant 0 : i32
          %dma_start3A_311 = arith.constant 0 : i32
          %dma_start3A_312 = tpu.memref_slice %arg14[%dma_start3A_310, %dma_start3A_311] : memref<10240x128xf32, #tpu.memory_space<vmem_shared>> -> memref<10240x128xf32, #tpu.memory_space<vmem_shared>>
          tpu.enqueue_indirect_dma source(%arg11 : memref<32x128xf32, #tpu.memory_space<vmem>>) target(%dma_start3A_312 : memref<10240x128xf32, #tpu.memory_space<vmem_shared>>) offsets(%dma_start3A_309 : memref<32xi32, #tpu.memory_space<vmem>>) semaphore(%run_scoped3A : memref<!tpu.dma_semaphore, #tpu.memory_space<semaphore_mem>>) {add = true}
          %dma_wait3A_313 = arith.constant 0 : i32
          %dma_wait3A_314 = tpu.memref_slice %arg8[%add3A_240, %dma_wait3A_313] : memref<32x32xi32, #tpu.memory_space<vmem>> -> memref<1x32xi32, #tpu.memory_space<vmem>>
          %dma_wait3A_315 = tpu.memref_squeeze %dma_wait3A_314 : memref<1x32xi32, #tpu.memory_space<vmem>> -> memref<32xi32, #tpu.memory_space<vmem>>
          %dma_wait3A_316 = arith.constant 0 : i32
          %dma_wait3A_317 = arith.constant 0 : i32
          %dma_wait3A_318 = tpu.memref_slice %arg14[%dma_wait3A_316, %dma_wait3A_317] : memref<10240x128xf32, #tpu.memory_space<vmem_shared>> -> memref<10240x128xf32, #tpu.memory_space<vmem_shared>>
          tpu.wait_indirect_dma semaphore(%run_scoped3A : memref<!tpu.dma_semaphore, #tpu.memory_space<semaphore_mem>>) src(%arg11 : memref<32x128xf32, #tpu.memory_space<vmem>>) dst(%dma_wait3A_318 : memref<10240x128xf32, #tpu.memory_space<vmem_shared>>)
          tpu.yield
        }) : () -> ()
        %add3A_253 = arith.constant 4 : i32
        %add3A_254 = arith.addi %add3A_240, %add3A_253 : i32
        %lt3A_255 = arith.constant 32 : i32
        %lt3A_256 = arith.cmpi slt, %add3A_254, %lt3A_255 : i32
        %convert_element_type3A_257 = arith.extui %lt3A_256 : i1 to i32
        %cond3A_258 = arith.constant 0 : i32
        %cond3A_259 = arith.cmpi ne, %convert_element_type3A_257, %cond3A_258 : i32
        scf.if %cond3A_259 {
          %add3A_307 = arith.constant 4 : i32
          %add3A_308 = arith.addi %add3A_240, %add3A_307 : i32
          %rem3A_309 = arith.constant 4 : i32
          %rem3A_310 = arith.remsi %add3A_308, %rem3A_309 : i32
          %mul3A_311 = arith.constant 32 : i32
          %mul3A_312 = arith.muli %rem3A_310, %mul3A_311 : i32
          %div3A_313 = arith.constant 4 : i32
          %div3A_314 = arith.divsi %add3A_308, %div3A_313 : i32
          %multiple_of3A_315 = tpu.assume_multiple %mul3A_312, 32 : i32
          %dma_start3A_316 = tpu.memref_slice %arg6[%div3A_314, %multiple_of3A_315] : memref<8x128xi32, #tpu.memory_space<vmem>> -> memref<1x32xi32, #tpu.memory_space<vmem>>
          %dma_start3A_317 = tpu.memref_squeeze %dma_start3A_316 : memref<1x32xi32, #tpu.memory_space<vmem>> -> memref<32xi32, #tpu.memory_space<vmem>>
          %dma_start3A_318 = arith.constant 0 : i32
          %dma_start3A_319 = arith.constant 0 : i32
          %dma_start3A_320 = tpu.memref_slice %arg2[%dma_start3A_318, %dma_start3A_319] : memref<10000x128xf32, #tpu.memory_space<hbm>> -> memref<10000x128xf32, #tpu.memory_space<hbm>>
          tpu.enqueue_indirect_dma source(%dma_start3A_320 : memref<10000x128xf32, #tpu.memory_space<hbm>>) target(%arg11 : memref<32x128xf32, #tpu.memory_space<vmem>>) offsets(%dma_start3A_317 : memref<32xi32, #tpu.memory_space<vmem>>) semaphore(%arg18 : memref<!tpu.dma_semaphore, #tpu.memory_space<semaphore_mem>>)
        } else {
        }
        %mul3A_260 = arith.constant 4 : i32
        %mul3A_261 = arith.muli %scan3A_212, %mul3A_260 : i32
        %add3A_262 = arith.constant 2 : i32
        %add3A_263 = arith.addi %mul3A_261, %add3A_262 : i32
        %rem3A_264 = arith.constant 4 : i32
        %rem3A_265 = arith.remsi %add3A_263, %rem3A_264 : i32
        %mul3A_266 = arith.constant 32 : i32
        %mul3A_267 = arith.muli %rem3A_265, %mul3A_266 : i32
        %div3A_268 = arith.constant 4 : i32
        %div3A_269 = arith.divsi %add3A_263, %div3A_268 : i32
        %multiple_of3A_270 = tpu.assume_multiple %mul3A_267, 32 : i32
        %dma_wait3A_271 = tpu.memref_slice %arg6[%div3A_269, %multiple_of3A_270] : memref<8x128xi32, #tpu.memory_space<vmem>> -> memref<1x32xi32, #tpu.memory_space<vmem>>
        %dma_wait3A_272 = tpu.memref_squeeze %dma_wait3A_271 : memref<1x32xi32, #tpu.memory_space<vmem>> -> memref<32xi32, #tpu.memory_space<vmem>>
        %dma_wait3A_273 = arith.constant 0 : i32
        %dma_wait3A_274 = arith.constant 0 : i32
        %dma_wait3A_275 = tpu.memref_slice %arg2[%dma_wait3A_273, %dma_wait3A_274] : memref<10000x128xf32, #tpu.memory_space<hbm>> -> memref<10000x128xf32, #tpu.memory_space<hbm>>
        tpu.wait_indirect_dma semaphore(%arg19 : memref<!tpu.dma_semaphore, #tpu.memory_space<semaphore_mem>>) src(%dma_wait3A_275 : memref<10000x128xf32, #tpu.memory_space<hbm>>) dst(%arg12 : memref<32x128xf32, #tpu.memory_space<vmem>>)
        "tpu.region"() ({
          %run_scoped3A = tpu.sem_alloc : memref<!tpu.dma_semaphore, #tpu.memory_space<semaphore_mem>>
          %dma_start3A_307 = arith.constant 0 : i32
          %dma_start3A_308 = tpu.memref_slice %arg8[%add3A_263, %dma_start3A_307] : memref<32x32xi32, #tpu.memory_space<vmem>> -> memref<1x32xi32, #tpu.memory_space<vmem>>
          %dma_start3A_309 = tpu.memref_squeeze %dma_start3A_308 : memref<1x32xi32, #tpu.memory_space<vmem>> -> memref<32xi32, #tpu.memory_space<vmem>>
          %dma_start3A_310 = arith.constant 0 : i32
          %dma_start3A_311 = arith.constant 0 : i32
          %dma_start3A_312 = tpu.memref_slice %arg14[%dma_start3A_310, %dma_start3A_311] : memref<10240x128xf32, #tpu.memory_space<vmem_shared>> -> memref<10240x128xf32, #tpu.memory_space<vmem_shared>>
          tpu.enqueue_indirect_dma source(%arg12 : memref<32x128xf32, #tpu.memory_space<vmem>>) target(%dma_start3A_312 : memref<10240x128xf32, #tpu.memory_space<vmem_shared>>) offsets(%dma_start3A_309 : memref<32xi32, #tpu.memory_space<vmem>>) semaphore(%run_scoped3A : memref<!tpu.dma_semaphore, #tpu.memory_space<semaphore_mem>>) {add = true}
          %dma_wait3A_313 = arith.constant 0 : i32
          %dma_wait3A_314 = tpu.memref_slice %arg8[%add3A_263, %dma_wait3A_313] : memref<32x32xi32, #tpu.memory_space<vmem>> -> memref<1x32xi32, #tpu.memory_space<vmem>>
          %dma_wait3A_315 = tpu.memref_squeeze %dma_wait3A_314 : memref<1x32xi32, #tpu.memory_space<vmem>> -> memref<32xi32, #tpu.memory_space<vmem>>
          %dma_wait3A_316 = arith.constant 0 : i32
          %dma_wait3A_317 = arith.constant 0 : i32
          %dma_wait3A_318 = tpu.memref_slice %arg14[%dma_wait3A_316, %dma_wait3A_317] : memref<10240x128xf32, #tpu.memory_space<vmem_shared>> -> memref<10240x128xf32, #tpu.memory_space<vmem_shared>>
          tpu.wait_indirect_dma semaphore(%run_scoped3A : memref<!tpu.dma_semaphore, #tpu.memory_space<semaphore_mem>>) src(%arg12 : memref<32x128xf32, #tpu.memory_space<vmem>>) dst(%dma_wait3A_318 : memref<10240x128xf32, #tpu.memory_space<vmem_shared>>)
          tpu.yield
        }) : () -> ()
        %add3A_276 = arith.constant 4 : i32
        %add3A_277 = arith.addi %add3A_263, %add3A_276 : i32
        %lt3A_278 = arith.constant 32 : i32
        %lt3A_279 = arith.cmpi slt, %add3A_277, %lt3A_278 : i32
        %convert_element_type3A_280 = arith.extui %lt3A_279 : i1 to i32
        %cond3A_281 = arith.constant 0 : i32
        %cond3A_282 = arith.cmpi ne, %convert_element_type3A_280, %cond3A_281 : i32
        scf.if %cond3A_282 {
          %add3A_307 = arith.constant 4 : i32
          %add3A_308 = arith.addi %add3A_263, %add3A_307 : i32
          %rem3A_309 = arith.constant 4 : i32
          %rem3A_310 = arith.remsi %add3A_308, %rem3A_309 : i32
          %mul3A_311 = arith.constant 32 : i32
          %mul3A_312 = arith.muli %rem3A_310, %mul3A_311 : i32
          %div3A_313 = arith.constant 4 : i32
          %div3A_314 = arith.divsi %add3A_308, %div3A_313 : i32
          %multiple_of3A_315 = tpu.assume_multiple %mul3A_312, 32 : i32
          %dma_start3A_316 = tpu.memref_slice %arg6[%div3A_314, %multiple_of3A_315] : memref<8x128xi32, #tpu.memory_space<vmem>> -> memref<1x32xi32, #tpu.memory_space<vmem>>
          %dma_start3A_317 = tpu.memref_squeeze %dma_start3A_316 : memref<1x32xi32, #tpu.memory_space<vmem>> -> memref<32xi32, #tpu.memory_space<vmem>>
          %dma_start3A_318 = arith.constant 0 : i32
          %dma_start3A_319 = arith.constant 0 : i32
          %dma_start3A_320 = tpu.memref_slice %arg2[%dma_start3A_318, %dma_start3A_319] : memref<10000x128xf32, #tpu.memory_space<hbm>> -> memref<10000x128xf32, #tpu.memory_space<hbm>>
          tpu.enqueue_indirect_dma source(%dma_start3A_320 : memref<10000x128xf32, #tpu.memory_space<hbm>>) target(%arg12 : memref<32x128xf32, #tpu.memory_space<vmem>>) offsets(%dma_start3A_317 : memref<32xi32, #tpu.memory_space<vmem>>) semaphore(%arg19 : memref<!tpu.dma_semaphore, #tpu.memory_space<semaphore_mem>>)
        } else {
        }
        %mul3A_283 = arith.constant 4 : i32
        %mul3A_284 = arith.muli %scan3A_212, %mul3A_283 : i32
        %add3A_285 = arith.constant 3 : i32
        %add3A_286 = arith.addi %mul3A_284, %add3A_285 : i32
        %rem3A_287 = arith.constant 4 : i32
        %rem3A_288 = arith.remsi %add3A_286, %rem3A_287 : i32
        %mul3A_289 = arith.constant 32 : i32
        %mul3A_290 = arith.muli %rem3A_288, %mul3A_289 : i32
        %div3A_291 = arith.constant 4 : i32
        %div3A_292 = arith.divsi %add3A_286, %div3A_291 : i32
        %multiple_of3A_293 = tpu.assume_multiple %mul3A_290, 32 : i32
        %dma_wait3A_294 = tpu.memref_slice %arg6[%div3A_292, %multiple_of3A_293] : memref<8x128xi32, #tpu.memory_space<vmem>> -> memref<1x32xi32, #tpu.memory_space<vmem>>
        %dma_wait3A_295 = tpu.memref_squeeze %dma_wait3A_294 : memref<1x32xi32, #tpu.memory_space<vmem>> -> memref<32xi32, #tpu.memory_space<vmem>>
        %dma_wait3A_296 = arith.constant 0 : i32
        %dma_wait3A_297 = arith.constant 0 : i32
        %dma_wait3A_298 = tpu.memref_slice %arg2[%dma_wait3A_296, %dma_wait3A_297] : memref<10000x128xf32, #tpu.memory_space<hbm>> -> memref<10000x128xf32, #tpu.memory_space<hbm>>
        tpu.wait_indirect_dma semaphore(%arg20 : memref<!tpu.dma_semaphore, #tpu.memory_space<semaphore_mem>>) src(%dma_wait3A_298 : memref<10000x128xf32, #tpu.memory_space<hbm>>) dst(%arg13 : memref<32x128xf32, #tpu.memory_space<vmem>>)
        "tpu.region"() ({
          %run_scoped3A = tpu.sem_alloc : memref<!tpu.dma_semaphore, #tpu.memory_space<semaphore_mem>>
          %dma_start3A_307 = arith.constant 0 : i32
          %dma_start3A_308 = tpu.memref_slice %arg8[%add3A_286, %dma_start3A_307] : memref<32x32xi32, #tpu.memory_space<vmem>> -> memref<1x32xi32, #tpu.memory_space<vmem>>
          %dma_start3A_309 = tpu.memref_squeeze %dma_start3A_308 : memref<1x32xi32, #tpu.memory_space<vmem>> -> memref<32xi32, #tpu.memory_space<vmem>>
          %dma_start3A_310 = arith.constant 0 : i32
          %dma_start3A_311 = arith.constant 0 : i32
          %dma_start3A_312 = tpu.memref_slice %arg14[%dma_start3A_310, %dma_start3A_311] : memref<10240x128xf32, #tpu.memory_space<vmem_shared>> -> memref<10240x128xf32, #tpu.memory_space<vmem_shared>>
          tpu.enqueue_indirect_dma source(%arg13 : memref<32x128xf32, #tpu.memory_space<vmem>>) target(%dma_start3A_312 : memref<10240x128xf32, #tpu.memory_space<vmem_shared>>) offsets(%dma_start3A_309 : memref<32xi32, #tpu.memory_space<vmem>>) semaphore(%run_scoped3A : memref<!tpu.dma_semaphore, #tpu.memory_space<semaphore_mem>>) {add = true}
          %dma_wait3A_313 = arith.constant 0 : i32
          %dma_wait3A_314 = tpu.memref_slice %arg8[%add3A_286, %dma_wait3A_313] : memref<32x32xi32, #tpu.memory_space<vmem>> -> memref<1x32xi32, #tpu.memory_space<vmem>>
          %dma_wait3A_315 = tpu.memref_squeeze %dma_wait3A_314 : memref<1x32xi32, #tpu.memory_space<vmem>> -> memref<32xi32, #tpu.memory_space<vmem>>
          %dma_wait3A_316 = arith.constant 0 : i32
          %dma_wait3A_317 = arith.constant 0 : i32
          %dma_wait3A_318 = tpu.memref_slice %arg14[%dma_wait3A_316, %dma_wait3A_317] : memref<10240x128xf32, #tpu.memory_space<vmem_shared>> -> memref<10240x128xf32, #tpu.memory_space<vmem_shared>>
          tpu.wait_indirect_dma semaphore(%run_scoped3A : memref<!tpu.dma_semaphore, #tpu.memory_space<semaphore_mem>>) src(%arg13 : memref<32x128xf32, #tpu.memory_space<vmem>>) dst(%dma_wait3A_318 : memref<10240x128xf32, #tpu.memory_space<vmem_shared>>)
          tpu.yield
        }) : () -> ()
        %add3A_299 = arith.constant 4 : i32
        %add3A_300 = arith.addi %add3A_286, %add3A_299 : i32
        %lt3A_301 = arith.constant 32 : i32
        %lt3A_302 = arith.cmpi slt, %add3A_300, %lt3A_301 : i32
        %convert_element_type3A_303 = arith.extui %lt3A_302 : i1 to i32
        %cond3A_304 = arith.constant 0 : i32
        %cond3A_305 = arith.cmpi ne, %convert_element_type3A_303, %cond3A_304 : i32
        scf.if %cond3A_305 {
          %add3A_307 = arith.constant 4 : i32
          %add3A_308 = arith.addi %add3A_286, %add3A_307 : i32
          %rem3A_309 = arith.constant 4 : i32
          %rem3A_310 = arith.remsi %add3A_308, %rem3A_309 : i32
          %mul3A_311 = arith.constant 32 : i32
          %mul3A_312 = arith.muli %rem3A_310, %mul3A_311 : i32
          %div3A_313 = arith.constant 4 : i32
          %div3A_314 = arith.divsi %add3A_308, %div3A_313 : i32
          %multiple_of3A_315 = tpu.assume_multiple %mul3A_312, 32 : i32
          %dma_start3A_316 = tpu.memref_slice %arg6[%div3A_314, %multiple_of3A_315] : memref<8x128xi32, #tpu.memory_space<vmem>> -> memref<1x32xi32, #tpu.memory_space<vmem>>
          %dma_start3A_317 = tpu.memref_squeeze %dma_start3A_316 : memref<1x32xi32, #tpu.memory_space<vmem>> -> memref<32xi32, #tpu.memory_space<vmem>>
          %dma_start3A_318 = arith.constant 0 : i32
          %dma_start3A_319 = arith.constant 0 : i32
          %dma_start3A_320 = tpu.memref_slice %arg2[%dma_start3A_318, %dma_start3A_319] : memref<10000x128xf32, #tpu.memory_space<hbm>> -> memref<10000x128xf32, #tpu.memory_space<hbm>>
          tpu.enqueue_indirect_dma source(%dma_start3A_320 : memref<10000x128xf32, #tpu.memory_space<hbm>>) target(%arg13 : memref<32x128xf32, #tpu.memory_space<vmem>>) offsets(%dma_start3A_317 : memref<32xi32, #tpu.memory_space<vmem>>) semaphore(%arg20 : memref<!tpu.dma_semaphore, #tpu.memory_space<semaphore_mem>>)
        } else {
        }
        %scan3A_306 = arith.constant 0 : i32
        scf.yield %scan3A_306 : i32
      }
      %scan3A_120 = arith.constant 8 : i32
      %add3A_121 = arith.constant 2 : i32
      %add3A_122 = arith.addi %mul3A_48, %add3A_121 : i32
      %lt3A = arith.cmpi slt, %add3A_122, %select_n3A_6 : i32
      %convert_element_type3A_123 = arith.extui %lt3A : i1 to i32
      %cond3A_124 = arith.constant 0 : i32
      %cond3A_125 = arith.cmpi ne, %convert_element_type3A_123, %cond3A_124 : i32
      scf.if %cond3A_125 {
        %add3A_212 = arith.constant 2 : i32
        %add3A_213 = arith.addi %mul3A_48, %add3A_212 : i32
        %div3A_214 = arith.constant 4 : i32
        %div3A_215 = arith.divsi %multiple_of3A, %div3A_214 : i32
        %mul3A_216 = arith.constant 8 : i32
        %mul3A_217 = arith.muli %add3A_213, %mul3A_216 : i32
        %add3A_218 = arith.addi %div3A_215, %mul3A_217 : i32
        %multiple_of3A_219 = tpu.assume_multiple %add3A_218, 8 : i32
        %dma_start3A_220 = arith.constant 0 : i32
        %dma_start3A_221 = tpu.memref_slice %arg3[%multiple_of3A_219, %dma_start3A_220] : memref<2560x128xi32, #tpu.memory_space<hbm>> -> memref<8x128xi32, #tpu.memory_space<hbm>>
        %dma_start3A_222 = arith.constant 0 : i32
        %dma_start3A_223 = tpu.memref_slice %arg3[%multiple_of3A_219, %dma_start3A_222] : memref<2560x128xi32, #tpu.memory_space<hbm>> -> memref<8x128xi32, #tpu.memory_space<hbm>>
        tpu.enqueue_dma source(%dma_start3A_223 : memref<8x128xi32, #tpu.memory_space<hbm>>) target(%arg6 : memref<8x128xi32, #tpu.memory_space<vmem>>) target_semaphore(%arg15 : memref<!tpu.dma_semaphore, #tpu.memory_space<semaphore_mem>>)
        %mul3A_224 = arith.constant 32 : i32
        %mul3A_225 = arith.muli %add3A_213, %mul3A_224 : i32
        %add3A_226 = arith.addi %multiple_of3A, %mul3A_225 : i32
        %multiple_of3A_227 = tpu.assume_multiple %add3A_226, 8 : i32
        %dma_start3A_228 = arith.constant 0 : i32
        %dma_start3A_229 = tpu.memref_slice %arg4[%multiple_of3A_227, %dma_start3A_228] : memref<10240x32xi32, #tpu.memory_space<hbm>> -> memref<32x32xi32, #tpu.memory_space<hbm>>
        %dma_start3A_230 = arith.constant 0 : i32
        %dma_start3A_231 = tpu.memref_slice %arg4[%multiple_of3A_227, %dma_start3A_230] : memref<10240x32xi32, #tpu.memory_space<hbm>> -> memref<32x32xi32, #tpu.memory_space<hbm>>
        tpu.enqueue_dma source(%dma_start3A_231 : memref<32x32xi32, #tpu.memory_space<hbm>>) target(%arg8 : memref<32x32xi32, #tpu.memory_space<vmem>>) target_semaphore(%arg15 : memref<!tpu.dma_semaphore, #tpu.memory_space<semaphore_mem>>)
      } else {
      }
      %mul3A_126 = arith.constant 2 : i32
      %mul3A_127 = arith.muli %mul3A_126, %while3A_45 : i32
      %add3A_128 = arith.constant 1 : i32
      %add3A_129 = arith.addi %mul3A_127, %add3A_128 : i32
      %dma_wait3A_130 = arith.constant 0 : i32
      %dma_wait3A_131 = arith.constant 0 : i32
      %dma_wait3A_132 = tpu.memref_slice %arg3[%dma_wait3A_130, %dma_wait3A_131] : memref<2560x128xi32, #tpu.memory_space<hbm>> -> memref<8x128xi32, #tpu.memory_space<hbm>>
      %dma_wait3A_133 = arith.constant 0 : i32
      %dma_wait3A_134 = arith.constant 0 : i32
      %dma_wait3A_135 = tpu.memref_slice %arg3[%dma_wait3A_133, %dma_wait3A_134] : memref<2560x128xi32, #tpu.memory_space<hbm>> -> memref<8x128xi32, #tpu.memory_space<hbm>>
      tpu.wait_dma2 semaphore(%arg16 : memref<!tpu.dma_semaphore, #tpu.memory_space<semaphore_mem>>) src(%dma_wait3A_135 : memref<8x128xi32, #tpu.memory_space<hbm>>) dst(%arg7 : memref<8x128xi32, #tpu.memory_space<vmem>>)
      %dma_wait3A_136 = arith.constant 0 : i32
      %dma_wait3A_137 = arith.constant 0 : i32
      %dma_wait3A_138 = tpu.memref_slice %arg4[%dma_wait3A_136, %dma_wait3A_137] : memref<10240x32xi32, #tpu.memory_space<hbm>> -> memref<32x32xi32, #tpu.memory_space<hbm>>
      %dma_wait3A_139 = arith.constant 0 : i32
      %dma_wait3A_140 = arith.constant 0 : i32
      %dma_wait3A_141 = tpu.memref_slice %arg4[%dma_wait3A_139, %dma_wait3A_140] : memref<10240x32xi32, #tpu.memory_space<hbm>> -> memref<32x32xi32, #tpu.memory_space<hbm>>
      tpu.wait_dma2 semaphore(%arg16 : memref<!tpu.dma_semaphore, #tpu.memory_space<semaphore_mem>>) src(%dma_wait3A_141 : memref<32x32xi32, #tpu.memory_space<hbm>>) dst(%arg9 : memref<32x32xi32, #tpu.memory_space<vmem>>)
      %rem3A_142 = arith.constant 0 : i32
      %rem3A_143 = arith.constant 4 : i32
      %rem3A_144 = arith.remsi %rem3A_142, %rem3A_143 : i32
      %mul3A_145 = arith.constant 32 : i32
      %mul3A_146 = arith.muli %rem3A_144, %mul3A_145 : i32
      %div3A_147 = arith.constant 0 : i32
      %div3A_148 = arith.constant 4 : i32
      %div3A_149 = arith.divsi %div3A_147, %div3A_148 : i32
      %multiple_of3A_150 = tpu.assume_multiple %mul3A_146, 32 : i32
      %dma_start3A_151 = tpu.memref_slice %arg7[%div3A_149, %multiple_of3A_150] : memref<8x128xi32, #tpu.memory_space<vmem>> -> memref<1x32xi32, #tpu.memory_space<vmem>>
      %dma_start3A_152 = tpu.memref_squeeze %dma_start3A_151 : memref<1x32xi32, #tpu.memory_space<vmem>> -> memref<32xi32, #tpu.memory_space<vmem>>
      %dma_start3A_153 = arith.constant 0 : i32
      %dma_start3A_154 = arith.constant 0 : i32
      %dma_start3A_155 = tpu.memref_slice %arg2[%dma_start3A_153, %dma_start3A_154] : memref<10000x128xf32, #tpu.memory_space<hbm>> -> memref<10000x128xf32, #tpu.memory_space<hbm>>
      tpu.enqueue_indirect_dma source(%dma_start3A_155 : memref<10000x128xf32, #tpu.memory_space<hbm>>) target(%arg10 : memref<32x128xf32, #tpu.memory_space<vmem>>) offsets(%dma_start3A_152 : memref<32xi32, #tpu.memory_space<vmem>>) semaphore(%arg17 : memref<!tpu.dma_semaphore, #tpu.memory_space<semaphore_mem>>)
      %rem3A_156 = arith.constant 1 : i32
      %rem3A_157 = arith.constant 4 : i32
      %rem3A_158 = arith.remsi %rem3A_156, %rem3A_157 : i32
      %mul3A_159 = arith.constant 32 : i32
      %mul3A_160 = arith.muli %rem3A_158, %mul3A_159 : i32
      %div3A_161 = arith.constant 1 : i32
      %div3A_162 = arith.constant 4 : i32
      %div3A_163 = arith.divsi %div3A_161, %div3A_162 : i32
      %multiple_of3A_164 = tpu.assume_multiple %mul3A_160, 32 : i32
      %dma_start3A_165 = tpu.memref_slice %arg7[%div3A_163, %multiple_of3A_164] : memref<8x128xi32, #tpu.memory_space<vmem>> -> memref<1x32xi32, #tpu.memory_space<vmem>>
      %dma_start3A_166 = tpu.memref_squeeze %dma_start3A_165 : memref<1x32xi32, #tpu.memory_space<vmem>> -> memref<32xi32, #tpu.memory_space<vmem>>
      %dma_start3A_167 = arith.constant 0 : i32
      %dma_start3A_168 = arith.constant 0 : i32
      %dma_start3A_169 = tpu.memref_slice %arg2[%dma_start3A_167, %dma_start3A_168] : memref<10000x128xf32, #tpu.memory_space<hbm>> -> memref<10000x128xf32, #tpu.memory_space<hbm>>
      tpu.enqueue_indirect_dma source(%dma_start3A_169 : memref<10000x128xf32, #tpu.memory_space<hbm>>) target(%arg11 : memref<32x128xf32, #tpu.memory_space<vmem>>) offsets(%dma_start3A_166 : memref<32xi32, #tpu.memory_space<vmem>>) semaphore(%arg18 : memref<!tpu.dma_semaphore, #tpu.memory_space<semaphore_mem>>)
      %rem3A_170 = arith.constant 2 : i32
      %rem3A_171 = arith.constant 4 : i32
      %rem3A_172 = arith.remsi %rem3A_170, %rem3A_171 : i32
      %mul3A_173 = arith.constant 32 : i32
      %mul3A_174 = arith.muli %rem3A_172, %mul3A_173 : i32
      %div3A_175 = arith.constant 2 : i32
      %div3A_176 = arith.constant 4 : i32
      %div3A_177 = arith.divsi %div3A_175, %div3A_176 : i32
      %multiple_of3A_178 = tpu.assume_multiple %mul3A_174, 32 : i32
      %dma_start3A_179 = tpu.memref_slice %arg7[%div3A_177, %multiple_of3A_178] : memref<8x128xi32, #tpu.memory_space<vmem>> -> memref<1x32xi32, #tpu.memory_space<vmem>>
      %dma_start3A_180 = tpu.memref_squeeze %dma_start3A_179 : memref<1x32xi32, #tpu.memory_space<vmem>> -> memref<32xi32, #tpu.memory_space<vmem>>
      %dma_start3A_181 = arith.constant 0 : i32
      %dma_start3A_182 = arith.constant 0 : i32
      %dma_start3A_183 = tpu.memref_slice %arg2[%dma_start3A_181, %dma_start3A_182] : memref<10000x128xf32, #tpu.memory_space<hbm>> -> memref<10000x128xf32, #tpu.memory_space<hbm>>
      tpu.enqueue_indirect_dma source(%dma_start3A_183 : memref<10000x128xf32, #tpu.memory_space<hbm>>) target(%arg12 : memref<32x128xf32, #tpu.memory_space<vmem>>) offsets(%dma_start3A_180 : memref<32xi32, #tpu.memory_space<vmem>>) semaphore(%arg19 : memref<!tpu.dma_semaphore, #tpu.memory_space<semaphore_mem>>)
      %rem3A_184 = arith.constant 3 : i32
      %rem3A_185 = arith.constant 4 : i32
      %rem3A_186 = arith.remsi %rem3A_184, %rem3A_185 : i32
      %mul3A_187 = arith.constant 32 : i32
      %mul3A_188 = arith.muli %rem3A_186, %mul3A_187 : i32
      %div3A_189 = arith.constant 3 : i32
      %div3A_190 = arith.constant 4 : i32
      %div3A_191 = arith.divsi %div3A_189, %div3A_190 : i32
      %multiple_of3A_192 = tpu.assume_multiple %mul3A_188, 32 : i32
      %dma_start3A_193 = tpu.memref_slice %arg7[%div3A_191, %multiple_of3A_192] : memref<8x128xi32, #tpu.memory_space<vmem>> -> memref<1x32xi32, #tpu.memory_space<vmem>>
      %dma_start3A_194 = tpu.memref_squeeze %dma_start3A_193 : memref<1x32xi32, #tpu.memory_space<vmem>> -> memref<32xi32, #tpu.memory_space<vmem>>
      %dma_start3A_195 = arith.constant 0 : i32
      %dma_start3A_196 = arith.constant 0 : i32
      %dma_start3A_197 = tpu.memref_slice %arg2[%dma_start3A_195, %dma_start3A_196] : memref<10000x128xf32, #tpu.memory_space<hbm>> -> memref<10000x128xf32, #tpu.memory_space<hbm>>
      tpu.enqueue_indirect_dma source(%dma_start3A_197 : memref<10000x128xf32, #tpu.memory_space<hbm>>) target(%arg13 : memref<32x128xf32, #tpu.memory_space<vmem>>) offsets(%dma_start3A_194 : memref<32xi32, #tpu.memory_space<vmem>>) semaphore(%arg20 : memref<!tpu.dma_semaphore, #tpu.memory_space<semaphore_mem>>)
      %scan3A_198 = arith.constant 0 : i32
      %scan3A_199 = arith.constant 0 : i32
      %scan3A_200 = arith.constant 8 : i32
      %scan3A_201 = arith.addi %scan3A_199, %scan3A_200 : i32
      %scan3A_202 = arith.constant 1 : i32
      %scan3A_203 = scf.for %scan3A_212 = %scan3A_199 to %scan3A_201 step %scan3A_202 iter_args(%scan3A_213 = %scan3A_198) -> (i32)  : i32 {
        %mul3A_214 = arith.constant 4 : i32
        %mul3A_215 = arith.muli %scan3A_212, %mul3A_214 : i32
        %add3A_216 = arith.constant 0 : i32
        %add3A_217 = arith.addi %mul3A_215, %add3A_216 : i32
        %rem3A_218 = arith.constant 4 : i32
        %rem3A_219 = arith.remsi %add3A_217, %rem3A_218 : i32
        %mul3A_220 = arith.constant 32 : i32
        %mul3A_221 = arith.muli %rem3A_219, %mul3A_220 : i32
        %div3A_222 = arith.constant 4 : i32
        %div3A_223 = arith.divsi %add3A_217, %div3A_222 : i32
        %multiple_of3A_224 = tpu.assume_multiple %mul3A_221, 32 : i32
        %dma_wait3A_225 = tpu.memref_slice %arg7[%div3A_223, %multiple_of3A_224] : memref<8x128xi32, #tpu.memory_space<vmem>> -> memref<1x32xi32, #tpu.memory_space<vmem>>
        %dma_wait3A_226 = tpu.memref_squeeze %dma_wait3A_225 : memref<1x32xi32, #tpu.memory_space<vmem>> -> memref<32xi32, #tpu.memory_space<vmem>>
        %dma_wait3A_227 = arith.constant 0 : i32
        %dma_wait3A_228 = arith.constant 0 : i32
        %dma_wait3A_229 = tpu.memref_slice %arg2[%dma_wait3A_227, %dma_wait3A_228] : memref<10000x128xf32, #tpu.memory_space<hbm>> -> memref<10000x128xf32, #tpu.memory_space<hbm>>
        tpu.wait_indirect_dma semaphore(%arg17 : memref<!tpu.dma_semaphore, #tpu.memory_space<semaphore_mem>>) src(%dma_wait3A_229 : memref<10000x128xf32, #tpu.memory_space<hbm>>) dst(%arg10 : memref<32x128xf32, #tpu.memory_space<vmem>>)
        "tpu.region"() ({
          %run_scoped3A = tpu.sem_alloc : memref<!tpu.dma_semaphore, #tpu.memory_space<semaphore_mem>>
          %dma_start3A_307 = arith.constant 0 : i32
          %dma_start3A_308 = tpu.memref_slice %arg9[%add3A_217, %dma_start3A_307] : memref<32x32xi32, #tpu.memory_space<vmem>> -> memref<1x32xi32, #tpu.memory_space<vmem>>
          %dma_start3A_309 = tpu.memref_squeeze %dma_start3A_308 : memref<1x32xi32, #tpu.memory_space<vmem>> -> memref<32xi32, #tpu.memory_space<vmem>>
          %dma_start3A_310 = arith.constant 0 : i32
          %dma_start3A_311 = arith.constant 0 : i32
          %dma_start3A_312 = tpu.memref_slice %arg14[%dma_start3A_310, %dma_start3A_311] : memref<10240x128xf32, #tpu.memory_space<vmem_shared>> -> memref<10240x128xf32, #tpu.memory_space<vmem_shared>>
          tpu.enqueue_indirect_dma source(%arg10 : memref<32x128xf32, #tpu.memory_space<vmem>>) target(%dma_start3A_312 : memref<10240x128xf32, #tpu.memory_space<vmem_shared>>) offsets(%dma_start3A_309 : memref<32xi32, #tpu.memory_space<vmem>>) semaphore(%run_scoped3A : memref<!tpu.dma_semaphore, #tpu.memory_space<semaphore_mem>>) {add = true}
          %dma_wait3A_313 = arith.constant 0 : i32
          %dma_wait3A_314 = tpu.memref_slice %arg9[%add3A_217, %dma_wait3A_313] : memref<32x32xi32, #tpu.memory_space<vmem>> -> memref<1x32xi32, #tpu.memory_space<vmem>>
          %dma_wait3A_315 = tpu.memref_squeeze %dma_wait3A_314 : memref<1x32xi32, #tpu.memory_space<vmem>> -> memref<32xi32, #tpu.memory_space<vmem>>
          %dma_wait3A_316 = arith.constant 0 : i32
          %dma_wait3A_317 = arith.constant 0 : i32
          %dma_wait3A_318 = tpu.memref_slice %arg14[%dma_wait3A_316, %dma_wait3A_317] : memref<10240x128xf32, #tpu.memory_space<vmem_shared>> -> memref<10240x128xf32, #tpu.memory_space<vmem_shared>>
          tpu.wait_indirect_dma semaphore(%run_scoped3A : memref<!tpu.dma_semaphore, #tpu.memory_space<semaphore_mem>>) src(%arg10 : memref<32x128xf32, #tpu.memory_space<vmem>>) dst(%dma_wait3A_318 : memref<10240x128xf32, #tpu.memory_space<vmem_shared>>)
          tpu.yield
        }) : () -> ()
        %add3A_230 = arith.constant 4 : i32
        %add3A_231 = arith.addi %add3A_217, %add3A_230 : i32
        %lt3A_232 = arith.constant 32 : i32
        %lt3A_233 = arith.cmpi slt, %add3A_231, %lt3A_232 : i32
        %convert_element_type3A_234 = arith.extui %lt3A_233 : i1 to i32
        %cond3A_235 = arith.constant 0 : i32
        %cond3A_236 = arith.cmpi ne, %convert_element_type3A_234, %cond3A_235 : i32
        scf.if %cond3A_236 {
          %add3A_307 = arith.constant 4 : i32
          %add3A_308 = arith.addi %add3A_217, %add3A_307 : i32
          %rem3A_309 = arith.constant 4 : i32
          %rem3A_310 = arith.remsi %add3A_308, %rem3A_309 : i32
          %mul3A_311 = arith.constant 32 : i32
          %mul3A_312 = arith.muli %rem3A_310, %mul3A_311 : i32
          %div3A_313 = arith.constant 4 : i32
          %div3A_314 = arith.divsi %add3A_308, %div3A_313 : i32
          %multiple_of3A_315 = tpu.assume_multiple %mul3A_312, 32 : i32
          %dma_start3A_316 = tpu.memref_slice %arg7[%div3A_314, %multiple_of3A_315] : memref<8x128xi32, #tpu.memory_space<vmem>> -> memref<1x32xi32, #tpu.memory_space<vmem>>
          %dma_start3A_317 = tpu.memref_squeeze %dma_start3A_316 : memref<1x32xi32, #tpu.memory_space<vmem>> -> memref<32xi32, #tpu.memory_space<vmem>>
          %dma_start3A_318 = arith.constant 0 : i32
          %dma_start3A_319 = arith.constant 0 : i32
          %dma_start3A_320 = tpu.memref_slice %arg2[%dma_start3A_318, %dma_start3A_319] : memref<10000x128xf32, #tpu.memory_space<hbm>> -> memref<10000x128xf32, #tpu.memory_space<hbm>>
          tpu.enqueue_indirect_dma source(%dma_start3A_320 : memref<10000x128xf32, #tpu.memory_space<hbm>>) target(%arg10 : memref<32x128xf32, #tpu.memory_space<vmem>>) offsets(%dma_start3A_317 : memref<32xi32, #tpu.memory_space<vmem>>) semaphore(%arg17 : memref<!tpu.dma_semaphore, #tpu.memory_space<semaphore_mem>>)
        } else {
        }
        %mul3A_237 = arith.constant 4 : i32
        %mul3A_238 = arith.muli %scan3A_212, %mul3A_237 : i32
        %add3A_239 = arith.constant 1 : i32
        %add3A_240 = arith.addi %mul3A_238, %add3A_239 : i32
        %rem3A_241 = arith.constant 4 : i32
        %rem3A_242 = arith.remsi %add3A_240, %rem3A_241 : i32
        %mul3A_243 = arith.constant 32 : i32
        %mul3A_244 = arith.muli %rem3A_242, %mul3A_243 : i32
        %div3A_245 = arith.constant 4 : i32
        %div3A_246 = arith.divsi %add3A_240, %div3A_245 : i32
        %multiple_of3A_247 = tpu.assume_multiple %mul3A_244, 32 : i32
        %dma_wait3A_248 = tpu.memref_slice %arg7[%div3A_246, %multiple_of3A_247] : memref<8x128xi32, #tpu.memory_space<vmem>> -> memref<1x32xi32, #tpu.memory_space<vmem>>
        %dma_wait3A_249 = tpu.memref_squeeze %dma_wait3A_248 : memref<1x32xi32, #tpu.memory_space<vmem>> -> memref<32xi32, #tpu.memory_space<vmem>>
        %dma_wait3A_250 = arith.constant 0 : i32
        %dma_wait3A_251 = arith.constant 0 : i32
        %dma_wait3A_252 = tpu.memref_slice %arg2[%dma_wait3A_250, %dma_wait3A_251] : memref<10000x128xf32, #tpu.memory_space<hbm>> -> memref<10000x128xf32, #tpu.memory_space<hbm>>
        tpu.wait_indirect_dma semaphore(%arg18 : memref<!tpu.dma_semaphore, #tpu.memory_space<semaphore_mem>>) src(%dma_wait3A_252 : memref<10000x128xf32, #tpu.memory_space<hbm>>) dst(%arg11 : memref<32x128xf32, #tpu.memory_space<vmem>>)
        "tpu.region"() ({
          %run_scoped3A = tpu.sem_alloc : memref<!tpu.dma_semaphore, #tpu.memory_space<semaphore_mem>>
          %dma_start3A_307 = arith.constant 0 : i32
          %dma_start3A_308 = tpu.memref_slice %arg9[%add3A_240, %dma_start3A_307] : memref<32x32xi32, #tpu.memory_space<vmem>> -> memref<1x32xi32, #tpu.memory_space<vmem>>
          %dma_start3A_309 = tpu.memref_squeeze %dma_start3A_308 : memref<1x32xi32, #tpu.memory_space<vmem>> -> memref<32xi32, #tpu.memory_space<vmem>>
          %dma_start3A_310 = arith.constant 0 : i32
          %dma_start3A_311 = arith.constant 0 : i32
          %dma_start3A_312 = tpu.memref_slice %arg14[%dma_start3A_310, %dma_start3A_311] : memref<10240x128xf32, #tpu.memory_space<vmem_shared>> -> memref<10240x128xf32, #tpu.memory_space<vmem_shared>>
          tpu.enqueue_indirect_dma source(%arg11 : memref<32x128xf32, #tpu.memory_space<vmem>>) target(%dma_start3A_312 : memref<10240x128xf32, #tpu.memory_space<vmem_shared>>) offsets(%dma_start3A_309 : memref<32xi32, #tpu.memory_space<vmem>>) semaphore(%run_scoped3A : memref<!tpu.dma_semaphore, #tpu.memory_space<semaphore_mem>>) {add = true}
          %dma_wait3A_313 = arith.constant 0 : i32
          %dma_wait3A_314 = tpu.memref_slice %arg9[%add3A_240, %dma_wait3A_313] : memref<32x32xi32, #tpu.memory_space<vmem>> -> memref<1x32xi32, #tpu.memory_space<vmem>>
          %dma_wait3A_315 = tpu.memref_squeeze %dma_wait3A_314 : memref<1x32xi32, #tpu.memory_space<vmem>> -> memref<32xi32, #tpu.memory_space<vmem>>
          %dma_wait3A_316 = arith.constant 0 : i32
          %dma_wait3A_317 = arith.constant 0 : i32
          %dma_wait3A_318 = tpu.memref_slice %arg14[%dma_wait3A_316, %dma_wait3A_317] : memref<10240x128xf32, #tpu.memory_space<vmem_shared>> -> memref<10240x128xf32, #tpu.memory_space<vmem_shared>>
          tpu.wait_indirect_dma semaphore(%run_scoped3A : memref<!tpu.dma_semaphore, #tpu.memory_space<semaphore_mem>>) src(%arg11 : memref<32x128xf32, #tpu.memory_space<vmem>>) dst(%dma_wait3A_318 : memref<10240x128xf32, #tpu.memory_space<vmem_shared>>)
          tpu.yield
        }) : () -> ()
        %add3A_253 = arith.constant 4 : i32
        %add3A_254 = arith.addi %add3A_240, %add3A_253 : i32
        %lt3A_255 = arith.constant 32 : i32
        %lt3A_256 = arith.cmpi slt, %add3A_254, %lt3A_255 : i32
        %convert_element_type3A_257 = arith.extui %lt3A_256 : i1 to i32
        %cond3A_258 = arith.constant 0 : i32
        %cond3A_259 = arith.cmpi ne, %convert_element_type3A_257, %cond3A_258 : i32
        scf.if %cond3A_259 {
          %add3A_307 = arith.constant 4 : i32
          %add3A_308 = arith.addi %add3A_240, %add3A_307 : i32
          %rem3A_309 = arith.constant 4 : i32
          %rem3A_310 = arith.remsi %add3A_308, %rem3A_309 : i32
          %mul3A_311 = arith.constant 32 : i32
          %mul3A_312 = arith.muli %rem3A_310, %mul3A_311 : i32
          %div3A_313 = arith.constant 4 : i32
          %div3A_314 = arith.divsi %add3A_308, %div3A_313 : i32
          %multiple_of3A_315 = tpu.assume_multiple %mul3A_312, 32 : i32
          %dma_start3A_316 = tpu.memref_slice %arg7[%div3A_314, %multiple_of3A_315] : memref<8x128xi32, #tpu.memory_space<vmem>> -> memref<1x32xi32, #tpu.memory_space<vmem>>
          %dma_start3A_317 = tpu.memref_squeeze %dma_start3A_316 : memref<1x32xi32, #tpu.memory_space<vmem>> -> memref<32xi32, #tpu.memory_space<vmem>>
          %dma_start3A_318 = arith.constant 0 : i32
          %dma_start3A_319 = arith.constant 0 : i32
          %dma_start3A_320 = tpu.memref_slice %arg2[%dma_start3A_318, %dma_start3A_319] : memref<10000x128xf32, #tpu.memory_space<hbm>> -> memref<10000x128xf32, #tpu.memory_space<hbm>>
          tpu.enqueue_indirect_dma source(%dma_start3A_320 : memref<10000x128xf32, #tpu.memory_space<hbm>>) target(%arg11 : memref<32x128xf32, #tpu.memory_space<vmem>>) offsets(%dma_start3A_317 : memref<32xi32, #tpu.memory_space<vmem>>) semaphore(%arg18 : memref<!tpu.dma_semaphore, #tpu.memory_space<semaphore_mem>>)
        } else {
        }
        %mul3A_260 = arith.constant 4 : i32
        %mul3A_261 = arith.muli %scan3A_212, %mul3A_260 : i32
        %add3A_262 = arith.constant 2 : i32
        %add3A_263 = arith.addi %mul3A_261, %add3A_262 : i32
        %rem3A_264 = arith.constant 4 : i32
        %rem3A_265 = arith.remsi %add3A_263, %rem3A_264 : i32
        %mul3A_266 = arith.constant 32 : i32
        %mul3A_267 = arith.muli %rem3A_265, %mul3A_266 : i32
        %div3A_268 = arith.constant 4 : i32
        %div3A_269 = arith.divsi %add3A_263, %div3A_268 : i32
        %multiple_of3A_270 = tpu.assume_multiple %mul3A_267, 32 : i32
        %dma_wait3A_271 = tpu.memref_slice %arg7[%div3A_269, %multiple_of3A_270] : memref<8x128xi32, #tpu.memory_space<vmem>> -> memref<1x32xi32, #tpu.memory_space<vmem>>
        %dma_wait3A_272 = tpu.memref_squeeze %dma_wait3A_271 : memref<1x32xi32, #tpu.memory_space<vmem>> -> memref<32xi32, #tpu.memory_space<vmem>>
        %dma_wait3A_273 = arith.constant 0 : i32
        %dma_wait3A_274 = arith.constant 0 : i32
        %dma_wait3A_275 = tpu.memref_slice %arg2[%dma_wait3A_273, %dma_wait3A_274] : memref<10000x128xf32, #tpu.memory_space<hbm>> -> memref<10000x128xf32, #tpu.memory_space<hbm>>
        tpu.wait_indirect_dma semaphore(%arg19 : memref<!tpu.dma_semaphore, #tpu.memory_space<semaphore_mem>>) src(%dma_wait3A_275 : memref<10000x128xf32, #tpu.memory_space<hbm>>) dst(%arg12 : memref<32x128xf32, #tpu.memory_space<vmem>>)
        "tpu.region"() ({
          %run_scoped3A = tpu.sem_alloc : memref<!tpu.dma_semaphore, #tpu.memory_space<semaphore_mem>>
          %dma_start3A_307 = arith.constant 0 : i32
          %dma_start3A_308 = tpu.memref_slice %arg9[%add3A_263, %dma_start3A_307] : memref<32x32xi32, #tpu.memory_space<vmem>> -> memref<1x32xi32, #tpu.memory_space<vmem>>
          %dma_start3A_309 = tpu.memref_squeeze %dma_start3A_308 : memref<1x32xi32, #tpu.memory_space<vmem>> -> memref<32xi32, #tpu.memory_space<vmem>>
          %dma_start3A_310 = arith.constant 0 : i32
          %dma_start3A_311 = arith.constant 0 : i32
          %dma_start3A_312 = tpu.memref_slice %arg14[%dma_start3A_310, %dma_start3A_311] : memref<10240x128xf32, #tpu.memory_space<vmem_shared>> -> memref<10240x128xf32, #tpu.memory_space<vmem_shared>>
          tpu.enqueue_indirect_dma source(%arg12 : memref<32x128xf32, #tpu.memory_space<vmem>>) target(%dma_start3A_312 : memref<10240x128xf32, #tpu.memory_space<vmem_shared>>) offsets(%dma_start3A_309 : memref<32xi32, #tpu.memory_space<vmem>>) semaphore(%run_scoped3A : memref<!tpu.dma_semaphore, #tpu.memory_space<semaphore_mem>>) {add = true}
          %dma_wait3A_313 = arith.constant 0 : i32
          %dma_wait3A_314 = tpu.memref_slice %arg9[%add3A_263, %dma_wait3A_313] : memref<32x32xi32, #tpu.memory_space<vmem>> -> memref<1x32xi32, #tpu.memory_space<vmem>>
          %dma_wait3A_315 = tpu.memref_squeeze %dma_wait3A_314 : memref<1x32xi32, #tpu.memory_space<vmem>> -> memref<32xi32, #tpu.memory_space<vmem>>
          %dma_wait3A_316 = arith.constant 0 : i32
          %dma_wait3A_317 = arith.constant 0 : i32
          %dma_wait3A_318 = tpu.memref_slice %arg14[%dma_wait3A_316, %dma_wait3A_317] : memref<10240x128xf32, #tpu.memory_space<vmem_shared>> -> memref<10240x128xf32, #tpu.memory_space<vmem_shared>>
          tpu.wait_indirect_dma semaphore(%run_scoped3A : memref<!tpu.dma_semaphore, #tpu.memory_space<semaphore_mem>>) src(%arg12 : memref<32x128xf32, #tpu.memory_space<vmem>>) dst(%dma_wait3A_318 : memref<10240x128xf32, #tpu.memory_space<vmem_shared>>)
          tpu.yield
        }) : () -> ()
        %add3A_276 = arith.constant 4 : i32
        %add3A_277 = arith.addi %add3A_263, %add3A_276 : i32
        %lt3A_278 = arith.constant 32 : i32
        %lt3A_279 = arith.cmpi slt, %add3A_277, %lt3A_278 : i32
        %convert_element_type3A_280 = arith.extui %lt3A_279 : i1 to i32
        %cond3A_281 = arith.constant 0 : i32
        %cond3A_282 = arith.cmpi ne, %convert_element_type3A_280, %cond3A_281 : i32
        scf.if %cond3A_282 {
          %add3A_307 = arith.constant 4 : i32
          %add3A_308 = arith.addi %add3A_263, %add3A_307 : i32
          %rem3A_309 = arith.constant 4 : i32
          %rem3A_310 = arith.remsi %add3A_308, %rem3A_309 : i32
          %mul3A_311 = arith.constant 32 : i32
          %mul3A_312 = arith.muli %rem3A_310, %mul3A_311 : i32
          %div3A_313 = arith.constant 4 : i32
          %div3A_314 = arith.divsi %add3A_308, %div3A_313 : i32
          %multiple_of3A_315 = tpu.assume_multiple %mul3A_312, 32 : i32
          %dma_start3A_316 = tpu.memref_slice %arg7[%div3A_314, %multiple_of3A_315] : memref<8x128xi32, #tpu.memory_space<vmem>> -> memref<1x32xi32, #tpu.memory_space<vmem>>
          %dma_start3A_317 = tpu.memref_squeeze %dma_start3A_316 : memref<1x32xi32, #tpu.memory_space<vmem>> -> memref<32xi32, #tpu.memory_space<vmem>>
          %dma_start3A_318 = arith.constant 0 : i32
          %dma_start3A_319 = arith.constant 0 : i32
          %dma_start3A_320 = tpu.memref_slice %arg2[%dma_start3A_318, %dma_start3A_319] : memref<10000x128xf32, #tpu.memory_space<hbm>> -> memref<10000x128xf32, #tpu.memory_space<hbm>>
          tpu.enqueue_indirect_dma source(%dma_start3A_320 : memref<10000x128xf32, #tpu.memory_space<hbm>>) target(%arg12 : memref<32x128xf32, #tpu.memory_space<vmem>>) offsets(%dma_start3A_317 : memref<32xi32, #tpu.memory_space<vmem>>) semaphore(%arg19 : memref<!tpu.dma_semaphore, #tpu.memory_space<semaphore_mem>>)
        } else {
        }
        %mul3A_283 = arith.constant 4 : i32
        %mul3A_284 = arith.muli %scan3A_212, %mul3A_283 : i32
        %add3A_285 = arith.constant 3 : i32
        %add3A_286 = arith.addi %mul3A_284, %add3A_285 : i32
        %rem3A_287 = arith.constant 4 : i32
        %rem3A_288 = arith.remsi %add3A_286, %rem3A_287 : i32
        %mul3A_289 = arith.constant 32 : i32
        %mul3A_290 = arith.muli %rem3A_288, %mul3A_289 : i32
        %div3A_291 = arith.constant 4 : i32
        %div3A_292 = arith.divsi %add3A_286, %div3A_291 : i32
        %multiple_of3A_293 = tpu.assume_multiple %mul3A_290, 32 : i32
        %dma_wait3A_294 = tpu.memref_slice %arg7[%div3A_292, %multiple_of3A_293] : memref<8x128xi32, #tpu.memory_space<vmem>> -> memref<1x32xi32, #tpu.memory_space<vmem>>
        %dma_wait3A_295 = tpu.memref_squeeze %dma_wait3A_294 : memref<1x32xi32, #tpu.memory_space<vmem>> -> memref<32xi32, #tpu.memory_space<vmem>>
        %dma_wait3A_296 = arith.constant 0 : i32
        %dma_wait3A_297 = arith.constant 0 : i32
        %dma_wait3A_298 = tpu.memref_slice %arg2[%dma_wait3A_296, %dma_wait3A_297] : memref<10000x128xf32, #tpu.memory_space<hbm>> -> memref<10000x128xf32, #tpu.memory_space<hbm>>
        tpu.wait_indirect_dma semaphore(%arg20 : memref<!tpu.dma_semaphore, #tpu.memory_space<semaphore_mem>>) src(%dma_wait3A_298 : memref<10000x128xf32, #tpu.memory_space<hbm>>) dst(%arg13 : memref<32x128xf32, #tpu.memory_space<vmem>>)
        "tpu.region"() ({
          %run_scoped3A = tpu.sem_alloc : memref<!tpu.dma_semaphore, #tpu.memory_space<semaphore_mem>>
          %dma_start3A_307 = arith.constant 0 : i32
          %dma_start3A_308 = tpu.memref_slice %arg9[%add3A_286, %dma_start3A_307] : memref<32x32xi32, #tpu.memory_space<vmem>> -> memref<1x32xi32, #tpu.memory_space<vmem>>
          %dma_start3A_309 = tpu.memref_squeeze %dma_start3A_308 : memref<1x32xi32, #tpu.memory_space<vmem>> -> memref<32xi32, #tpu.memory_space<vmem>>
          %dma_start3A_310 = arith.constant 0 : i32
          %dma_start3A_311 = arith.constant 0 : i32
          %dma_start3A_312 = tpu.memref_slice %arg14[%dma_start3A_310, %dma_start3A_311] : memref<10240x128xf32, #tpu.memory_space<vmem_shared>> -> memref<10240x128xf32, #tpu.memory_space<vmem_shared>>
          tpu.enqueue_indirect_dma source(%arg13 : memref<32x128xf32, #tpu.memory_space<vmem>>) target(%dma_start3A_312 : memref<10240x128xf32, #tpu.memory_space<vmem_shared>>) offsets(%dma_start3A_309 : memref<32xi32, #tpu.memory_space<vmem>>) semaphore(%run_scoped3A : memref<!tpu.dma_semaphore, #tpu.memory_space<semaphore_mem>>) {add = true}
          %dma_wait3A_313 = arith.constant 0 : i32
          %dma_wait3A_314 = tpu.memref_slice %arg9[%add3A_286, %dma_wait3A_313] : memref<32x32xi32, #tpu.memory_space<vmem>> -> memref<1x32xi32, #tpu.memory_space<vmem>>
          %dma_wait3A_315 = tpu.memref_squeeze %dma_wait3A_314 : memref<1x32xi32, #tpu.memory_space<vmem>> -> memref<32xi32, #tpu.memory_space<vmem>>
          %dma_wait3A_316 = arith.constant 0 : i32
          %dma_wait3A_317 = arith.constant 0 : i32
          %dma_wait3A_318 = tpu.memref_slice %arg14[%dma_wait3A_316, %dma_wait3A_317] : memref<10240x128xf32, #tpu.memory_space<vmem_shared>> -> memref<10240x128xf32, #tpu.memory_space<vmem_shared>>
          tpu.wait_indirect_dma semaphore(%run_scoped3A : memref<!tpu.dma_semaphore, #tpu.memory_space<semaphore_mem>>) src(%arg13 : memref<32x128xf32, #tpu.memory_space<vmem>>) dst(%dma_wait3A_318 : memref<10240x128xf32, #tpu.memory_space<vmem_shared>>)
          tpu.yield
        }) : () -> ()
        %add3A_299 = arith.constant 4 : i32
        %add3A_300 = arith.addi %add3A_286, %add3A_299 : i32
        %lt3A_301 = arith.constant 32 : i32
        %lt3A_302 = arith.cmpi slt, %add3A_300, %lt3A_301 : i32
        %convert_element_type3A_303 = arith.extui %lt3A_302 : i1 to i32
        %cond3A_304 = arith.constant 0 : i32
        %cond3A_305 = arith.cmpi ne, %convert_element_type3A_303, %cond3A_304 : i32
        scf.if %cond3A_305 {
          %add3A_307 = arith.constant 4 : i32
          %add3A_308 = arith.addi %add3A_286, %add3A_307 : i32
          %rem3A_309 = arith.constant 4 : i32
          %rem3A_310 = arith.remsi %add3A_308, %rem3A_309 : i32
          %mul3A_311 = arith.constant 32 : i32
          %mul3A_312 = arith.muli %rem3A_310, %mul3A_311 : i32
          %div3A_313 = arith.constant 4 : i32
          %div3A_314 = arith.divsi %add3A_308, %div3A_313 : i32
          %multiple_of3A_315 = tpu.assume_multiple %mul3A_312, 32 : i32
          %dma_start3A_316 = tpu.memref_slice %arg7[%div3A_314, %multiple_of3A_315] : memref<8x128xi32, #tpu.memory_space<vmem>> -> memref<1x32xi32, #tpu.memory_space<vmem>>
          %dma_start3A_317 = tpu.memref_squeeze %dma_start3A_316 : memref<1x32xi32, #tpu.memory_space<vmem>> -> memref<32xi32, #tpu.memory_space<vmem>>
          %dma_start3A_318 = arith.constant 0 : i32
          %dma_start3A_319 = arith.constant 0 : i32
          %dma_start3A_320 = tpu.memref_slice %arg2[%dma_start3A_318, %dma_start3A_319] : memref<10000x128xf32, #tpu.memory_space<hbm>> -> memref<10000x128xf32, #tpu.memory_space<hbm>>
          tpu.enqueue_indirect_dma source(%dma_start3A_320 : memref<10000x128xf32, #tpu.memory_space<hbm>>) target(%arg13 : memref<32x128xf32, #tpu.memory_space<vmem>>) offsets(%dma_start3A_317 : memref<32xi32, #tpu.memory_space<vmem>>) semaphore(%arg20 : memref<!tpu.dma_semaphore, #tpu.memory_space<semaphore_mem>>)
        } else {
        }
        %scan3A_306 = arith.constant 0 : i32
        scf.yield %scan3A_306 : i32
      }
      %scan3A_204 = arith.constant 8 : i32
      %add3A_205 = arith.constant 2 : i32
      %add3A_206 = arith.addi %add3A_129, %add3A_205 : i32
      %lt3A_207 = arith.cmpi slt, %add3A_206, %select_n3A_6 : i32
      %convert_element_type3A_208 = arith.extui %lt3A_207 : i1 to i32
      %cond3A_209 = arith.constant 0 : i32
      %cond3A_210 = arith.cmpi ne, %convert_element_type3A_208, %cond3A_209 : i32
      scf.if %cond3A_210 {
        %add3A_212 = arith.constant 2 : i32
        %add3A_213 = arith.addi %add3A_129, %add3A_212 : i32
        %div3A_214 = arith.constant 4 : i32
        %div3A_215 = arith.divsi %multiple_of3A, %div3A_214 : i32
        %mul3A_216 = arith.constant 8 : i32
        %mul3A_217 = arith.muli %add3A_213, %mul3A_216 : i32
        %add3A_218 = arith.addi %div3A_215, %mul3A_217 : i32
        %multiple_of3A_219 = tpu.assume_multiple %add3A_218, 8 : i32
        %dma_start3A_220 = arith.constant 0 : i32
        %dma_start3A_221 = tpu.memref_slice %arg3[%multiple_of3A_219, %dma_start3A_220] : memref<2560x128xi32, #tpu.memory_space<hbm>> -> memref<8x128xi32, #tpu.memory_space<hbm>>
        %dma_start3A_222 = arith.constant 0 : i32
        %dma_start3A_223 = tpu.memref_slice %arg3[%multiple_of3A_219, %dma_start3A_222] : memref<2560x128xi32, #tpu.memory_space<hbm>> -> memref<8x128xi32, #tpu.memory_space<hbm>>
        tpu.enqueue_dma source(%dma_start3A_223 : memref<8x128xi32, #tpu.memory_space<hbm>>) target(%arg7 : memref<8x128xi32, #tpu.memory_space<vmem>>) target_semaphore(%arg16 : memref<!tpu.dma_semaphore, #tpu.memory_space<semaphore_mem>>)
        %mul3A_224 = arith.constant 32 : i32
        %mul3A_225 = arith.muli %add3A_213, %mul3A_224 : i32
        %add3A_226 = arith.addi %multiple_of3A, %mul3A_225 : i32
        %multiple_of3A_227 = tpu.assume_multiple %add3A_226, 8 : i32
        %dma_start3A_228 = arith.constant 0 : i32
        %dma_start3A_229 = tpu.memref_slice %arg4[%multiple_of3A_227, %dma_start3A_228] : memref<10240x32xi32, #tpu.memory_space<hbm>> -> memref<32x32xi32, #tpu.memory_space<hbm>>
        %dma_start3A_230 = arith.constant 0 : i32
        %dma_start3A_231 = tpu.memref_slice %arg4[%multiple_of3A_227, %dma_start3A_230] : memref<10240x32xi32, #tpu.memory_space<hbm>> -> memref<32x32xi32, #tpu.memory_space<hbm>>
        tpu.enqueue_dma source(%dma_start3A_231 : memref<32x32xi32, #tpu.memory_space<hbm>>) target(%arg9 : memref<32x32xi32, #tpu.memory_space<vmem>>) target_semaphore(%arg16 : memref<!tpu.dma_semaphore, #tpu.memory_space<semaphore_mem>>)
      } else {
      }
      %while3A_211 = arith.constant 0 : i32
      scf.yield %while3A_211 : i32
    }
    %barrier3A_35 = arith.constant 0 : index
    tpu.barrier barrier_id(%barrier3A_35)
    %mul3A_36 = arith.constant 624 : i32
    %mul3A_37 = arith.muli %arg1, %mul3A_36 : i32
    %mul3A_38 = arith.constant 624 : i32
    %mul3A_39 = arith.muli %arg1, %mul3A_38 : i32
    "tpu.region"() ({
      %run_scoped3A = tpu.sem_alloc : memref<!tpu.dma_semaphore, #tpu.memory_space<semaphore_mem>>
      %dma_start3A = arith.constant 0 : i32
      %dma_start3A_45 = tpu.memref_slice %arg5[%arg0, %mul3A_39, %dma_start3A] : memref<2x10000x128xf32, #tpu.memory_space<hbm>> -> memref<1x624x128xf32, #tpu.memory_space<hbm>>
      %dma_start3A_46 = tpu.memref_squeeze %dma_start3A_45 : memref<1x624x128xf32, #tpu.memory_space<hbm>> -> memref<624x128xf32, #tpu.memory_space<hbm>>
      %dma_start3A_47 = arith.constant 0 : i32
      %dma_start3A_48 = tpu.memref_slice %arg14[%mul3A_37, %dma_start3A_47] : memref<10240x128xf32, #tpu.memory_space<vmem_shared>> -> memref<624x128xf32, #tpu.memory_space<vmem_shared>>
      tpu.enqueue_dma source(%dma_start3A_48 : memref<624x128xf32, #tpu.memory_space<vmem_shared>>) target(%dma_start3A_46 : memref<624x128xf32, #tpu.memory_space<hbm>>) target_semaphore(%run_scoped3A : memref<!tpu.dma_semaphore, #tpu.memory_space<semaphore_mem>>)
      %dma_wait3A = arith.constant 0 : i32
      %dma_wait3A_49 = tpu.memref_slice %arg5[%arg0, %mul3A_39, %dma_wait3A] : memref<2x10000x128xf32, #tpu.memory_space<hbm>> -> memref<1x624x128xf32, #tpu.memory_space<hbm>>
      %dma_wait3A_50 = tpu.memref_squeeze %dma_wait3A_49 : memref<1x624x128xf32, #tpu.memory_space<hbm>> -> memref<624x128xf32, #tpu.memory_space<hbm>>
      %dma_wait3A_51 = arith.constant 0 : i32
      %dma_wait3A_52 = tpu.memref_slice %arg14[%mul3A_37, %dma_wait3A_51] : memref<10240x128xf32, #tpu.memory_space<vmem_shared>> -> memref<624x128xf32, #tpu.memory_space<vmem_shared>>
      tpu.wait_dma2 semaphore(%run_scoped3A : memref<!tpu.dma_semaphore, #tpu.memory_space<semaphore_mem>>) src(%dma_wait3A_52 : memref<624x128xf32, #tpu.memory_space<vmem_shared>>) dst(%dma_wait3A_50 : memref<624x128xf32, #tpu.memory_space<hbm>>)
      tpu.yield
    }) : () -> ()
    %eq3A_40 = arith.constant 15 : i32
    %eq3A_41 = arith.cmpi eq, %arg1, %eq3A_40 : i32
    %convert_element_type3A_42 = arith.extui %eq3A_41 : i1 to i32
    %cond3A_43 = arith.constant 0 : i32
    %cond3A_44 = arith.cmpi ne, %convert_element_type3A_42, %cond3A_43 : i32
    scf.if %cond3A_44 {
      "tpu.region"() ({
        %run_scoped3A = tpu.sem_alloc : memref<!tpu.dma_semaphore, #tpu.memory_space<semaphore_mem>>
        %dma_start3A = arith.constant 9984 : i32
        %dma_start3A_45 = arith.constant 0 : i32
        %dma_start3A_46 = tpu.memref_slice %arg5[%arg0, %dma_start3A, %dma_start3A_45] : memref<2x10000x128xf32, #tpu.memory_space<hbm>> -> memref<1x16x128xf32, #tpu.memory_space<hbm>>
        %dma_start3A_47 = tpu.memref_squeeze %dma_start3A_46 : memref<1x16x128xf32, #tpu.memory_space<hbm>> -> memref<16x128xf32, #tpu.memory_space<hbm>>
        %dma_start3A_48 = arith.constant 9984 : i32
        %dma_start3A_49 = arith.constant 0 : i32
        %dma_start3A_50 = tpu.memref_slice %arg14[%dma_start3A_48, %dma_start3A_49] : memref<10240x128xf32, #tpu.memory_space<vmem_shared>> -> memref<16x128xf32, #tpu.memory_space<vmem_shared>>
        tpu.enqueue_dma source(%dma_start3A_50 : memref<16x128xf32, #tpu.memory_space<vmem_shared>>) target(%dma_start3A_47 : memref<16x128xf32, #tpu.memory_space<hbm>>) target_semaphore(%run_scoped3A : memref<!tpu.dma_semaphore, #tpu.memory_space<semaphore_mem>>)
        %dma_wait3A = arith.constant 9984 : i32
        %dma_wait3A_51 = arith.constant 0 : i32
        %dma_wait3A_52 = tpu.memref_slice %arg5[%arg0, %dma_wait3A, %dma_wait3A_51] : memref<2x10000x128xf32, #tpu.memory_space<hbm>> -> memref<1x16x128xf32, #tpu.memory_space<hbm>>
        %dma_wait3A_53 = tpu.memref_squeeze %dma_wait3A_52 : memref<1x16x128xf32, #tpu.memory_space<hbm>> -> memref<16x128xf32, #tpu.memory_space<hbm>>
        %dma_wait3A_54 = arith.constant 9984 : i32
        %dma_wait3A_55 = arith.constant 0 : i32
        %dma_wait3A_56 = tpu.memref_slice %arg14[%dma_wait3A_54, %dma_wait3A_55] : memref<10240x128xf32, #tpu.memory_space<vmem_shared>> -> memref<16x128xf32, #tpu.memory_space<vmem_shared>>
        tpu.wait_dma2 semaphore(%run_scoped3A : memref<!tpu.dma_semaphore, #tpu.memory_space<semaphore_mem>>) src(%dma_wait3A_56 : memref<16x128xf32, #tpu.memory_space<vmem_shared>>) dst(%dma_wait3A_53 : memref<16x128xf32, #tpu.memory_space<hbm>>)
        tpu.yield
      }) : () -> ()
    } else {
    }
    return
  }
}

module attributes {stable_mosaic.version = 14 : i64} {
  func.func @body(%arg0: i32, %arg1: memref<2000x128xf32, #tpu.memory_space<vmem>>, %arg2: memref<128x128xf32, #tpu.memory_space<vmem>>, %arg3: memref<1x128xf32, #tpu.memory_space<vmem>>, %arg4: memref<128x128xf32, #tpu.memory_space<vmem>>, %arg5: memref<128x128xf32, #tpu.memory_space<vmem>>, %arg6: memref<2000x128xf32, #tpu.memory_space<vmem>>, %arg7: memref<2000x128xf32, #tpu.memory_space<vmem>>, %arg8: memref<2000x128xf32, #tpu.memory_space<vmem>>) attributes {dimension_semantics = [#tpu.dimension_semantics<arbitrary>], iteration_bounds = array<i64: 5>, scalar_prefetch = 0 : i64, scratch_operands = 0 : i64, tpu.core_type = #tpu.core_type<tc>, window_params = [{transform_indices = @transform_0, window_bounds = array<i64: 2000, 128>}, {pipeline_mode = #tpu.pipeline_mode<synchronous>, transform_indices = @transform_1, window_bounds = array<i64: 128, 128>}, {pipeline_mode = #tpu.pipeline_mode<synchronous>, transform_indices = @transform_2, window_bounds = array<i64: 1, 128>}, {pipeline_mode = #tpu.pipeline_mode<synchronous>, transform_indices = @transform_3, window_bounds = array<i64: 128, 128>}, {pipeline_mode = #tpu.pipeline_mode<synchronous>, transform_indices = @transform_4, window_bounds = array<i64: 128, 128>}, {transform_indices = @transform_5, window_bounds = array<i64: 2000, 128>}, {transform_indices = @transform_6, window_bounds = array<i64: 2000, 128>}, {transform_indices = @transform_7, window_bounds = array<i64: 2000, 128>}]} {
    %get3A = arith.constant 0 : index
    %get3A_0 = arith.constant 0 : index
    %get3A_1 = vector.load %arg1[%get3A, %get3A_0] : memref<2000x128xf32, #tpu.memory_space<vmem>>, vector<2000x128xf32>
    %get3A_2 = arith.constant 0 : index
    %get3A_3 = arith.constant 0 : index
    %get3A_4 = vector.load %arg2[%get3A_2, %get3A_3] : memref<128x128xf32, #tpu.memory_space<vmem>>, vector<128x128xf32>
    %dot_general3A = arith.constant dense<0.000000e+00> : vector<2000x128xf32>
    %dot_general3A_5 = tpu.matmul %get3A_1, %get3A_4, %dot_general3A {dimension_numbers = #tpu.dot_dimension_numbers<[1], [0], [0], [1], [0, 0, 1, 1], [], []>, precision = #tpu.contract_precision<fp32>, transpose_lhs_hint = false} : vector<2000x128xf32>, vector<128x128xf32>, vector<2000x128xf32> -> vector<2000x128xf32>
    %get3A_6 = arith.constant 0 : index
    %get3A_7 = arith.constant 0 : index
    %get3A_8 = vector.load %arg3[%get3A_6, %get3A_7] : memref<1x128xf32, #tpu.memory_space<vmem>>, vector<1x128xf32>
    %add3A = vector.broadcast %get3A_8 : vector<1x128xf32> to vector<2000x128xf32>
    %add3A_9 = arith.addf %dot_general3A_5, %add3A : vector<2000x128xf32>
    %max3A = arith.constant 0.000000e+00 : f32
    %max3A_10 = vector.broadcast %max3A : f32 to vector<2000x128xf32>
    %max3A_11 = arith.maximumf %add3A_9, %max3A_10 : vector<2000x128xf32>
    %swap3A = arith.constant 0 : index
    %swap3A_12 = arith.constant 0 : index
    %swap3A_13 = vector.load %arg6[%swap3A, %swap3A_12] : memref<2000x128xf32, #tpu.memory_space<vmem>>, vector<2000x128xf32>
    tpu.vector_store %arg6[%swap3A, %swap3A_12], %max3A_11 {strides = array<i32>} : memref<2000x128xf32, #tpu.memory_space<vmem>>, vector<2000x128xf32>,
    %get3A_14 = arith.constant 0 : index
    %get3A_15 = arith.constant 0 : index
    %get3A_16 = vector.load %arg4[%get3A_14, %get3A_15] : memref<128x128xf32, #tpu.memory_space<vmem>>, vector<128x128xf32>
    %dot_general3A_17 = arith.constant dense<0.000000e+00> : vector<2000x128xf32>
    %dot_general3A_18 = tpu.matmul %max3A_11, %get3A_16, %dot_general3A_17 {dimension_numbers = #tpu.dot_dimension_numbers<[1], [0], [0], [1], [0, 0, 1, 1], [], []>, precision = #tpu.contract_precision<fp32>, transpose_lhs_hint = false} : vector<2000x128xf32>, vector<128x128xf32>, vector<2000x128xf32> -> vector<2000x128xf32>
    %swap3A_19 = arith.constant 0 : index
    %swap3A_20 = arith.constant 0 : index
    %swap3A_21 = vector.load %arg7[%swap3A_19, %swap3A_20] : memref<2000x128xf32, #tpu.memory_space<vmem>>, vector<2000x128xf32>
    tpu.vector_store %arg7[%swap3A_19, %swap3A_20], %dot_general3A_18 {strides = array<i32>} : memref<2000x128xf32, #tpu.memory_space<vmem>>, vector<2000x128xf32>,
    %get3A_22 = arith.constant 0 : index
    %get3A_23 = arith.constant 0 : index
    %get3A_24 = vector.load %arg5[%get3A_22, %get3A_23] : memref<128x128xf32, #tpu.memory_space<vmem>>, vector<128x128xf32>
    %dot_general3A_25 = arith.constant dense<0.000000e+00> : vector<2000x128xf32>
    %dot_general3A_26 = tpu.matmul %max3A_11, %get3A_24, %dot_general3A_25 {dimension_numbers = #tpu.dot_dimension_numbers<[1], [0], [0], [1], [0, 0, 1, 1], [], []>, precision = #tpu.contract_precision<fp32>, transpose_lhs_hint = false} : vector<2000x128xf32>, vector<128x128xf32>, vector<2000x128xf32> -> vector<2000x128xf32>
    %swap3A_27 = arith.constant 0 : index
    %swap3A_28 = arith.constant 0 : index
    %swap3A_29 = vector.load %arg8[%swap3A_27, %swap3A_28] : memref<2000x128xf32, #tpu.memory_space<vmem>>, vector<2000x128xf32>
    tpu.vector_store %arg8[%swap3A_27, %swap3A_28], %dot_general3A_26 {strides = array<i32>} : memref<2000x128xf32, #tpu.memory_space<vmem>>, vector<2000x128xf32>,
    return
  }
  func.func @transform_0(%arg0: i32) -> (i32, i32) {
    %c0_i32 = arith.constant 0 : i32
    %c0_i32_0 = arith.constant 0 : i32
    return %arg0, %c0_i32 : i32, i32
  }
  func.func @transform_1(%arg0: i32) -> (i32, i32) {
    %c0_i32 = arith.constant 0 : i32
    %c0_i32_0 = arith.constant 0 : i32
    %c0_i32_1 = arith.constant 0 : i32
    return %c0_i32, %c0_i32_0 : i32, i32
  }
  func.func @transform_2(%arg0: i32) -> (i32, i32) {
    %c0_i32 = arith.constant 0 : i32
    %c0_i32_0 = arith.constant 0 : i32
    %c0_i32_1 = arith.constant 0 : i32
    return %c0_i32, %c0_i32_0 : i32, i32
  }
  func.func @transform_3(%arg0: i32) -> (i32, i32) {
    %c0_i32 = arith.constant 0 : i32
    %c0_i32_0 = arith.constant 0 : i32
    %c0_i32_1 = arith.constant 0 : i32
    return %c0_i32, %c0_i32_0 : i32, i32
  }
  func.func @transform_4(%arg0: i32) -> (i32, i32) {
    %c0_i32 = arith.constant 0 : i32
    %c0_i32_0 = arith.constant 0 : i32
    %c0_i32_1 = arith.constant 0 : i32
    return %c0_i32, %c0_i32_0 : i32, i32
  }
  func.func @transform_5(%arg0: i32) -> (i32, i32) {
    %c0_i32 = arith.constant 0 : i32
    %c0_i32_0 = arith.constant 0 : i32
    return %arg0, %c0_i32 : i32, i32
  }
  func.func @transform_6(%arg0: i32) -> (i32, i32) {
    %c0_i32 = arith.constant 0 : i32
    %c0_i32_0 = arith.constant 0 : i32
    return %arg0, %c0_i32 : i32, i32
  }
  func.func @transform_7(%arg0: i32) -> (i32, i32) {
    %c0_i32 = arith.constant 0 : i32
    %c0_i32_0 = arith.constant 0 : i32
    return %arg0, %c0_i32 : i32, i32
  }
}

module attributes {stable_mosaic.version = 14 : i64} {
  func.func @body(%arg0: i32, %arg1: memref<2x2000x128xf32, #tpu.memory_space<vmem>>, %arg2: memref<128x128xf32, #tpu.memory_space<vmem>>, %arg3: memref<2000x128xf32, #tpu.memory_space<vmem>>, %arg4: memref<2000x128xf32, #tpu.memory_space<vmem>>) attributes {dimension_semantics = [#tpu.dimension_semantics<arbitrary>], iteration_bounds = array<i64: 5>, scalar_prefetch = 0 : i64, scratch_operands = 0 : i64, tpu.core_type = #tpu.core_type<tc>, window_params = [{transform_indices = @transform_0, window_bounds = array<i64: 2, 2000, 128>}, {pipeline_mode = #tpu.pipeline_mode<synchronous>, transform_indices = @transform_1, window_bounds = array<i64: 128, 128>}, {transform_indices = @transform_2, window_bounds = array<i64: 2000, 128>}, {transform_indices = @transform_3, window_bounds = array<i64: 2000, 128>}]} {
    %get3A = arith.constant 0 : index
    %get3A_0 = arith.constant 0 : index
    %get3A_1 = arith.constant 0 : index
    %get3A_2 = vector.load %arg1[%get3A, %get3A_0, %get3A_1] : memref<2x2000x128xf32, #tpu.memory_space<vmem>>, vector<1x2000x128xf32>
    %get3A_3 = vector.shape_cast %get3A_2 : vector<1x2000x128xf32> to vector<2000x128xf32>
    %get3A_4 = arith.constant 1 : index
    %get3A_5 = arith.constant 0 : index
    %get3A_6 = arith.constant 0 : index
    %get3A_7 = vector.load %arg1[%get3A_4, %get3A_5, %get3A_6] : memref<2x2000x128xf32, #tpu.memory_space<vmem>>, vector<1x2000x128xf32>
    %get3A_8 = vector.shape_cast %get3A_7 : vector<1x2000x128xf32> to vector<2000x128xf32>
    %add3A = arith.addf %get3A_3, %get3A_8 : vector<2000x128xf32>
    %get3A_9 = arith.constant 0 : index
    %get3A_10 = arith.constant 0 : index
    %get3A_11 = vector.load %arg2[%get3A_9, %get3A_10] : memref<128x128xf32, #tpu.memory_space<vmem>>, vector<128x128xf32>
    %dot_general3A = arith.constant dense<0.000000e+00> : vector<2000x128xf32>
    %dot_general3A_12 = tpu.matmul %add3A, %get3A_11, %dot_general3A {dimension_numbers = #tpu.dot_dimension_numbers<[1], [0], [0], [1], [0, 0, 1, 1], [], []>, precision = #tpu.contract_precision<fp32>, transpose_lhs_hint = false} : vector<2000x128xf32>, vector<128x128xf32>, vector<2000x128xf32> -> vector<2000x128xf32>
    %get3A_13 = arith.constant 0 : index
    %get3A_14 = arith.constant 0 : index
    %get3A_15 = vector.load %arg3[%get3A_13, %get3A_14] : memref<2000x128xf32, #tpu.memory_space<vmem>>, vector<2000x128xf32>
    %add3A_16 = arith.addf %dot_general3A_12, %get3A_15 : vector<2000x128xf32>
    %max3A = arith.constant 0.000000e+00 : f32
    %max3A_17 = vector.broadcast %max3A : f32 to vector<2000x128xf32>
    %max3A_18 = arith.maximumf %add3A_16, %max3A_17 : vector<2000x128xf32>
    %swap3A = arith.constant 0 : index
    %swap3A_19 = arith.constant 0 : index
    %swap3A_20 = vector.load %arg4[%swap3A, %swap3A_19] : memref<2000x128xf32, #tpu.memory_space<vmem>>, vector<2000x128xf32>
    tpu.vector_store %arg4[%swap3A, %swap3A_19], %max3A_18 {strides = array<i32>} : memref<2000x128xf32, #tpu.memory_space<vmem>>, vector<2000x128xf32>,
    return
  }
  func.func @transform_0(%arg0: i32) -> (i32, i32, i32) {
    %c0_i32 = arith.constant 0 : i32
    %c0_i32_0 = arith.constant 0 : i32
    %c0_i32_1 = arith.constant 0 : i32
    return %c0_i32, %arg0, %c0_i32_0 : i32, i32, i32
  }
  func.func @transform_1(%arg0: i32) -> (i32, i32) {
    %c0_i32 = arith.constant 0 : i32
    %c0_i32_0 = arith.constant 0 : i32
    %c0_i32_1 = arith.constant 0 : i32
    return %c0_i32, %c0_i32_0 : i32, i32
  }
  func.func @transform_2(%arg0: i32) -> (i32, i32) {
    %c0_i32 = arith.constant 0 : i32
    %c0_i32_0 = arith.constant 0 : i32
    return %arg0, %c0_i32 : i32, i32
  }
  func.func @transform_3(%arg0: i32) -> (i32, i32) {
    %c0_i32 = arith.constant 0 : i32
    %c0_i32_0 = arith.constant 0 : i32
    return %arg0, %c0_i32 : i32, i32
  }
}

module attributes {stable_mosaic.version = 14 : i64} {
  func.func @body(%arg0: i32, %arg1: memref<2x2000x128xf32, #tpu.memory_space<vmem>>, %arg2: memref<128x128xf32, #tpu.memory_space<vmem>>, %arg3: memref<2000x128xf32, #tpu.memory_space<vmem>>, %arg4: memref<128x64xf32, #tpu.memory_space<vmem>>, %arg5: memref<1x64xf32, #tpu.memory_space<vmem>>, %arg6: memref<2000x64xf32, #tpu.memory_space<vmem>>) attributes {dimension_semantics = [#tpu.dimension_semantics<arbitrary>], iteration_bounds = array<i64: 5>, scalar_prefetch = 0 : i64, scratch_operands = 0 : i64, tpu.core_type = #tpu.core_type<tc>, window_params = [{transform_indices = @transform_0, window_bounds = array<i64: 2, 2000, 128>}, {pipeline_mode = #tpu.pipeline_mode<synchronous>, transform_indices = @transform_1, window_bounds = array<i64: 128, 128>}, {transform_indices = @transform_2, window_bounds = array<i64: 2000, 128>}, {pipeline_mode = #tpu.pipeline_mode<synchronous>, transform_indices = @transform_3, window_bounds = array<i64: 128, 64>}, {pipeline_mode = #tpu.pipeline_mode<synchronous>, transform_indices = @transform_4, window_bounds = array<i64: 1, 64>}, {transform_indices = @transform_5, window_bounds = array<i64: 2000, 64>}]} {
    %get3A = arith.constant 0 : index
    %get3A_0 = arith.constant 0 : index
    %get3A_1 = arith.constant 0 : index
    %get3A_2 = vector.load %arg1[%get3A, %get3A_0, %get3A_1] : memref<2x2000x128xf32, #tpu.memory_space<vmem>>, vector<1x2000x128xf32>
    %get3A_3 = vector.shape_cast %get3A_2 : vector<1x2000x128xf32> to vector<2000x128xf32>
    %get3A_4 = arith.constant 1 : index
    %get3A_5 = arith.constant 0 : index
    %get3A_6 = arith.constant 0 : index
    %get3A_7 = vector.load %arg1[%get3A_4, %get3A_5, %get3A_6] : memref<2x2000x128xf32, #tpu.memory_space<vmem>>, vector<1x2000x128xf32>
    %get3A_8 = vector.shape_cast %get3A_7 : vector<1x2000x128xf32> to vector<2000x128xf32>
    %add3A = arith.addf %get3A_3, %get3A_8 : vector<2000x128xf32>
    %get3A_9 = arith.constant 0 : index
    %get3A_10 = arith.constant 0 : index
    %get3A_11 = vector.load %arg2[%get3A_9, %get3A_10] : memref<128x128xf32, #tpu.memory_space<vmem>>, vector<128x128xf32>
    %dot_general3A = arith.constant dense<0.000000e+00> : vector<2000x128xf32>
    %dot_general3A_12 = tpu.matmul %add3A, %get3A_11, %dot_general3A {dimension_numbers = #tpu.dot_dimension_numbers<[1], [0], [0], [1], [0, 0, 1, 1], [], []>, precision = #tpu.contract_precision<fp32>, transpose_lhs_hint = false} : vector<2000x128xf32>, vector<128x128xf32>, vector<2000x128xf32> -> vector<2000x128xf32>
    %get3A_13 = arith.constant 0 : index
    %get3A_14 = arith.constant 0 : index
    %get3A_15 = vector.load %arg3[%get3A_13, %get3A_14] : memref<2000x128xf32, #tpu.memory_space<vmem>>, vector<2000x128xf32>
    %add3A_16 = arith.addf %dot_general3A_12, %get3A_15 : vector<2000x128xf32>
    %max3A = arith.constant 0.000000e+00 : f32
    %max3A_17 = vector.broadcast %max3A : f32 to vector<2000x128xf32>
    %max3A_18 = arith.maximumf %add3A_16, %max3A_17 : vector<2000x128xf32>
    %get3A_19 = arith.constant 0 : index
    %get3A_20 = arith.constant 0 : index
    %get3A_21 = vector.load %arg4[%get3A_19, %get3A_20] : memref<128x64xf32, #tpu.memory_space<vmem>>, vector<128x64xf32>
    %dot_general3A_22 = arith.constant dense<0.000000e+00> : vector<2000x64xf32>
    %dot_general3A_23 = tpu.matmul %max3A_18, %get3A_21, %dot_general3A_22 {dimension_numbers = #tpu.dot_dimension_numbers<[1], [0], [0], [1], [0, 0, 1, 1], [], []>, precision = #tpu.contract_precision<fp32>, transpose_lhs_hint = false} : vector<2000x128xf32>, vector<128x64xf32>, vector<2000x64xf32> -> vector<2000x64xf32>
    %get3A_24 = arith.constant 0 : index
    %get3A_25 = arith.constant 0 : index
    %get3A_26 = vector.load %arg5[%get3A_24, %get3A_25] : memref<1x64xf32, #tpu.memory_space<vmem>>, vector<1x64xf32>
    %add3A_27 = vector.broadcast %get3A_26 : vector<1x64xf32> to vector<2000x64xf32>
    %add3A_28 = arith.addf %dot_general3A_23, %add3A_27 : vector<2000x64xf32>
    %swap3A = arith.constant 0 : index
    %swap3A_29 = arith.constant 0 : index
    %swap3A_30 = vector.load %arg6[%swap3A, %swap3A_29] : memref<2000x64xf32, #tpu.memory_space<vmem>>, vector<2000x64xf32>
    tpu.vector_store %arg6[%swap3A, %swap3A_29], %add3A_28 {strides = array<i32>} : memref<2000x64xf32, #tpu.memory_space<vmem>>, vector<2000x64xf32>,
    return
  }
  func.func @transform_0(%arg0: i32) -> (i32, i32, i32) {
    %c0_i32 = arith.constant 0 : i32
    %c0_i32_0 = arith.constant 0 : i32
    %c0_i32_1 = arith.constant 0 : i32
    return %c0_i32, %arg0, %c0_i32_0 : i32, i32, i32
  }
  func.func @transform_1(%arg0: i32) -> (i32, i32) {
    %c0_i32 = arith.constant 0 : i32
    %c0_i32_0 = arith.constant 0 : i32
    %c0_i32_1 = arith.constant 0 : i32
    return %c0_i32, %c0_i32_0 : i32, i32
  }
  func.func @transform_2(%arg0: i32) -> (i32, i32) {
    %c0_i32 = arith.constant 0 : i32
    %c0_i32_0 = arith.constant 0 : i32
    return %arg0, %c0_i32 : i32, i32
  }
  func.func @transform_3(%arg0: i32) -> (i32, i32) {
    %c0_i32 = arith.constant 0 : i32
    %c0_i32_0 = arith.constant 0 : i32
    %c0_i32_1 = arith.constant 0 : i32
    return %c0_i32, %c0_i32_0 : i32, i32
  }
  func.func @transform_4(%arg0: i32) -> (i32, i32) {
    %c0_i32 = arith.constant 0 : i32
    %c0_i32_0 = arith.constant 0 : i32
    %c0_i32_1 = arith.constant 0 : i32
    return %c0_i32, %c0_i32_0 : i32, i32
  }
  func.func @transform_5(%arg0: i32) -> (i32, i32) {
    %c0_i32 = arith.constant 0 : i32
    %c0_i32_0 = arith.constant 0 : i32
    return %arg0, %c0_i32 : i32, i32
  }
}

</mosaic_0001>

<sc_bundles>
// kernel: kernel.10.cloned.1.call-start
scs
__scs_entry_jumppad:
0x0: {  	(pc) =	sbr.rel $0x88, $3  }
0x1: {  	(tag) =	ssettag $0x0;
	lr =	simm.s32 $0x1  }
0x2: {  	[smem:$0x3F97] =	sst lr;
	_ =	strace $0xD0000000  }
0x3: {  	_ = 	snop  }
0x4: {  	_ = 	snop  }
0x5: {  	_ = 	snop  }
0x6: {  	_ = 	snop  }
0x7: {  	_ = 	snop  }
__scs_overlays_trampoline_lowered:
0x8: {  	[smem:$0x3FA6] =	sst s0  }
0x9: {  	[smem:$0x3FA7] =	sst s1  }
0xa: {  	[smem:$0x3FA8] =	sst s2  }
0xb: {  	[smem:$0x3FA9] =	sst s3  }
0xc: {  	[smem:$0x3FAA] =	sst s4  }
0xd: {  	[smem:$0x3FAB] =	sst s5  }
0xe: {  	[smem:$0x3FAC] =	sst s6  }
0xf: {  	[smem:$0x3FAD] =	sst s7  }
0x10: {  	[smem:$0x3FAE] =	sst s8  }
0x11: {  	[smem:$0x3FAF] =	sst s9;
	s0 =	simm.s32 @!p0 $0x0  }
0x12: {  	s1 =	sld [smem:$0x3F95];
	s0 =	simm.s32 @p0 $0x1  }
0x13: {  	[smem:$0x3FB0] =	sst s0;
	s0 =	simm.s32 @!p1 $0x0  }
0x14: {  	s2 =	sld [smem:$0x3F94];
	s0 =	simm.s32 @p1 $0x1  }
0x15: {  	[smem:$0x3FB1] =	sst s0;
	s0 =	simm.s32 @!p2 $0x0  }
0x16: {  	s3 =	sld [smem:$0x3FDB];
	s0 =	simm.s32 @p2 $0x1  }
0x17: {  	s4 =	simm.s32 $0x1BF5;
	[smem:$0x3FB3] =	sst s0  }
0x18: {  	s0 =	sld [smem:$0x3F96];
	_ =	swait.ge [sflag:s4], $0x0  }
0x19: {  	s7 =	sld [smem:$0x3F97]  }
0x1a: {  	s8 =	sadd.s32 $0xFFFFE003, lr  }
0x1b: {  	s9 =	sadd.s32 $0xFFFFFEF7, lr;
	s5 =	simm.s32 $0xFFFFFFFF;
	p2 =	slt.u32 s8, $0xFFFFF086  }
0x1c: {  	p1 =	slt.u32 s9, $0xF7A;
	s5 =	simm.s32 @!p2 $0x0  }
0x1d: {  	s5 =	simm.s32 @p1 $0x1;
	p0 =	seq.s32 s7, s2  }
0x1e: {  	s7 =	smul.u32 @!p0 $0xF7A, s2;
	p2 =	seq.s32 @!p0 s5, $0x0  }
0x1f: {  	s9 =	smul.u32 $0xF7A, s1;
	s8 =	simm.s32 @!p0 $0x1BF5;
	p2 =	por !p2, p0  }
0x20: {  	[sflag:s8] =	ssyncset.s32 @!p0 $0xFFFFF086;
	s6 =	sadd.s32 @!p0 s3, s7;
	s7 =	simm.s32 @!p0 $0x108  }
0x21: {  	s3 =	sadd.s32 s3, s9;
	s6 =	sadd.s32 @!p0 $0x88, s6;
	s7 =	simm.s32 @p2 $0x1082  }
0x22: {  	[simem:s7], [sflag:s8] =	dma.local @!p0 [hbm:s6], $0xF7A  }
0x23: {  	s9 =	sor.u32 $0xD0000000, s2;
	s6 =	simm.s32 $0x108;
	_ =	swait.ge @!p0 [sflag:s8], $0x0  }
0x24: {  	s3 =	sadd.s32 $0x88, s3;
	s6 =	simm.s32 @!p1 $0x1082;
	[sflag:s4] =	ssyncset.s32 $0xFFFFF086  }
0x25: {  	[simem:s6], [sflag:s4] =	dma.local [hbm:s3], $0xF7A  }
0x26: {  	[smem:$0x3F97] =	sst s1;
	(tag) =	ssettag s2;
	_ =	strace s9  }
0x27: {  	s1 =	sld [smem:$0x3FA7]  }
0x28: {  	s2 =	sld [smem:$0x3FA8]  }
0x29: {  	s4 =	sld [smem:$0x3FAA]  }
0x2a: {  	p0 =	seq.s32 s5, $0x0;
	s5 =	sld [smem:$0x3FAB]  }
0x2b: {  	s6 =	sld [smem:$0x3FAC]  }
0x2c: {  	s7 =	sld [smem:$0x3FAD]  }
0x2d: {  	s3 =	simm.s32 $0x108;
	s8 =	sld [smem:$0x3FAE]  }
0x2e: {  	s3 =	simm.s32 @!p0 $0x1082;
	s9 =	sld [smem:$0x3FAF]  }
0x2f: {  	lr =	sadd.s32 s0, s3;
	s0 =	sld [smem:$0x3FA6]  }
0x30: {  	s3 =	sld [smem:$0x3FA9]  }
0x31: {  	[smem:$0x3FB2] =	sst s10  }
0x32: {  	s10 =	sld [smem:$0x3FB0];
	_ =	sdelay $0x3  }
0x33: {  	p0 =	seq.s32 s10, $0x1;
	s10 =	sld [smem:$0x3FB2];
	_ =	sdelay $0x3  }
0x34: {  	[smem:$0x3FB2] =	sst s10  }
0x35: {  	s10 =	sld [smem:$0x3FB1];
	_ =	sdelay $0x3  }
0x36: {  	p1 =	seq.s32 s10, $0x1;
	s10 =	sld [smem:$0x3FB2];
	_ =	sdelay $0x3  }
0x37: {  	[smem:$0x3FB2] =	sst s10  }
0x38: {  	s10 =	sld [smem:$0x3FB3]  }
0x39: {  	_ = 	snop;
	(pc) =	sbr.ind lr, $3  }
0x3a: {  	_ = 	snop  }
0x3b: {  	_ = 	snop  }
0x3c: {  	p2 =	seq.s32 s10, $0x1;
	s10 =	sld [smem:$0x3FB2]  }
0x3d: {  	_ =	shalt  }
0x3e: {  	_ =	shalt  }
0x3f: {  	_ =	shalt  }
0x40: {  	_ =	shalt  }
0x41: {  	_ =	shalt  }
0x42: {  	_ =	shalt  }
0x43: {  	_ =	shalt  }
0x44: {  	_ =	shalt  }
0x45: {  	_ =	shalt  }
0x46: {  	_ =	shalt  }
0x47: {  	_ =	shalt  }
0x48: {  	_ =	shalt  }
0x49: {  	_ =	shalt  }
0x4a: {  	_ =	shalt  }
0x4b: {  	_ =	shalt  }
0x4c: {  	_ =	shalt  }
0x4d: {  	_ =	shalt  }
0x4e: {  	_ =	shalt  }
0x4f: {  	_ =	shalt  }
0x50: {  	_ =	shalt  }
0x51: {  	_ =	shalt  }
0x52: {  	_ =	shalt  }
0x53: {  	_ =	shalt  }
0x54: {  	_ =	shalt  }
0x55: {  	_ =	shalt  }
0x56: {  	_ =	shalt  }
0x57: {  	_ =	shalt  }
0x58: {  	_ =	shalt  }
0x59: {  	_ =	shalt  }
0x5a: {  	_ =	shalt  }
0x5b: {  	_ =	shalt  }
0x5c: {  	_ =	shalt  }
0x5d: {  	_ =	shalt  }
0x5e: {  	_ =	shalt  }
0x5f: {  	_ =	shalt  }
0x60: {  	_ =	shalt  }
0x61: {  	_ =	shalt  }
0x62: {  	_ =	shalt  }
0x63: {  	_ =	shalt  }
0x64: {  	_ =	shalt  }
0x65: {  	_ =	shalt  }
0x66: {  	_ =	shalt  }
0x67: {  	_ =	shalt  }
0x68: {  	_ =	shalt  }
0x69: {  	_ =	shalt  }
0x6a: {  	_ =	shalt  }
0x6b: {  	_ =	shalt  }
0x6c: {  	_ =	shalt  }
0x6d: {  	_ =	shalt  }
0x6e: {  	_ =	shalt  }
0x6f: {  	_ =	shalt  }
0x70: {  	_ =	shalt  }
0x71: {  	_ =	shalt  }
0x72: {  	_ =	shalt  }
0x73: {  	_ =	shalt  }
0x74: {  	_ =	shalt  }
0x75: {  	_ =	shalt  }
0x76: {  	_ =	shalt  }
0x77: {  	_ =	shalt  }
0x78: {  	_ =	shalt  }
0x79: {  	_ =	shalt  }
0x7a: {  	_ =	shalt  }
0x7b: {  	_ =	shalt  }
0x7c: {  	_ =	shalt  }
0x7d: {  	_ =	shalt  }
0x7e: {  	_ =	shalt  }
0x7f: {  	_ =	shalt  }
0x80: {  	_ =	shalt  }
0x81: {  	_ =	shalt  }
0x82: {  	_ =	shalt  }
0x83: {  	_ =	shalt  }
0x84: {  	_ =	shalt  }
0x85: {  	_ =	shalt  }
0x86: {  	_ =	shalt  }
0x87: {  	_ =	shalt  }
.Lfunc_end0:
.L_simem_size_0:
called_computation.1_lowered:
.L_overlay_start_0:
0x88: {  	s2 =	sld [smem:$0x3FD9]  }
0x89: {  	s3 =	sld [smem:$0x3FFE];
	_ =	sdelay $0x1  }
0x8a: {  	s1 =	srdreg.scid  }
0x8b: {  	s0 =	sand.u32 $0x1, s1  }
0x8c: {  	s17 =	sshll.u32 s0, $0xA;
	s2 =	sadd.s32 s3, s2  }
0x8d: {  	s2 =	sadd.s32 s2, s17  }
0x8e: {  	[smem:$0x3FBE] =	sst s2  }
0x8f: {  	_ = 	snop  }
0x90: {  	s2 =	sld [smem:$0x3FD0];
	(tm) =	ssettm $0x1  }
0x91: {  	s18 =	sld [smem:$0x3FFB];
	_ =	sdelay $0x3  }
0x92: {  	_ =	strace s18  }
0x93: {  	s3 =	sld [smem:$0x3FFC];
	_ =	sdelay $0x3  }
0x94: {  	_ =	strace s3  }
0x95: {  	s3 =	sld [smem:$0x3FFD];
	_ =	sdelay $0x3  }
0x96: {  	_ =	strace s3  }
0x97: {  	_ =	strace $0x8FFFFFFF  }
0x98: {  	s19 =	sld [smem:$0x3FDB];
	_ =	sdelay $0x1  }
0x99: {  	s4 =	simm.s32 $_scs_section_size  }
0x9a: {  	s5 =	simm.s32 $_size__tile_overlayer_lowered;
	s6 =	simm.s32 $_tile_overlayer_lowered  }
0x9b: {  	s22 =	simm.s32 $0x1BFF;
	s21 =	sshll.u32 s6, $0x1;
	s3 =	sadd.s32 s4, s19  }
0x9c: {  	s7 =	simm.s32 $0x0;
	s20 =	sshll.u32 s5, $0x1;
	s5 =	sadd.s32 s21, s3  }
0x9d: {  	[timem:s7], [sflag:s22] =	dma.local [hbm:s5], s20  }
0x9e: {  	_ =	swait.ge [sflag:s22], s20  }
0x9f: {  	s4 =	ssub.s32 $0x0, s20;
	[sflag:s22] =	ssyncset.done $0x0  }
0xa0: {  	[sflag:s22] =	ssyncadd.s32 s4;
	_ =	sdelay $0x1  }
0xa1: {  	s23 =	simm.s32 $0x1B8B  }
0xa2: {  	_ =	swait.ge [sflag:s23], $0x1  }
0xa3: {  	[sflag:s23] =	ssyncset.done $0x0  }
0xa4: {  	s25 =	simm.s32 $0x1B8E;
	s24 =	sld [smem:$0x3FFE];
	[sflag:s23] =	ssyncadd.s32 $0xFFFFFFFF  }
0xa5: {  	s26 =	simm.s32 $execute0_lowered;
	[smem:$0x3FD2] =	sst s25  }
0xa6: {  	s5 =	sshll.u32 s26, $0x1;
	_ =	strace $0x80000049;
	[dreg:$0x1] =	wrdreg $0xFFFFFFFF  }
0xa7: {  	s28 =	simm.s32 $_size_execute0_lowered;
	s3 =	sadd.s32 s3, s5;
	[dreg:$0x0] =	wrdreg $0x0  }
0xa8: {  	s5 =	sshll.u32 s28, $0x1;
	[dreg:$0x2] =	wrdreg s3  }
0xa9: {  	[dreg:$0x3] =	wrdreg s5  }
0xaa: {  	[dreg:$0x4] =	wrdreg $0xC0  }
0xab: {  	_ =	task [dreg:s7], $0x5FFFF  }
0xac: {  	[dreg:$0x1] =	wrdreg $0xFFFFFFFF  }
0xad: {  	[dreg:$0x0] =	wrdreg $0x60  }
0xae: {  	[dreg:$0x2] =	wrdreg s24  }
0xaf: {  	[dreg:$0x3] =	wrdreg s2  }
0xb0: {  	[dreg:$0x4] =	wrdreg $0x68000  }
0xb1: {  	[dreg:$0x5] =	wrdreg $0x9  }
0xb2: {  	_ =	task.clear_ibuf [dreg:s7], $0x6FFFF;
	_ =	strace $0x90000049  }
0xb3: {  	s29 =	simm.s32 $0x9;
	_ =	strace $0x8000004B  }
0xb4: {  	_ =	swait.ge [sflag:s29], $0x1  }
0xb5: {  	[sflag:s29] =	ssyncadd.s32 $0xFFFFFFFF  }
0xb6: {  	_ =	strace $0x9000004B  }
0xb7: {  	_ =	sfence  }
0xb8: {  	s30 =	sld [smem:$0x0];
	_ =	sdelay $0x2  }
0xb9: {  	s31 =	sshll.u32 s1, $0xD;
	s1 =	sshrl.u32 s1, $0x2  }
0xba: {  	s3 =	sand.u32 $0x4000, s31;
	s1 =	sadd.s32 s1, s30  }
0xbb: {  	s0 =	sor.u32 s3, s0;
	s1 =	sshll.u32 s1, $0x11  }
0xbc: {  	s0 =	sor.u32 s1, s0  }
0xbd: {  	s0 =	sadd.s32 $0x8F2B, s0  }
0xbe: {  	[sflag:s0] =	ssyncadd.remote.s32 $0x1  }
0xbf: {  	_ =	sfence.sel $0xFFFF  }
0xc0: {  	[dreg:$0x0] =	wrdreg $0xFFFFFFFF;
	(pc) =	sbr.abs _section_cstart, $3  }
0xc1: {  	[dreg:$0x1] =	wrdreg $0xFFFFFFFF  }
0xc2: {  	_ =	task.clear_ibuf [dreg:s7], $0x2FFFF;
	_ =	strace $0x9FFFFFFF  }
0xc3: {  	(tm) =	ssettm $0x7FFFFFFF  }
tec
execute0_lowered:
.L_overlay_start_1:
0x0: {  	(tag) =	ssettag $0x1  }
0x1: {  	s0 =	rddreg [dreg:$0x0]  }
0x2: {  	s2 =	rddreg [dreg:$0x1]  }
0x3: {  	s3 =	rddreg [dreg:$0x2];
	s12 =	stileid.u32  }
0x4: {  	s1 =	srdreg.scid;
	s6 =	smul.u32 $0x140, s12  }
0x5: {  	s4 =	simm.s32 $0x0;
	s1 =	sand.u32 $0x1, s1;
	s10 =	smul.u32 $0x50000, s12  }
0x6: {  	[smem:$0x7FF] =	sst s4;
	p0 =	seq.s32 s1, $0x0;
	s21 =	ssub.s32 $0x2, s1  }
0x7: {  	s7 =	sadd.s32 $0x1400, s6;
	s9 =	sshrl.u32 s21, $0x1;
	s22 =	sshrl.u32 s10, $0x2  }
0x8: {  	s7 =	smov.u32 @p0 s6;
	s6 =	ssub.s32 s21, s9;
	s13 =	sadd.s32 s22, s3  }
0x9: {  	_ =	strace $0x8000004A;
	s31 =	smax.u32 s6, $0x1;
	[dreg:$0x4] =	wrdreg s13  }
0xa: {  	s5 =	sadd.s32 $0x2A200, s0;
	s6 =	sadd.s32 $0x1000, s13;
	[dreg:$0xa] =	wrdreg s31  }
0xb: {  	s25 =	smul.u32 $0x13800, s12;
	s9 =	sadd.s32 $0x2000, s13;
	[dreg:$0xb] =	wrdreg s6  }
0xc: {  	s26 =	smul.u32 $0x4E000, s12;
	s14 =	sadd.s32 $0x4000, s13;
	[dreg:$0xc] =	wrdreg s9  }
0xd: {  	s1 =	smul.u32 $0x138800, s1;
	s15 =	sadd.s32 $0x5000, s13;
	[dreg:$0xe] =	wrdreg s14  }
0xe: {  	s29 =	sshrl.u32 s26, $0x2;
	s16 =	sadd.s32 $0x6000, s13;
	[dreg:$0xf] =	wrdreg s15  }
0xf: {  	s28 =	sadd.s32 s25, s1;
	s17 =	sadd.s32 $0x7000, s13;
	[dreg:$0x10] =	wrdreg s16  }
0x10: {  	s1 =	sshrl.u32 s1, $0x3;
	s18 =	sadd.s32 $0x8000, s13;
	[dreg:$0x11] =	wrdreg s17  }
0x11: {  	s30 =	sadd.s32 s29, s3;
	s19 =	sadd.s32 $0x9000, s13;
	[dreg:$0x12] =	wrdreg s18  }
0x12: {  	p0 =	sne.s32 s12, $0xF;
	s20 =	sshrl.u32 s30, $0x3;
	[dreg:$0x13] =	wrdreg s19  }
0x13: {  	s12 =	simm.s32 $0x2600;
	s21 =	sadd.s32 $0xA000, s13;
	[dreg:$0x14] =	wrdreg s20  }
0x14: {  	s8 =	sshll.u32 s7, $0x4;
	s22 =	sadd.s32 $0xB000, s13;
	[dreg:$0x16] =	wrdreg s21  }
0x15: {  	s23 =	sshll.u32 s7, $0x2;
	s25 =	sadd.s32 $0xE000, s13;
	[dreg:$0x17] =	wrdreg s22  }
0x16: {  	s26 =	sadd.s32 $0xF000, s13;
	s29 =	sadd.s32 $0x11000, s13;
	[dreg:$0x1a] =	wrdreg s25  }
0x17: {  	s30 =	sadd.s32 $0x12000, s13;
	s11 =	sadd.s32 s8, s0;
	[dreg:$0x1b] =	wrdreg s26  }
0x18: {  	s0 =	sadd.s32 $0x51400, s0;
	s24 =	sadd.s32 s2, s23;
	[dreg:$0x1d] =	wrdreg s29  }
0x19: {  	s23 =	sadd.s32 $0xC000, s13;
	[dreg:$0x1e] =	wrdreg s30;
	s31 =	sadd.s32 $0x13000, s13  }
0x1a: {  	s14 =	simm.s32 $0x7;
	s16 =	simm.s32 $0x1;
	s17 =	simm.s32 $0x20  }
0x1b: {  	s18 =	simm.s32 $0x3800;
	s20 =	simm.s32 $0x4800;
	s22 =	simm.s32 $0x5800  }
0x1c: {  	s25 =	simm.s32 $0x5;
	s26 =	simm.s32 $0x6;
	[dreg:$0x5] =	wrdreg s24  }
0x1d: {  	s6 =	simm.s32 $0x2680;
	s15 =	simm.s32 $0x2700;
	[dreg:$0x18] =	wrdreg s23  }
0x1e: {  	s19 =	simm.s32 $0x2780;
	s10 =	sadd.s32 $0x80, s24;
	[dreg:$0x1f] =	wrdreg s31  }
0x1f: {  	s8 =	sadd.s32 $0x2200, s11;
	s11 =	sadd.s32 $0x2400, s11;
	[dreg:$0x6] =	wrdreg s10  }
0x20: {  	s24 =	sadd.s32 $0xD000, s13;
	s23 =	simm.s32 $0x3;
	[dreg:$0x7] =	wrdreg s11  }
0x21: {  	s11 =	sshrl.u32 s7, $0x5;
	s7 =	sshrl.u32 s28, $0x3;
	s10 =	sadd.s32 $0x3000, s13  }
0x22: {  	[dreg:$0x19] =	wrdreg s24;
	s28 =	sadd.s32 $0x10000, s13;
	s7 =	sadd.s32 s0, s7  }
.Ltmp0:
0x23: {  	s0 =	sadd.s32 s0, s1;
	[dreg:$0xd] =	wrdreg s10;
	(pc) =	sbr.rel .LBB2_1-.Ltmp0, $4  }
0x24: {  	s13 =	simm.s32 $0x2800;
	[dreg:$0x1c] =	wrdreg s28;
	s0 =	sadd.s32 $0x27000, s0  }
0x25: {  	s24 =	simm.s32 $0x4;
	[dreg:$0x9] =	wrdreg s0;
	s0 =	sadd.s32 $0x138000, s3  }
0x26: {  	s10 =	simm.s32 $0x0;
	[dreg:$0x8] =	wrdreg s7;
	s0 =	sshrl.u32 @!p0 s0, $0x3  }
0x27: {  	v0 =	vimm.f32 $0.0e+00;
	s7 =	simm.s32 $0x400;
	[dreg:$0x15] =	wrdreg s0;
	s0 =	simm.s32 $0x2  }
.LBB2_10:
0x28: {  	s1 =	stileid.u32;
	[bflag:$0x0] =	sbarrier.arrive $0xFFFF  }
0x29: {  	s1 =	sshll.u32 s1, $0x6;
	s9 =	rddreg [dreg:$0x8]  }
0x2a: {  	s10 =	rddreg [dreg:$0x14];
	s1 =	sor.u32 $0x1C07, s1  }
0x2b: {  	[hbm:s9], [sflag:s1] =	dma.local [spmem:s10], $0x2700  }
0x2c: {  	_ =	swait.ge [sflag:s14], $0x2700  }
0x2d: {  	[sflag:s14] =	ssyncset.done $0x0;
	s9 =	rddreg [dreg:$0x9]  }
0x2e: {  	s10 =	rddreg [dreg:$0x15];
	[sflag:s14] =	ssyncadd.s32 $0xFFFFD900  }
0x2f: {  	[hbm:s9], [sflag:s1] =	dma.local @!p0 [spmem:s10], $0x100  }
0x30: {  	s1 =	simm.s32 @!p0 $0x7  }
0x31: {  	_ =	swait.ge @!p0 [sflag:s1], $0x100  }
0x32: {  	s30 =	sld [smem:$0x7FD];
	_ =	sdelay $0x2  }
0x33: {  	s31 =	rddreg [dreg:$0xa];
	s10 =	sadd.s32 $0x1, s30  }
0x34: {  	p1 =	sne.s32 s10, s31  }
.Ltmp1:
0x35: {  	_ = 	snop;
	(pc) =	sbr.rel @!p1 .LBB2_11-.Ltmp1, $3  }
0x36: {  	_ =	sdelay $0x1  }
0x37: {  	[sflag:s1] =	ssyncset.done @!p0 $0x0  }
0x38: {  	[sflag:s1] =	ssyncadd.s32 @!p0 $0xFFFFFF00  }
.LBB2_1:
0x39: {  	s1 =	sand.u32 $0x3E00, s4  }
0x3a: {  	[smem:$0x7FD] =	sst s10;
	s21 =	sand.u32 $0x70, s4;
	s28 =	sshrl.u32 s1, $0x2  }
0x3b: {  	s1 =	simm.s32 $0x40;
	s28 =	sor.u32 s21, s28;
	s21 =	simm.s32 $0x0  }
.LBB2_2:
0x3c: {  	p1 =	sne.s32 s1, $0x3FC0  }
0x3d: {  	[tilespmem:s28+$0x2800] =	vst v0;
	s21 =	sadd.s32 $0x10, s21;
	s28 =	smov.u32 s1;
	s1 =	sadd.s32 $0x40, s1  }
.Ltmp2:
0x3e: {  	(pc) =	sbr.rel @p1 .LBB2_2-.Ltmp2, $4  }
0x3f: {  	_ = 	snop  }
0x40: {  	s28 =	sand.u32 $0x3E00, s28  }
0x41: {  	s29 =	sand.u32 $0x70, s21;
	s28 =	sshrl.u32 s28, $0x2  }
0x42: {  	s28 =	sor.u32 s29, s28  }
0x43: {  	[tilespmem:s28+$0x2800] =	vst v0;
	s1 =	rddreg [dreg:$0x4]  }
0x44: {  	[spmem:s1] =	stream.linear.scatter [tilespmem:s13], [sflag:$0x7], $0x1000, $0x38;
	[tilespmem:$0x1A800] =	vst v63  }
0x45: {  	_ =	swait.ge [sflag:s14], $0x1000  }
0x46: {  	[sflag:s14] =	ssyncset.done $0x0  }
0x47: {  	s9 =	rddreg [dreg:$0xb];
	[sflag:s14] =	ssyncadd.s32 $0xFFFFF000  }
0x48: {  	[spmem:s9] =	stream.linear.scatter [tilespmem:s13], [sflag:$0x7], $0x1000, $0x38;
	[tilespmem:$0x1A800] =	vst v63  }
0x49: {  	_ =	swait.ge [sflag:s14], $0x1000  }
0x4a: {  	[sflag:s14] =	ssyncset.done $0x0  }
0x4b: {  	s10 =	rddreg [dreg:$0xc];
	[sflag:s14] =	ssyncadd.s32 $0xFFFFF000  }
0x4c: {  	[spmem:s10] =	stream.linear.scatter [tilespmem:s13], [sflag:$0x7], $0x1000, $0x38;
	[tilespmem:$0x1A800] =	vst v63  }
0x4d: {  	_ =	swait.ge [sflag:s14], $0x1000  }
0x4e: {  	[sflag:s14] =	ssyncset.done $0x0  }
0x4f: {  	s21 =	rddreg [dreg:$0xd];
	[sflag:s14] =	ssyncadd.s32 $0xFFFFF000  }
0x50: {  	[spmem:s21] =	stream.linear.scatter [tilespmem:s13], [sflag:$0x7], $0x1000, $0x38;
	[tilespmem:$0x1A800] =	vst v63  }
0x51: {  	_ =	swait.ge [sflag:s14], $0x1000  }
0x52: {  	[sflag:s14] =	ssyncset.done $0x0  }
0x53: {  	s29 =	rddreg [dreg:$0xe];
	[sflag:s14] =	ssyncadd.s32 $0xFFFFF000  }
0x54: {  	[spmem:s29] =	stream.linear.scatter [tilespmem:s13], [sflag:$0x7], $0x1000, $0x38;
	[tilespmem:$0x1A800] =	vst v63  }
0x55: {  	_ =	swait.ge [sflag:s14], $0x1000  }
0x56: {  	[sflag:s14] =	ssyncset.done $0x0  }
0x57: {  	s30 =	rddreg [dreg:$0xf];
	[sflag:s14] =	ssyncadd.s32 $0xFFFFF000  }
0x58: {  	[spmem:s30] =	stream.linear.scatter [tilespmem:s13], [sflag:$0x7], $0x1000, $0x38;
	[tilespmem:$0x1A800] =	vst v63  }
0x59: {  	_ =	swait.ge [sflag:s14], $0x1000  }
0x5a: {  	[sflag:s14] =	ssyncset.done $0x0  }
0x5b: {  	s31 =	rddreg [dreg:$0x10];
	[sflag:s14] =	ssyncadd.s32 $0xFFFFF000  }
0x5c: {  	[spmem:s31] =	stream.linear.scatter [tilespmem:s13], [sflag:$0x7], $0x1000, $0x38;
	[tilespmem:$0x1A800] =	vst v63  }
0x5d: {  	_ =	swait.ge [sflag:s14], $0x1000  }
0x5e: {  	[sflag:s14] =	ssyncset.done $0x0  }
0x5f: {  	s9 =	rddreg [dreg:$0x11];
	[sflag:s14] =	ssyncadd.s32 $0xFFFFF000  }
0x60: {  	[spmem:s9] =	stream.linear.scatter [tilespmem:s13], [sflag:$0x7], $0x1000, $0x38;
	[tilespmem:$0x1A800] =	vst v63  }
0x61: {  	_ =	swait.ge [sflag:s14], $0x1000  }
0x62: {  	[sflag:s14] =	ssyncset.done $0x0  }
0x63: {  	s10 =	rddreg [dreg:$0x12];
	[sflag:s14] =	ssyncadd.s32 $0xFFFFF000  }
0x64: {  	[spmem:s10] =	stream.linear.scatter [tilespmem:s13], [sflag:$0x7], $0x1000, $0x38;
	[tilespmem:$0x1A800] =	vst v63  }
0x65: {  	_ =	swait.ge [sflag:s14], $0x1000  }
0x66: {  	[sflag:s14] =	ssyncset.done $0x0  }
0x67: {  	s21 =	rddreg [dreg:$0x13];
	[sflag:s14] =	ssyncadd.s32 $0xFFFFF000  }
0x68: {  	[spmem:s21] =	stream.linear.scatter [tilespmem:s13], [sflag:$0x7], $0x1000, $0x38;
	[tilespmem:$0x1A800] =	vst v63  }
0x69: {  	_ =	swait.ge [sflag:s14], $0x1000  }
0x6a: {  	[sflag:s14] =	ssyncset.done $0x0  }
0x6b: {  	s29 =	rddreg [dreg:$0x16];
	[sflag:s14] =	ssyncadd.s32 $0xFFFFF000  }
0x6c: {  	[spmem:s29] =	stream.linear.scatter [tilespmem:s13], [sflag:$0x7], $0x1000, $0x38;
	[tilespmem:$0x1A800] =	vst v63  }
0x6d: {  	_ =	swait.ge [sflag:s14], $0x1000  }
0x6e: {  	[sflag:s14] =	ssyncset.done $0x0  }
0x6f: {  	s30 =	rddreg [dreg:$0x17];
	[sflag:s14] =	ssyncadd.s32 $0xFFFFF000  }
0x70: {  	[spmem:s30] =	stream.linear.scatter [tilespmem:s13], [sflag:$0x7], $0x1000, $0x38;
	[tilespmem:$0x1A800] =	vst v63  }
0x71: {  	_ =	swait.ge [sflag:s14], $0x1000  }
0x72: {  	[sflag:s14] =	ssyncset.done $0x0  }
0x73: {  	s31 =	rddreg [dreg:$0x18];
	[sflag:s14] =	ssyncadd.s32 $0xFFFFF000  }
0x74: {  	[spmem:s31] =	stream.linear.scatter [tilespmem:s13], [sflag:$0x7], $0x1000, $0x38;
	[tilespmem:$0x1A800] =	vst v63  }
0x75: {  	_ =	swait.ge [sflag:s14], $0x1000  }
0x76: {  	[sflag:s14] =	ssyncset.done $0x0  }
0x77: {  	s9 =	rddreg [dreg:$0x19];
	[sflag:s14] =	ssyncadd.s32 $0xFFFFF000  }
0x78: {  	[spmem:s9] =	stream.linear.scatter [tilespmem:s13], [sflag:$0x7], $0x1000, $0x38;
	[tilespmem:$0x1A800] =	vst v63  }
0x79: {  	_ =	swait.ge [sflag:s14], $0x1000  }
0x7a: {  	[sflag:s14] =	ssyncset.done $0x0  }
0x7b: {  	s10 =	rddreg [dreg:$0x1a];
	[sflag:s14] =	ssyncadd.s32 $0xFFFFF000  }
0x7c: {  	[spmem:s10] =	stream.linear.scatter [tilespmem:s13], [sflag:$0x7], $0x1000, $0x38;
	[tilespmem:$0x1A800] =	vst v63  }
0x7d: {  	_ =	swait.ge [sflag:s14], $0x1000  }
0x7e: {  	[sflag:s14] =	ssyncset.done $0x0  }
0x7f: {  	s21 =	rddreg [dreg:$0x1b];
	[sflag:s14] =	ssyncadd.s32 $0xFFFFF000  }
0x80: {  	[spmem:s21] =	stream.linear.scatter [tilespmem:s13], [sflag:$0x7], $0x1000, $0x38;
	[tilespmem:$0x1A800] =	vst v63  }
0x81: {  	_ =	swait.ge [sflag:s14], $0x1000  }
0x82: {  	[sflag:s14] =	ssyncset.done $0x0  }
0x83: {  	s29 =	rddreg [dreg:$0x1c];
	[sflag:s14] =	ssyncadd.s32 $0xFFFFF000  }
0x84: {  	[spmem:s29] =	stream.linear.scatter [tilespmem:s13], [sflag:$0x7], $0x1000, $0x38;
	[tilespmem:$0x1A800] =	vst v63  }
0x85: {  	_ =	swait.ge [sflag:s14], $0x1000  }
0x86: {  	[sflag:s14] =	ssyncset.done $0x0  }
0x87: {  	s30 =	rddreg [dreg:$0x1d];
	[sflag:s14] =	ssyncadd.s32 $0xFFFFF000  }
0x88: {  	[spmem:s30] =	stream.linear.scatter [tilespmem:s13], [sflag:$0x7], $0x1000, $0x38;
	[tilespmem:$0x1A800] =	vst v63  }
0x89: {  	_ =	swait.ge [sflag:s14], $0x1000  }
0x8a: {  	[sflag:s14] =	ssyncset.done $0x0  }
0x8b: {  	s31 =	rddreg [dreg:$0x1e];
	[sflag:s14] =	ssyncadd.s32 $0xFFFFF000  }
0x8c: {  	[spmem:s31] =	stream.linear.scatter [tilespmem:s13], [sflag:$0x7], $0x1000, $0x38;
	[tilespmem:$0x1A800] =	vst v63  }
0x8d: {  	_ =	swait.ge [sflag:s14], $0x1000  }
0x8e: {  	[sflag:s14] =	ssyncset.done $0x0  }
0x8f: {  	s9 =	rddreg [dreg:$0x1f];
	[sflag:s14] =	ssyncadd.s32 $0xFFFFF000  }
0x90: {  	[spmem:s9] =	stream.linear.scatter [tilespmem:s13], [sflag:$0x7], $0x1000, $0x38;
	[tilespmem:$0x1A800] =	vst v63  }
0x91: {  	_ =	swait.ge [sflag:s14], $0x1000  }
0x92: {  	[sflag:s14] =	ssyncset.done $0x0  }
0x93: {  	s21 =	simm.s32 $0x0;
	s10 =	rddreg [dreg:$0x5];
	[sflag:s14] =	ssyncadd.s32 $0xFFFFF000  }
0x94: {  	[tilespmem:s21], [sflag:$0x1] =	stream.linear.gather [hbm4b:s10+s21], $0x400, $0x38;
	[tilespmem:$0x1A800] =	vst v63  }
0x95: {  	s29 =	simm.s32 $0x800  }
0x96: {  	[tilespmem:s29], [sflag:$0x1] =	stream.linear.gather [hbm4b:s8+s21], $0x1000, $0x38;
	[tilespmem:$0x1A800] =	vst v63  }
0x97: {  	s30 =	rddreg [dreg:$0x6]  }
0x98: {  	[tilespmem:s7], [sflag:$0x2] =	stream.linear.gather [hbm4b:s30+s21], $0x400, $0x38;
	[tilespmem:$0x1A800] =	vst v63  }
0x99: {  	s9 =	simm.s32 $0x1800;
	s31 =	rddreg [dreg:$0x7]  }
0x9a: {  	[tilespmem:s9], [sflag:$0x2] =	stream.linear.gather [hbm4b:s31+s21], $0x1000, $0x38;
	[tilespmem:$0x1A800] =	vst v63  }
0x9b: {  	s28 =	simm.s32 $0x0;
	[bflag:$0x0] =	sbarrier.arrive $0xFFFF  }
.LBB2_4:
0x9c: {  	_ =	swait.ge [sflag:s16], $0x400  }
0x9d: {  	[sflag:s16] =	ssyncset.done $0x0  }
0x9e: {  	[sflag:s16] =	ssyncadd.s32 $0xFFFFFC00  }
0x9f: {  	_ =	swait.ge [sflag:s16], $0x1000  }
0xa0: {  	[sflag:s16] =	ssyncset.done $0x0  }
0xa1: {  	[sflag:s16] =	ssyncadd.s32 $0xFFFFF000  }
0xa2: {  	[tilespmem:s13], [sflag:$0x3] =	stream.indirect.gather [hbm4b:s5+s17], $0x80, s21, s17, $0xb8;
	[tilespmem:$0x1A800] =	vst v63  }
0xa3: {  	_ = 	snop  }
0xa4: {  	[tilespmem:s18], [sflag:$0x4] =	stream.indirect.gather [hbm4b:s5+s17], $0x80, s17, s17, $0xb8;
	[tilespmem:$0x1A800] =	vst v63  }
0xa5: {  	s1 =	simm.s32 $0x40  }
0xa6: {  	[tilespmem:s20], [sflag:$0x5] =	stream.indirect.gather [hbm4b:s5+s17], $0x80, s1, s17, $0xb8;
	[tilespmem:$0x1A800] =	vst v63  }
0xa7: {  	s9 =	simm.s32 $0x60  }
0xa8: {  	[tilespmem:s22], [sflag:$0x6] =	stream.indirect.gather [hbm4b:s5+s17], $0x80, s9, s17, $0xb8;
	[tilespmem:$0x1A800] =	vst v63  }
0xa9: {  	_ =	swait.ge [sflag:s23], $0x1000  }
0xaa: {  	[sflag:s23] =	ssyncset.done $0x0  }
0xab: {  	s10 =	simm.s32 $0x800;
	[sflag:s23] =	ssyncadd.s32 $0xFFFFF000  }
0xac: {  	[spmem:s3] =	stream.indirect.scatter.add.f32 [tilespmem:s13], [sflag:$0x7], $0x80, s10, s17, $0xb8;
	[tilespmem:$0x1A800] =	vst v63  }
0xad: {  	_ =	swait.ge [sflag:s14], $0x1000  }
0xae: {  	[sflag:s14] =	ssyncset.done $0x0  }
0xaf: {  	s9 =	simm.s32 $0x80;
	[sflag:s14] =	ssyncadd.s32 $0xFFFFF000  }
0xb0: {  	[tilespmem:s13], [sflag:$0x3] =	stream.indirect.gather [hbm4b:s5+s17], $0x80, s9, s17, $0xb8;
	[tilespmem:$0x1A800] =	vst v63  }
0xb1: {  	_ =	swait.ge [sflag:s24], $0x1000  }
0xb2: {  	[sflag:s24] =	ssyncset.done $0x0  }
0xb3: {  	s10 =	simm.s32 $0x880;
	[sflag:s24] =	ssyncadd.s32 $0xFFFFF000  }
0xb4: {  	[spmem:s3] =	stream.indirect.scatter.add.f32 [tilespmem:s18], [sflag:$0x7], $0x80, s10, s17, $0xb8;
	[tilespmem:$0x1A800] =	vst v63  }
0xb5: {  	_ =	swait.ge [sflag:s14], $0x1000  }
0xb6: {  	[sflag:s14] =	ssyncset.done $0x0  }
0xb7: {  	s9 =	simm.s32 $0xA0;
	[sflag:s14] =	ssyncadd.s32 $0xFFFFF000  }
0xb8: {  	[tilespmem:s18], [sflag:$0x4] =	stream.indirect.gather [hbm4b:s5+s17], $0x80, s9, s17, $0xb8;
	[tilespmem:$0x1A800] =	vst v63  }
0xb9: {  	_ =	swait.ge [sflag:s25], $0x1000  }
0xba: {  	[sflag:s25] =	ssyncset.done $0x0  }
0xbb: {  	s10 =	simm.s32 $0x900;
	[sflag:s25] =	ssyncadd.s32 $0xFFFFF000  }
0xbc: {  	[spmem:s3] =	stream.indirect.scatter.add.f32 [tilespmem:s20], [sflag:$0x7], $0x80, s10, s17, $0xb8;
	[tilespmem:$0x1A800] =	vst v63  }
0xbd: {  	_ =	swait.ge [sflag:s14], $0x1000  }
0xbe: {  	[sflag:s14] =	ssyncset.done $0x0  }
0xbf: {  	s9 =	simm.s32 $0xC0;
	[sflag:s14] =	ssyncadd.s32 $0xFFFFF000  }
0xc0: {  	[tilespmem:s20], [sflag:$0x5] =	stream.indirect.gather [hbm4b:s5+s17], $0x80, s9, s17, $0xb8;
	[tilespmem:$0x1A800] =	vst v63  }
0xc1: {  	_ =	swait.ge [sflag:s26], $0x1000  }
0xc2: {  	[sflag:s26] =	ssyncset.done $0x0  }
0xc3: {  	s10 =	simm.s32 $0x980;
	[sflag:s26] =	ssyncadd.s32 $0xFFFFF000  }
0xc4: {  	[spmem:s3] =	stream.indirect.scatter.add.f32 [tilespmem:s22], [sflag:$0x7], $0x80, s10, s17, $0xb8;
	[tilespmem:$0x1A800] =	vst v63  }
0xc5: {  	_ =	swait.ge [sflag:s14], $0x1000  }
0xc6: {  	s29 =	simm.s32 $0xE0;
	[sflag:s14] =	ssyncset.done $0x0  }
0xc7: {  	s30 =	simm.s32 $0x800;
	s31 =	simm.s32 $0x160;
	[sflag:s14] =	ssyncadd.s32 $0xFFFFF000  }
.LBB2_5:
0xc8: {  	[tilespmem:s22], [sflag:$0x6] =	stream.indirect.gather [hbm4b:s5+s17], $0x80, s29, s17, $0xb8;
	[tilespmem:$0x1A800] =	vst v63  }
0xc9: {  	s1 =	smov.u32 s30;
	s29 =	smov.u32 s31  }
0xca: {  	p1 =	sne.s32 s30, $0x3000;
	s30 =	sadd.s32 $0x800, s30;
	_ =	swait.ge [sflag:s23], $0x1000  }
0xcb: {  	s1 =	sshra.s32 s1, $0x2;
	[sflag:s23] =	ssyncset.done $0x0  }
0xcc: {  	s9 =	sadd.s32 $0x800, s1;
	[sflag:s23] =	ssyncadd.s32 $0xFFFFF000  }
0xcd: {  	[spmem:s3] =	stream.indirect.scatter.add.f32 [tilespmem:s13], [sflag:$0x7], $0x80, s9, s17, $0xb8;
	[tilespmem:$0x1A800] =	vst v63  }
0xce: {  	_ =	swait.ge [sflag:s14], $0x1000  }
0xcf: {  	[sflag:s14] =	ssyncset.done $0x0  }
0xd0: {  	s9 =	sadd.s32 $0xFFFFFFA0, s31;
	[sflag:s14] =	ssyncadd.s32 $0xFFFFF000  }
0xd1: {  	[tilespmem:s13], [sflag:$0x3] =	stream.indirect.gather [hbm4b:s5+s17], $0x80, s9, s17, $0xb8;
	[tilespmem:$0x1A800] =	vst v63  }
0xd2: {  	_ =	swait.ge [sflag:s24], $0x1000  }
0xd3: {  	[sflag:s24] =	ssyncset.done $0x0  }
0xd4: {  	s9 =	sadd.s32 $0x880, s1;
	[sflag:s24] =	ssyncadd.s32 $0xFFFFF000  }
0xd5: {  	[spmem:s3] =	stream.indirect.scatter.add.f32 [tilespmem:s18], [sflag:$0x7], $0x80, s9, s17, $0xb8;
	[tilespmem:$0x1A800] =	vst v63  }
0xd6: {  	_ =	swait.ge [sflag:s14], $0x1000  }
0xd7: {  	[sflag:s14] =	ssyncset.done $0x0  }
0xd8: {  	s9 =	sadd.s32 $0xFFFFFFC0, s31;
	[sflag:s14] =	ssyncadd.s32 $0xFFFFF000  }
0xd9: {  	[tilespmem:s18], [sflag:$0x4] =	stream.indirect.gather [hbm4b:s5+s17], $0x80, s9, s17, $0xb8;
	[tilespmem:$0x1A800] =	vst v63  }
0xda: {  	_ =	swait.ge [sflag:s25], $0x1000  }
0xdb: {  	[sflag:s25] =	ssyncset.done $0x0  }
0xdc: {  	s9 =	sadd.s32 $0x900, s1;
	[sflag:s25] =	ssyncadd.s32 $0xFFFFF000  }
0xdd: {  	[spmem:s3] =	stream.indirect.scatter.add.f32 [tilespmem:s20], [sflag:$0x7], $0x80, s9, s17, $0xb8;
	[tilespmem:$0x1A800] =	vst v63  }
0xde: {  	_ =	swait.ge [sflag:s14], $0x1000  }
0xdf: {  	[sflag:s14] =	ssyncset.done $0x0  }
0xe0: {  	s9 =	sadd.s32 $0xFFFFFFE0, s31;
	[sflag:s14] =	ssyncadd.s32 $0xFFFFF000  }
0xe1: {  	[tilespmem:s20], [sflag:$0x5] =	stream.indirect.gather [hbm4b:s5+s17], $0x80, s9, s17, $0xb8;
	[tilespmem:$0x1A800] =	vst v63  }
0xe2: {  	_ =	swait.ge [sflag:s26], $0x1000  }
0xe3: {  	[sflag:s26] =	ssyncset.done $0x0  }
.Ltmp3:
0xe4: {  	s1 =	sadd.s32 $0x980, s1;
	[sflag:s26] =	ssyncadd.s32 $0xFFFFF000;
	(pc) =	sbr.rel @p1 .LBB2_5-.Ltmp3, $4  }
0xe5: {  	[spmem:s3] =	stream.indirect.scatter.add.f32 [tilespmem:s22], [sflag:$0x7], $0x80, s1, s17, $0xb8;
	[tilespmem:$0x1A800] =	vst v63  }
0xe6: {  	_ =	swait.ge [sflag:s14], $0x1000  }
0xe7: {  	[sflag:s14] =	ssyncset.done $0x0  }
0xe8: {  	s31 =	sadd.s32 $0x80, s31;
	[sflag:s14] =	ssyncadd.s32 $0xFFFFF000  }
0xe9: {  	[tilespmem:s22], [sflag:$0x6] =	stream.indirect.gather [hbm4b:s5+s17], $0x80, s29, s17, $0xb8;
	[tilespmem:$0x1A800] =	vst v63  }
0xea: {  	_ =	swait.ge [sflag:s23], $0x1000  }
0xeb: {  	[sflag:s23] =	ssyncset.done $0x0  }
0xec: {  	s1 =	simm.s32 $0x1600;
	[sflag:s23] =	ssyncadd.s32 $0xFFFFF000  }
0xed: {  	[spmem:s3] =	stream.indirect.scatter.add.f32 [tilespmem:s13], [sflag:$0x7], $0x80, s1, s17, $0xb8;
	[tilespmem:$0x1A800] =	vst v63  }
0xee: {  	_ =	swait.ge [sflag:s14], $0x1000  }
0xef: {  	[sflag:s14] =	ssyncset.done $0x0  }
0xf0: {  	[sflag:s14] =	ssyncadd.s32 $0xFFFFF000  }
0xf1: {  	_ =	swait.ge [sflag:s24], $0x1000  }
0xf2: {  	[sflag:s24] =	ssyncset.done $0x0  }
0xf3: {  	s10 =	simm.s32 $0x1680;
	[sflag:s24] =	ssyncadd.s32 $0xFFFFF000  }
0xf4: {  	[spmem:s3] =	stream.indirect.scatter.add.f32 [tilespmem:s18], [sflag:$0x7], $0x80, s10, s17, $0xb8;
	[tilespmem:$0x1A800] =	vst v63  }
0xf5: {  	_ =	swait.ge [sflag:s14], $0x1000  }
0xf6: {  	[sflag:s14] =	ssyncset.done $0x0  }
0xf7: {  	[sflag:s14] =	ssyncadd.s32 $0xFFFFF000  }
0xf8: {  	_ =	swait.ge [sflag:s25], $0x1000  }
0xf9: {  	[sflag:s25] =	ssyncset.done $0x0  }
0xfa: {  	s9 =	simm.s32 $0x1700;
	[sflag:s25] =	ssyncadd.s32 $0xFFFFF000  }
0xfb: {  	[spmem:s3] =	stream.indirect.scatter.add.f32 [tilespmem:s20], [sflag:$0x7], $0x80, s9, s17, $0xb8;
	[tilespmem:$0x1A800] =	vst v63  }
0xfc: {  	_ =	swait.ge [sflag:s14], $0x1000  }
0xfd: {  	[sflag:s14] =	ssyncset.done $0x0  }
0xfe: {  	[sflag:s14] =	ssyncadd.s32 $0xFFFFF000  }
0xff: {  	_ =	swait.ge [sflag:s26], $0x1000  }
0x100: {  	s29 =	sshll.u32 s28, $0x1;
	p1 =	seq.s32 s28, $0x4;
	[sflag:s26] =	ssyncset.done $0x0  }
0x101: {  	s1 =	sadd.s32 @!p1 $0x2, s29;
	s10 =	simm.s32 $0x1780;
	[sflag:s26] =	ssyncadd.s32 $0xFFFFF000  }
0x102: {  	[spmem:s3] =	stream.indirect.scatter.add.f32 [tilespmem:s22], [sflag:$0x7], $0x80, s10, s17, $0xb8;
	[tilespmem:$0x1A800] =	vst v63  }
0x103: {  	s9 =	sadd.s32 @!p1 s11, s1;
	_ =	swait.ge [sflag:s14], $0x1000  }
0x104: {  	s30 =	simm.s32 @!p1 $0x0;
	s9 =	sshll.u32 @!p1 s9, $0x7;
	[sflag:s14] =	ssyncset.done $0x0  }
0x105: {  	s1 =	sshll.u32 @!p1 s1, $0x9;
	s9 =	sadd.s32 @!p1 s2, s9;
	[sflag:s14] =	ssyncadd.s32 $0xFFFFF000  }
0x106: {  	[tilespmem:s30], [sflag:$0x1] =	stream.linear.gather @!p1 [hbm4b:s9+s30], $0x400, $0x38;
	[tilespmem:$0x1A800] =	vst v63  }
0x107: {  	s1 =	sadd.s32 @!p1 s1, s8;
	s9 =	simm.s32 @!p1 $0x800  }
0x108: {  	[tilespmem:s9], [sflag:$0x1] =	stream.linear.gather @!p1 [hbm4b:s1+s30], $0x1000, $0x38;
	[tilespmem:$0x1A800] =	vst v63  }
0x109: {  	_ =	swait.ge [sflag:s0], $0x400  }
0x10a: {  	[sflag:s0] =	ssyncset.done $0x0  }
0x10b: {  	[sflag:s0] =	ssyncadd.s32 $0xFFFFFC00  }
0x10c: {  	_ =	swait.ge [sflag:s0], $0x1000  }
0x10d: {  	[sflag:s0] =	ssyncset.done $0x0  }
0x10e: {  	[sflag:s0] =	ssyncadd.s32 $0xFFFFF000  }
0x10f: {  	[tilespmem:s13], [sflag:$0x3] =	stream.indirect.gather [hbm4b:s5+s17], $0x80, s7, s17, $0xb8;
	[tilespmem:$0x1A800] =	vst v63  }
0x110: {  	s9 =	simm.s32 $0x420  }
0x111: {  	[tilespmem:s18], [sflag:$0x4] =	stream.indirect.gather [hbm4b:s5+s17], $0x80, s9, s17, $0xb8;
	[tilespmem:$0x1A800] =	vst v63  }
0x112: {  	s10 =	simm.s32 $0x440  }
0x113: {  	[tilespmem:s20], [sflag:$0x5] =	stream.indirect.gather [hbm4b:s5+s17], $0x80, s10, s17, $0xb8;
	[tilespmem:$0x1A800] =	vst v63  }
0x114: {  	s9 =	simm.s32 $0x460  }
0x115: {  	[tilespmem:s22], [sflag:$0x6] =	stream.indirect.gather [hbm4b:s5+s17], $0x80, s9, s17, $0xb8;
	[tilespmem:$0x1A800] =	vst v63  }
0x116: {  	_ =	swait.ge [sflag:s23], $0x1000  }
0x117: {  	[sflag:s23] =	ssyncset.done $0x0  }
0x118: {  	s10 =	simm.s32 $0x1800;
	[sflag:s23] =	ssyncadd.s32 $0xFFFFF000  }
0x119: {  	[spmem:s3] =	stream.indirect.scatter.add.f32 [tilespmem:s13], [sflag:$0x7], $0x80, s10, s17, $0xb8;
	[tilespmem:$0x1A800] =	vst v63  }
0x11a: {  	_ =	swait.ge [sflag:s14], $0x1000  }
0x11b: {  	[sflag:s14] =	ssyncset.done $0x0  }
0x11c: {  	s9 =	simm.s32 $0x480;
	[sflag:s14] =	ssyncadd.s32 $0xFFFFF000  }
0x11d: {  	[tilespmem:s13], [sflag:$0x3] =	stream.indirect.gather [hbm4b:s5+s17], $0x80, s9, s17, $0xb8;
	[tilespmem:$0x1A800] =	vst v63  }
0x11e: {  	_ =	swait.ge [sflag:s24], $0x1000  }
0x11f: {  	[sflag:s24] =	ssyncset.done $0x0  }
0x120: {  	s10 =	simm.s32 $0x1880;
	[sflag:s24] =	ssyncadd.s32 $0xFFFFF000  }
0x121: {  	[spmem:s3] =	stream.indirect.scatter.add.f32 [tilespmem:s18], [sflag:$0x7], $0x80, s10, s17, $0xb8;
	[tilespmem:$0x1A800] =	vst v63  }
0x122: {  	_ =	swait.ge [sflag:s14], $0x1000  }
0x123: {  	[sflag:s14] =	ssyncset.done $0x0  }
0x124: {  	s9 =	simm.s32 $0x4A0;
	[sflag:s14] =	ssyncadd.s32 $0xFFFFF000  }
0x125: {  	[tilespmem:s18], [sflag:$0x4] =	stream.indirect.gather [hbm4b:s5+s17], $0x80, s9, s17, $0xb8;
	[tilespmem:$0x1A800] =	vst v63  }
0x126: {  	_ =	swait.ge [sflag:s25], $0x1000  }
0x127: {  	[sflag:s25] =	ssyncset.done $0x0  }
0x128: {  	s10 =	simm.s32 $0x1900;
	[sflag:s25] =	ssyncadd.s32 $0xFFFFF000  }
0x129: {  	[spmem:s3] =	stream.indirect.scatter.add.f32 [tilespmem:s20], [sflag:$0x7], $0x80, s10, s17, $0xb8;
	[tilespmem:$0x1A800] =	vst v63  }
0x12a: {  	_ =	swait.ge [sflag:s14], $0x1000  }
0x12b: {  	[sflag:s14] =	ssyncset.done $0x0  }
0x12c: {  	s9 =	simm.s32 $0x4C0;
	[sflag:s14] =	ssyncadd.s32 $0xFFFFF000  }
0x12d: {  	[tilespmem:s20], [sflag:$0x5] =	stream.indirect.gather [hbm4b:s5+s17], $0x80, s9, s17, $0xb8;
	[tilespmem:$0x1A800] =	vst v63  }
0x12e: {  	_ =	swait.ge [sflag:s26], $0x1000  }
0x12f: {  	[sflag:s26] =	ssyncset.done $0x0  }
0x130: {  	s10 =	simm.s32 $0x1980;
	[sflag:s26] =	ssyncadd.s32 $0xFFFFF000  }
0x131: {  	[spmem:s3] =	stream.indirect.scatter.add.f32 [tilespmem:s22], [sflag:$0x7], $0x80, s10, s17, $0xb8;
	[tilespmem:$0x1A800] =	vst v63  }
0x132: {  	_ =	swait.ge [sflag:s14], $0x1000  }
0x133: {  	s31 =	simm.s32 $0x800;
	[sflag:s14] =	ssyncset.done $0x0  }
0x134: {  	s30 =	simm.s32 $0x4E0;
	s1 =	simm.s32 $0x560;
	[sflag:s14] =	ssyncadd.s32 $0xFFFFF000  }
.LBB2_7:
0x135: {  	[tilespmem:s22], [sflag:$0x6] =	stream.indirect.gather [hbm4b:s5+s17], $0x80, s30, s17, $0xb8;
	[tilespmem:$0x1A800] =	vst v63  }
0x136: {  	s9 =	smov.u32 s31;
	s30 =	smov.u32 s1  }
0x137: {  	p2 =	sne.s32 s31, $0x3000;
	s31 =	sadd.s32 $0x800, s31;
	_ =	swait.ge [sflag:s23], $0x1000  }
0x138: {  	s9 =	sshra.s32 s9, $0x2;
	[sflag:s23] =	ssyncset.done $0x0  }
0x139: {  	s10 =	sadd.s32 $0x1800, s9;
	[sflag:s23] =	ssyncadd.s32 $0xFFFFF000  }
0x13a: {  	[spmem:s3] =	stream.indirect.scatter.add.f32 [tilespmem:s13], [sflag:$0x7], $0x80, s10, s17, $0xb8;
	[tilespmem:$0x1A800] =	vst v63  }
0x13b: {  	_ =	swait.ge [sflag:s14], $0x1000  }
0x13c: {  	[sflag:s14] =	ssyncset.done $0x0  }
0x13d: {  	s10 =	sadd.s32 $0xFFFFFFA0, s1;
	[sflag:s14] =	ssyncadd.s32 $0xFFFFF000  }
0x13e: {  	[tilespmem:s13], [sflag:$0x3] =	stream.indirect.gather [hbm4b:s5+s17], $0x80, s10, s17, $0xb8;
	[tilespmem:$0x1A800] =	vst v63  }
0x13f: {  	_ =	swait.ge [sflag:s24], $0x1000  }
0x140: {  	[sflag:s24] =	ssyncset.done $0x0  }
0x141: {  	s10 =	sadd.s32 $0x1880, s9;
	[sflag:s24] =	ssyncadd.s32 $0xFFFFF000  }
0x142: {  	[spmem:s3] =	stream.indirect.scatter.add.f32 [tilespmem:s18], [sflag:$0x7], $0x80, s10, s17, $0xb8;
	[tilespmem:$0x1A800] =	vst v63  }
0x143: {  	_ =	swait.ge [sflag:s14], $0x1000  }
0x144: {  	[sflag:s14] =	ssyncset.done $0x0  }
0x145: {  	s10 =	sadd.s32 $0xFFFFFFC0, s1;
	[sflag:s14] =	ssyncadd.s32 $0xFFFFF000  }
0x146: {  	[tilespmem:s18], [sflag:$0x4] =	stream.indirect.gather [hbm4b:s5+s17], $0x80, s10, s17, $0xb8;
	[tilespmem:$0x1A800] =	vst v63  }
0x147: {  	_ =	swait.ge [sflag:s25], $0x1000  }
0x148: {  	[sflag:s25] =	ssyncset.done $0x0  }
0x149: {  	s10 =	sadd.s32 $0x1900, s9;
	[sflag:s25] =	ssyncadd.s32 $0xFFFFF000  }
0x14a: {  	[spmem:s3] =	stream.indirect.scatter.add.f32 [tilespmem:s20], [sflag:$0x7], $0x80, s10, s17, $0xb8;
	[tilespmem:$0x1A800] =	vst v63  }
0x14b: {  	_ =	swait.ge [sflag:s14], $0x1000  }
0x14c: {  	[sflag:s14] =	ssyncset.done $0x0  }
0x14d: {  	s10 =	sadd.s32 $0xFFFFFFE0, s1;
	[sflag:s14] =	ssyncadd.s32 $0xFFFFF000  }
0x14e: {  	[tilespmem:s20], [sflag:$0x5] =	stream.indirect.gather [hbm4b:s5+s17], $0x80, s10, s17, $0xb8;
	[tilespmem:$0x1A800] =	vst v63  }
0x14f: {  	_ =	swait.ge [sflag:s26], $0x1000  }
0x150: {  	[sflag:s26] =	ssyncset.done $0x0  }
.Ltmp4:
0x151: {  	s9 =	sadd.s32 $0x1980, s9;
	[sflag:s26] =	ssyncadd.s32 $0xFFFFF000;
	(pc) =	sbr.rel @p2 .LBB2_7-.Ltmp4, $4  }
0x152: {  	[spmem:s3] =	stream.indirect.scatter.add.f32 [tilespmem:s22], [sflag:$0x7], $0x80, s9, s17, $0xb8;
	[tilespmem:$0x1A800] =	vst v63  }
0x153: {  	_ =	swait.ge [sflag:s14], $0x1000  }
0x154: {  	[sflag:s14] =	ssyncset.done $0x0  }
0x155: {  	s1 =	sadd.s32 $0x80, s1;
	[sflag:s14] =	ssyncadd.s32 $0xFFFFF000  }
0x156: {  	[tilespmem:s22], [sflag:$0x6] =	stream.indirect.gather [hbm4b:s5+s17], $0x80, s30, s17, $0xb8;
	[tilespmem:$0x1A800] =	vst v63  }
0x157: {  	_ =	swait.ge [sflag:s23], $0x1000  }
0x158: {  	[sflag:s23] =	ssyncset.done $0x0  }
0x159: {  	[sflag:s23] =	ssyncadd.s32 $0xFFFFF000  }
0x15a: {  	[spmem:s3] =	stream.indirect.scatter.add.f32 [tilespmem:s13], [sflag:$0x7], $0x80, s12, s17, $0xb8;
	[tilespmem:$0x1A800] =	vst v63  }
0x15b: {  	_ =	swait.ge [sflag:s14], $0x1000  }
0x15c: {  	[sflag:s14] =	ssyncset.done $0x0  }
0x15d: {  	[sflag:s14] =	ssyncadd.s32 $0xFFFFF000  }
0x15e: {  	_ =	swait.ge [sflag:s24], $0x1000  }
0x15f: {  	[sflag:s24] =	ssyncset.done $0x0  }
0x160: {  	[sflag:s24] =	ssyncadd.s32 $0xFFFFF000  }
0x161: {  	[spmem:s3] =	stream.indirect.scatter.add.f32 [tilespmem:s18], [sflag:$0x7], $0x80, s6, s17, $0xb8;
	[tilespmem:$0x1A800] =	vst v63  }
0x162: {  	_ =	swait.ge [sflag:s14], $0x1000  }
0x163: {  	[sflag:s14] =	ssyncset.done $0x0  }
0x164: {  	[sflag:s14] =	ssyncadd.s32 $0xFFFFF000  }
0x165: {  	_ =	swait.ge [sflag:s25], $0x1000  }
0x166: {  	[sflag:s25] =	ssyncset.done $0x0  }
0x167: {  	[sflag:s25] =	ssyncadd.s32 $0xFFFFF000  }
0x168: {  	[spmem:s3] =	stream.indirect.scatter.add.f32 [tilespmem:s20], [sflag:$0x7], $0x80, s15, s17, $0xb8;
	[tilespmem:$0x1A800] =	vst v63  }
0x169: {  	_ =	swait.ge [sflag:s14], $0x1000  }
0x16a: {  	[sflag:s14] =	ssyncset.done $0x0  }
0x16b: {  	[sflag:s14] =	ssyncadd.s32 $0xFFFFF000  }
0x16c: {  	_ =	swait.ge [sflag:s26], $0x1000  }
0x16d: {  	[sflag:s26] =	ssyncset.done $0x0  }
.Ltmp5:
0x16e: {  	[sflag:s26] =	ssyncadd.s32 $0xFFFFF000;
	(pc) =	sbr.rel @p1 .LBB2_10-.Ltmp5, $4  }
0x16f: {  	[spmem:s3] =	stream.indirect.scatter.add.f32 [tilespmem:s22], [sflag:$0x7], $0x80, s19, s17, $0xb8;
	[tilespmem:$0x1A800] =	vst v63  }
0x170: {  	_ =	swait.ge [sflag:s14], $0x1000  }
0x171: {  	[sflag:s14] =	ssyncset.done $0x0  }
0x172: {  	[sflag:s14] =	ssyncadd.s32 $0xFFFFF000  }
0x173: {  	s1 =	sadd.s32 $0x3, s29  }
0x174: {  	s9 =	sadd.s32 s11, s1  }
.Ltmp6:
0x175: {  	s9 =	sshll.u32 s9, $0x7;
	(pc) =	sbr.rel .LBB2_4-.Ltmp6, $4  }
0x176: {  	s1 =	sshll.u32 s1, $0x9;
	s9 =	sadd.s32 s2, s9  }
0x177: {  	[tilespmem:s7], [sflag:$0x2] =	stream.linear.gather [hbm4b:s9+s4], $0x400, $0x38;
	[tilespmem:$0x1A800] =	vst v63  }
0x178: {  	s31 =	simm.s32 $0x1800;
	s28 =	sadd.s32 $0x1, s28;
	s1 =	sadd.s32 s1, s8  }
0x179: {  	[tilespmem:s31], [sflag:$0x2] =	stream.linear.gather [hbm4b:s1+s4], $0x1000, $0x38;
	[tilespmem:$0x1A800] =	vst v63  }
.LBB2_11:
0x17a: {  	_ =	sfence.sel $0x180000  }
0x17b: {  	[bflag:$0x0] =	sbarrier.arrive $0xFFFF  }
0x17c: {  	_ =	strace $0x9000004A  }
0x17d: {  	s0 =	stileid.u32;
	[bflag:$0x2] =	sbarrier.arrive $0xFFFF  }
0x17e: {  	p0 =	sne.s32 s0, $0x0;
	s0 =	rddreg [dreg:$0x3]  }
0x17f: {  	s0 =	sadd.s32 @!p0 $0x100000, s0  }
0x180: {  	[sflag:s0] =	ssyncadd.tile.s32 @!p0 $0x1;
	_ =	shalt  }
.Lfunc_end2:
_tile_overlayer_lowered:
.L_overlay_start_2:
0x181: {  	(tag) =	ssettag $0x2  }
0x182: {  	s0 =	rddreg [dreg:$0x0];
	s2 =	stileid.u32  }
0x183: {  	s1 =	rddreg [dreg:$0x1];
	p0 =	sne.s32 s2, $0x0  }
0x184: {  	s3 =	rddreg [dreg:$0x2];
	[bflag:$0x3] =	sbarrier.arrive $0xFFFF;
	s2 =	simm.s32 @!p0 $0x1C07  }
0x185: {  	[timem:s3], [sflag:s2] =	dma.local @!p0 [hbm:s0], s1  }
0x186: {  	s0 =	simm.s32 @!p0 $0x7  }
0x187: {  	_ =	swait.ge @!p0 [sflag:s0], s1  }
0x188: {  	s1 =	ssub.s32 @!p0 $0x0, s1;
	[sflag:s0] =	ssyncset.done @!p0 $0x0  }
0x189: {  	[sflag:s0] =	ssyncadd.s32 @!p0 s1  }
0x18a: {  	[bflag:$0x3] =	sbarrier.arrive $0xFFFF  }
0x18b: {  	_ =	shalt  }

// kernel: kernel.7.cloned.1.call-start
scs
__scs_entry_jumppad:
0x0: {  	(pc) =	sbr.rel $0x88, $3  }
0x1: {  	(tag) =	ssettag $0x0;
	lr =	simm.s32 $0x1  }
0x2: {  	[smem:$0x3F97] =	sst lr;
	_ =	strace $0xD0000000  }
0x3: {  	_ = 	snop  }
0x4: {  	_ = 	snop  }
0x5: {  	_ = 	snop  }
0x6: {  	_ = 	snop  }
0x7: {  	_ = 	snop  }
__scs_overlays_trampoline_lowered:
0x8: {  	[smem:$0x3FA6] =	sst s0  }
0x9: {  	[smem:$0x3FA7] =	sst s1  }
0xa: {  	[smem:$0x3FA8] =	sst s2  }
0xb: {  	[smem:$0x3FA9] =	sst s3  }
0xc: {  	[smem:$0x3FAA] =	sst s4  }
0xd: {  	[smem:$0x3FAB] =	sst s5  }
0xe: {  	[smem:$0x3FAC] =	sst s6  }
0xf: {  	[smem:$0x3FAD] =	sst s7  }
0x10: {  	[smem:$0x3FAE] =	sst s8  }
0x11: {  	[smem:$0x3FAF] =	sst s9;
	s0 =	simm.s32 @!p0 $0x0  }
0x12: {  	s1 =	sld [smem:$0x3F95];
	s0 =	simm.s32 @p0 $0x1  }
0x13: {  	[smem:$0x3FB0] =	sst s0;
	s0 =	simm.s32 @!p1 $0x0  }
0x14: {  	s2 =	sld [smem:$0x3F94];
	s0 =	simm.s32 @p1 $0x1  }
0x15: {  	[smem:$0x3FB1] =	sst s0;
	s0 =	simm.s32 @!p2 $0x0  }
0x16: {  	s3 =	sld [smem:$0x3FDB];
	s0 =	simm.s32 @p2 $0x1  }
0x17: {  	s4 =	simm.s32 $0x1BF5;
	[smem:$0x3FB3] =	sst s0  }
0x18: {  	s0 =	sld [smem:$0x3F96];
	_ =	swait.ge [sflag:s4], $0x0  }
0x19: {  	s7 =	sld [smem:$0x3F97]  }
0x1a: {  	s8 =	sadd.s32 $0xFFFFE003, lr  }
0x1b: {  	s9 =	sadd.s32 $0xFFFFFEF7, lr;
	s5 =	simm.s32 $0xFFFFFFFF;
	p2 =	slt.u32 s8, $0xFFFFF086  }
0x1c: {  	p1 =	slt.u32 s9, $0xF7A;
	s5 =	simm.s32 @!p2 $0x0  }
0x1d: {  	s5 =	simm.s32 @p1 $0x1;
	p0 =	seq.s32 s7, s2  }
0x1e: {  	s7 =	smul.u32 @!p0 $0xF7A, s2;
	p2 =	seq.s32 @!p0 s5, $0x0  }
0x1f: {  	s9 =	smul.u32 $0xF7A, s1;
	s8 =	simm.s32 @!p0 $0x1BF5;
	p2 =	por !p2, p0  }
0x20: {  	[sflag:s8] =	ssyncset.s32 @!p0 $0xFFFFF086;
	s6 =	sadd.s32 @!p0 s3, s7;
	s7 =	simm.s32 @!p0 $0x108  }
0x21: {  	s3 =	sadd.s32 s3, s9;
	s6 =	sadd.s32 @!p0 $0x88, s6;
	s7 =	simm.s32 @p2 $0x1082  }
0x22: {  	[simem:s7], [sflag:s8] =	dma.local @!p0 [hbm:s6], $0xF7A  }
0x23: {  	s9 =	sor.u32 $0xD0000000, s2;
	s6 =	simm.s32 $0x108;
	_ =	swait.ge @!p0 [sflag:s8], $0x0  }
0x24: {  	s3 =	sadd.s32 $0x88, s3;
	s6 =	simm.s32 @!p1 $0x1082;
	[sflag:s4] =	ssyncset.s32 $0xFFFFF086  }
0x25: {  	[simem:s6], [sflag:s4] =	dma.local [hbm:s3], $0xF7A  }
0x26: {  	[smem:$0x3F97] =	sst s1;
	(tag) =	ssettag s2;
	_ =	strace s9  }
0x27: {  	s1 =	sld [smem:$0x3FA7]  }
0x28: {  	s2 =	sld [smem:$0x3FA8]  }
0x29: {  	s4 =	sld [smem:$0x3FAA]  }
0x2a: {  	p0 =	seq.s32 s5, $0x0;
	s5 =	sld [smem:$0x3FAB]  }
0x2b: {  	s6 =	sld [smem:$0x3FAC]  }
0x2c: {  	s7 =	sld [smem:$0x3FAD]  }
0x2d: {  	s3 =	simm.s32 $0x108;
	s8 =	sld [smem:$0x3FAE]  }
0x2e: {  	s3 =	simm.s32 @!p0 $0x1082;
	s9 =	sld [smem:$0x3FAF]  }
0x2f: {  	lr =	sadd.s32 s0, s3;
	s0 =	sld [smem:$0x3FA6]  }
0x30: {  	s3 =	sld [smem:$0x3FA9]  }
0x31: {  	[smem:$0x3FB2] =	sst s10  }
0x32: {  	s10 =	sld [smem:$0x3FB0];
	_ =	sdelay $0x3  }
0x33: {  	p0 =	seq.s32 s10, $0x1;
	s10 =	sld [smem:$0x3FB2];
	_ =	sdelay $0x3  }
0x34: {  	[smem:$0x3FB2] =	sst s10  }
0x35: {  	s10 =	sld [smem:$0x3FB1];
	_ =	sdelay $0x3  }
0x36: {  	p1 =	seq.s32 s10, $0x1;
	s10 =	sld [smem:$0x3FB2];
	_ =	sdelay $0x3  }
0x37: {  	[smem:$0x3FB2] =	sst s10  }
0x38: {  	s10 =	sld [smem:$0x3FB3]  }
0x39: {  	_ = 	snop;
	(pc) =	sbr.ind lr, $3  }
0x3a: {  	_ = 	snop  }
0x3b: {  	_ = 	snop  }
0x3c: {  	p2 =	seq.s32 s10, $0x1;
	s10 =	sld [smem:$0x3FB2]  }
0x3d: {  	_ =	shalt  }
0x3e: {  	_ =	shalt  }
0x3f: {  	_ =	shalt  }
0x40: {  	_ =	shalt  }
0x41: {  	_ =	shalt  }
0x42: {  	_ =	shalt  }
0x43: {  	_ =	shalt  }
0x44: {  	_ =	shalt  }
0x45: {  	_ =	shalt  }
0x46: {  	_ =	shalt  }
0x47: {  	_ =	shalt  }
0x48: {  	_ =	shalt  }
0x49: {  	_ =	shalt  }
0x4a: {  	_ =	shalt  }
0x4b: {  	_ =	shalt  }
0x4c: {  	_ =	shalt  }
0x4d: {  	_ =	shalt  }
0x4e: {  	_ =	shalt  }
0x4f: {  	_ =	shalt  }
0x50: {  	_ =	shalt  }
0x51: {  	_ =	shalt  }
0x52: {  	_ =	shalt  }
0x53: {  	_ =	shalt  }
0x54: {  	_ =	shalt  }
0x55: {  	_ =	shalt  }
0x56: {  	_ =	shalt  }
0x57: {  	_ =	shalt  }
0x58: {  	_ =	shalt  }
0x59: {  	_ =	shalt  }
0x5a: {  	_ =	shalt  }
0x5b: {  	_ =	shalt  }
0x5c: {  	_ =	shalt  }
0x5d: {  	_ =	shalt  }
0x5e: {  	_ =	shalt  }
0x5f: {  	_ =	shalt  }
0x60: {  	_ =	shalt  }
0x61: {  	_ =	shalt  }
0x62: {  	_ =	shalt  }
0x63: {  	_ =	shalt  }
0x64: {  	_ =	shalt  }
0x65: {  	_ =	shalt  }
0x66: {  	_ =	shalt  }
0x67: {  	_ =	shalt  }
0x68: {  	_ =	shalt  }
0x69: {  	_ =	shalt  }
0x6a: {  	_ =	shalt  }
0x6b: {  	_ =	shalt  }
0x6c: {  	_ =	shalt  }
0x6d: {  	_ =	shalt  }
0x6e: {  	_ =	shalt  }
0x6f: {  	_ =	shalt  }
0x70: {  	_ =	shalt  }
0x71: {  	_ =	shalt  }
0x72: {  	_ =	shalt  }
0x73: {  	_ =	shalt  }
0x74: {  	_ =	shalt  }
0x75: {  	_ =	shalt  }
0x76: {  	_ =	shalt  }
0x77: {  	_ =	shalt  }
0x78: {  	_ =	shalt  }
0x79: {  	_ =	shalt  }
0x7a: {  	_ =	shalt  }
0x7b: {  	_ =	shalt  }
0x7c: {  	_ =	shalt  }
0x7d: {  	_ =	shalt  }
0x7e: {  	_ =	shalt  }
0x7f: {  	_ =	shalt  }
0x80: {  	_ =	shalt  }
0x81: {  	_ =	shalt  }
0x82: {  	_ =	shalt  }
0x83: {  	_ =	shalt  }
0x84: {  	_ =	shalt  }
0x85: {  	_ =	shalt  }
0x86: {  	_ =	shalt  }
0x87: {  	_ =	shalt  }
.Lfunc_end0:
.L_simem_size_0:
called_computation_lowered:
.L_overlay_start_0:
0x88: {  	s2 =	sld [smem:$0x3FD9]  }
0x89: {  	s3 =	sld [smem:$0x3FFE];
	_ =	sdelay $0x1  }
0x8a: {  	s1 =	srdreg.scid  }
0x8b: {  	s0 =	sand.u32 $0x1, s1  }
0x8c: {  	s17 =	sshll.u32 s0, $0xA;
	s2 =	sadd.s32 s3, s2  }
0x8d: {  	s2 =	sadd.s32 s2, s17  }
0x8e: {  	[smem:$0x3FBE] =	sst s2  }
0x8f: {  	_ = 	snop  }
0x90: {  	s2 =	sld [smem:$0x3FD0];
	(tm) =	ssettm $0x1  }
0x91: {  	s18 =	sld [smem:$0x3FFB];
	_ =	sdelay $0x3  }
0x92: {  	_ =	strace s18  }
0x93: {  	s3 =	sld [smem:$0x3FFC];
	_ =	sdelay $0x3  }
0x94: {  	_ =	strace s3  }
0x95: {  	s3 =	sld [smem:$0x3FFD];
	_ =	sdelay $0x3  }
0x96: {  	_ =	strace s3  }
0x97: {  	_ =	strace $0x8FFFFFFF  }
0x98: {  	s19 =	sld [smem:$0x3FDB];
	_ =	sdelay $0x1  }
0x99: {  	s4 =	simm.s32 $_scs_section_size  }
0x9a: {  	s5 =	simm.s32 $_size__tile_overlayer_lowered;
	s6 =	simm.s32 $_tile_overlayer_lowered  }
0x9b: {  	s22 =	simm.s32 $0x1BFF;
	s21 =	sshll.u32 s6, $0x1;
	s3 =	sadd.s32 s4, s19  }
0x9c: {  	s7 =	simm.s32 $0x0;
	s20 =	sshll.u32 s5, $0x1;
	s5 =	sadd.s32 s21, s3  }
0x9d: {  	[timem:s7], [sflag:s22] =	dma.local [hbm:s5], s20  }
0x9e: {  	_ =	swait.ge [sflag:s22], s20  }
0x9f: {  	s4 =	ssub.s32 $0x0, s20;
	[sflag:s22] =	ssyncset.done $0x0  }
0xa0: {  	[sflag:s22] =	ssyncadd.s32 s4;
	_ =	sdelay $0x1  }
0xa1: {  	s23 =	simm.s32 $0x1B8B  }
0xa2: {  	_ =	swait.ge [sflag:s23], $0x1  }
0xa3: {  	[sflag:s23] =	ssyncset.done $0x0  }
0xa4: {  	s25 =	simm.s32 $0x1B8E;
	s24 =	sld [smem:$0x3FFE];
	[sflag:s23] =	ssyncadd.s32 $0xFFFFFFFF  }
0xa5: {  	s26 =	simm.s32 $execute0_lowered;
	[smem:$0x3FD2] =	sst s25  }
0xa6: {  	s5 =	sshll.u32 s26, $0x1;
	_ =	strace $0x80000046;
	[dreg:$0x1] =	wrdreg $0xFFFFFFFF  }
0xa7: {  	s28 =	simm.s32 $_size_execute0_lowered;
	s3 =	sadd.s32 s3, s5;
	[dreg:$0x0] =	wrdreg $0x0  }
0xa8: {  	s5 =	sshll.u32 s28, $0x1;
	[dreg:$0x2] =	wrdreg s3  }
0xa9: {  	[dreg:$0x3] =	wrdreg s5  }
0xaa: {  	[dreg:$0x4] =	wrdreg $0xC0  }
0xab: {  	_ =	task [dreg:s7], $0x5FFFF  }
0xac: {  	[dreg:$0x1] =	wrdreg $0xFFFFFFFF  }
0xad: {  	[dreg:$0x0] =	wrdreg $0x60  }
0xae: {  	[dreg:$0x2] =	wrdreg s24  }
0xaf: {  	[dreg:$0x3] =	wrdreg s2  }
0xb0: {  	[dreg:$0x4] =	wrdreg $0x68000  }
0xb1: {  	[dreg:$0x5] =	wrdreg $0x9  }
0xb2: {  	_ =	task.clear_ibuf [dreg:s7], $0x6FFFF;
	_ =	strace $0x90000046  }
0xb3: {  	s29 =	simm.s32 $0x9;
	_ =	strace $0x80000048  }
0xb4: {  	_ =	swait.ge [sflag:s29], $0x1  }
0xb5: {  	[sflag:s29] =	ssyncadd.s32 $0xFFFFFFFF  }
0xb6: {  	_ =	strace $0x90000048  }
0xb7: {  	_ =	sfence  }
0xb8: {  	s30 =	sld [smem:$0x0];
	_ =	sdelay $0x2  }
0xb9: {  	s31 =	sshll.u32 s1, $0xD;
	s1 =	sshrl.u32 s1, $0x2  }
0xba: {  	s3 =	sand.u32 $0x4000, s31;
	s1 =	sadd.s32 s1, s30  }
0xbb: {  	s0 =	sor.u32 s3, s0;
	s1 =	sshll.u32 s1, $0x11  }
0xbc: {  	s0 =	sor.u32 s1, s0  }
0xbd: {  	s0 =	sadd.s32 $0x8F2B, s0  }
0xbe: {  	[sflag:s0] =	ssyncadd.remote.s32 $0x1  }
0xbf: {  	_ =	sfence.sel $0xFFFF  }
0xc0: {  	[dreg:$0x0] =	wrdreg $0xFFFFFFFF;
	(pc) =	sbr.abs _section_cstart, $3  }
0xc1: {  	[dreg:$0x1] =	wrdreg $0xFFFFFFFF  }
0xc2: {  	_ =	task.clear_ibuf [dreg:s7], $0x2FFFF;
	_ =	strace $0x9FFFFFFF  }
0xc3: {  	(tm) =	ssettm $0x7FFFFFFF  }
tec
execute0_lowered:
.L_overlay_start_1:
0x0: {  	(tag) =	ssettag $0x1  }
0x1: {  	s0 =	rddreg [dreg:$0x0]  }
0x2: {  	s2 =	rddreg [dreg:$0x1]  }
0x3: {  	s3 =	rddreg [dreg:$0x2];
	s12 =	stileid.u32  }
0x4: {  	s1 =	srdreg.scid;
	s6 =	smul.u32 $0x140, s12  }
0x5: {  	s4 =	simm.s32 $0x0;
	s1 =	sand.u32 $0x1, s1;
	s10 =	smul.u32 $0x50000, s12  }
0x6: {  	[smem:$0x7FF] =	sst s4;
	p0 =	seq.s32 s1, $0x0;
	s21 =	ssub.s32 $0x2, s1  }
0x7: {  	s7 =	sadd.s32 $0x1400, s6;
	s9 =	sshrl.u32 s21, $0x1;
	s22 =	sshrl.u32 s10, $0x2  }
0x8: {  	s7 =	smov.u32 @p0 s6;
	s6 =	ssub.s32 s21, s9;
	s13 =	sadd.s32 s22, s3  }
0x9: {  	_ =	strace $0x80000047;
	s31 =	smax.u32 s6, $0x1;
	[dreg:$0x4] =	wrdreg s13  }
0xa: {  	s5 =	sadd.s32 $0x2A200, s0;
	s6 =	sadd.s32 $0x1000, s13;
	[dreg:$0xa] =	wrdreg s31  }
0xb: {  	s25 =	smul.u32 $0x13800, s12;
	s9 =	sadd.s32 $0x2000, s13;
	[dreg:$0xb] =	wrdreg s6  }
0xc: {  	s26 =	smul.u32 $0x4E000, s12;
	s14 =	sadd.s32 $0x4000, s13;
	[dreg:$0xc] =	wrdreg s9  }
0xd: {  	s1 =	smul.u32 $0x138800, s1;
	s15 =	sadd.s32 $0x5000, s13;
	[dreg:$0xe] =	wrdreg s14  }
0xe: {  	s29 =	sshrl.u32 s26, $0x2;
	s16 =	sadd.s32 $0x6000, s13;
	[dreg:$0xf] =	wrdreg s15  }
0xf: {  	s28 =	sadd.s32 s25, s1;
	s17 =	sadd.s32 $0x7000, s13;
	[dreg:$0x10] =	wrdreg s16  }
0x10: {  	s1 =	sshrl.u32 s1, $0x3;
	s18 =	sadd.s32 $0x8000, s13;
	[dreg:$0x11] =	wrdreg s17  }
0x11: {  	s30 =	sadd.s32 s29, s3;
	s19 =	sadd.s32 $0x9000, s13;
	[dreg:$0x12] =	wrdreg s18  }
0x12: {  	p0 =	sne.s32 s12, $0xF;
	s20 =	sshrl.u32 s30, $0x3;
	[dreg:$0x13] =	wrdreg s19  }
0x13: {  	s12 =	simm.s32 $0x2600;
	s21 =	sadd.s32 $0xA000, s13;
	[dreg:$0x14] =	wrdreg s20  }
0x14: {  	s8 =	sshll.u32 s7, $0x4;
	s22 =	sadd.s32 $0xB000, s13;
	[dreg:$0x16] =	wrdreg s21  }
0x15: {  	s23 =	sshll.u32 s7, $0x2;
	s25 =	sadd.s32 $0xE000, s13;
	[dreg:$0x17] =	wrdreg s22  }
0x16: {  	s26 =	sadd.s32 $0xF000, s13;
	s29 =	sadd.s32 $0x11000, s13;
	[dreg:$0x1a] =	wrdreg s25  }
0x17: {  	s30 =	sadd.s32 $0x12000, s13;
	s11 =	sadd.s32 s8, s0;
	[dreg:$0x1b] =	wrdreg s26  }
0x18: {  	s0 =	sadd.s32 $0x51400, s0;
	s24 =	sadd.s32 s2, s23;
	[dreg:$0x1d] =	wrdreg s29  }
0x19: {  	s23 =	sadd.s32 $0xC000, s13;
	[dreg:$0x1e] =	wrdreg s30;
	s31 =	sadd.s32 $0x13000, s13  }
0x1a: {  	s14 =	simm.s32 $0x7;
	s16 =	simm.s32 $0x1;
	s17 =	simm.s32 $0x20  }
0x1b: {  	s18 =	simm.s32 $0x3800;
	s20 =	simm.s32 $0x4800;
	s22 =	simm.s32 $0x5800  }
0x1c: {  	s25 =	simm.s32 $0x5;
	s26 =	simm.s32 $0x6;
	[dreg:$0x5] =	wrdreg s24  }
0x1d: {  	s6 =	simm.s32 $0x2680;
	s15 =	simm.s32 $0x2700;
	[dreg:$0x18] =	wrdreg s23  }
0x1e: {  	s19 =	simm.s32 $0x2780;
	s10 =	sadd.s32 $0x80, s24;
	[dreg:$0x1f] =	wrdreg s31  }
0x1f: {  	s8 =	sadd.s32 $0x2200, s11;
	s11 =	sadd.s32 $0x2400, s11;
	[dreg:$0x6] =	wrdreg s10  }
0x20: {  	s24 =	sadd.s32 $0xD000, s13;
	s23 =	simm.s32 $0x3;
	[dreg:$0x7] =	wrdreg s11  }
0x21: {  	s11 =	sshrl.u32 s7, $0x5;
	s7 =	sshrl.u32 s28, $0x3;
	s10 =	sadd.s32 $0x3000, s13  }
0x22: {  	[dreg:$0x19] =	wrdreg s24;
	s28 =	sadd.s32 $0x10000, s13;
	s7 =	sadd.s32 s0, s7  }
.Ltmp0:
0x23: {  	s0 =	sadd.s32 s0, s1;
	[dreg:$0xd] =	wrdreg s10;
	(pc) =	sbr.rel .LBB2_1-.Ltmp0, $4  }
0x24: {  	s13 =	simm.s32 $0x2800;
	[dreg:$0x1c] =	wrdreg s28;
	s0 =	sadd.s32 $0x27000, s0  }
0x25: {  	s24 =	simm.s32 $0x4;
	[dreg:$0x9] =	wrdreg s0;
	s0 =	sadd.s32 $0x138000, s3  }
0x26: {  	s10 =	simm.s32 $0x0;
	[dreg:$0x8] =	wrdreg s7;
	s0 =	sshrl.u32 @!p0 s0, $0x3  }
0x27: {  	v0 =	vimm.f32 $0.0e+00;
	s7 =	simm.s32 $0x400;
	[dreg:$0x15] =	wrdreg s0;
	s0 =	simm.s32 $0x2  }
.LBB2_10:
0x28: {  	s1 =	stileid.u32;
	[bflag:$0x0] =	sbarrier.arrive $0xFFFF  }
0x29: {  	s1 =	sshll.u32 s1, $0x6;
	s9 =	rddreg [dreg:$0x8]  }
0x2a: {  	s10 =	rddreg [dreg:$0x14];
	s1 =	sor.u32 $0x1C07, s1  }
0x2b: {  	[hbm:s9], [sflag:s1] =	dma.local [spmem:s10], $0x2700  }
0x2c: {  	_ =	swait.ge [sflag:s14], $0x2700  }
0x2d: {  	[sflag:s14] =	ssyncset.done $0x0;
	s9 =	rddreg [dreg:$0x9]  }
0x2e: {  	s10 =	rddreg [dreg:$0x15];
	[sflag:s14] =	ssyncadd.s32 $0xFFFFD900  }
0x2f: {  	[hbm:s9], [sflag:s1] =	dma.local @!p0 [spmem:s10], $0x100  }
0x30: {  	s1 =	simm.s32 @!p0 $0x7  }
0x31: {  	_ =	swait.ge @!p0 [sflag:s1], $0x100  }
0x32: {  	s30 =	sld [smem:$0x7FD];
	_ =	sdelay $0x2  }
0x33: {  	s31 =	rddreg [dreg:$0xa];
	s10 =	sadd.s32 $0x1, s30  }
0x34: {  	p1 =	sne.s32 s10, s31  }
.Ltmp1:
0x35: {  	_ = 	snop;
	(pc) =	sbr.rel @!p1 .LBB2_11-.Ltmp1, $3  }
0x36: {  	_ =	sdelay $0x1  }
0x37: {  	[sflag:s1] =	ssyncset.done @!p0 $0x0  }
0x38: {  	[sflag:s1] =	ssyncadd.s32 @!p0 $0xFFFFFF00  }
.LBB2_1:
0x39: {  	s1 =	sand.u32 $0x3E00, s4  }
0x3a: {  	[smem:$0x7FD] =	sst s10;
	s21 =	sand.u32 $0x70, s4;
	s28 =	sshrl.u32 s1, $0x2  }
0x3b: {  	s1 =	simm.s32 $0x40;
	s28 =	sor.u32 s21, s28;
	s21 =	simm.s32 $0x0  }
.LBB2_2:
0x3c: {  	p1 =	sne.s32 s1, $0x3FC0  }
0x3d: {  	[tilespmem:s28+$0x2800] =	vst v0;
	s21 =	sadd.s32 $0x10, s21;
	s28 =	smov.u32 s1;
	s1 =	sadd.s32 $0x40, s1  }
.Ltmp2:
0x3e: {  	(pc) =	sbr.rel @p1 .LBB2_2-.Ltmp2, $4  }
0x3f: {  	_ = 	snop  }
0x40: {  	s28 =	sand.u32 $0x3E00, s28  }
0x41: {  	s29 =	sand.u32 $0x70, s21;
	s28 =	sshrl.u32 s28, $0x2  }
0x42: {  	s28 =	sor.u32 s29, s28  }
0x43: {  	[tilespmem:s28+$0x2800] =	vst v0;
	s1 =	rddreg [dreg:$0x4]  }
0x44: {  	[spmem:s1] =	stream.linear.scatter [tilespmem:s13], [sflag:$0x7], $0x1000, $0x38;
	[tilespmem:$0x1A800] =	vst v63  }
0x45: {  	_ =	swait.ge [sflag:s14], $0x1000  }
0x46: {  	[sflag:s14] =	ssyncset.done $0x0  }
0x47: {  	s9 =	rddreg [dreg:$0xb];
	[sflag:s14] =	ssyncadd.s32 $0xFFFFF000  }
0x48: {  	[spmem:s9] =	stream.linear.scatter [tilespmem:s13], [sflag:$0x7], $0x1000, $0x38;
	[tilespmem:$0x1A800] =	vst v63  }
0x49: {  	_ =	swait.ge [sflag:s14], $0x1000  }
0x4a: {  	[sflag:s14] =	ssyncset.done $0x0  }
0x4b: {  	s10 =	rddreg [dreg:$0xc];
	[sflag:s14] =	ssyncadd.s32 $0xFFFFF000  }
0x4c: {  	[spmem:s10] =	stream.linear.scatter [tilespmem:s13], [sflag:$0x7], $0x1000, $0x38;
	[tilespmem:$0x1A800] =	vst v63  }
0x4d: {  	_ =	swait.ge [sflag:s14], $0x1000  }
0x4e: {  	[sflag:s14] =	ssyncset.done $0x0  }
0x4f: {  	s21 =	rddreg [dreg:$0xd];
	[sflag:s14] =	ssyncadd.s32 $0xFFFFF000  }
0x50: {  	[spmem:s21] =	stream.linear.scatter [tilespmem:s13], [sflag:$0x7], $0x1000, $0x38;
	[tilespmem:$0x1A800] =	vst v63  }
0x51: {  	_ =	swait.ge [sflag:s14], $0x1000  }
0x52: {  	[sflag:s14] =	ssyncset.done $0x0  }
0x53: {  	s29 =	rddreg [dreg:$0xe];
	[sflag:s14] =	ssyncadd.s32 $0xFFFFF000  }
0x54: {  	[spmem:s29] =	stream.linear.scatter [tilespmem:s13], [sflag:$0x7], $0x1000, $0x38;
	[tilespmem:$0x1A800] =	vst v63  }
0x55: {  	_ =	swait.ge [sflag:s14], $0x1000  }
0x56: {  	[sflag:s14] =	ssyncset.done $0x0  }
0x57: {  	s30 =	rddreg [dreg:$0xf];
	[sflag:s14] =	ssyncadd.s32 $0xFFFFF000  }
0x58: {  	[spmem:s30] =	stream.linear.scatter [tilespmem:s13], [sflag:$0x7], $0x1000, $0x38;
	[tilespmem:$0x1A800] =	vst v63  }
0x59: {  	_ =	swait.ge [sflag:s14], $0x1000  }
0x5a: {  	[sflag:s14] =	ssyncset.done $0x0  }
0x5b: {  	s31 =	rddreg [dreg:$0x10];
	[sflag:s14] =	ssyncadd.s32 $0xFFFFF000  }
0x5c: {  	[spmem:s31] =	stream.linear.scatter [tilespmem:s13], [sflag:$0x7], $0x1000, $0x38;
	[tilespmem:$0x1A800] =	vst v63  }
0x5d: {  	_ =	swait.ge [sflag:s14], $0x1000  }
0x5e: {  	[sflag:s14] =	ssyncset.done $0x0  }
0x5f: {  	s9 =	rddreg [dreg:$0x11];
	[sflag:s14] =	ssyncadd.s32 $0xFFFFF000  }
0x60: {  	[spmem:s9] =	stream.linear.scatter [tilespmem:s13], [sflag:$0x7], $0x1000, $0x38;
	[tilespmem:$0x1A800] =	vst v63  }
0x61: {  	_ =	swait.ge [sflag:s14], $0x1000  }
0x62: {  	[sflag:s14] =	ssyncset.done $0x0  }
0x63: {  	s10 =	rddreg [dreg:$0x12];
	[sflag:s14] =	ssyncadd.s32 $0xFFFFF000  }
0x64: {  	[spmem:s10] =	stream.linear.scatter [tilespmem:s13], [sflag:$0x7], $0x1000, $0x38;
	[tilespmem:$0x1A800] =	vst v63  }
0x65: {  	_ =	swait.ge [sflag:s14], $0x1000  }
0x66: {  	[sflag:s14] =	ssyncset.done $0x0  }
0x67: {  	s21 =	rddreg [dreg:$0x13];
	[sflag:s14] =	ssyncadd.s32 $0xFFFFF000  }
0x68: {  	[spmem:s21] =	stream.linear.scatter [tilespmem:s13], [sflag:$0x7], $0x1000, $0x38;
	[tilespmem:$0x1A800] =	vst v63  }
0x69: {  	_ =	swait.ge [sflag:s14], $0x1000  }
0x6a: {  	[sflag:s14] =	ssyncset.done $0x0  }
0x6b: {  	s29 =	rddreg [dreg:$0x16];
	[sflag:s14] =	ssyncadd.s32 $0xFFFFF000  }
0x6c: {  	[spmem:s29] =	stream.linear.scatter [tilespmem:s13], [sflag:$0x7], $0x1000, $0x38;
	[tilespmem:$0x1A800] =	vst v63  }
0x6d: {  	_ =	swait.ge [sflag:s14], $0x1000  }
0x6e: {  	[sflag:s14] =	ssyncset.done $0x0  }
0x6f: {  	s30 =	rddreg [dreg:$0x17];
	[sflag:s14] =	ssyncadd.s32 $0xFFFFF000  }
0x70: {  	[spmem:s30] =	stream.linear.scatter [tilespmem:s13], [sflag:$0x7], $0x1000, $0x38;
	[tilespmem:$0x1A800] =	vst v63  }
0x71: {  	_ =	swait.ge [sflag:s14], $0x1000  }
0x72: {  	[sflag:s14] =	ssyncset.done $0x0  }
0x73: {  	s31 =	rddreg [dreg:$0x18];
	[sflag:s14] =	ssyncadd.s32 $0xFFFFF000  }
0x74: {  	[spmem:s31] =	stream.linear.scatter [tilespmem:s13], [sflag:$0x7], $0x1000, $0x38;
	[tilespmem:$0x1A800] =	vst v63  }
0x75: {  	_ =	swait.ge [sflag:s14], $0x1000  }
0x76: {  	[sflag:s14] =	ssyncset.done $0x0  }
0x77: {  	s9 =	rddreg [dreg:$0x19];
	[sflag:s14] =	ssyncadd.s32 $0xFFFFF000  }
0x78: {  	[spmem:s9] =	stream.linear.scatter [tilespmem:s13], [sflag:$0x7], $0x1000, $0x38;
	[tilespmem:$0x1A800] =	vst v63  }
0x79: {  	_ =	swait.ge [sflag:s14], $0x1000  }
0x7a: {  	[sflag:s14] =	ssyncset.done $0x0  }
0x7b: {  	s10 =	rddreg [dreg:$0x1a];
	[sflag:s14] =	ssyncadd.s32 $0xFFFFF000  }
0x7c: {  	[spmem:s10] =	stream.linear.scatter [tilespmem:s13], [sflag:$0x7], $0x1000, $0x38;
	[tilespmem:$0x1A800] =	vst v63  }
0x7d: {  	_ =	swait.ge [sflag:s14], $0x1000  }
0x7e: {  	[sflag:s14] =	ssyncset.done $0x0  }
0x7f: {  	s21 =	rddreg [dreg:$0x1b];
	[sflag:s14] =	ssyncadd.s32 $0xFFFFF000  }
0x80: {  	[spmem:s21] =	stream.linear.scatter [tilespmem:s13], [sflag:$0x7], $0x1000, $0x38;
	[tilespmem:$0x1A800] =	vst v63  }
0x81: {  	_ =	swait.ge [sflag:s14], $0x1000  }
0x82: {  	[sflag:s14] =	ssyncset.done $0x0  }
0x83: {  	s29 =	rddreg [dreg:$0x1c];
	[sflag:s14] =	ssyncadd.s32 $0xFFFFF000  }
0x84: {  	[spmem:s29] =	stream.linear.scatter [tilespmem:s13], [sflag:$0x7], $0x1000, $0x38;
	[tilespmem:$0x1A800] =	vst v63  }
0x85: {  	_ =	swait.ge [sflag:s14], $0x1000  }
0x86: {  	[sflag:s14] =	ssyncset.done $0x0  }
0x87: {  	s30 =	rddreg [dreg:$0x1d];
	[sflag:s14] =	ssyncadd.s32 $0xFFFFF000  }
0x88: {  	[spmem:s30] =	stream.linear.scatter [tilespmem:s13], [sflag:$0x7], $0x1000, $0x38;
	[tilespmem:$0x1A800] =	vst v63  }
0x89: {  	_ =	swait.ge [sflag:s14], $0x1000  }
0x8a: {  	[sflag:s14] =	ssyncset.done $0x0  }
0x8b: {  	s31 =	rddreg [dreg:$0x1e];
	[sflag:s14] =	ssyncadd.s32 $0xFFFFF000  }
0x8c: {  	[spmem:s31] =	stream.linear.scatter [tilespmem:s13], [sflag:$0x7], $0x1000, $0x38;
	[tilespmem:$0x1A800] =	vst v63  }
0x8d: {  	_ =	swait.ge [sflag:s14], $0x1000  }
0x8e: {  	[sflag:s14] =	ssyncset.done $0x0  }
0x8f: {  	s9 =	rddreg [dreg:$0x1f];
	[sflag:s14] =	ssyncadd.s32 $0xFFFFF000  }
0x90: {  	[spmem:s9] =	stream.linear.scatter [tilespmem:s13], [sflag:$0x7], $0x1000, $0x38;
	[tilespmem:$0x1A800] =	vst v63  }
0x91: {  	_ =	swait.ge [sflag:s14], $0x1000  }
0x92: {  	[sflag:s14] =	ssyncset.done $0x0  }
0x93: {  	s21 =	simm.s32 $0x0;
	s10 =	rddreg [dreg:$0x5];
	[sflag:s14] =	ssyncadd.s32 $0xFFFFF000  }
0x94: {  	[tilespmem:s21], [sflag:$0x1] =	stream.linear.gather [hbm4b:s10+s21], $0x400, $0x38;
	[tilespmem:$0x1A800] =	vst v63  }
0x95: {  	s29 =	simm.s32 $0x800  }
0x96: {  	[tilespmem:s29], [sflag:$0x1] =	stream.linear.gather [hbm4b:s8+s21], $0x1000, $0x38;
	[tilespmem:$0x1A800] =	vst v63  }
0x97: {  	s30 =	rddreg [dreg:$0x6]  }
0x98: {  	[tilespmem:s7], [sflag:$0x2] =	stream.linear.gather [hbm4b:s30+s21], $0x400, $0x38;
	[tilespmem:$0x1A800] =	vst v63  }
0x99: {  	s9 =	simm.s32 $0x1800;
	s31 =	rddreg [dreg:$0x7]  }
0x9a: {  	[tilespmem:s9], [sflag:$0x2] =	stream.linear.gather [hbm4b:s31+s21], $0x1000, $0x38;
	[tilespmem:$0x1A800] =	vst v63  }
0x9b: {  	s28 =	simm.s32 $0x0;
	[bflag:$0x0] =	sbarrier.arrive $0xFFFF  }
.LBB2_4:
0x9c: {  	_ =	swait.ge [sflag:s16], $0x400  }
0x9d: {  	[sflag:s16] =	ssyncset.done $0x0  }
0x9e: {  	[sflag:s16] =	ssyncadd.s32 $0xFFFFFC00  }
0x9f: {  	_ =	swait.ge [sflag:s16], $0x1000  }
0xa0: {  	[sflag:s16] =	ssyncset.done $0x0  }
0xa1: {  	[sflag:s16] =	ssyncadd.s32 $0xFFFFF000  }
0xa2: {  	[tilespmem:s13], [sflag:$0x3] =	stream.indirect.gather [hbm4b:s5+s17], $0x80, s21, s17, $0xb8;
	[tilespmem:$0x1A800] =	vst v63  }
0xa3: {  	_ = 	snop  }
0xa4: {  	[tilespmem:s18], [sflag:$0x4] =	stream.indirect.gather [hbm4b:s5+s17], $0x80, s17, s17, $0xb8;
	[tilespmem:$0x1A800] =	vst v63  }
0xa5: {  	s1 =	simm.s32 $0x40  }
0xa6: {  	[tilespmem:s20], [sflag:$0x5] =	stream.indirect.gather [hbm4b:s5+s17], $0x80, s1, s17, $0xb8;
	[tilespmem:$0x1A800] =	vst v63  }
0xa7: {  	s9 =	simm.s32 $0x60  }
0xa8: {  	[tilespmem:s22], [sflag:$0x6] =	stream.indirect.gather [hbm4b:s5+s17], $0x80, s9, s17, $0xb8;
	[tilespmem:$0x1A800] =	vst v63  }
0xa9: {  	_ =	swait.ge [sflag:s23], $0x1000  }
0xaa: {  	[sflag:s23] =	ssyncset.done $0x0  }
0xab: {  	s10 =	simm.s32 $0x800;
	[sflag:s23] =	ssyncadd.s32 $0xFFFFF000  }
0xac: {  	[spmem:s3] =	stream.indirect.scatter.add.f32 [tilespmem:s13], [sflag:$0x7], $0x80, s10, s17, $0xb8;
	[tilespmem:$0x1A800] =	vst v63  }
0xad: {  	_ =	swait.ge [sflag:s14], $0x1000  }
0xae: {  	[sflag:s14] =	ssyncset.done $0x0  }
0xaf: {  	s9 =	simm.s32 $0x80;
	[sflag:s14] =	ssyncadd.s32 $0xFFFFF000  }
0xb0: {  	[tilespmem:s13], [sflag:$0x3] =	stream.indirect.gather [hbm4b:s5+s17], $0x80, s9, s17, $0xb8;
	[tilespmem:$0x1A800] =	vst v63  }
0xb1: {  	_ =	swait.ge [sflag:s24], $0x1000  }
0xb2: {  	[sflag:s24] =	ssyncset.done $0x0  }
0xb3: {  	s10 =	simm.s32 $0x880;
	[sflag:s24] =	ssyncadd.s32 $0xFFFFF000  }
0xb4: {  	[spmem:s3] =	stream.indirect.scatter.add.f32 [tilespmem:s18], [sflag:$0x7], $0x80, s10, s17, $0xb8;
	[tilespmem:$0x1A800] =	vst v63  }
0xb5: {  	_ =	swait.ge [sflag:s14], $0x1000  }
0xb6: {  	[sflag:s14] =	ssyncset.done $0x0  }
0xb7: {  	s9 =	simm.s32 $0xA0;
	[sflag:s14] =	ssyncadd.s32 $0xFFFFF000  }
0xb8: {  	[tilespmem:s18], [sflag:$0x4] =	stream.indirect.gather [hbm4b:s5+s17], $0x80, s9, s17, $0xb8;
	[tilespmem:$0x1A800] =	vst v63  }
0xb9: {  	_ =	swait.ge [sflag:s25], $0x1000  }
0xba: {  	[sflag:s25] =	ssyncset.done $0x0  }
0xbb: {  	s10 =	simm.s32 $0x900;
	[sflag:s25] =	ssyncadd.s32 $0xFFFFF000  }
0xbc: {  	[spmem:s3] =	stream.indirect.scatter.add.f32 [tilespmem:s20], [sflag:$0x7], $0x80, s10, s17, $0xb8;
	[tilespmem:$0x1A800] =	vst v63  }
0xbd: {  	_ =	swait.ge [sflag:s14], $0x1000  }
0xbe: {  	[sflag:s14] =	ssyncset.done $0x0  }
0xbf: {  	s9 =	simm.s32 $0xC0;
	[sflag:s14] =	ssyncadd.s32 $0xFFFFF000  }
0xc0: {  	[tilespmem:s20], [sflag:$0x5] =	stream.indirect.gather [hbm4b:s5+s17], $0x80, s9, s17, $0xb8;
	[tilespmem:$0x1A800] =	vst v63  }
0xc1: {  	_ =	swait.ge [sflag:s26], $0x1000  }
0xc2: {  	[sflag:s26] =	ssyncset.done $0x0  }
0xc3: {  	s10 =	simm.s32 $0x980;
	[sflag:s26] =	ssyncadd.s32 $0xFFFFF000  }
0xc4: {  	[spmem:s3] =	stream.indirect.scatter.add.f32 [tilespmem:s22], [sflag:$0x7], $0x80, s10, s17, $0xb8;
	[tilespmem:$0x1A800] =	vst v63  }
0xc5: {  	_ =	swait.ge [sflag:s14], $0x1000  }
0xc6: {  	s29 =	simm.s32 $0xE0;
	[sflag:s14] =	ssyncset.done $0x0  }
0xc7: {  	s30 =	simm.s32 $0x800;
	s31 =	simm.s32 $0x160;
	[sflag:s14] =	ssyncadd.s32 $0xFFFFF000  }
.LBB2_5:
0xc8: {  	[tilespmem:s22], [sflag:$0x6] =	stream.indirect.gather [hbm4b:s5+s17], $0x80, s29, s17, $0xb8;
	[tilespmem:$0x1A800] =	vst v63  }
0xc9: {  	s1 =	smov.u32 s30;
	s29 =	smov.u32 s31  }
0xca: {  	p1 =	sne.s32 s30, $0x3000;
	s30 =	sadd.s32 $0x800, s30;
	_ =	swait.ge [sflag:s23], $0x1000  }
0xcb: {  	s1 =	sshra.s32 s1, $0x2;
	[sflag:s23] =	ssyncset.done $0x0  }
0xcc: {  	s9 =	sadd.s32 $0x800, s1;
	[sflag:s23] =	ssyncadd.s32 $0xFFFFF000  }
0xcd: {  	[spmem:s3] =	stream.indirect.scatter.add.f32 [tilespmem:s13], [sflag:$0x7], $0x80, s9, s17, $0xb8;
	[tilespmem:$0x1A800] =	vst v63  }
0xce: {  	_ =	swait.ge [sflag:s14], $0x1000  }
0xcf: {  	[sflag:s14] =	ssyncset.done $0x0  }
0xd0: {  	s9 =	sadd.s32 $0xFFFFFFA0, s31;
	[sflag:s14] =	ssyncadd.s32 $0xFFFFF000  }
0xd1: {  	[tilespmem:s13], [sflag:$0x3] =	stream.indirect.gather [hbm4b:s5+s17], $0x80, s9, s17, $0xb8;
	[tilespmem:$0x1A800] =	vst v63  }
0xd2: {  	_ =	swait.ge [sflag:s24], $0x1000  }
0xd3: {  	[sflag:s24] =	ssyncset.done $0x0  }
0xd4: {  	s9 =	sadd.s32 $0x880, s1;
	[sflag:s24] =	ssyncadd.s32 $0xFFFFF000  }
0xd5: {  	[spmem:s3] =	stream.indirect.scatter.add.f32 [tilespmem:s18], [sflag:$0x7], $0x80, s9, s17, $0xb8;
	[tilespmem:$0x1A800] =	vst v63  }
0xd6: {  	_ =	swait.ge [sflag:s14], $0x1000  }
0xd7: {  	[sflag:s14] =	ssyncset.done $0x0  }
0xd8: {  	s9 =	sadd.s32 $0xFFFFFFC0, s31;
	[sflag:s14] =	ssyncadd.s32 $0xFFFFF000  }
0xd9: {  	[tilespmem:s18], [sflag:$0x4] =	stream.indirect.gather [hbm4b:s5+s17], $0x80, s9, s17, $0xb8;
	[tilespmem:$0x1A800] =	vst v63  }
0xda: {  	_ =	swait.ge [sflag:s25], $0x1000  }
0xdb: {  	[sflag:s25] =	ssyncset.done $0x0  }
0xdc: {  	s9 =	sadd.s32 $0x900, s1;
	[sflag:s25] =	ssyncadd.s32 $0xFFFFF000  }
0xdd: {  	[spmem:s3] =	stream.indirect.scatter.add.f32 [tilespmem:s20], [sflag:$0x7], $0x80, s9, s17, $0xb8;
	[tilespmem:$0x1A800] =	vst v63  }
0xde: {  	_ =	swait.ge [sflag:s14], $0x1000  }
0xdf: {  	[sflag:s14] =	ssyncset.done $0x0  }
0xe0: {  	s9 =	sadd.s32 $0xFFFFFFE0, s31;
	[sflag:s14] =	ssyncadd.s32 $0xFFFFF000  }
0xe1: {  	[tilespmem:s20], [sflag:$0x5] =	stream.indirect.gather [hbm4b:s5+s17], $0x80, s9, s17, $0xb8;
	[tilespmem:$0x1A800] =	vst v63  }
0xe2: {  	_ =	swait.ge [sflag:s26], $0x1000  }
0xe3: {  	[sflag:s26] =	ssyncset.done $0x0  }
.Ltmp3:
0xe4: {  	s1 =	sadd.s32 $0x980, s1;
	[sflag:s26] =	ssyncadd.s32 $0xFFFFF000;
	(pc) =	sbr.rel @p1 .LBB2_5-.Ltmp3, $4  }
0xe5: {  	[spmem:s3] =	stream.indirect.scatter.add.f32 [tilespmem:s22], [sflag:$0x7], $0x80, s1, s17, $0xb8;
	[tilespmem:$0x1A800] =	vst v63  }
0xe6: {  	_ =	swait.ge [sflag:s14], $0x1000  }
0xe7: {  	[sflag:s14] =	ssyncset.done $0x0  }
0xe8: {  	s31 =	sadd.s32 $0x80, s31;
	[sflag:s14] =	ssyncadd.s32 $0xFFFFF000  }
0xe9: {  	[tilespmem:s22], [sflag:$0x6] =	stream.indirect.gather [hbm4b:s5+s17], $0x80, s29, s17, $0xb8;
	[tilespmem:$0x1A800] =	vst v63  }
0xea: {  	_ =	swait.ge [sflag:s23], $0x1000  }
0xeb: {  	[sflag:s23] =	ssyncset.done $0x0  }
0xec: {  	s1 =	simm.s32 $0x1600;
	[sflag:s23] =	ssyncadd.s32 $0xFFFFF000  }
0xed: {  	[spmem:s3] =	stream.indirect.scatter.add.f32 [tilespmem:s13], [sflag:$0x7], $0x80, s1, s17, $0xb8;
	[tilespmem:$0x1A800] =	vst v63  }
0xee: {  	_ =	swait.ge [sflag:s14], $0x1000  }
0xef: {  	[sflag:s14] =	ssyncset.done $0x0  }
0xf0: {  	[sflag:s14] =	ssyncadd.s32 $0xFFFFF000  }
0xf1: {  	_ =	swait.ge [sflag:s24], $0x1000  }
0xf2: {  	[sflag:s24] =	ssyncset.done $0x0  }
0xf3: {  	s10 =	simm.s32 $0x1680;
	[sflag:s24] =	ssyncadd.s32 $0xFFFFF000  }
0xf4: {  	[spmem:s3] =	stream.indirect.scatter.add.f32 [tilespmem:s18], [sflag:$0x7], $0x80, s10, s17, $0xb8;
	[tilespmem:$0x1A800] =	vst v63  }
0xf5: {  	_ =	swait.ge [sflag:s14], $0x1000  }
0xf6: {  	[sflag:s14] =	ssyncset.done $0x0  }
0xf7: {  	[sflag:s14] =	ssyncadd.s32 $0xFFFFF000  }
0xf8: {  	_ =	swait.ge [sflag:s25], $0x1000  }
0xf9: {  	[sflag:s25] =	ssyncset.done $0x0  }
0xfa: {  	s9 =	simm.s32 $0x1700;
	[sflag:s25] =	ssyncadd.s32 $0xFFFFF000  }
0xfb: {  	[spmem:s3] =	stream.indirect.scatter.add.f32 [tilespmem:s20], [sflag:$0x7], $0x80, s9, s17, $0xb8;
	[tilespmem:$0x1A800] =	vst v63  }
0xfc: {  	_ =	swait.ge [sflag:s14], $0x1000  }
0xfd: {  	[sflag:s14] =	ssyncset.done $0x0  }
0xfe: {  	[sflag:s14] =	ssyncadd.s32 $0xFFFFF000  }
0xff: {  	_ =	swait.ge [sflag:s26], $0x1000  }
0x100: {  	s29 =	sshll.u32 s28, $0x1;
	p1 =	seq.s32 s28, $0x4;
	[sflag:s26] =	ssyncset.done $0x0  }
0x101: {  	s1 =	sadd.s32 @!p1 $0x2, s29;
	s10 =	simm.s32 $0x1780;
	[sflag:s26] =	ssyncadd.s32 $0xFFFFF000  }
0x102: {  	[spmem:s3] =	stream.indirect.scatter.add.f32 [tilespmem:s22], [sflag:$0x7], $0x80, s10, s17, $0xb8;
	[tilespmem:$0x1A800] =	vst v63  }
0x103: {  	s9 =	sadd.s32 @!p1 s11, s1;
	_ =	swait.ge [sflag:s14], $0x1000  }
0x104: {  	s30 =	simm.s32 @!p1 $0x0;
	s9 =	sshll.u32 @!p1 s9, $0x7;
	[sflag:s14] =	ssyncset.done $0x0  }
0x105: {  	s1 =	sshll.u32 @!p1 s1, $0x9;
	s9 =	sadd.s32 @!p1 s2, s9;
	[sflag:s14] =	ssyncadd.s32 $0xFFFFF000  }
0x106: {  	[tilespmem:s30], [sflag:$0x1] =	stream.linear.gather @!p1 [hbm4b:s9+s30], $0x400, $0x38;
	[tilespmem:$0x1A800] =	vst v63  }
0x107: {  	s1 =	sadd.s32 @!p1 s1, s8;
	s9 =	simm.s32 @!p1 $0x800  }
0x108: {  	[tilespmem:s9], [sflag:$0x1] =	stream.linear.gather @!p1 [hbm4b:s1+s30], $0x1000, $0x38;
	[tilespmem:$0x1A800] =	vst v63  }
0x109: {  	_ =	swait.ge [sflag:s0], $0x400  }
0x10a: {  	[sflag:s0] =	ssyncset.done $0x0  }
0x10b: {  	[sflag:s0] =	ssyncadd.s32 $0xFFFFFC00  }
0x10c: {  	_ =	swait.ge [sflag:s0], $0x1000  }
0x10d: {  	[sflag:s0] =	ssyncset.done $0x0  }
0x10e: {  	[sflag:s0] =	ssyncadd.s32 $0xFFFFF000  }
0x10f: {  	[tilespmem:s13], [sflag:$0x3] =	stream.indirect.gather [hbm4b:s5+s17], $0x80, s7, s17, $0xb8;
	[tilespmem:$0x1A800] =	vst v63  }
0x110: {  	s9 =	simm.s32 $0x420  }
0x111: {  	[tilespmem:s18], [sflag:$0x4] =	stream.indirect.gather [hbm4b:s5+s17], $0x80, s9, s17, $0xb8;
	[tilespmem:$0x1A800] =	vst v63  }
0x112: {  	s10 =	simm.s32 $0x440  }
0x113: {  	[tilespmem:s20], [sflag:$0x5] =	stream.indirect.gather [hbm4b:s5+s17], $0x80, s10, s17, $0xb8;
	[tilespmem:$0x1A800] =	vst v63  }
0x114: {  	s9 =	simm.s32 $0x460  }
0x115: {  	[tilespmem:s22], [sflag:$0x6] =	stream.indirect.gather [hbm4b:s5+s17], $0x80, s9, s17, $0xb8;
	[tilespmem:$0x1A800] =	vst v63  }
0x116: {  	_ =	swait.ge [sflag:s23], $0x1000  }
0x117: {  	[sflag:s23] =	ssyncset.done $0x0  }
0x118: {  	s10 =	simm.s32 $0x1800;
	[sflag:s23] =	ssyncadd.s32 $0xFFFFF000  }
0x119: {  	[spmem:s3] =	stream.indirect.scatter.add.f32 [tilespmem:s13], [sflag:$0x7], $0x80, s10, s17, $0xb8;
	[tilespmem:$0x1A800] =	vst v63  }
0x11a: {  	_ =	swait.ge [sflag:s14], $0x1000  }
0x11b: {  	[sflag:s14] =	ssyncset.done $0x0  }
0x11c: {  	s9 =	simm.s32 $0x480;
	[sflag:s14] =	ssyncadd.s32 $0xFFFFF000  }
0x11d: {  	[tilespmem:s13], [sflag:$0x3] =	stream.indirect.gather [hbm4b:s5+s17], $0x80, s9, s17, $0xb8;
	[tilespmem:$0x1A800] =	vst v63  }
0x11e: {  	_ =	swait.ge [sflag:s24], $0x1000  }
0x11f: {  	[sflag:s24] =	ssyncset.done $0x0  }
0x120: {  	s10 =	simm.s32 $0x1880;
	[sflag:s24] =	ssyncadd.s32 $0xFFFFF000  }
0x121: {  	[spmem:s3] =	stream.indirect.scatter.add.f32 [tilespmem:s18], [sflag:$0x7], $0x80, s10, s17, $0xb8;
	[tilespmem:$0x1A800] =	vst v63  }
0x122: {  	_ =	swait.ge [sflag:s14], $0x1000  }
0x123: {  	[sflag:s14] =	ssyncset.done $0x0  }
0x124: {  	s9 =	simm.s32 $0x4A0;
	[sflag:s14] =	ssyncadd.s32 $0xFFFFF000  }
0x125: {  	[tilespmem:s18], [sflag:$0x4] =	stream.indirect.gather [hbm4b:s5+s17], $0x80, s9, s17, $0xb8;
	[tilespmem:$0x1A800] =	vst v63  }
0x126: {  	_ =	swait.ge [sflag:s25], $0x1000  }
0x127: {  	[sflag:s25] =	ssyncset.done $0x0  }
0x128: {  	s10 =	simm.s32 $0x1900;
	[sflag:s25] =	ssyncadd.s32 $0xFFFFF000  }
0x129: {  	[spmem:s3] =	stream.indirect.scatter.add.f32 [tilespmem:s20], [sflag:$0x7], $0x80, s10, s17, $0xb8;
	[tilespmem:$0x1A800] =	vst v63  }
0x12a: {  	_ =	swait.ge [sflag:s14], $0x1000  }
0x12b: {  	[sflag:s14] =	ssyncset.done $0x0  }
0x12c: {  	s9 =	simm.s32 $0x4C0;
	[sflag:s14] =	ssyncadd.s32 $0xFFFFF000  }
0x12d: {  	[tilespmem:s20], [sflag:$0x5] =	stream.indirect.gather [hbm4b:s5+s17], $0x80, s9, s17, $0xb8;
	[tilespmem:$0x1A800] =	vst v63  }
0x12e: {  	_ =	swait.ge [sflag:s26], $0x1000  }
0x12f: {  	[sflag:s26] =	ssyncset.done $0x0  }
0x130: {  	s10 =	simm.s32 $0x1980;
	[sflag:s26] =	ssyncadd.s32 $0xFFFFF000  }
0x131: {  	[spmem:s3] =	stream.indirect.scatter.add.f32 [tilespmem:s22], [sflag:$0x7], $0x80, s10, s17, $0xb8;
	[tilespmem:$0x1A800] =	vst v63  }
0x132: {  	_ =	swait.ge [sflag:s14], $0x1000  }
0x133: {  	s31 =	simm.s32 $0x800;
	[sflag:s14] =	ssyncset.done $0x0  }
0x134: {  	s30 =	simm.s32 $0x4E0;
	s1 =	simm.s32 $0x560;
	[sflag:s14] =	ssyncadd.s32 $0xFFFFF000  }
.LBB2_7:
0x135: {  	[tilespmem:s22], [sflag:$0x6] =	stream.indirect.gather [hbm4b:s5+s17], $0x80, s30, s17, $0xb8;
	[tilespmem:$0x1A800] =	vst v63  }
0x136: {  	s9 =	smov.u32 s31;
	s30 =	smov.u32 s1  }
0x137: {  	p2 =	sne.s32 s31, $0x3000;
	s31 =	sadd.s32 $0x800, s31;
	_ =	swait.ge [sflag:s23], $0x1000  }
0x138: {  	s9 =	sshra.s32 s9, $0x2;
	[sflag:s23] =	ssyncset.done $0x0  }
0x139: {  	s10 =	sadd.s32 $0x1800, s9;
	[sflag:s23] =	ssyncadd.s32 $0xFFFFF000  }
0x13a: {  	[spmem:s3] =	stream.indirect.scatter.add.f32 [tilespmem:s13], [sflag:$0x7], $0x80, s10, s17, $0xb8;
	[tilespmem:$0x1A800] =	vst v63  }
0x13b: {  	_ =	swait.ge [sflag:s14], $0x1000  }
0x13c: {  	[sflag:s14] =	ssyncset.done $0x0  }
0x13d: {  	s10 =	sadd.s32 $0xFFFFFFA0, s1;
	[sflag:s14] =	ssyncadd.s32 $0xFFFFF000  }
0x13e: {  	[tilespmem:s13], [sflag:$0x3] =	stream.indirect.gather [hbm4b:s5+s17], $0x80, s10, s17, $0xb8;
	[tilespmem:$0x1A800] =	vst v63  }
0x13f: {  	_ =	swait.ge [sflag:s24], $0x1000  }
0x140: {  	[sflag:s24] =	ssyncset.done $0x0  }
0x141: {  	s10 =	sadd.s32 $0x1880, s9;
	[sflag:s24] =	ssyncadd.s32 $0xFFFFF000  }
0x142: {  	[spmem:s3] =	stream.indirect.scatter.add.f32 [tilespmem:s18], [sflag:$0x7], $0x80, s10, s17, $0xb8;
	[tilespmem:$0x1A800] =	vst v63  }
0x143: {  	_ =	swait.ge [sflag:s14], $0x1000  }
0x144: {  	[sflag:s14] =	ssyncset.done $0x0  }
0x145: {  	s10 =	sadd.s32 $0xFFFFFFC0, s1;
	[sflag:s14] =	ssyncadd.s32 $0xFFFFF000  }
0x146: {  	[tilespmem:s18], [sflag:$0x4] =	stream.indirect.gather [hbm4b:s5+s17], $0x80, s10, s17, $0xb8;
	[tilespmem:$0x1A800] =	vst v63  }
0x147: {  	_ =	swait.ge [sflag:s25], $0x1000  }
0x148: {  	[sflag:s25] =	ssyncset.done $0x0  }
0x149: {  	s10 =	sadd.s32 $0x1900, s9;
	[sflag:s25] =	ssyncadd.s32 $0xFFFFF000  }
0x14a: {  	[spmem:s3] =	stream.indirect.scatter.add.f32 [tilespmem:s20], [sflag:$0x7], $0x80, s10, s17, $0xb8;
	[tilespmem:$0x1A800] =	vst v63  }
0x14b: {  	_ =	swait.ge [sflag:s14], $0x1000  }
0x14c: {  	[sflag:s14] =	ssyncset.done $0x0  }
0x14d: {  	s10 =	sadd.s32 $0xFFFFFFE0, s1;
	[sflag:s14] =	ssyncadd.s32 $0xFFFFF000  }
0x14e: {  	[tilespmem:s20], [sflag:$0x5] =	stream.indirect.gather [hbm4b:s5+s17], $0x80, s10, s17, $0xb8;
	[tilespmem:$0x1A800] =	vst v63  }
0x14f: {  	_ =	swait.ge [sflag:s26], $0x1000  }
0x150: {  	[sflag:s26] =	ssyncset.done $0x0  }
.Ltmp4:
0x151: {  	s9 =	sadd.s32 $0x1980, s9;
	[sflag:s26] =	ssyncadd.s32 $0xFFFFF000;
	(pc) =	sbr.rel @p2 .LBB2_7-.Ltmp4, $4  }
0x152: {  	[spmem:s3] =	stream.indirect.scatter.add.f32 [tilespmem:s22], [sflag:$0x7], $0x80, s9, s17, $0xb8;
	[tilespmem:$0x1A800] =	vst v63  }
0x153: {  	_ =	swait.ge [sflag:s14], $0x1000  }
0x154: {  	[sflag:s14] =	ssyncset.done $0x0  }
0x155: {  	s1 =	sadd.s32 $0x80, s1;
	[sflag:s14] =	ssyncadd.s32 $0xFFFFF000  }
0x156: {  	[tilespmem:s22], [sflag:$0x6] =	stream.indirect.gather [hbm4b:s5+s17], $0x80, s30, s17, $0xb8;
	[tilespmem:$0x1A800] =	vst v63  }
0x157: {  	_ =	swait.ge [sflag:s23], $0x1000  }
0x158: {  	[sflag:s23] =	ssyncset.done $0x0  }
0x159: {  	[sflag:s23] =	ssyncadd.s32 $0xFFFFF000  }
0x15a: {  	[spmem:s3] =	stream.indirect.scatter.add.f32 [tilespmem:s13], [sflag:$0x7], $0x80, s12, s17, $0xb8;
	[tilespmem:$0x1A800] =	vst v63  }
0x15b: {  	_ =	swait.ge [sflag:s14], $0x1000  }
0x15c: {  	[sflag:s14] =	ssyncset.done $0x0  }
0x15d: {  	[sflag:s14] =	ssyncadd.s32 $0xFFFFF000  }
0x15e: {  	_ =	swait.ge [sflag:s24], $0x1000  }
0x15f: {  	[sflag:s24] =	ssyncset.done $0x0  }
0x160: {  	[sflag:s24] =	ssyncadd.s32 $0xFFFFF000  }
0x161: {  	[spmem:s3] =	stream.indirect.scatter.add.f32 [tilespmem:s18], [sflag:$0x7], $0x80, s6, s17, $0xb8;
	[tilespmem:$0x1A800] =	vst v63  }
0x162: {  	_ =	swait.ge [sflag:s14], $0x1000  }
0x163: {  	[sflag:s14] =	ssyncset.done $0x0  }
0x164: {  	[sflag:s14] =	ssyncadd.s32 $0xFFFFF000  }
0x165: {  	_ =	swait.ge [sflag:s25], $0x1000  }
0x166: {  	[sflag:s25] =	ssyncset.done $0x0  }
0x167: {  	[sflag:s25] =	ssyncadd.s32 $0xFFFFF000  }
0x168: {  	[spmem:s3] =	stream.indirect.scatter.add.f32 [tilespmem:s20], [sflag:$0x7], $0x80, s15, s17, $0xb8;
	[tilespmem:$0x1A800] =	vst v63  }
0x169: {  	_ =	swait.ge [sflag:s14], $0x1000  }
0x16a: {  	[sflag:s14] =	ssyncset.done $0x0  }
0x16b: {  	[sflag:s14] =	ssyncadd.s32 $0xFFFFF000  }
0x16c: {  	_ =	swait.ge [sflag:s26], $0x1000  }
0x16d: {  	[sflag:s26] =	ssyncset.done $0x0  }
.Ltmp5:
0x16e: {  	[sflag:s26] =	ssyncadd.s32 $0xFFFFF000;
	(pc) =	sbr.rel @p1 .LBB2_10-.Ltmp5, $4  }
0x16f: {  	[spmem:s3] =	stream.indirect.scatter.add.f32 [tilespmem:s22], [sflag:$0x7], $0x80, s19, s17, $0xb8;
	[tilespmem:$0x1A800] =	vst v63  }
0x170: {  	_ =	swait.ge [sflag:s14], $0x1000  }
0x171: {  	[sflag:s14] =	ssyncset.done $0x0  }
0x172: {  	[sflag:s14] =	ssyncadd.s32 $0xFFFFF000  }
0x173: {  	s1 =	sadd.s32 $0x3, s29  }
0x174: {  	s9 =	sadd.s32 s11, s1  }
.Ltmp6:
0x175: {  	s9 =	sshll.u32 s9, $0x7;
	(pc) =	sbr.rel .LBB2_4-.Ltmp6, $4  }
0x176: {  	s1 =	sshll.u32 s1, $0x9;
	s9 =	sadd.s32 s2, s9  }
0x177: {  	[tilespmem:s7], [sflag:$0x2] =	stream.linear.gather [hbm4b:s9+s4], $0x400, $0x38;
	[tilespmem:$0x1A800] =	vst v63  }
0x178: {  	s31 =	simm.s32 $0x1800;
	s28 =	sadd.s32 $0x1, s28;
	s1 =	sadd.s32 s1, s8  }
0x179: {  	[tilespmem:s31], [sflag:$0x2] =	stream.linear.gather [hbm4b:s1+s4], $0x1000, $0x38;
	[tilespmem:$0x1A800] =	vst v63  }
.LBB2_11:
0x17a: {  	_ =	sfence.sel $0x180000  }
0x17b: {  	[bflag:$0x0] =	sbarrier.arrive $0xFFFF  }
0x17c: {  	_ =	strace $0x90000047  }
0x17d: {  	s0 =	stileid.u32;
	[bflag:$0x2] =	sbarrier.arrive $0xFFFF  }
0x17e: {  	p0 =	sne.s32 s0, $0x0;
	s0 =	rddreg [dreg:$0x3]  }
0x17f: {  	s0 =	sadd.s32 @!p0 $0x100000, s0  }
0x180: {  	[sflag:s0] =	ssyncadd.tile.s32 @!p0 $0x1;
	_ =	shalt  }
.Lfunc_end2:
_tile_overlayer_lowered:
.L_overlay_start_2:
0x181: {  	(tag) =	ssettag $0x2  }
0x182: {  	s0 =	rddreg [dreg:$0x0];
	s2 =	stileid.u32  }
0x183: {  	s1 =	rddreg [dreg:$0x1];
	p0 =	sne.s32 s2, $0x0  }
0x184: {  	s3 =	rddreg [dreg:$0x2];
	[bflag:$0x3] =	sbarrier.arrive $0xFFFF;
	s2 =	simm.s32 @!p0 $0x1C07  }
0x185: {  	[timem:s3], [sflag:s2] =	dma.local @!p0 [hbm:s0], s1  }
0x186: {  	s0 =	simm.s32 @!p0 $0x7  }
0x187: {  	_ =	swait.ge @!p0 [sflag:s0], s1  }
0x188: {  	s1 =	ssub.s32 @!p0 $0x0, s1;
	[sflag:s0] =	ssyncset.done @!p0 $0x0  }
0x189: {  	[sflag:s0] =	ssyncadd.s32 @!p0 s1  }
0x18a: {  	[bflag:$0x3] =	sbarrier.arrive $0xFFFF  }
0x18b: {  	_ =	shalt  }

</sc_bundles>
